<compile_context>
chip_gen: v7x
topology: tpu7x:2x2x1
jax: 0.10.2.dev20260603
libtpu: 0.0.44.dev20260713+nightly
codegen_flags: <defaults>
</compile_context>

<pallas_src>
import functools

import jax
import jax.numpy as jnp
from jax import lax
from jax.experimental import pallas as pl
from jax.experimental.pallas import tpu as pltpu
from jax.experimental.pallas import tpu_sc as plsc

_N = 10000
_E = 320000
_LAT = 128
_STEPS = 10
_RADIUS = 0.015
_NTYPES = 9
_EMB = 16

_NC = 2
_NS = 16
_NW = _NC * _NS
_CHUNK = 64
_CH = -(-_E // (_NW * _CHUNK))
_EPAD = _NW * _CH * _CHUNK
_NPAD = 10112
_RPT = _NPAD // _NS

_RB = 2000
_GRID = _N // _RB

_sc_mesh = plsc.VectorSubcoreMesh(core_axis_name="c", subcore_axis_name="s",
                                  num_cores=_NC, num_subcores=_NS)


def _make_sc_aggregate(ch):
    @functools.partial(
        pl.kernel,
        out_type=jax.ShapeDtypeStruct((_NC, _NPAD, _LAT), jnp.float32),
        mesh=_sc_mesh,
        scratch_types=[
            pltpu.VMEM((ch, _CHUNK), jnp.int32),
            pltpu.VMEM((ch, _CHUNK), jnp.int32),
            pltpu.VMEM((_CHUNK, _LAT), jnp.float32),
            pltpu.VMEM_SHARED((_NPAD, _LAT), jnp.float32),
            pltpu.SemaphoreType.DMA,
        ],
    )
    def aggregate(h_hbm, sgrp_hbm, rgrp_hbm, zeros_hbm, out_hbm,
                  sidx_v, ridx_v, rows_v, acc_sh, gsem):
        c = lax.axis_index("c")
        s = lax.axis_index("s")
        g = c * _NS + s
        row0 = s * _RPT
        pltpu.sync_copy(zeros_hbm.at[pl.ds(row0, _RPT)],
                        acc_sh.at[pl.ds(row0, _RPT)])
        pltpu.sync_copy(sgrp_hbm.at[g], sidx_v)
        pltpu.sync_copy(rgrp_hbm.at[g], ridx_v)
        plsc.subcore_barrier()

        def body(j, carry):
            pltpu.async_copy(h_hbm.at[sidx_v.at[j]], rows_v, gsem).wait()
            pltpu.sync_copy(rows_v, acc_sh.at[ridx_v.at[j]], add=True)
            return carry

        lax.fori_loop(0, ch, body, 0)
        plsc.subcore_barrier()
        pltpu.sync_copy(acc_sh.at[pl.ds(row0, _RPT)],
                        out_hbm.at[c, pl.ds(row0, _RPT)])

    return aggregate


_sc_aggregate = _make_sc_aggregate(_CH)


@functools.partial(
    pl.kernel,
    out_type=jax.ShapeDtypeStruct((_NC, _NPAD, _LAT), jnp.float32),
    mesh=_sc_mesh,
    scratch_types=[
        pltpu.VMEM((_CH, _CHUNK), jnp.int32),
        pltpu.VMEM((_CHUNK, _LAT), jnp.float32),
        pltpu.VMEM_SHARED((_NPAD, _LAT), jnp.float32),
    ],
)
def _sc_degree(rgrp_hbm, ones_hbm, zeros_hbm, out_hbm,
               ridx_v, ones_v, acc_sh):
    c = lax.axis_index("c")
    s = lax.axis_index("s")
    g = c * _NS + s
    row0 = s * _RPT
    pltpu.sync_copy(zeros_hbm.at[pl.ds(row0, _RPT)],
                    acc_sh.at[pl.ds(row0, _RPT)])
    pltpu.sync_copy(rgrp_hbm.at[g], ridx_v)
    pltpu.sync_copy(ones_hbm, ones_v)
    plsc.subcore_barrier()

    def body(j, carry):
        pltpu.sync_copy(ones_v, acc_sh.at[ridx_v.at[j]], add=True)
        return carry

    lax.fori_loop(0, _CH, body, 0)
    plsc.subcore_barrier()
    pltpu.sync_copy(acc_sh.at[pl.ds(row0, _RPT)],
                    out_hbm.at[c, pl.ds(row0, _RPT)])


def _layernorm(x):
    m = jnp.mean(x, axis=-1, keepdims=True)
    d = x - m
    v = jnp.mean(d * d, axis=-1, keepdims=True)
    return d * lax.rsqrt(v + 1e-6)


def _enc_body(pos_ref, pt_ref, emb_ref, w1_ref, b1_ref, w2_ref, b2_ref, h_ref):
    x = pos_ref[...]
    mr = x[:, 15:18]
    vel = x[:, 3:18] - x[:, 0:15]
    d_low = mr - 0.1
    d_up = 0.9 - mr
    nd = jnp.clip(jnp.concatenate([d_low, d_up], axis=-1) / _RADIUS, -1.0, 1.0)
    pt = pt_ref[...]
    onehot = (pt == lax.broadcasted_iota(jnp.int32, (_RB, _NTYPES), 1)
              ).astype(jnp.float32)
    emb = jnp.dot(onehot, emb_ref[...], preferred_element_type=jnp.float32)
    nodes = jnp.concatenate([mr, vel, nd, emb], axis=-1)
    h1 = jnp.maximum(
        jnp.dot(nodes, w1_ref[...], preferred_element_type=jnp.float32)
        + b1_ref[...], 0.0)
    h2 = jnp.dot(h1, w2_ref[...], preferred_element_type=jnp.float32) + b2_ref[...]
    h_ref[...] = _layernorm(h2)


def _upd_body(h_ref, parts_ref, degp_ref, w1h_ref, w1a_ref, b1_ref,
              w2_ref, b2_ref, o_ref):
    p = parts_ref[...]
    dg = degp_ref[...]
    deg = jnp.maximum(dg[0, :, 0:1] + dg[1, :, 0:1], 1.0)
    aggr = (p[0] + p[1]) / deg
    h = h_ref[...]
    u1 = jnp.maximum(
        jnp.dot(h, w1h_ref[...], preferred_element_type=jnp.float32)
        + jnp.dot(aggr, w1a_ref[...], preferred_element_type=jnp.float32)
        + b1_ref[...], 0.0)
    upd = jnp.dot(u1, w2_ref[...], preferred_element_type=jnp.float32) + b2_ref[...]
    o_ref[...] = _layernorm(h + upd)


def _dec_body(h_ref, pos_ref, w1_ref, b1_ref, w2_ref, b2_ref, o_ref):
    h = h_ref[...]
    a1 = jnp.maximum(
        jnp.dot(h, w1_ref[...], preferred_element_type=jnp.float32)
        + b1_ref[...], 0.0)
    acc = jnp.dot(a1, w2_ref[...], preferred_element_type=jnp.float32) + b2_ref[...]
    x = pos_ref[...]
    mr = x[:, 15:18]
    prev = x[:, 12:15]
    o_ref[...] = mr + (mr - prev) + acc


def _full(shape):
    return pl.BlockSpec(shape, lambda i: (0,) * len(shape))


def kernel(position_sequence, type_embedding, W_e1, b_e1, W_e2, b_e2,
           W_p1, b_p1, W_p2, b_p2, W_d1, b_d1, W_d2, b_d2,
           particle_types, edge_index):
    f32 = jnp.float32
    posflat = position_sequence.reshape(_N, 18)
    pt2 = particle_types.reshape(_N, 1)

    pad = _EPAD - _E
    s_p = jnp.concatenate([edge_index[0], jnp.zeros((pad,), jnp.int32)])
    r_p = jnp.concatenate([edge_index[1], jnp.full((pad,), _N, jnp.int32)])
    sgrp = s_p.reshape(_NW, _CH, _CHUNK)
    rgrp = r_p.reshape(_NW, _CH, _CHUNK)
    zeros_big = jnp.zeros((_NPAD, _LAT), f32)
    ones_rows = jnp.ones((_CHUNK, _LAT), f32)

    h = pl.pallas_call(
        _enc_body,
        grid=(_GRID,),
        in_specs=[
            pl.BlockSpec((_RB, 18), lambda i: (i, 0)),
            pl.BlockSpec((_RB, 1), lambda i: (i, 0)),
            _full((_NTYPES, _EMB)),
            _full((40, _LAT)),
            _full((1, _LAT)),
            _full((_LAT, _LAT)),
            _full((1, _LAT)),
        ],
        out_specs=pl.BlockSpec((_RB, _LAT), lambda i: (i, 0)),
        out_shape=jax.ShapeDtypeStruct((_N, _LAT), f32),
    )(posflat, pt2, type_embedding, W_e1, b_e1.reshape(1, _LAT),
      W_e2, b_e2.reshape(1, _LAT))

    degp = _sc_degree(rgrp, ones_rows, zeros_big)

    upd_call = pl.pallas_call(
        _upd_body,
        grid=(_GRID,),
        in_specs=[
            pl.BlockSpec((_RB, _LAT), lambda i: (i, 0)),
            pl.BlockSpec((_NC, _RB, _LAT), lambda i: (0, i, 0)),
            pl.BlockSpec((_NC, _RB, _LAT), lambda i: (0, i, 0)),
            _full((_LAT, _LAT)),
            _full((_LAT, _LAT)),
            _full((1, _LAT)),
            _full((_LAT, _LAT)),
            _full((1, _LAT)),
        ],
        out_specs=pl.BlockSpec((_RB, _LAT), lambda i: (i, 0)),
        out_shape=jax.ShapeDtypeStruct((_N, _LAT), f32),
    )
    for st in range(_STEPS):
        parts = _sc_aggregate(h, sgrp, rgrp, zeros_big)
        h = upd_call(h, parts, degp,
                     W_p1[st, :_LAT], W_p1[st, _LAT:],
                     b_p1[st].reshape(1, _LAT),
                     W_p2[st], b_p2[st].reshape(1, _LAT))

    new_position = pl.pallas_call(
        _dec_body,
        grid=(_GRID,),
        in_specs=[
            pl.BlockSpec((_RB, _LAT), lambda i: (i, 0)),
            pl.BlockSpec((_RB, 18), lambda i: (i, 0)),
            _full((_LAT, _LAT)),
            _full((1, _LAT)),
            _full((_LAT, 3)),
            _full((1, 3)),
        ],
        out_specs=pl.BlockSpec((_RB, 3), lambda i: (i, 0)),
        out_shape=jax.ShapeDtypeStruct((_N, 3), f32),
    )(h, posflat, W_d1, b_d1.reshape(1, _LAT), W_d2, b_d2.reshape(1, 3))
    return new_position

# --- scband reference (transcript-rebuilt; emitter-appended) ---
"""Pipeline reference for scband-learned-simulator-49589692400203 (READ-ONLY COPY).

The authoritative reference and input builder live on the scoring server;
editing this copy changes nothing except your own understanding.
"""

import jax, jax.numpy as jnp
import numpy as np

N = 10000
E = 320000
SEQ = 6
DIM = 3
LATENT = 128
STEPS = 10
NTYPES = 9
EMB = 16
RADIUS = 0.015
VEL_MEAN = 0.0
VEL_STD = 1.0
ACC_MEAN = 0.0
ACC_STD = 1.0
NODE_IN = DIM + (SEQ - 1) * DIM + 2 * DIM + EMB
BOUNDARIES = np.array([[0.1, 0.9], [0.1, 0.9], [0.1, 0.9]], dtype=np.float32)


def _glorot(key, shape):
    fan_in = shape[-2] if len(shape) >= 2 else shape[-1]
    return (jax.random.normal(key, shape, dtype=jnp.float32) / np.sqrt(fan_in)).astype(jnp.float32)


def setup_inputs(seed: int = 0):
    key = jax.random.key(seed)
    ks = jax.random.split(key, 16)
    position_sequence = jax.random.uniform(ks[0], (N, SEQ, DIM), dtype=jnp.float32)
    particle_types = jax.random.randint(ks[1], (N,), 0, NTYPES, dtype=jnp.int32)
    senders = jax.random.randint(ks[2], (E,), 0, N, dtype=jnp.int32)
    receivers = jax.random.randint(ks[3], (E,), 0, N, dtype=jnp.int32)
    edge_index = jnp.stack([senders, receivers], axis=0)
    type_embedding = _glorot(ks[4], (NTYPES, EMB))
    W_e1 = _glorot(ks[5], (NODE_IN, LATENT))
    b_e1 = jnp.zeros((LATENT,), jnp.float32)
    W_e2 = _glorot(ks[6], (LATENT, LATENT))
    b_e2 = jnp.zeros((LATENT,), jnp.float32)
    W_p1 = _glorot(ks[7], (STEPS, 2 * LATENT, LATENT))
    b_p1 = jnp.zeros((STEPS, LATENT), jnp.float32)
    W_p2 = _glorot(ks[8], (STEPS, LATENT, LATENT))
    b_p2 = jnp.zeros((STEPS, LATENT), jnp.float32)
    W_d1 = _glorot(ks[9], (LATENT, LATENT))
    b_d1 = jnp.zeros((LATENT,), jnp.float32)
    W_d2 = _glorot(ks[10], (LATENT, DIM))
    b_d2 = jnp.zeros((DIM,), jnp.float32)
    return {"position_sequence": position_sequence, "type_embedding": type_embedding, "W_e1": W_e1, "b_e1": b_e1, "W_e2": W_e2, "b_e2": b_e2, "W_p1": W_p1, "b_p1": b_p1, "W_p2": W_p2, "b_p2": b_p2, "W_d1": W_d1, "b_d1": b_d1, "W_d2": W_d2, "b_d2": b_d2, "particle_types": particle_types, "edge_index": edge_index}


def _mlp(x, W1, b1, W2, b2):
    return jax.nn.relu(x @ W1 + b1) @ W2 + b2


def _layernorm(x):
    m = jnp.mean(x, axis=-1, keepdims=True)
    v = jnp.var(x, axis=-1, keepdims=True)
    return (x - m) * jax.lax.rsqrt(v + 1e-6)


def reference(position_sequence, type_embedding, W_e1, b_e1, W_e2, b_e2, W_p1, b_p1, W_p2, b_p2, W_d1, b_d1, W_d2, b_d2, particle_types, edge_index):
    # --- encoder preprocessor ---
    most_recent = position_sequence[:, -1]
    vel = position_sequence[:, 1:] - position_sequence[:, :-1]  # time_diff
    nvel = (vel - VEL_MEAN) / VEL_STD
    flat_vel = nvel.reshape(nvel.shape[0], -1)
    b = jnp.asarray(BOUNDARIES)
    d_low = most_recent - b[:, 0][None, :]
    d_up = b[:, 1][None, :] - most_recent
    ndist = jnp.clip(jnp.concatenate([d_low, d_up], axis=-1) / RADIUS, -1.0, 1.0)
    emb = jnp.take(type_embedding, particle_types, axis=0)
    nodes = jnp.concatenate([most_recent, flat_vel, ndist, emb], axis=-1)
    # --- EncodeProcessDecode (GraphSAGE-style message passing) ---
    h = _layernorm(_mlp(nodes, W_e1, b_e1, W_e2, b_e2))
    senders = edge_index[0]
    receivers = edge_index[1]
    deg = jax.ops.segment_sum(jnp.ones((E,), jnp.float32), receivers, num_segments=N)
    deg = jnp.maximum(deg, 1.0)[:, None]
    for s in range(STEPS):
        msg = jnp.take(h, senders, axis=0)
        aggr = jax.ops.segment_sum(msg, receivers, num_segments=N) / deg
        upd = _mlp(jnp.concatenate([h, aggr], axis=-1), W_p1[s], b_p1[s], W_p2[s], b_p2[s])
        h = _layernorm(h + upd)
    norm_acc = _mlp(h, W_d1, b_d1, W_d2, b_d2)
    # --- decoder postprocessor (Euler integration) ---
    acc = norm_acc * ACC_STD + ACC_MEAN
    most_recent_vel = most_recent - position_sequence[:, -2]
    new_velocity = most_recent_vel + acc
    new_position = most_recent + new_velocity
    return new_position

if __name__ == "__main__":
    import jax
    _d = setup_inputs()
    print(jax.jit(kernel)(*tuple(_d.values())))

</pallas_src>

<mosaic_0001>
#map = affine_map<(d0, d1) -> (0, 0)>
#map1 = affine_map<(d0, d1) -> (0, 0, 0)>
module attributes {stable_mosaic.version = 14 : i64} {
  func.func @aggregate(%arg0: i32, %arg1: i32, %arg2: memref<10000x128xf32, #tpu.memory_space<hbm>>, %arg3: memref<32x157x64xi32, #tpu.memory_space<hbm>>, %arg4: memref<32x157x64xi32, #tpu.memory_space<hbm>>, %arg5: memref<10112x128xf32, #tpu.memory_space<hbm>>, %arg6: memref<2x10112x128xf32, #tpu.memory_space<hbm>>, %arg7: memref<157x64xi32, #tpu.memory_space<vmem>>, %arg8: memref<157x64xi32, #tpu.memory_space<vmem>>, %arg9: memref<64x128xf32, #tpu.memory_space<vmem>>, %arg10: memref<10112x128xf32, #tpu.memory_space<vmem_shared>>, %arg11: memref<!tpu.dma_semaphore, #tpu.memory_space<semaphore_mem>>) attributes {dimension_semantics = [#tpu.dimension_semantics<core_parallel>, #tpu.dimension_semantics<subcore_parallel>], iteration_bounds = array<i64: 2, 16>, scalar_prefetch = 0 : i64, scratch_operands = 5 : i64, tpu.core_type = #tpu.core_type<sc_vector_subcore>, window_params = [{transform_indices = #map}, {transform_indices = #map1}, {transform_indices = #map1}, {transform_indices = #map}, {transform_indices = #map1}]} {
    %mul3A = arith.constant 16 : i32
    %mul3A_0 = arith.muli %arg0, %mul3A : i32
    %add3A = arith.addi %mul3A_0, %arg1 : i32
    %mul3A_1 = arith.constant 632 : i32
    %mul3A_2 = arith.muli %arg1, %mul3A_1 : i32
    "tpu.region"() ({
      %run_scoped3A = tpu.sem_alloc : memref<!tpu.dma_semaphore, #tpu.memory_space<semaphore_mem>>
      %dma_start3A = arith.constant 0 : i32
      %dma_start3A_9 = tpu.memref_slice %arg10[%mul3A_2, %dma_start3A] : memref<10112x128xf32, #tpu.memory_space<vmem_shared>> -> memref<632x128xf32, #tpu.memory_space<vmem_shared>>
      %dma_start3A_10 = arith.constant 0 : i32
      %dma_start3A_11 = tpu.memref_slice %arg5[%mul3A_2, %dma_start3A_10] : memref<10112x128xf32, #tpu.memory_space<hbm>> -> memref<632x128xf32, #tpu.memory_space<hbm>>
      tpu.enqueue_dma source(%dma_start3A_11 : memref<632x128xf32, #tpu.memory_space<hbm>>) target(%dma_start3A_9 : memref<632x128xf32, #tpu.memory_space<vmem_shared>>) target_semaphore(%run_scoped3A : memref<!tpu.dma_semaphore, #tpu.memory_space<semaphore_mem>>)
      %dma_wait3A = arith.constant 0 : i32
      %dma_wait3A_12 = tpu.memref_slice %arg10[%mul3A_2, %dma_wait3A] : memref<10112x128xf32, #tpu.memory_space<vmem_shared>> -> memref<632x128xf32, #tpu.memory_space<vmem_shared>>
      %dma_wait3A_13 = arith.constant 0 : i32
      %dma_wait3A_14 = tpu.memref_slice %arg5[%mul3A_2, %dma_wait3A_13] : memref<10112x128xf32, #tpu.memory_space<hbm>> -> memref<632x128xf32, #tpu.memory_space<hbm>>
      tpu.wait_dma2 semaphore(%run_scoped3A : memref<!tpu.dma_semaphore, #tpu.memory_space<semaphore_mem>>) src(%dma_wait3A_14 : memref<632x128xf32, #tpu.memory_space<hbm>>) dst(%dma_wait3A_12 : memref<632x128xf32, #tpu.memory_space<vmem_shared>>)
      tpu.yield
    }) : () -> ()
    "tpu.region"() ({
      %run_scoped3A = tpu.sem_alloc : memref<!tpu.dma_semaphore, #tpu.memory_space<semaphore_mem>>
      %dma_start3A = arith.constant 0 : i32
      %dma_start3A_9 = arith.constant 0 : i32
      %dma_start3A_10 = tpu.memref_slice %arg3[%add3A, %dma_start3A, %dma_start3A_9] : memref<32x157x64xi32, #tpu.memory_space<hbm>> -> memref<1x157x64xi32, #tpu.memory_space<hbm>>
      %dma_start3A_11 = tpu.memref_squeeze %dma_start3A_10 : memref<1x157x64xi32, #tpu.memory_space<hbm>> -> memref<157x64xi32, #tpu.memory_space<hbm>>
      %dma_start3A_12 = arith.constant 0 : i32
      %dma_start3A_13 = arith.constant 0 : i32
      %dma_start3A_14 = tpu.memref_slice %arg3[%add3A, %dma_start3A_12, %dma_start3A_13] : memref<32x157x64xi32, #tpu.memory_space<hbm>> -> memref<1x157x64xi32, #tpu.memory_space<hbm>>
      %dma_start3A_15 = tpu.memref_squeeze %dma_start3A_14 : memref<1x157x64xi32, #tpu.memory_space<hbm>> -> memref<157x64xi32, #tpu.memory_space<hbm>>
      tpu.enqueue_dma source(%dma_start3A_15 : memref<157x64xi32, #tpu.memory_space<hbm>>) target(%arg7 : memref<157x64xi32, #tpu.memory_space<vmem>>) target_semaphore(%run_scoped3A : memref<!tpu.dma_semaphore, #tpu.memory_space<semaphore_mem>>)
      %dma_wait3A = arith.constant 0 : i32
      %dma_wait3A_16 = arith.constant 0 : i32
      %dma_wait3A_17 = tpu.memref_slice %arg3[%add3A, %dma_wait3A, %dma_wait3A_16] : memref<32x157x64xi32, #tpu.memory_space<hbm>> -> memref<1x157x64xi32, #tpu.memory_space<hbm>>
      %dma_wait3A_18 = tpu.memref_squeeze %dma_wait3A_17 : memref<1x157x64xi32, #tpu.memory_space<hbm>> -> memref<157x64xi32, #tpu.memory_space<hbm>>
      %dma_wait3A_19 = arith.constant 0 : i32
      %dma_wait3A_20 = arith.constant 0 : i32
      %dma_wait3A_21 = tpu.memref_slice %arg3[%add3A, %dma_wait3A_19, %dma_wait3A_20] : memref<32x157x64xi32, #tpu.memory_space<hbm>> -> memref<1x157x64xi32, #tpu.memory_space<hbm>>
      %dma_wait3A_22 = tpu.memref_squeeze %dma_wait3A_21 : memref<1x157x64xi32, #tpu.memory_space<hbm>> -> memref<157x64xi32, #tpu.memory_space<hbm>>
      tpu.wait_dma2 semaphore(%run_scoped3A : memref<!tpu.dma_semaphore, #tpu.memory_space<semaphore_mem>>) src(%dma_wait3A_22 : memref<157x64xi32, #tpu.memory_space<hbm>>) dst(%arg7 : memref<157x64xi32, #tpu.memory_space<vmem>>)
      tpu.yield
    }) : () -> ()
    "tpu.region"() ({
      %run_scoped3A = tpu.sem_alloc : memref<!tpu.dma_semaphore, #tpu.memory_space<semaphore_mem>>
      %dma_start3A = arith.constant 0 : i32
      %dma_start3A_9 = arith.constant 0 : i32
      %dma_start3A_10 = tpu.memref_slice %arg4[%add3A, %dma_start3A, %dma_start3A_9] : memref<32x157x64xi32, #tpu.memory_space<hbm>> -> memref<1x157x64xi32, #tpu.memory_space<hbm>>
      %dma_start3A_11 = tpu.memref_squeeze %dma_start3A_10 : memref<1x157x64xi32, #tpu.memory_space<hbm>> -> memref<157x64xi32, #tpu.memory_space<hbm>>
      %dma_start3A_12 = arith.constant 0 : i32
      %dma_start3A_13 = arith.constant 0 : i32
      %dma_start3A_14 = tpu.memref_slice %arg4[%add3A, %dma_start3A_12, %dma_start3A_13] : memref<32x157x64xi32, #tpu.memory_space<hbm>> -> memref<1x157x64xi32, #tpu.memory_space<hbm>>
      %dma_start3A_15 = tpu.memref_squeeze %dma_start3A_14 : memref<1x157x64xi32, #tpu.memory_space<hbm>> -> memref<157x64xi32, #tpu.memory_space<hbm>>
      tpu.enqueue_dma source(%dma_start3A_15 : memref<157x64xi32, #tpu.memory_space<hbm>>) target(%arg8 : memref<157x64xi32, #tpu.memory_space<vmem>>) target_semaphore(%run_scoped3A : memref<!tpu.dma_semaphore, #tpu.memory_space<semaphore_mem>>)
      %dma_wait3A = arith.constant 0 : i32
      %dma_wait3A_16 = arith.constant 0 : i32
      %dma_wait3A_17 = tpu.memref_slice %arg4[%add3A, %dma_wait3A, %dma_wait3A_16] : memref<32x157x64xi32, #tpu.memory_space<hbm>> -> memref<1x157x64xi32, #tpu.memory_space<hbm>>
      %dma_wait3A_18 = tpu.memref_squeeze %dma_wait3A_17 : memref<1x157x64xi32, #tpu.memory_space<hbm>> -> memref<157x64xi32, #tpu.memory_space<hbm>>
      %dma_wait3A_19 = arith.constant 0 : i32
      %dma_wait3A_20 = arith.constant 0 : i32
      %dma_wait3A_21 = tpu.memref_slice %arg4[%add3A, %dma_wait3A_19, %dma_wait3A_20] : memref<32x157x64xi32, #tpu.memory_space<hbm>> -> memref<1x157x64xi32, #tpu.memory_space<hbm>>
      %dma_wait3A_22 = tpu.memref_squeeze %dma_wait3A_21 : memref<1x157x64xi32, #tpu.memory_space<hbm>> -> memref<157x64xi32, #tpu.memory_space<hbm>>
      tpu.wait_dma2 semaphore(%run_scoped3A : memref<!tpu.dma_semaphore, #tpu.memory_space<semaphore_mem>>) src(%dma_wait3A_22 : memref<157x64xi32, #tpu.memory_space<hbm>>) dst(%arg8 : memref<157x64xi32, #tpu.memory_space<vmem>>)
      tpu.yield
    }) : () -> ()
    %barrier3A = arith.constant 0 : index
    tpu.barrier barrier_id(%barrier3A)
    %scan3A = arith.constant 0 : i32
    %scan3A_3 = arith.constant 0 : i32
    %scan3A_4 = arith.constant 157 : i32
    %scan3A_5 = arith.addi %scan3A_3, %scan3A_4 : i32
    %scan3A_6 = arith.constant 1 : i32
    scf.for %scan3A_9 = %scan3A_3 to %scan3A_5 step %scan3A_6  : i32 {
      %dma_start3A = arith.constant 0 : i32
      %dma_start3A_10 = tpu.memref_slice %arg7[%scan3A_9, %dma_start3A] : memref<157x64xi32, #tpu.memory_space<vmem>> -> memref<1x64xi32, #tpu.memory_space<vmem>>
      %dma_start3A_11 = tpu.memref_squeeze %dma_start3A_10 : memref<1x64xi32, #tpu.memory_space<vmem>> -> memref<64xi32, #tpu.memory_space<vmem>>
      %dma_start3A_12 = arith.constant 0 : i32
      %dma_start3A_13 = arith.constant 0 : i32
      %dma_start3A_14 = tpu.memref_slice %arg2[%dma_start3A_12, %dma_start3A_13] : memref<10000x128xf32, #tpu.memory_space<hbm>> -> memref<10000x128xf32, #tpu.memory_space<hbm>>
      tpu.enqueue_indirect_dma source(%dma_start3A_14 : memref<10000x128xf32, #tpu.memory_space<hbm>>) target(%arg9 : memref<64x128xf32, #tpu.memory_space<vmem>>) offsets(%dma_start3A_11 : memref<64xi32, #tpu.memory_space<vmem>>) semaphore(%arg11 : memref<!tpu.dma_semaphore, #tpu.memory_space<semaphore_mem>>)
      %dma_wait3A = arith.constant 0 : i32
      %dma_wait3A_15 = tpu.memref_slice %arg7[%scan3A_9, %dma_wait3A] : memref<157x64xi32, #tpu.memory_space<vmem>> -> memref<1x64xi32, #tpu.memory_space<vmem>>
      %dma_wait3A_16 = tpu.memref_squeeze %dma_wait3A_15 : memref<1x64xi32, #tpu.memory_space<vmem>> -> memref<64xi32, #tpu.memory_space<vmem>>
      %dma_wait3A_17 = arith.constant 0 : i32
      %dma_wait3A_18 = arith.constant 0 : i32
      %dma_wait3A_19 = tpu.memref_slice %arg2[%dma_wait3A_17, %dma_wait3A_18] : memref<10000x128xf32, #tpu.memory_space<hbm>> -> memref<10000x128xf32, #tpu.memory_space<hbm>>
      tpu.wait_indirect_dma semaphore(%arg11 : memref<!tpu.dma_semaphore, #tpu.memory_space<semaphore_mem>>) src(%dma_wait3A_19 : memref<10000x128xf32, #tpu.memory_space<hbm>>) dst(%arg9 : memref<64x128xf32, #tpu.memory_space<vmem>>)
      "tpu.region"() ({
        %run_scoped3A = tpu.sem_alloc : memref<!tpu.dma_semaphore, #tpu.memory_space<semaphore_mem>>
        %dma_start3A_20 = arith.constant 0 : i32
        %dma_start3A_21 = tpu.memref_slice %arg8[%scan3A_9, %dma_start3A_20] : memref<157x64xi32, #tpu.memory_space<vmem>> -> memref<1x64xi32, #tpu.memory_space<vmem>>
        %dma_start3A_22 = tpu.memref_squeeze %dma_start3A_21 : memref<1x64xi32, #tpu.memory_space<vmem>> -> memref<64xi32, #tpu.memory_space<vmem>>
        %dma_start3A_23 = arith.constant 0 : i32
        %dma_start3A_24 = arith.constant 0 : i32
        %dma_start3A_25 = tpu.memref_slice %arg10[%dma_start3A_23, %dma_start3A_24] : memref<10112x128xf32, #tpu.memory_space<vmem_shared>> -> memref<10112x128xf32, #tpu.memory_space<vmem_shared>>
        tpu.enqueue_indirect_dma source(%arg9 : memref<64x128xf32, #tpu.memory_space<vmem>>) target(%dma_start3A_25 : memref<10112x128xf32, #tpu.memory_space<vmem_shared>>) offsets(%dma_start3A_22 : memref<64xi32, #tpu.memory_space<vmem>>) semaphore(%run_scoped3A : memref<!tpu.dma_semaphore, #tpu.memory_space<semaphore_mem>>) {add = true}
        %dma_wait3A_26 = arith.constant 0 : i32
        %dma_wait3A_27 = tpu.memref_slice %arg8[%scan3A_9, %dma_wait3A_26] : memref<157x64xi32, #tpu.memory_space<vmem>> -> memref<1x64xi32, #tpu.memory_space<vmem>>
        %dma_wait3A_28 = tpu.memref_squeeze %dma_wait3A_27 : memref<1x64xi32, #tpu.memory_space<vmem>> -> memref<64xi32, #tpu.memory_space<vmem>>
        %dma_wait3A_29 = arith.constant 0 : i32
        %dma_wait3A_30 = arith.constant 0 : i32
        %dma_wait3A_31 = tpu.memref_slice %arg10[%dma_wait3A_29, %dma_wait3A_30] : memref<10112x128xf32, #tpu.memory_space<vmem_shared>> -> memref<10112x128xf32, #tpu.memory_space<vmem_shared>>
        tpu.wait_indirect_dma semaphore(%run_scoped3A : memref<!tpu.dma_semaphore, #tpu.memory_space<semaphore_mem>>) src(%arg9 : memref<64x128xf32, #tpu.memory_space<vmem>>) dst(%dma_wait3A_31 : memref<10112x128xf32, #tpu.memory_space<vmem_shared>>)
        tpu.yield
      }) : () -> ()
    }
    %scan3A_7 = arith.constant 157 : i32
    %barrier3A_8 = arith.constant 0 : index
    tpu.barrier barrier_id(%barrier3A_8)
    "tpu.region"() ({
      %run_scoped3A = tpu.sem_alloc : memref<!tpu.dma_semaphore, #tpu.memory_space<semaphore_mem>>
      %dma_start3A = arith.constant 0 : i32
      %dma_start3A_9 = tpu.memref_slice %arg6[%arg0, %mul3A_2, %dma_start3A] : memref<2x10112x128xf32, #tpu.memory_space<hbm>> -> memref<1x632x128xf32, #tpu.memory_space<hbm>>
      %dma_start3A_10 = tpu.memref_squeeze %dma_start3A_9 : memref<1x632x128xf32, #tpu.memory_space<hbm>> -> memref<632x128xf32, #tpu.memory_space<hbm>>
      %dma_start3A_11 = arith.constant 0 : i32
      %dma_start3A_12 = tpu.memref_slice %arg10[%mul3A_2, %dma_start3A_11] : memref<10112x128xf32, #tpu.memory_space<vmem_shared>> -> memref<632x128xf32, #tpu.memory_space<vmem_shared>>
      tpu.enqueue_dma source(%dma_start3A_12 : memref<632x128xf32, #tpu.memory_space<vmem_shared>>) target(%dma_start3A_10 : memref<632x128xf32, #tpu.memory_space<hbm>>) target_semaphore(%run_scoped3A : memref<!tpu.dma_semaphore, #tpu.memory_space<semaphore_mem>>)
      %dma_wait3A = arith.constant 0 : i32
      %dma_wait3A_13 = tpu.memref_slice %arg6[%arg0, %mul3A_2, %dma_wait3A] : memref<2x10112x128xf32, #tpu.memory_space<hbm>> -> memref<1x632x128xf32, #tpu.memory_space<hbm>>
      %dma_wait3A_14 = tpu.memref_squeeze %dma_wait3A_13 : memref<1x632x128xf32, #tpu.memory_space<hbm>> -> memref<632x128xf32, #tpu.memory_space<hbm>>
      %dma_wait3A_15 = arith.constant 0 : i32
      %dma_wait3A_16 = tpu.memref_slice %arg10[%mul3A_2, %dma_wait3A_15] : memref<10112x128xf32, #tpu.memory_space<vmem_shared>> -> memref<632x128xf32, #tpu.memory_space<vmem_shared>>
      tpu.wait_dma2 semaphore(%run_scoped3A : memref<!tpu.dma_semaphore, #tpu.memory_space<semaphore_mem>>) src(%dma_wait3A_16 : memref<632x128xf32, #tpu.memory_space<vmem_shared>>) dst(%dma_wait3A_14 : memref<632x128xf32, #tpu.memory_space<hbm>>)
      tpu.yield
    }) : () -> ()
    return
  }
}

#map = affine_map<(d0, d1) -> (0, 0)>
#map1 = affine_map<(d0, d1) -> (0, 0, 0)>
module attributes {stable_mosaic.version = 14 : i64} {
  func.func @aggregate(%arg0: i32, %arg1: i32, %arg2: memref<10000x128xf32, #tpu.memory_space<hbm>>, %arg3: memref<32x157x64xi32, #tpu.memory_space<hbm>>, %arg4: memref<32x157x64xi32, #tpu.memory_space<hbm>>, %arg5: memref<10112x128xf32, #tpu.memory_space<hbm>>, %arg6: memref<2x10112x128xf32, #tpu.memory_space<hbm>>, %arg7: memref<157x64xi32, #tpu.memory_space<vmem>>, %arg8: memref<157x64xi32, #tpu.memory_space<vmem>>, %arg9: memref<64x128xf32, #tpu.memory_space<vmem>>, %arg10: memref<10112x128xf32, #tpu.memory_space<vmem_shared>>, %arg11: memref<!tpu.dma_semaphore, #tpu.memory_space<semaphore_mem>>) attributes {dimension_semantics = [#tpu.dimension_semantics<core_parallel>, #tpu.dimension_semantics<subcore_parallel>], iteration_bounds = array<i64: 2, 16>, scalar_prefetch = 0 : i64, scratch_operands = 5 : i64, tpu.core_type = #tpu.core_type<sc_vector_subcore>, window_params = [{transform_indices = #map}, {transform_indices = #map1}, {transform_indices = #map1}, {transform_indices = #map}, {transform_indices = #map1}]} {
    %mul3A = arith.constant 16 : i32
    %mul3A_0 = arith.muli %arg0, %mul3A : i32
    %add3A = arith.addi %mul3A_0, %arg1 : i32
    %mul3A_1 = arith.constant 632 : i32
    %mul3A_2 = arith.muli %arg1, %mul3A_1 : i32
    "tpu.region"() ({
      %run_scoped3A = tpu.sem_alloc : memref<!tpu.dma_semaphore, #tpu.memory_space<semaphore_mem>>
      %dma_start3A = arith.constant 0 : i32
      %dma_start3A_9 = tpu.memref_slice %arg10[%mul3A_2, %dma_start3A] : memref<10112x128xf32, #tpu.memory_space<vmem_shared>> -> memref<632x128xf32, #tpu.memory_space<vmem_shared>>
      %dma_start3A_10 = arith.constant 0 : i32
      %dma_start3A_11 = tpu.memref_slice %arg5[%mul3A_2, %dma_start3A_10] : memref<10112x128xf32, #tpu.memory_space<hbm>> -> memref<632x128xf32, #tpu.memory_space<hbm>>
      tpu.enqueue_dma source(%dma_start3A_11 : memref<632x128xf32, #tpu.memory_space<hbm>>) target(%dma_start3A_9 : memref<632x128xf32, #tpu.memory_space<vmem_shared>>) target_semaphore(%run_scoped3A : memref<!tpu.dma_semaphore, #tpu.memory_space<semaphore_mem>>)
      %dma_wait3A = arith.constant 0 : i32
      %dma_wait3A_12 = tpu.memref_slice %arg10[%mul3A_2, %dma_wait3A] : memref<10112x128xf32, #tpu.memory_space<vmem_shared>> -> memref<632x128xf32, #tpu.memory_space<vmem_shared>>
      %dma_wait3A_13 = arith.constant 0 : i32
      %dma_wait3A_14 = tpu.memref_slice %arg5[%mul3A_2, %dma_wait3A_13] : memref<10112x128xf32, #tpu.memory_space<hbm>> -> memref<632x128xf32, #tpu.memory_space<hbm>>
      tpu.wait_dma2 semaphore(%run_scoped3A : memref<!tpu.dma_semaphore, #tpu.memory_space<semaphore_mem>>) src(%dma_wait3A_14 : memref<632x128xf32, #tpu.memory_space<hbm>>) dst(%dma_wait3A_12 : memref<632x128xf32, #tpu.memory_space<vmem_shared>>)
      tpu.yield
    }) : () -> ()
    "tpu.region"() ({
      %run_scoped3A = tpu.sem_alloc : memref<!tpu.dma_semaphore, #tpu.memory_space<semaphore_mem>>
      %dma_start3A = arith.constant 0 : i32
      %dma_start3A_9 = arith.constant 0 : i32
      %dma_start3A_10 = tpu.memref_slice %arg3[%add3A, %dma_start3A, %dma_start3A_9] : memref<32x157x64xi32, #tpu.memory_space<hbm>> -> memref<1x157x64xi32, #tpu.memory_space<hbm>>
      %dma_start3A_11 = tpu.memref_squeeze %dma_start3A_10 : memref<1x157x64xi32, #tpu.memory_space<hbm>> -> memref<157x64xi32, #tpu.memory_space<hbm>>
      %dma_start3A_12 = arith.constant 0 : i32
      %dma_start3A_13 = arith.constant 0 : i32
      %dma_start3A_14 = tpu.memref_slice %arg3[%add3A, %dma_start3A_12, %dma_start3A_13] : memref<32x157x64xi32, #tpu.memory_space<hbm>> -> memref<1x157x64xi32, #tpu.memory_space<hbm>>
      %dma_start3A_15 = tpu.memref_squeeze %dma_start3A_14 : memref<1x157x64xi32, #tpu.memory_space<hbm>> -> memref<157x64xi32, #tpu.memory_space<hbm>>
      tpu.enqueue_dma source(%dma_start3A_15 : memref<157x64xi32, #tpu.memory_space<hbm>>) target(%arg7 : memref<157x64xi32, #tpu.memory_space<vmem>>) target_semaphore(%run_scoped3A : memref<!tpu.dma_semaphore, #tpu.memory_space<semaphore_mem>>)
      %dma_wait3A = arith.constant 0 : i32
      %dma_wait3A_16 = arith.constant 0 : i32
      %dma_wait3A_17 = tpu.memref_slice %arg3[%add3A, %dma_wait3A, %dma_wait3A_16] : memref<32x157x64xi32, #tpu.memory_space<hbm>> -> memref<1x157x64xi32, #tpu.memory_space<hbm>>
      %dma_wait3A_18 = tpu.memref_squeeze %dma_wait3A_17 : memref<1x157x64xi32, #tpu.memory_space<hbm>> -> memref<157x64xi32, #tpu.memory_space<hbm>>
      %dma_wait3A_19 = arith.constant 0 : i32
      %dma_wait3A_20 = arith.constant 0 : i32
      %dma_wait3A_21 = tpu.memref_slice %arg3[%add3A, %dma_wait3A_19, %dma_wait3A_20] : memref<32x157x64xi32, #tpu.memory_space<hbm>> -> memref<1x157x64xi32, #tpu.memory_space<hbm>>
      %dma_wait3A_22 = tpu.memref_squeeze %dma_wait3A_21 : memref<1x157x64xi32, #tpu.memory_space<hbm>> -> memref<157x64xi32, #tpu.memory_space<hbm>>
      tpu.wait_dma2 semaphore(%run_scoped3A : memref<!tpu.dma_semaphore, #tpu.memory_space<semaphore_mem>>) src(%dma_wait3A_22 : memref<157x64xi32, #tpu.memory_space<hbm>>) dst(%arg7 : memref<157x64xi32, #tpu.memory_space<vmem>>)
      tpu.yield
    }) : () -> ()
    "tpu.region"() ({
      %run_scoped3A = tpu.sem_alloc : memref<!tpu.dma_semaphore, #tpu.memory_space<semaphore_mem>>
      %dma_start3A = arith.constant 0 : i32
      %dma_start3A_9 = arith.constant 0 : i32
      %dma_start3A_10 = tpu.memref_slice %arg4[%add3A, %dma_start3A, %dma_start3A_9] : memref<32x157x64xi32, #tpu.memory_space<hbm>> -> memref<1x157x64xi32, #tpu.memory_space<hbm>>
      %dma_start3A_11 = tpu.memref_squeeze %dma_start3A_10 : memref<1x157x64xi32, #tpu.memory_space<hbm>> -> memref<157x64xi32, #tpu.memory_space<hbm>>
      %dma_start3A_12 = arith.constant 0 : i32
      %dma_start3A_13 = arith.constant 0 : i32
      %dma_start3A_14 = tpu.memref_slice %arg4[%add3A, %dma_start3A_12, %dma_start3A_13] : memref<32x157x64xi32, #tpu.memory_space<hbm>> -> memref<1x157x64xi32, #tpu.memory_space<hbm>>
      %dma_start3A_15 = tpu.memref_squeeze %dma_start3A_14 : memref<1x157x64xi32, #tpu.memory_space<hbm>> -> memref<157x64xi32, #tpu.memory_space<hbm>>
      tpu.enqueue_dma source(%dma_start3A_15 : memref<157x64xi32, #tpu.memory_space<hbm>>) target(%arg8 : memref<157x64xi32, #tpu.memory_space<vmem>>) target_semaphore(%run_scoped3A : memref<!tpu.dma_semaphore, #tpu.memory_space<semaphore_mem>>)
      %dma_wait3A = arith.constant 0 : i32
      %dma_wait3A_16 = arith.constant 0 : i32
      %dma_wait3A_17 = tpu.memref_slice %arg4[%add3A, %dma_wait3A, %dma_wait3A_16] : memref<32x157x64xi32, #tpu.memory_space<hbm>> -> memref<1x157x64xi32, #tpu.memory_space<hbm>>
      %dma_wait3A_18 = tpu.memref_squeeze %dma_wait3A_17 : memref<1x157x64xi32, #tpu.memory_space<hbm>> -> memref<157x64xi32, #tpu.memory_space<hbm>>
      %dma_wait3A_19 = arith.constant 0 : i32
      %dma_wait3A_20 = arith.constant 0 : i32
      %dma_wait3A_21 = tpu.memref_slice %arg4[%add3A, %dma_wait3A_19, %dma_wait3A_20] : memref<32x157x64xi32, #tpu.memory_space<hbm>> -> memref<1x157x64xi32, #tpu.memory_space<hbm>>
      %dma_wait3A_22 = tpu.memref_squeeze %dma_wait3A_21 : memref<1x157x64xi32, #tpu.memory_space<hbm>> -> memref<157x64xi32, #tpu.memory_space<hbm>>
      tpu.wait_dma2 semaphore(%run_scoped3A : memref<!tpu.dma_semaphore, #tpu.memory_space<semaphore_mem>>) src(%dma_wait3A_22 : memref<157x64xi32, #tpu.memory_space<hbm>>) dst(%arg8 : memref<157x64xi32, #tpu.memory_space<vmem>>)
      tpu.yield
    }) : () -> ()
    %barrier3A = arith.constant 0 : index
    tpu.barrier barrier_id(%barrier3A)
    %scan3A = arith.constant 0 : i32
    %scan3A_3 = arith.constant 0 : i32
    %scan3A_4 = arith.constant 157 : i32
    %scan3A_5 = arith.addi %scan3A_3, %scan3A_4 : i32
    %scan3A_6 = arith.constant 1 : i32
    scf.for %scan3A_9 = %scan3A_3 to %scan3A_5 step %scan3A_6  : i32 {
      %dma_start3A = arith.constant 0 : i32
      %dma_start3A_10 = tpu.memref_slice %arg7[%scan3A_9, %dma_start3A] : memref<157x64xi32, #tpu.memory_space<vmem>> -> memref<1x64xi32, #tpu.memory_space<vmem>>
      %dma_start3A_11 = tpu.memref_squeeze %dma_start3A_10 : memref<1x64xi32, #tpu.memory_space<vmem>> -> memref<64xi32, #tpu.memory_space<vmem>>
      %dma_start3A_12 = arith.constant 0 : i32
      %dma_start3A_13 = arith.constant 0 : i32
      %dma_start3A_14 = tpu.memref_slice %arg2[%dma_start3A_12, %dma_start3A_13] : memref<10000x128xf32, #tpu.memory_space<hbm>> -> memref<10000x128xf32, #tpu.memory_space<hbm>>
      tpu.enqueue_indirect_dma source(%dma_start3A_14 : memref<10000x128xf32, #tpu.memory_space<hbm>>) target(%arg9 : memref<64x128xf32, #tpu.memory_space<vmem>>) offsets(%dma_start3A_11 : memref<64xi32, #tpu.memory_space<vmem>>) semaphore(%arg11 : memref<!tpu.dma_semaphore, #tpu.memory_space<semaphore_mem>>)
      %dma_wait3A = arith.constant 0 : i32
      %dma_wait3A_15 = tpu.memref_slice %arg7[%scan3A_9, %dma_wait3A] : memref<157x64xi32, #tpu.memory_space<vmem>> -> memref<1x64xi32, #tpu.memory_space<vmem>>
      %dma_wait3A_16 = tpu.memref_squeeze %dma_wait3A_15 : memref<1x64xi32, #tpu.memory_space<vmem>> -> memref<64xi32, #tpu.memory_space<vmem>>
      %dma_wait3A_17 = arith.constant 0 : i32
      %dma_wait3A_18 = arith.constant 0 : i32
      %dma_wait3A_19 = tpu.memref_slice %arg2[%dma_wait3A_17, %dma_wait3A_18] : memref<10000x128xf32, #tpu.memory_space<hbm>> -> memref<10000x128xf32, #tpu.memory_space<hbm>>
      tpu.wait_indirect_dma semaphore(%arg11 : memref<!tpu.dma_semaphore, #tpu.memory_space<semaphore_mem>>) src(%dma_wait3A_19 : memref<10000x128xf32, #tpu.memory_space<hbm>>) dst(%arg9 : memref<64x128xf32, #tpu.memory_space<vmem>>)
      "tpu.region"() ({
        %run_scoped3A = tpu.sem_alloc : memref<!tpu.dma_semaphore, #tpu.memory_space<semaphore_mem>>
        %dma_start3A_20 = arith.constant 0 : i32
        %dma_start3A_21 = tpu.memref_slice %arg8[%scan3A_9, %dma_start3A_20] : memref<157x64xi32, #tpu.memory_space<vmem>> -> memref<1x64xi32, #tpu.memory_space<vmem>>
        %dma_start3A_22 = tpu.memref_squeeze %dma_start3A_21 : memref<1x64xi32, #tpu.memory_space<vmem>> -> memref<64xi32, #tpu.memory_space<vmem>>
        %dma_start3A_23 = arith.constant 0 : i32
        %dma_start3A_24 = arith.constant 0 : i32
        %dma_start3A_25 = tpu.memref_slice %arg10[%dma_start3A_23, %dma_start3A_24] : memref<10112x128xf32, #tpu.memory_space<vmem_shared>> -> memref<10112x128xf32, #tpu.memory_space<vmem_shared>>
        tpu.enqueue_indirect_dma source(%arg9 : memref<64x128xf32, #tpu.memory_space<vmem>>) target(%dma_start3A_25 : memref<10112x128xf32, #tpu.memory_space<vmem_shared>>) offsets(%dma_start3A_22 : memref<64xi32, #tpu.memory_space<vmem>>) semaphore(%run_scoped3A : memref<!tpu.dma_semaphore, #tpu.memory_space<semaphore_mem>>) {add = true}
        %dma_wait3A_26 = arith.constant 0 : i32
        %dma_wait3A_27 = tpu.memref_slice %arg8[%scan3A_9, %dma_wait3A_26] : memref<157x64xi32, #tpu.memory_space<vmem>> -> memref<1x64xi32, #tpu.memory_space<vmem>>
        %dma_wait3A_28 = tpu.memref_squeeze %dma_wait3A_27 : memref<1x64xi32, #tpu.memory_space<vmem>> -> memref<64xi32, #tpu.memory_space<vmem>>
        %dma_wait3A_29 = arith.constant 0 : i32
        %dma_wait3A_30 = arith.constant 0 : i32
        %dma_wait3A_31 = tpu.memref_slice %arg10[%dma_wait3A_29, %dma_wait3A_30] : memref<10112x128xf32, #tpu.memory_space<vmem_shared>> -> memref<10112x128xf32, #tpu.memory_space<vmem_shared>>
        tpu.wait_indirect_dma semaphore(%run_scoped3A : memref<!tpu.dma_semaphore, #tpu.memory_space<semaphore_mem>>) src(%arg9 : memref<64x128xf32, #tpu.memory_space<vmem>>) dst(%dma_wait3A_31 : memref<10112x128xf32, #tpu.memory_space<vmem_shared>>)
        tpu.yield
      }) : () -> ()
    }
    %scan3A_7 = arith.constant 157 : i32
    %barrier3A_8 = arith.constant 0 : index
    tpu.barrier barrier_id(%barrier3A_8)
    "tpu.region"() ({
      %run_scoped3A = tpu.sem_alloc : memref<!tpu.dma_semaphore, #tpu.memory_space<semaphore_mem>>
      %dma_start3A = arith.constant 0 : i32
      %dma_start3A_9 = tpu.memref_slice %arg6[%arg0, %mul3A_2, %dma_start3A] : memref<2x10112x128xf32, #tpu.memory_space<hbm>> -> memref<1x632x128xf32, #tpu.memory_space<hbm>>
      %dma_start3A_10 = tpu.memref_squeeze %dma_start3A_9 : memref<1x632x128xf32, #tpu.memory_space<hbm>> -> memref<632x128xf32, #tpu.memory_space<hbm>>
      %dma_start3A_11 = arith.constant 0 : i32
      %dma_start3A_12 = tpu.memref_slice %arg10[%mul3A_2, %dma_start3A_11] : memref<10112x128xf32, #tpu.memory_space<vmem_shared>> -> memref<632x128xf32, #tpu.memory_space<vmem_shared>>
      tpu.enqueue_dma source(%dma_start3A_12 : memref<632x128xf32, #tpu.memory_space<vmem_shared>>) target(%dma_start3A_10 : memref<632x128xf32, #tpu.memory_space<hbm>>) target_semaphore(%run_scoped3A : memref<!tpu.dma_semaphore, #tpu.memory_space<semaphore_mem>>)
      %dma_wait3A = arith.constant 0 : i32
      %dma_wait3A_13 = tpu.memref_slice %arg6[%arg0, %mul3A_2, %dma_wait3A] : memref<2x10112x128xf32, #tpu.memory_space<hbm>> -> memref<1x632x128xf32, #tpu.memory_space<hbm>>
      %dma_wait3A_14 = tpu.memref_squeeze %dma_wait3A_13 : memref<1x632x128xf32, #tpu.memory_space<hbm>> -> memref<632x128xf32, #tpu.memory_space<hbm>>
      %dma_wait3A_15 = arith.constant 0 : i32
      %dma_wait3A_16 = tpu.memref_slice %arg10[%mul3A_2, %dma_wait3A_15] : memref<10112x128xf32, #tpu.memory_space<vmem_shared>> -> memref<632x128xf32, #tpu.memory_space<vmem_shared>>
      tpu.wait_dma2 semaphore(%run_scoped3A : memref<!tpu.dma_semaphore, #tpu.memory_space<semaphore_mem>>) src(%dma_wait3A_16 : memref<632x128xf32, #tpu.memory_space<vmem_shared>>) dst(%dma_wait3A_14 : memref<632x128xf32, #tpu.memory_space<hbm>>)
      tpu.yield
    }) : () -> ()
    return
  }
}

#map = affine_map<(d0, d1) -> (0, 0, 0)>
#map1 = affine_map<(d0, d1) -> (0, 0)>
module attributes {stable_mosaic.version = 14 : i64} {
  func.func @_sc_degree(%arg0: i32, %arg1: i32, %arg2: memref<32x157x64xi32, #tpu.memory_space<hbm>>, %arg3: memref<64x128xf32, #tpu.memory_space<hbm>>, %arg4: memref<10112x128xf32, #tpu.memory_space<hbm>>, %arg5: memref<2x10112x128xf32, #tpu.memory_space<hbm>>, %arg6: memref<157x64xi32, #tpu.memory_space<vmem>>, %arg7: memref<64x128xf32, #tpu.memory_space<vmem>>, %arg8: memref<10112x128xf32, #tpu.memory_space<vmem_shared>>) attributes {dimension_semantics = [#tpu.dimension_semantics<core_parallel>, #tpu.dimension_semantics<subcore_parallel>], iteration_bounds = array<i64: 2, 16>, scalar_prefetch = 0 : i64, scratch_operands = 3 : i64, tpu.core_type = #tpu.core_type<sc_vector_subcore>, window_params = [{transform_indices = #map}, {transform_indices = #map1}, {transform_indices = #map1}, {transform_indices = #map}]} {
    %mul3A = arith.constant 16 : i32
    %mul3A_0 = arith.muli %arg0, %mul3A : i32
    %add3A = arith.addi %mul3A_0, %arg1 : i32
    %mul3A_1 = arith.constant 632 : i32
    %mul3A_2 = arith.muli %arg1, %mul3A_1 : i32
    "tpu.region"() ({
      %run_scoped3A = tpu.sem_alloc : memref<!tpu.dma_semaphore, #tpu.memory_space<semaphore_mem>>
      %dma_start3A = arith.constant 0 : i32
      %dma_start3A_9 = tpu.memref_slice %arg8[%mul3A_2, %dma_start3A] : memref<10112x128xf32, #tpu.memory_space<vmem_shared>> -> memref<632x128xf32, #tpu.memory_space<vmem_shared>>
      %dma_start3A_10 = arith.constant 0 : i32
      %dma_start3A_11 = tpu.memref_slice %arg4[%mul3A_2, %dma_start3A_10] : memref<10112x128xf32, #tpu.memory_space<hbm>> -> memref<632x128xf32, #tpu.memory_space<hbm>>
      tpu.enqueue_dma source(%dma_start3A_11 : memref<632x128xf32, #tpu.memory_space<hbm>>) target(%dma_start3A_9 : memref<632x128xf32, #tpu.memory_space<vmem_shared>>) target_semaphore(%run_scoped3A : memref<!tpu.dma_semaphore, #tpu.memory_space<semaphore_mem>>)
      %dma_wait3A = arith.constant 0 : i32
      %dma_wait3A_12 = tpu.memref_slice %arg8[%mul3A_2, %dma_wait3A] : memref<10112x128xf32, #tpu.memory_space<vmem_shared>> -> memref<632x128xf32, #tpu.memory_space<vmem_shared>>
      %dma_wait3A_13 = arith.constant 0 : i32
      %dma_wait3A_14 = tpu.memref_slice %arg4[%mul3A_2, %dma_wait3A_13] : memref<10112x128xf32, #tpu.memory_space<hbm>> -> memref<632x128xf32, #tpu.memory_space<hbm>>
      tpu.wait_dma2 semaphore(%run_scoped3A : memref<!tpu.dma_semaphore, #tpu.memory_space<semaphore_mem>>) src(%dma_wait3A_14 : memref<632x128xf32, #tpu.memory_space<hbm>>) dst(%dma_wait3A_12 : memref<632x128xf32, #tpu.memory_space<vmem_shared>>)
      tpu.yield
    }) : () -> ()
    "tpu.region"() ({
      %run_scoped3A = tpu.sem_alloc : memref<!tpu.dma_semaphore, #tpu.memory_space<semaphore_mem>>
      %dma_start3A = arith.constant 0 : i32
      %dma_start3A_9 = arith.constant 0 : i32
      %dma_start3A_10 = tpu.memref_slice %arg2[%add3A, %dma_start3A, %dma_start3A_9] : memref<32x157x64xi32, #tpu.memory_space<hbm>> -> memref<1x157x64xi32, #tpu.memory_space<hbm>>
      %dma_start3A_11 = tpu.memref_squeeze %dma_start3A_10 : memref<1x157x64xi32, #tpu.memory_space<hbm>> -> memref<157x64xi32, #tpu.memory_space<hbm>>
      %dma_start3A_12 = arith.constant 0 : i32
      %dma_start3A_13 = arith.constant 0 : i32
      %dma_start3A_14 = tpu.memref_slice %arg2[%add3A, %dma_start3A_12, %dma_start3A_13] : memref<32x157x64xi32, #tpu.memory_space<hbm>> -> memref<1x157x64xi32, #tpu.memory_space<hbm>>
      %dma_start3A_15 = tpu.memref_squeeze %dma_start3A_14 : memref<1x157x64xi32, #tpu.memory_space<hbm>> -> memref<157x64xi32, #tpu.memory_space<hbm>>
      tpu.enqueue_dma source(%dma_start3A_15 : memref<157x64xi32, #tpu.memory_space<hbm>>) target(%arg6 : memref<157x64xi32, #tpu.memory_space<vmem>>) target_semaphore(%run_scoped3A : memref<!tpu.dma_semaphore, #tpu.memory_space<semaphore_mem>>)
      %dma_wait3A = arith.constant 0 : i32
      %dma_wait3A_16 = arith.constant 0 : i32
      %dma_wait3A_17 = tpu.memref_slice %arg2[%add3A, %dma_wait3A, %dma_wait3A_16] : memref<32x157x64xi32, #tpu.memory_space<hbm>> -> memref<1x157x64xi32, #tpu.memory_space<hbm>>
      %dma_wait3A_18 = tpu.memref_squeeze %dma_wait3A_17 : memref<1x157x64xi32, #tpu.memory_space<hbm>> -> memref<157x64xi32, #tpu.memory_space<hbm>>
      %dma_wait3A_19 = arith.constant 0 : i32
      %dma_wait3A_20 = arith.constant 0 : i32
      %dma_wait3A_21 = tpu.memref_slice %arg2[%add3A, %dma_wait3A_19, %dma_wait3A_20] : memref<32x157x64xi32, #tpu.memory_space<hbm>> -> memref<1x157x64xi32, #tpu.memory_space<hbm>>
      %dma_wait3A_22 = tpu.memref_squeeze %dma_wait3A_21 : memref<1x157x64xi32, #tpu.memory_space<hbm>> -> memref<157x64xi32, #tpu.memory_space<hbm>>
      tpu.wait_dma2 semaphore(%run_scoped3A : memref<!tpu.dma_semaphore, #tpu.memory_space<semaphore_mem>>) src(%dma_wait3A_22 : memref<157x64xi32, #tpu.memory_space<hbm>>) dst(%arg6 : memref<157x64xi32, #tpu.memory_space<vmem>>)
      tpu.yield
    }) : () -> ()
    "tpu.region"() ({
      %run_scoped3A = tpu.sem_alloc : memref<!tpu.dma_semaphore, #tpu.memory_space<semaphore_mem>>
      tpu.enqueue_dma source(%arg3 : memref<64x128xf32, #tpu.memory_space<hbm>>) target(%arg7 : memref<64x128xf32, #tpu.memory_space<vmem>>) target_semaphore(%run_scoped3A : memref<!tpu.dma_semaphore, #tpu.memory_space<semaphore_mem>>)
      tpu.wait_dma2 semaphore(%run_scoped3A : memref<!tpu.dma_semaphore, #tpu.memory_space<semaphore_mem>>) src(%arg3 : memref<64x128xf32, #tpu.memory_space<hbm>>) dst(%arg7 : memref<64x128xf32, #tpu.memory_space<vmem>>)
      tpu.yield
    }) : () -> ()
    %barrier3A = arith.constant 0 : index
    tpu.barrier barrier_id(%barrier3A)
    %scan3A = arith.constant 0 : i32
    %scan3A_3 = arith.constant 0 : i32
    %scan3A_4 = arith.constant 157 : i32
    %scan3A_5 = arith.addi %scan3A_3, %scan3A_4 : i32
    %scan3A_6 = arith.constant 1 : i32
    scf.for %scan3A_9 = %scan3A_3 to %scan3A_5 step %scan3A_6  : i32 {
      "tpu.region"() ({
        %run_scoped3A = tpu.sem_alloc : memref<!tpu.dma_semaphore, #tpu.memory_space<semaphore_mem>>
        %dma_start3A = arith.constant 0 : i32
        %dma_start3A_10 = tpu.memref_slice %arg6[%scan3A_9, %dma_start3A] : memref<157x64xi32, #tpu.memory_space<vmem>> -> memref<1x64xi32, #tpu.memory_space<vmem>>
        %dma_start3A_11 = tpu.memref_squeeze %dma_start3A_10 : memref<1x64xi32, #tpu.memory_space<vmem>> -> memref<64xi32, #tpu.memory_space<vmem>>
        %dma_start3A_12 = arith.constant 0 : i32
        %dma_start3A_13 = arith.constant 0 : i32
        %dma_start3A_14 = tpu.memref_slice %arg8[%dma_start3A_12, %dma_start3A_13] : memref<10112x128xf32, #tpu.memory_space<vmem_shared>> -> memref<10112x128xf32, #tpu.memory_space<vmem_shared>>
        tpu.enqueue_indirect_dma source(%arg7 : memref<64x128xf32, #tpu.memory_space<vmem>>) target(%dma_start3A_14 : memref<10112x128xf32, #tpu.memory_space<vmem_shared>>) offsets(%dma_start3A_11 : memref<64xi32, #tpu.memory_space<vmem>>) semaphore(%run_scoped3A : memref<!tpu.dma_semaphore, #tpu.memory_space<semaphore_mem>>) {add = true}
        %dma_wait3A = arith.constant 0 : i32
        %dma_wait3A_15 = tpu.memref_slice %arg6[%scan3A_9, %dma_wait3A] : memref<157x64xi32, #tpu.memory_space<vmem>> -> memref<1x64xi32, #tpu.memory_space<vmem>>
        %dma_wait3A_16 = tpu.memref_squeeze %dma_wait3A_15 : memref<1x64xi32, #tpu.memory_space<vmem>> -> memref<64xi32, #tpu.memory_space<vmem>>
        %dma_wait3A_17 = arith.constant 0 : i32
        %dma_wait3A_18 = arith.constant 0 : i32
        %dma_wait3A_19 = tpu.memref_slice %arg8[%dma_wait3A_17, %dma_wait3A_18] : memref<10112x128xf32, #tpu.memory_space<vmem_shared>> -> memref<10112x128xf32, #tpu.memory_space<vmem_shared>>
        tpu.wait_indirect_dma semaphore(%run_scoped3A : memref<!tpu.dma_semaphore, #tpu.memory_space<semaphore_mem>>) src(%arg7 : memref<64x128xf32, #tpu.memory_space<vmem>>) dst(%dma_wait3A_19 : memref<10112x128xf32, #tpu.memory_space<vmem_shared>>)
        tpu.yield
      }) : () -> ()
    }
    %scan3A_7 = arith.constant 157 : i32
    %barrier3A_8 = arith.constant 0 : index
    tpu.barrier barrier_id(%barrier3A_8)
    "tpu.region"() ({
      %run_scoped3A = tpu.sem_alloc : memref<!tpu.dma_semaphore, #tpu.memory_space<semaphore_mem>>
      %dma_start3A = arith.constant 0 : i32
      %dma_start3A_9 = tpu.memref_slice %arg5[%arg0, %mul3A_2, %dma_start3A] : memref<2x10112x128xf32, #tpu.memory_space<hbm>> -> memref<1x632x128xf32, #tpu.memory_space<hbm>>
      %dma_start3A_10 = tpu.memref_squeeze %dma_start3A_9 : memref<1x632x128xf32, #tpu.memory_space<hbm>> -> memref<632x128xf32, #tpu.memory_space<hbm>>
      %dma_start3A_11 = arith.constant 0 : i32
      %dma_start3A_12 = tpu.memref_slice %arg8[%mul3A_2, %dma_start3A_11] : memref<10112x128xf32, #tpu.memory_space<vmem_shared>> -> memref<632x128xf32, #tpu.memory_space<vmem_shared>>
      tpu.enqueue_dma source(%dma_start3A_12 : memref<632x128xf32, #tpu.memory_space<vmem_shared>>) target(%dma_start3A_10 : memref<632x128xf32, #tpu.memory_space<hbm>>) target_semaphore(%run_scoped3A : memref<!tpu.dma_semaphore, #tpu.memory_space<semaphore_mem>>)
      %dma_wait3A = arith.constant 0 : i32
      %dma_wait3A_13 = tpu.memref_slice %arg5[%arg0, %mul3A_2, %dma_wait3A] : memref<2x10112x128xf32, #tpu.memory_space<hbm>> -> memref<1x632x128xf32, #tpu.memory_space<hbm>>
      %dma_wait3A_14 = tpu.memref_squeeze %dma_wait3A_13 : memref<1x632x128xf32, #tpu.memory_space<hbm>> -> memref<632x128xf32, #tpu.memory_space<hbm>>
      %dma_wait3A_15 = arith.constant 0 : i32
      %dma_wait3A_16 = tpu.memref_slice %arg8[%mul3A_2, %dma_wait3A_15] : memref<10112x128xf32, #tpu.memory_space<vmem_shared>> -> memref<632x128xf32, #tpu.memory_space<vmem_shared>>
      tpu.wait_dma2 semaphore(%run_scoped3A : memref<!tpu.dma_semaphore, #tpu.memory_space<semaphore_mem>>) src(%dma_wait3A_16 : memref<632x128xf32, #tpu.memory_space<vmem_shared>>) dst(%dma_wait3A_14 : memref<632x128xf32, #tpu.memory_space<hbm>>)
      tpu.yield
    }) : () -> ()
    return
  }
}

#map = affine_map<(d0, d1) -> (0, 0)>
#map1 = affine_map<(d0, d1) -> (0, 0, 0)>
module attributes {stable_mosaic.version = 14 : i64} {
  func.func @aggregate(%arg0: i32, %arg1: i32, %arg2: memref<10000x128xf32, #tpu.memory_space<hbm>>, %arg3: memref<32x157x64xi32, #tpu.memory_space<hbm>>, %arg4: memref<32x157x64xi32, #tpu.memory_space<hbm>>, %arg5: memref<10112x128xf32, #tpu.memory_space<hbm>>, %arg6: memref<2x10112x128xf32, #tpu.memory_space<hbm>>, %arg7: memref<157x64xi32, #tpu.memory_space<vmem>>, %arg8: memref<157x64xi32, #tpu.memory_space<vmem>>, %arg9: memref<64x128xf32, #tpu.memory_space<vmem>>, %arg10: memref<10112x128xf32, #tpu.memory_space<vmem_shared>>, %arg11: memref<!tpu.dma_semaphore, #tpu.memory_space<semaphore_mem>>) attributes {dimension_semantics = [#tpu.dimension_semantics<core_parallel>, #tpu.dimension_semantics<subcore_parallel>], iteration_bounds = array<i64: 2, 16>, scalar_prefetch = 0 : i64, scratch_operands = 5 : i64, tpu.core_type = #tpu.core_type<sc_vector_subcore>, window_params = [{transform_indices = #map}, {transform_indices = #map1}, {transform_indices = #map1}, {transform_indices = #map}, {transform_indices = #map1}]} {
    %mul3A = arith.constant 16 : i32
    %mul3A_0 = arith.muli %arg0, %mul3A : i32
    %add3A = arith.addi %mul3A_0, %arg1 : i32
    %mul3A_1 = arith.constant 632 : i32
    %mul3A_2 = arith.muli %arg1, %mul3A_1 : i32
    "tpu.region"() ({
      %run_scoped3A = tpu.sem_alloc : memref<!tpu.dma_semaphore, #tpu.memory_space<semaphore_mem>>
      %dma_start3A = arith.constant 0 : i32
      %dma_start3A_9 = tpu.memref_slice %arg10[%mul3A_2, %dma_start3A] : memref<10112x128xf32, #tpu.memory_space<vmem_shared>> -> memref<632x128xf32, #tpu.memory_space<vmem_shared>>
      %dma_start3A_10 = arith.constant 0 : i32
      %dma_start3A_11 = tpu.memref_slice %arg5[%mul3A_2, %dma_start3A_10] : memref<10112x128xf32, #tpu.memory_space<hbm>> -> memref<632x128xf32, #tpu.memory_space<hbm>>
      tpu.enqueue_dma source(%dma_start3A_11 : memref<632x128xf32, #tpu.memory_space<hbm>>) target(%dma_start3A_9 : memref<632x128xf32, #tpu.memory_space<vmem_shared>>) target_semaphore(%run_scoped3A : memref<!tpu.dma_semaphore, #tpu.memory_space<semaphore_mem>>)
      %dma_wait3A = arith.constant 0 : i32
      %dma_wait3A_12 = tpu.memref_slice %arg10[%mul3A_2, %dma_wait3A] : memref<10112x128xf32, #tpu.memory_space<vmem_shared>> -> memref<632x128xf32, #tpu.memory_space<vmem_shared>>
      %dma_wait3A_13 = arith.constant 0 : i32
      %dma_wait3A_14 = tpu.memref_slice %arg5[%mul3A_2, %dma_wait3A_13] : memref<10112x128xf32, #tpu.memory_space<hbm>> -> memref<632x128xf32, #tpu.memory_space<hbm>>
      tpu.wait_dma2 semaphore(%run_scoped3A : memref<!tpu.dma_semaphore, #tpu.memory_space<semaphore_mem>>) src(%dma_wait3A_14 : memref<632x128xf32, #tpu.memory_space<hbm>>) dst(%dma_wait3A_12 : memref<632x128xf32, #tpu.memory_space<vmem_shared>>)
      tpu.yield
    }) : () -> ()
    "tpu.region"() ({
      %run_scoped3A = tpu.sem_alloc : memref<!tpu.dma_semaphore, #tpu.memory_space<semaphore_mem>>
      %dma_start3A = arith.constant 0 : i32
      %dma_start3A_9 = arith.constant 0 : i32
      %dma_start3A_10 = tpu.memref_slice %arg3[%add3A, %dma_start3A, %dma_start3A_9] : memref<32x157x64xi32, #tpu.memory_space<hbm>> -> memref<1x157x64xi32, #tpu.memory_space<hbm>>
      %dma_start3A_11 = tpu.memref_squeeze %dma_start3A_10 : memref<1x157x64xi32, #tpu.memory_space<hbm>> -> memref<157x64xi32, #tpu.memory_space<hbm>>
      %dma_start3A_12 = arith.constant 0 : i32
      %dma_start3A_13 = arith.constant 0 : i32
      %dma_start3A_14 = tpu.memref_slice %arg3[%add3A, %dma_start3A_12, %dma_start3A_13] : memref<32x157x64xi32, #tpu.memory_space<hbm>> -> memref<1x157x64xi32, #tpu.memory_space<hbm>>
      %dma_start3A_15 = tpu.memref_squeeze %dma_start3A_14 : memref<1x157x64xi32, #tpu.memory_space<hbm>> -> memref<157x64xi32, #tpu.memory_space<hbm>>
      tpu.enqueue_dma source(%dma_start3A_15 : memref<157x64xi32, #tpu.memory_space<hbm>>) target(%arg7 : memref<157x64xi32, #tpu.memory_space<vmem>>) target_semaphore(%run_scoped3A : memref<!tpu.dma_semaphore, #tpu.memory_space<semaphore_mem>>)
      %dma_wait3A = arith.constant 0 : i32
      %dma_wait3A_16 = arith.constant 0 : i32
      %dma_wait3A_17 = tpu.memref_slice %arg3[%add3A, %dma_wait3A, %dma_wait3A_16] : memref<32x157x64xi32, #tpu.memory_space<hbm>> -> memref<1x157x64xi32, #tpu.memory_space<hbm>>
      %dma_wait3A_18 = tpu.memref_squeeze %dma_wait3A_17 : memref<1x157x64xi32, #tpu.memory_space<hbm>> -> memref<157x64xi32, #tpu.memory_space<hbm>>
      %dma_wait3A_19 = arith.constant 0 : i32
      %dma_wait3A_20 = arith.constant 0 : i32
      %dma_wait3A_21 = tpu.memref_slice %arg3[%add3A, %dma_wait3A_19, %dma_wait3A_20] : memref<32x157x64xi32, #tpu.memory_space<hbm>> -> memref<1x157x64xi32, #tpu.memory_space<hbm>>
      %dma_wait3A_22 = tpu.memref_squeeze %dma_wait3A_21 : memref<1x157x64xi32, #tpu.memory_space<hbm>> -> memref<157x64xi32, #tpu.memory_space<hbm>>
      tpu.wait_dma2 semaphore(%run_scoped3A : memref<!tpu.dma_semaphore, #tpu.memory_space<semaphore_mem>>) src(%dma_wait3A_22 : memref<157x64xi32, #tpu.memory_space<hbm>>) dst(%arg7 : memref<157x64xi32, #tpu.memory_space<vmem>>)
      tpu.yield
    }) : () -> ()
    "tpu.region"() ({
      %run_scoped3A = tpu.sem_alloc : memref<!tpu.dma_semaphore, #tpu.memory_space<semaphore_mem>>
      %dma_start3A = arith.constant 0 : i32
      %dma_start3A_9 = arith.constant 0 : i32
      %dma_start3A_10 = tpu.memref_slice %arg4[%add3A, %dma_start3A, %dma_start3A_9] : memref<32x157x64xi32, #tpu.memory_space<hbm>> -> memref<1x157x64xi32, #tpu.memory_space<hbm>>
      %dma_start3A_11 = tpu.memref_squeeze %dma_start3A_10 : memref<1x157x64xi32, #tpu.memory_space<hbm>> -> memref<157x64xi32, #tpu.memory_space<hbm>>
      %dma_start3A_12 = arith.constant 0 : i32
      %dma_start3A_13 = arith.constant 0 : i32
      %dma_start3A_14 = tpu.memref_slice %arg4[%add3A, %dma_start3A_12, %dma_start3A_13] : memref<32x157x64xi32, #tpu.memory_space<hbm>> -> memref<1x157x64xi32, #tpu.memory_space<hbm>>
      %dma_start3A_15 = tpu.memref_squeeze %dma_start3A_14 : memref<1x157x64xi32, #tpu.memory_space<hbm>> -> memref<157x64xi32, #tpu.memory_space<hbm>>
      tpu.enqueue_dma source(%dma_start3A_15 : memref<157x64xi32, #tpu.memory_space<hbm>>) target(%arg8 : memref<157x64xi32, #tpu.memory_space<vmem>>) target_semaphore(%run_scoped3A : memref<!tpu.dma_semaphore, #tpu.memory_space<semaphore_mem>>)
      %dma_wait3A = arith.constant 0 : i32
      %dma_wait3A_16 = arith.constant 0 : i32
      %dma_wait3A_17 = tpu.memref_slice %arg4[%add3A, %dma_wait3A, %dma_wait3A_16] : memref<32x157x64xi32, #tpu.memory_space<hbm>> -> memref<1x157x64xi32, #tpu.memory_space<hbm>>
      %dma_wait3A_18 = tpu.memref_squeeze %dma_wait3A_17 : memref<1x157x64xi32, #tpu.memory_space<hbm>> -> memref<157x64xi32, #tpu.memory_space<hbm>>
      %dma_wait3A_19 = arith.constant 0 : i32
      %dma_wait3A_20 = arith.constant 0 : i32
      %dma_wait3A_21 = tpu.memref_slice %arg4[%add3A, %dma_wait3A_19, %dma_wait3A_20] : memref<32x157x64xi32, #tpu.memory_space<hbm>> -> memref<1x157x64xi32, #tpu.memory_space<hbm>>
      %dma_wait3A_22 = tpu.memref_squeeze %dma_wait3A_21 : memref<1x157x64xi32, #tpu.memory_space<hbm>> -> memref<157x64xi32, #tpu.memory_space<hbm>>
      tpu.wait_dma2 semaphore(%run_scoped3A : memref<!tpu.dma_semaphore, #tpu.memory_space<semaphore_mem>>) src(%dma_wait3A_22 : memref<157x64xi32, #tpu.memory_space<hbm>>) dst(%arg8 : memref<157x64xi32, #tpu.memory_space<vmem>>)
      tpu.yield
    }) : () -> ()
    %barrier3A = arith.constant 0 : index
    tpu.barrier barrier_id(%barrier3A)
    %scan3A = arith.constant 0 : i32
    %scan3A_3 = arith.constant 0 : i32
    %scan3A_4 = arith.constant 157 : i32
    %scan3A_5 = arith.addi %scan3A_3, %scan3A_4 : i32
    %scan3A_6 = arith.constant 1 : i32
    scf.for %scan3A_9 = %scan3A_3 to %scan3A_5 step %scan3A_6  : i32 {
      %dma_start3A = arith.constant 0 : i32
      %dma_start3A_10 = tpu.memref_slice %arg7[%scan3A_9, %dma_start3A] : memref<157x64xi32, #tpu.memory_space<vmem>> -> memref<1x64xi32, #tpu.memory_space<vmem>>
      %dma_start3A_11 = tpu.memref_squeeze %dma_start3A_10 : memref<1x64xi32, #tpu.memory_space<vmem>> -> memref<64xi32, #tpu.memory_space<vmem>>
      %dma_start3A_12 = arith.constant 0 : i32
      %dma_start3A_13 = arith.constant 0 : i32
      %dma_start3A_14 = tpu.memref_slice %arg2[%dma_start3A_12, %dma_start3A_13] : memref<10000x128xf32, #tpu.memory_space<hbm>> -> memref<10000x128xf32, #tpu.memory_space<hbm>>
      tpu.enqueue_indirect_dma source(%dma_start3A_14 : memref<10000x128xf32, #tpu.memory_space<hbm>>) target(%arg9 : memref<64x128xf32, #tpu.memory_space<vmem>>) offsets(%dma_start3A_11 : memref<64xi32, #tpu.memory_space<vmem>>) semaphore(%arg11 : memref<!tpu.dma_semaphore, #tpu.memory_space<semaphore_mem>>)
      %dma_wait3A = arith.constant 0 : i32
      %dma_wait3A_15 = tpu.memref_slice %arg7[%scan3A_9, %dma_wait3A] : memref<157x64xi32, #tpu.memory_space<vmem>> -> memref<1x64xi32, #tpu.memory_space<vmem>>
      %dma_wait3A_16 = tpu.memref_squeeze %dma_wait3A_15 : memref<1x64xi32, #tpu.memory_space<vmem>> -> memref<64xi32, #tpu.memory_space<vmem>>
      %dma_wait3A_17 = arith.constant 0 : i32
      %dma_wait3A_18 = arith.constant 0 : i32
      %dma_wait3A_19 = tpu.memref_slice %arg2[%dma_wait3A_17, %dma_wait3A_18] : memref<10000x128xf32, #tpu.memory_space<hbm>> -> memref<10000x128xf32, #tpu.memory_space<hbm>>
      tpu.wait_indirect_dma semaphore(%arg11 : memref<!tpu.dma_semaphore, #tpu.memory_space<semaphore_mem>>) src(%dma_wait3A_19 : memref<10000x128xf32, #tpu.memory_space<hbm>>) dst(%arg9 : memref<64x128xf32, #tpu.memory_space<vmem>>)
      "tpu.region"() ({
        %run_scoped3A = tpu.sem_alloc : memref<!tpu.dma_semaphore, #tpu.memory_space<semaphore_mem>>
        %dma_start3A_20 = arith.constant 0 : i32
        %dma_start3A_21 = tpu.memref_slice %arg8[%scan3A_9, %dma_start3A_20] : memref<157x64xi32, #tpu.memory_space<vmem>> -> memref<1x64xi32, #tpu.memory_space<vmem>>
        %dma_start3A_22 = tpu.memref_squeeze %dma_start3A_21 : memref<1x64xi32, #tpu.memory_space<vmem>> -> memref<64xi32, #tpu.memory_space<vmem>>
        %dma_start3A_23 = arith.constant 0 : i32
        %dma_start3A_24 = arith.constant 0 : i32
        %dma_start3A_25 = tpu.memref_slice %arg10[%dma_start3A_23, %dma_start3A_24] : memref<10112x128xf32, #tpu.memory_space<vmem_shared>> -> memref<10112x128xf32, #tpu.memory_space<vmem_shared>>
        tpu.enqueue_indirect_dma source(%arg9 : memref<64x128xf32, #tpu.memory_space<vmem>>) target(%dma_start3A_25 : memref<10112x128xf32, #tpu.memory_space<vmem_shared>>) offsets(%dma_start3A_22 : memref<64xi32, #tpu.memory_space<vmem>>) semaphore(%run_scoped3A : memref<!tpu.dma_semaphore, #tpu.memory_space<semaphore_mem>>) {add = true}
        %dma_wait3A_26 = arith.constant 0 : i32
        %dma_wait3A_27 = tpu.memref_slice %arg8[%scan3A_9, %dma_wait3A_26] : memref<157x64xi32, #tpu.memory_space<vmem>> -> memref<1x64xi32, #tpu.memory_space<vmem>>
        %dma_wait3A_28 = tpu.memref_squeeze %dma_wait3A_27 : memref<1x64xi32, #tpu.memory_space<vmem>> -> memref<64xi32, #tpu.memory_space<vmem>>
        %dma_wait3A_29 = arith.constant 0 : i32
        %dma_wait3A_30 = arith.constant 0 : i32
        %dma_wait3A_31 = tpu.memref_slice %arg10[%dma_wait3A_29, %dma_wait3A_30] : memref<10112x128xf32, #tpu.memory_space<vmem_shared>> -> memref<10112x128xf32, #tpu.memory_space<vmem_shared>>
        tpu.wait_indirect_dma semaphore(%run_scoped3A : memref<!tpu.dma_semaphore, #tpu.memory_space<semaphore_mem>>) src(%arg9 : memref<64x128xf32, #tpu.memory_space<vmem>>) dst(%dma_wait3A_31 : memref<10112x128xf32, #tpu.memory_space<vmem_shared>>)
        tpu.yield
      }) : () -> ()
    }
    %scan3A_7 = arith.constant 157 : i32
    %barrier3A_8 = arith.constant 0 : index
    tpu.barrier barrier_id(%barrier3A_8)
    "tpu.region"() ({
      %run_scoped3A = tpu.sem_alloc : memref<!tpu.dma_semaphore, #tpu.memory_space<semaphore_mem>>
      %dma_start3A = arith.constant 0 : i32
      %dma_start3A_9 = tpu.memref_slice %arg6[%arg0, %mul3A_2, %dma_start3A] : memref<2x10112x128xf32, #tpu.memory_space<hbm>> -> memref<1x632x128xf32, #tpu.memory_space<hbm>>
      %dma_start3A_10 = tpu.memref_squeeze %dma_start3A_9 : memref<1x632x128xf32, #tpu.memory_space<hbm>> -> memref<632x128xf32, #tpu.memory_space<hbm>>
      %dma_start3A_11 = arith.constant 0 : i32
      %dma_start3A_12 = tpu.memref_slice %arg10[%mul3A_2, %dma_start3A_11] : memref<10112x128xf32, #tpu.memory_space<vmem_shared>> -> memref<632x128xf32, #tpu.memory_space<vmem_shared>>
      tpu.enqueue_dma source(%dma_start3A_12 : memref<632x128xf32, #tpu.memory_space<vmem_shared>>) target(%dma_start3A_10 : memref<632x128xf32, #tpu.memory_space<hbm>>) target_semaphore(%run_scoped3A : memref<!tpu.dma_semaphore, #tpu.memory_space<semaphore_mem>>)
      %dma_wait3A = arith.constant 0 : i32
      %dma_wait3A_13 = tpu.memref_slice %arg6[%arg0, %mul3A_2, %dma_wait3A] : memref<2x10112x128xf32, #tpu.memory_space<hbm>> -> memref<1x632x128xf32, #tpu.memory_space<hbm>>
      %dma_wait3A_14 = tpu.memref_squeeze %dma_wait3A_13 : memref<1x632x128xf32, #tpu.memory_space<hbm>> -> memref<632x128xf32, #tpu.memory_space<hbm>>
      %dma_wait3A_15 = arith.constant 0 : i32
      %dma_wait3A_16 = tpu.memref_slice %arg10[%mul3A_2, %dma_wait3A_15] : memref<10112x128xf32, #tpu.memory_space<vmem_shared>> -> memref<632x128xf32, #tpu.memory_space<vmem_shared>>
      tpu.wait_dma2 semaphore(%run_scoped3A : memref<!tpu.dma_semaphore, #tpu.memory_space<semaphore_mem>>) src(%dma_wait3A_16 : memref<632x128xf32, #tpu.memory_space<vmem_shared>>) dst(%dma_wait3A_14 : memref<632x128xf32, #tpu.memory_space<hbm>>)
      tpu.yield
    }) : () -> ()
    return
  }
}

#map = affine_map<(d0, d1) -> (0, 0)>
#map1 = affine_map<(d0, d1) -> (0, 0, 0)>
module attributes {stable_mosaic.version = 14 : i64} {
  func.func @aggregate(%arg0: i32, %arg1: i32, %arg2: memref<10000x128xf32, #tpu.memory_space<hbm>>, %arg3: memref<32x157x64xi32, #tpu.memory_space<hbm>>, %arg4: memref<32x157x64xi32, #tpu.memory_space<hbm>>, %arg5: memref<10112x128xf32, #tpu.memory_space<hbm>>, %arg6: memref<2x10112x128xf32, #tpu.memory_space<hbm>>, %arg7: memref<157x64xi32, #tpu.memory_space<vmem>>, %arg8: memref<157x64xi32, #tpu.memory_space<vmem>>, %arg9: memref<64x128xf32, #tpu.memory_space<vmem>>, %arg10: memref<10112x128xf32, #tpu.memory_space<vmem_shared>>, %arg11: memref<!tpu.dma_semaphore, #tpu.memory_space<semaphore_mem>>) attributes {dimension_semantics = [#tpu.dimension_semantics<core_parallel>, #tpu.dimension_semantics<subcore_parallel>], iteration_bounds = array<i64: 2, 16>, scalar_prefetch = 0 : i64, scratch_operands = 5 : i64, tpu.core_type = #tpu.core_type<sc_vector_subcore>, window_params = [{transform_indices = #map}, {transform_indices = #map1}, {transform_indices = #map1}, {transform_indices = #map}, {transform_indices = #map1}]} {
    %mul3A = arith.constant 16 : i32
    %mul3A_0 = arith.muli %arg0, %mul3A : i32
    %add3A = arith.addi %mul3A_0, %arg1 : i32
    %mul3A_1 = arith.constant 632 : i32
    %mul3A_2 = arith.muli %arg1, %mul3A_1 : i32
    "tpu.region"() ({
      %run_scoped3A = tpu.sem_alloc : memref<!tpu.dma_semaphore, #tpu.memory_space<semaphore_mem>>
      %dma_start3A = arith.constant 0 : i32
      %dma_start3A_9 = tpu.memref_slice %arg10[%mul3A_2, %dma_start3A] : memref<10112x128xf32, #tpu.memory_space<vmem_shared>> -> memref<632x128xf32, #tpu.memory_space<vmem_shared>>
      %dma_start3A_10 = arith.constant 0 : i32
      %dma_start3A_11 = tpu.memref_slice %arg5[%mul3A_2, %dma_start3A_10] : memref<10112x128xf32, #tpu.memory_space<hbm>> -> memref<632x128xf32, #tpu.memory_space<hbm>>
      tpu.enqueue_dma source(%dma_start3A_11 : memref<632x128xf32, #tpu.memory_space<hbm>>) target(%dma_start3A_9 : memref<632x128xf32, #tpu.memory_space<vmem_shared>>) target_semaphore(%run_scoped3A : memref<!tpu.dma_semaphore, #tpu.memory_space<semaphore_mem>>)
      %dma_wait3A = arith.constant 0 : i32
      %dma_wait3A_12 = tpu.memref_slice %arg10[%mul3A_2, %dma_wait3A] : memref<10112x128xf32, #tpu.memory_space<vmem_shared>> -> memref<632x128xf32, #tpu.memory_space<vmem_shared>>
      %dma_wait3A_13 = arith.constant 0 : i32
      %dma_wait3A_14 = tpu.memref_slice %arg5[%mul3A_2, %dma_wait3A_13] : memref<10112x128xf32, #tpu.memory_space<hbm>> -> memref<632x128xf32, #tpu.memory_space<hbm>>
      tpu.wait_dma2 semaphore(%run_scoped3A : memref<!tpu.dma_semaphore, #tpu.memory_space<semaphore_mem>>) src(%dma_wait3A_14 : memref<632x128xf32, #tpu.memory_space<hbm>>) dst(%dma_wait3A_12 : memref<632x128xf32, #tpu.memory_space<vmem_shared>>)
      tpu.yield
    }) : () -> ()
    "tpu.region"() ({
      %run_scoped3A = tpu.sem_alloc : memref<!tpu.dma_semaphore, #tpu.memory_space<semaphore_mem>>
      %dma_start3A = arith.constant 0 : i32
      %dma_start3A_9 = arith.constant 0 : i32
      %dma_start3A_10 = tpu.memref_slice %arg3[%add3A, %dma_start3A, %dma_start3A_9] : memref<32x157x64xi32, #tpu.memory_space<hbm>> -> memref<1x157x64xi32, #tpu.memory_space<hbm>>
      %dma_start3A_11 = tpu.memref_squeeze %dma_start3A_10 : memref<1x157x64xi32, #tpu.memory_space<hbm>> -> memref<157x64xi32, #tpu.memory_space<hbm>>
      %dma_start3A_12 = arith.constant 0 : i32
      %dma_start3A_13 = arith.constant 0 : i32
      %dma_start3A_14 = tpu.memref_slice %arg3[%add3A, %dma_start3A_12, %dma_start3A_13] : memref<32x157x64xi32, #tpu.memory_space<hbm>> -> memref<1x157x64xi32, #tpu.memory_space<hbm>>
      %dma_start3A_15 = tpu.memref_squeeze %dma_start3A_14 : memref<1x157x64xi32, #tpu.memory_space<hbm>> -> memref<157x64xi32, #tpu.memory_space<hbm>>
      tpu.enqueue_dma source(%dma_start3A_15 : memref<157x64xi32, #tpu.memory_space<hbm>>) target(%arg7 : memref<157x64xi32, #tpu.memory_space<vmem>>) target_semaphore(%run_scoped3A : memref<!tpu.dma_semaphore, #tpu.memory_space<semaphore_mem>>)
      %dma_wait3A = arith.constant 0 : i32
      %dma_wait3A_16 = arith.constant 0 : i32
      %dma_wait3A_17 = tpu.memref_slice %arg3[%add3A, %dma_wait3A, %dma_wait3A_16] : memref<32x157x64xi32, #tpu.memory_space<hbm>> -> memref<1x157x64xi32, #tpu.memory_space<hbm>>
      %dma_wait3A_18 = tpu.memref_squeeze %dma_wait3A_17 : memref<1x157x64xi32, #tpu.memory_space<hbm>> -> memref<157x64xi32, #tpu.memory_space<hbm>>
      %dma_wait3A_19 = arith.constant 0 : i32
      %dma_wait3A_20 = arith.constant 0 : i32
      %dma_wait3A_21 = tpu.memref_slice %arg3[%add3A, %dma_wait3A_19, %dma_wait3A_20] : memref<32x157x64xi32, #tpu.memory_space<hbm>> -> memref<1x157x64xi32, #tpu.memory_space<hbm>>
      %dma_wait3A_22 = tpu.memref_squeeze %dma_wait3A_21 : memref<1x157x64xi32, #tpu.memory_space<hbm>> -> memref<157x64xi32, #tpu.memory_space<hbm>>
      tpu.wait_dma2 semaphore(%run_scoped3A : memref<!tpu.dma_semaphore, #tpu.memory_space<semaphore_mem>>) src(%dma_wait3A_22 : memref<157x64xi32, #tpu.memory_space<hbm>>) dst(%arg7 : memref<157x64xi32, #tpu.memory_space<vmem>>)
      tpu.yield
    }) : () -> ()
    "tpu.region"() ({
      %run_scoped3A = tpu.sem_alloc : memref<!tpu.dma_semaphore, #tpu.memory_space<semaphore_mem>>
      %dma_start3A = arith.constant 0 : i32
      %dma_start3A_9 = arith.constant 0 : i32
      %dma_start3A_10 = tpu.memref_slice %arg4[%add3A, %dma_start3A, %dma_start3A_9] : memref<32x157x64xi32, #tpu.memory_space<hbm>> -> memref<1x157x64xi32, #tpu.memory_space<hbm>>
      %dma_start3A_11 = tpu.memref_squeeze %dma_start3A_10 : memref<1x157x64xi32, #tpu.memory_space<hbm>> -> memref<157x64xi32, #tpu.memory_space<hbm>>
      %dma_start3A_12 = arith.constant 0 : i32
      %dma_start3A_13 = arith.constant 0 : i32
      %dma_start3A_14 = tpu.memref_slice %arg4[%add3A, %dma_start3A_12, %dma_start3A_13] : memref<32x157x64xi32, #tpu.memory_space<hbm>> -> memref<1x157x64xi32, #tpu.memory_space<hbm>>
      %dma_start3A_15 = tpu.memref_squeeze %dma_start3A_14 : memref<1x157x64xi32, #tpu.memory_space<hbm>> -> memref<157x64xi32, #tpu.memory_space<hbm>>
      tpu.enqueue_dma source(%dma_start3A_15 : memref<157x64xi32, #tpu.memory_space<hbm>>) target(%arg8 : memref<157x64xi32, #tpu.memory_space<vmem>>) target_semaphore(%run_scoped3A : memref<!tpu.dma_semaphore, #tpu.memory_space<semaphore_mem>>)
      %dma_wait3A = arith.constant 0 : i32
      %dma_wait3A_16 = arith.constant 0 : i32
      %dma_wait3A_17 = tpu.memref_slice %arg4[%add3A, %dma_wait3A, %dma_wait3A_16] : memref<32x157x64xi32, #tpu.memory_space<hbm>> -> memref<1x157x64xi32, #tpu.memory_space<hbm>>
      %dma_wait3A_18 = tpu.memref_squeeze %dma_wait3A_17 : memref<1x157x64xi32, #tpu.memory_space<hbm>> -> memref<157x64xi32, #tpu.memory_space<hbm>>
      %dma_wait3A_19 = arith.constant 0 : i32
      %dma_wait3A_20 = arith.constant 0 : i32
      %dma_wait3A_21 = tpu.memref_slice %arg4[%add3A, %dma_wait3A_19, %dma_wait3A_20] : memref<32x157x64xi32, #tpu.memory_space<hbm>> -> memref<1x157x64xi32, #tpu.memory_space<hbm>>
      %dma_wait3A_22 = tpu.memref_squeeze %dma_wait3A_21 : memref<1x157x64xi32, #tpu.memory_space<hbm>> -> memref<157x64xi32, #tpu.memory_space<hbm>>
      tpu.wait_dma2 semaphore(%run_scoped3A : memref<!tpu.dma_semaphore, #tpu.memory_space<semaphore_mem>>) src(%dma_wait3A_22 : memref<157x64xi32, #tpu.memory_space<hbm>>) dst(%arg8 : memref<157x64xi32, #tpu.memory_space<vmem>>)
      tpu.yield
    }) : () -> ()
    %barrier3A = arith.constant 0 : index
    tpu.barrier barrier_id(%barrier3A)
    %scan3A = arith.constant 0 : i32
    %scan3A_3 = arith.constant 0 : i32
    %scan3A_4 = arith.constant 157 : i32
    %scan3A_5 = arith.addi %scan3A_3, %scan3A_4 : i32
    %scan3A_6 = arith.constant 1 : i32
    scf.for %scan3A_9 = %scan3A_3 to %scan3A_5 step %scan3A_6  : i32 {
      %dma_start3A = arith.constant 0 : i32
      %dma_start3A_10 = tpu.memref_slice %arg7[%scan3A_9, %dma_start3A] : memref<157x64xi32, #tpu.memory_space<vmem>> -> memref<1x64xi32, #tpu.memory_space<vmem>>
      %dma_start3A_11 = tpu.memref_squeeze %dma_start3A_10 : memref<1x64xi32, #tpu.memory_space<vmem>> -> memref<64xi32, #tpu.memory_space<vmem>>
      %dma_start3A_12 = arith.constant 0 : i32
      %dma_start3A_13 = arith.constant 0 : i32
      %dma_start3A_14 = tpu.memref_slice %arg2[%dma_start3A_12, %dma_start3A_13] : memref<10000x128xf32, #tpu.memory_space<hbm>> -> memref<10000x128xf32, #tpu.memory_space<hbm>>
      tpu.enqueue_indirect_dma source(%dma_start3A_14 : memref<10000x128xf32, #tpu.memory_space<hbm>>) target(%arg9 : memref<64x128xf32, #tpu.memory_space<vmem>>) offsets(%dma_start3A_11 : memref<64xi32, #tpu.memory_space<vmem>>) semaphore(%arg11 : memref<!tpu.dma_semaphore, #tpu.memory_space<semaphore_mem>>)
      %dma_wait3A = arith.constant 0 : i32
      %dma_wait3A_15 = tpu.memref_slice %arg7[%scan3A_9, %dma_wait3A] : memref<157x64xi32, #tpu.memory_space<vmem>> -> memref<1x64xi32, #tpu.memory_space<vmem>>
      %dma_wait3A_16 = tpu.memref_squeeze %dma_wait3A_15 : memref<1x64xi32, #tpu.memory_space<vmem>> -> memref<64xi32, #tpu.memory_space<vmem>>
      %dma_wait3A_17 = arith.constant 0 : i32
      %dma_wait3A_18 = arith.constant 0 : i32
      %dma_wait3A_19 = tpu.memref_slice %arg2[%dma_wait3A_17, %dma_wait3A_18] : memref<10000x128xf32, #tpu.memory_space<hbm>> -> memref<10000x128xf32, #tpu.memory_space<hbm>>
      tpu.wait_indirect_dma semaphore(%arg11 : memref<!tpu.dma_semaphore, #tpu.memory_space<semaphore_mem>>) src(%dma_wait3A_19 : memref<10000x128xf32, #tpu.memory_space<hbm>>) dst(%arg9 : memref<64x128xf32, #tpu.memory_space<vmem>>)
      "tpu.region"() ({
        %run_scoped3A = tpu.sem_alloc : memref<!tpu.dma_semaphore, #tpu.memory_space<semaphore_mem>>
        %dma_start3A_20 = arith.constant 0 : i32
        %dma_start3A_21 = tpu.memref_slice %arg8[%scan3A_9, %dma_start3A_20] : memref<157x64xi32, #tpu.memory_space<vmem>> -> memref<1x64xi32, #tpu.memory_space<vmem>>
        %dma_start3A_22 = tpu.memref_squeeze %dma_start3A_21 : memref<1x64xi32, #tpu.memory_space<vmem>> -> memref<64xi32, #tpu.memory_space<vmem>>
        %dma_start3A_23 = arith.constant 0 : i32
        %dma_start3A_24 = arith.constant 0 : i32
        %dma_start3A_25 = tpu.memref_slice %arg10[%dma_start3A_23, %dma_start3A_24] : memref<10112x128xf32, #tpu.memory_space<vmem_shared>> -> memref<10112x128xf32, #tpu.memory_space<vmem_shared>>
        tpu.enqueue_indirect_dma source(%arg9 : memref<64x128xf32, #tpu.memory_space<vmem>>) target(%dma_start3A_25 : memref<10112x128xf32, #tpu.memory_space<vmem_shared>>) offsets(%dma_start3A_22 : memref<64xi32, #tpu.memory_space<vmem>>) semaphore(%run_scoped3A : memref<!tpu.dma_semaphore, #tpu.memory_space<semaphore_mem>>) {add = true}
        %dma_wait3A_26 = arith.constant 0 : i32
        %dma_wait3A_27 = tpu.memref_slice %arg8[%scan3A_9, %dma_wait3A_26] : memref<157x64xi32, #tpu.memory_space<vmem>> -> memref<1x64xi32, #tpu.memory_space<vmem>>
        %dma_wait3A_28 = tpu.memref_squeeze %dma_wait3A_27 : memref<1x64xi32, #tpu.memory_space<vmem>> -> memref<64xi32, #tpu.memory_space<vmem>>
        %dma_wait3A_29 = arith.constant 0 : i32
        %dma_wait3A_30 = arith.constant 0 : i32
        %dma_wait3A_31 = tpu.memref_slice %arg10[%dma_wait3A_29, %dma_wait3A_30] : memref<10112x128xf32, #tpu.memory_space<vmem_shared>> -> memref<10112x128xf32, #tpu.memory_space<vmem_shared>>
        tpu.wait_indirect_dma semaphore(%run_scoped3A : memref<!tpu.dma_semaphore, #tpu.memory_space<semaphore_mem>>) src(%arg9 : memref<64x128xf32, #tpu.memory_space<vmem>>) dst(%dma_wait3A_31 : memref<10112x128xf32, #tpu.memory_space<vmem_shared>>)
        tpu.yield
      }) : () -> ()
    }
    %scan3A_7 = arith.constant 157 : i32
    %barrier3A_8 = arith.constant 0 : index
    tpu.barrier barrier_id(%barrier3A_8)
    "tpu.region"() ({
      %run_scoped3A = tpu.sem_alloc : memref<!tpu.dma_semaphore, #tpu.memory_space<semaphore_mem>>
      %dma_start3A = arith.constant 0 : i32
      %dma_start3A_9 = tpu.memref_slice %arg6[%arg0, %mul3A_2, %dma_start3A] : memref<2x10112x128xf32, #tpu.memory_space<hbm>> -> memref<1x632x128xf32, #tpu.memory_space<hbm>>
      %dma_start3A_10 = tpu.memref_squeeze %dma_start3A_9 : memref<1x632x128xf32, #tpu.memory_space<hbm>> -> memref<632x128xf32, #tpu.memory_space<hbm>>
      %dma_start3A_11 = arith.constant 0 : i32
      %dma_start3A_12 = tpu.memref_slice %arg10[%mul3A_2, %dma_start3A_11] : memref<10112x128xf32, #tpu.memory_space<vmem_shared>> -> memref<632x128xf32, #tpu.memory_space<vmem_shared>>
      tpu.enqueue_dma source(%dma_start3A_12 : memref<632x128xf32, #tpu.memory_space<vmem_shared>>) target(%dma_start3A_10 : memref<632x128xf32, #tpu.memory_space<hbm>>) target_semaphore(%run_scoped3A : memref<!tpu.dma_semaphore, #tpu.memory_space<semaphore_mem>>)
      %dma_wait3A = arith.constant 0 : i32
      %dma_wait3A_13 = tpu.memref_slice %arg6[%arg0, %mul3A_2, %dma_wait3A] : memref<2x10112x128xf32, #tpu.memory_space<hbm>> -> memref<1x632x128xf32, #tpu.memory_space<hbm>>
      %dma_wait3A_14 = tpu.memref_squeeze %dma_wait3A_13 : memref<1x632x128xf32, #tpu.memory_space<hbm>> -> memref<632x128xf32, #tpu.memory_space<hbm>>
      %dma_wait3A_15 = arith.constant 0 : i32
      %dma_wait3A_16 = tpu.memref_slice %arg10[%mul3A_2, %dma_wait3A_15] : memref<10112x128xf32, #tpu.memory_space<vmem_shared>> -> memref<632x128xf32, #tpu.memory_space<vmem_shared>>
      tpu.wait_dma2 semaphore(%run_scoped3A : memref<!tpu.dma_semaphore, #tpu.memory_space<semaphore_mem>>) src(%dma_wait3A_16 : memref<632x128xf32, #tpu.memory_space<vmem_shared>>) dst(%dma_wait3A_14 : memref<632x128xf32, #tpu.memory_space<hbm>>)
      tpu.yield
    }) : () -> ()
    return
  }
}

#map = affine_map<(d0, d1) -> (0, 0)>
#map1 = affine_map<(d0, d1) -> (0, 0, 0)>
module attributes {stable_mosaic.version = 14 : i64} {
  func.func @aggregate(%arg0: i32, %arg1: i32, %arg2: memref<10000x128xf32, #tpu.memory_space<hbm>>, %arg3: memref<32x157x64xi32, #tpu.memory_space<hbm>>, %arg4: memref<32x157x64xi32, #tpu.memory_space<hbm>>, %arg5: memref<10112x128xf32, #tpu.memory_space<hbm>>, %arg6: memref<2x10112x128xf32, #tpu.memory_space<hbm>>, %arg7: memref<157x64xi32, #tpu.memory_space<vmem>>, %arg8: memref<157x64xi32, #tpu.memory_space<vmem>>, %arg9: memref<64x128xf32, #tpu.memory_space<vmem>>, %arg10: memref<10112x128xf32, #tpu.memory_space<vmem_shared>>, %arg11: memref<!tpu.dma_semaphore, #tpu.memory_space<semaphore_mem>>) attributes {dimension_semantics = [#tpu.dimension_semantics<core_parallel>, #tpu.dimension_semantics<subcore_parallel>], iteration_bounds = array<i64: 2, 16>, scalar_prefetch = 0 : i64, scratch_operands = 5 : i64, tpu.core_type = #tpu.core_type<sc_vector_subcore>, window_params = [{transform_indices = #map}, {transform_indices = #map1}, {transform_indices = #map1}, {transform_indices = #map}, {transform_indices = #map1}]} {
    %mul3A = arith.constant 16 : i32
    %mul3A_0 = arith.muli %arg0, %mul3A : i32
    %add3A = arith.addi %mul3A_0, %arg1 : i32
    %mul3A_1 = arith.constant 632 : i32
    %mul3A_2 = arith.muli %arg1, %mul3A_1 : i32
    "tpu.region"() ({
      %run_scoped3A = tpu.sem_alloc : memref<!tpu.dma_semaphore, #tpu.memory_space<semaphore_mem>>
      %dma_start3A = arith.constant 0 : i32
      %dma_start3A_9 = tpu.memref_slice %arg10[%mul3A_2, %dma_start3A] : memref<10112x128xf32, #tpu.memory_space<vmem_shared>> -> memref<632x128xf32, #tpu.memory_space<vmem_shared>>
      %dma_start3A_10 = arith.constant 0 : i32
      %dma_start3A_11 = tpu.memref_slice %arg5[%mul3A_2, %dma_start3A_10] : memref<10112x128xf32, #tpu.memory_space<hbm>> -> memref<632x128xf32, #tpu.memory_space<hbm>>
      tpu.enqueue_dma source(%dma_start3A_11 : memref<632x128xf32, #tpu.memory_space<hbm>>) target(%dma_start3A_9 : memref<632x128xf32, #tpu.memory_space<vmem_shared>>) target_semaphore(%run_scoped3A : memref<!tpu.dma_semaphore, #tpu.memory_space<semaphore_mem>>)
      %dma_wait3A = arith.constant 0 : i32
      %dma_wait3A_12 = tpu.memref_slice %arg10[%mul3A_2, %dma_wait3A] : memref<10112x128xf32, #tpu.memory_space<vmem_shared>> -> memref<632x128xf32, #tpu.memory_space<vmem_shared>>
      %dma_wait3A_13 = arith.constant 0 : i32
      %dma_wait3A_14 = tpu.memref_slice %arg5[%mul3A_2, %dma_wait3A_13] : memref<10112x128xf32, #tpu.memory_space<hbm>> -> memref<632x128xf32, #tpu.memory_space<hbm>>
      tpu.wait_dma2 semaphore(%run_scoped3A : memref<!tpu.dma_semaphore, #tpu.memory_space<semaphore_mem>>) src(%dma_wait3A_14 : memref<632x128xf32, #tpu.memory_space<hbm>>) dst(%dma_wait3A_12 : memref<632x128xf32, #tpu.memory_space<vmem_shared>>)
      tpu.yield
    }) : () -> ()
    "tpu.region"() ({
      %run_scoped3A = tpu.sem_alloc : memref<!tpu.dma_semaphore, #tpu.memory_space<semaphore_mem>>
      %dma_start3A = arith.constant 0 : i32
      %dma_start3A_9 = arith.constant 0 : i32
      %dma_start3A_10 = tpu.memref_slice %arg3[%add3A, %dma_start3A, %dma_start3A_9] : memref<32x157x64xi32, #tpu.memory_space<hbm>> -> memref<1x157x64xi32, #tpu.memory_space<hbm>>
      %dma_start3A_11 = tpu.memref_squeeze %dma_start3A_10 : memref<1x157x64xi32, #tpu.memory_space<hbm>> -> memref<157x64xi32, #tpu.memory_space<hbm>>
      %dma_start3A_12 = arith.constant 0 : i32
      %dma_start3A_13 = arith.constant 0 : i32
      %dma_start3A_14 = tpu.memref_slice %arg3[%add3A, %dma_start3A_12, %dma_start3A_13] : memref<32x157x64xi32, #tpu.memory_space<hbm>> -> memref<1x157x64xi32, #tpu.memory_space<hbm>>
      %dma_start3A_15 = tpu.memref_squeeze %dma_start3A_14 : memref<1x157x64xi32, #tpu.memory_space<hbm>> -> memref<157x64xi32, #tpu.memory_space<hbm>>
      tpu.enqueue_dma source(%dma_start3A_15 : memref<157x64xi32, #tpu.memory_space<hbm>>) target(%arg7 : memref<157x64xi32, #tpu.memory_space<vmem>>) target_semaphore(%run_scoped3A : memref<!tpu.dma_semaphore, #tpu.memory_space<semaphore_mem>>)
      %dma_wait3A = arith.constant 0 : i32
      %dma_wait3A_16 = arith.constant 0 : i32
      %dma_wait3A_17 = tpu.memref_slice %arg3[%add3A, %dma_wait3A, %dma_wait3A_16] : memref<32x157x64xi32, #tpu.memory_space<hbm>> -> memref<1x157x64xi32, #tpu.memory_space<hbm>>
      %dma_wait3A_18 = tpu.memref_squeeze %dma_wait3A_17 : memref<1x157x64xi32, #tpu.memory_space<hbm>> -> memref<157x64xi32, #tpu.memory_space<hbm>>
      %dma_wait3A_19 = arith.constant 0 : i32
      %dma_wait3A_20 = arith.constant 0 : i32
      %dma_wait3A_21 = tpu.memref_slice %arg3[%add3A, %dma_wait3A_19, %dma_wait3A_20] : memref<32x157x64xi32, #tpu.memory_space<hbm>> -> memref<1x157x64xi32, #tpu.memory_space<hbm>>
      %dma_wait3A_22 = tpu.memref_squeeze %dma_wait3A_21 : memref<1x157x64xi32, #tpu.memory_space<hbm>> -> memref<157x64xi32, #tpu.memory_space<hbm>>
      tpu.wait_dma2 semaphore(%run_scoped3A : memref<!tpu.dma_semaphore, #tpu.memory_space<semaphore_mem>>) src(%dma_wait3A_22 : memref<157x64xi32, #tpu.memory_space<hbm>>) dst(%arg7 : memref<157x64xi32, #tpu.memory_space<vmem>>)
      tpu.yield
    }) : () -> ()
    "tpu.region"() ({
      %run_scoped3A = tpu.sem_alloc : memref<!tpu.dma_semaphore, #tpu.memory_space<semaphore_mem>>
      %dma_start3A = arith.constant 0 : i32
      %dma_start3A_9 = arith.constant 0 : i32
      %dma_start3A_10 = tpu.memref_slice %arg4[%add3A, %dma_start3A, %dma_start3A_9] : memref<32x157x64xi32, #tpu.memory_space<hbm>> -> memref<1x157x64xi32, #tpu.memory_space<hbm>>
      %dma_start3A_11 = tpu.memref_squeeze %dma_start3A_10 : memref<1x157x64xi32, #tpu.memory_space<hbm>> -> memref<157x64xi32, #tpu.memory_space<hbm>>
      %dma_start3A_12 = arith.constant 0 : i32
      %dma_start3A_13 = arith.constant 0 : i32
      %dma_start3A_14 = tpu.memref_slice %arg4[%add3A, %dma_start3A_12, %dma_start3A_13] : memref<32x157x64xi32, #tpu.memory_space<hbm>> -> memref<1x157x64xi32, #tpu.memory_space<hbm>>
      %dma_start3A_15 = tpu.memref_squeeze %dma_start3A_14 : memref<1x157x64xi32, #tpu.memory_space<hbm>> -> memref<157x64xi32, #tpu.memory_space<hbm>>
      tpu.enqueue_dma source(%dma_start3A_15 : memref<157x64xi32, #tpu.memory_space<hbm>>) target(%arg8 : memref<157x64xi32, #tpu.memory_space<vmem>>) target_semaphore(%run_scoped3A : memref<!tpu.dma_semaphore, #tpu.memory_space<semaphore_mem>>)
      %dma_wait3A = arith.constant 0 : i32
      %dma_wait3A_16 = arith.constant 0 : i32
      %dma_wait3A_17 = tpu.memref_slice %arg4[%add3A, %dma_wait3A, %dma_wait3A_16] : memref<32x157x64xi32, #tpu.memory_space<hbm>> -> memref<1x157x64xi32, #tpu.memory_space<hbm>>
      %dma_wait3A_18 = tpu.memref_squeeze %dma_wait3A_17 : memref<1x157x64xi32, #tpu.memory_space<hbm>> -> memref<157x64xi32, #tpu.memory_space<hbm>>
      %dma_wait3A_19 = arith.constant 0 : i32
      %dma_wait3A_20 = arith.constant 0 : i32
      %dma_wait3A_21 = tpu.memref_slice %arg4[%add3A, %dma_wait3A_19, %dma_wait3A_20] : memref<32x157x64xi32, #tpu.memory_space<hbm>> -> memref<1x157x64xi32, #tpu.memory_space<hbm>>
      %dma_wait3A_22 = tpu.memref_squeeze %dma_wait3A_21 : memref<1x157x64xi32, #tpu.memory_space<hbm>> -> memref<157x64xi32, #tpu.memory_space<hbm>>
      tpu.wait_dma2 semaphore(%run_scoped3A : memref<!tpu.dma_semaphore, #tpu.memory_space<semaphore_mem>>) src(%dma_wait3A_22 : memref<157x64xi32, #tpu.memory_space<hbm>>) dst(%arg8 : memref<157x64xi32, #tpu.memory_space<vmem>>)
      tpu.yield
    }) : () -> ()
    %barrier3A = arith.constant 0 : index
    tpu.barrier barrier_id(%barrier3A)
    %scan3A = arith.constant 0 : i32
    %scan3A_3 = arith.constant 0 : i32
    %scan3A_4 = arith.constant 157 : i32
    %scan3A_5 = arith.addi %scan3A_3, %scan3A_4 : i32
    %scan3A_6 = arith.constant 1 : i32
    scf.for %scan3A_9 = %scan3A_3 to %scan3A_5 step %scan3A_6  : i32 {
      %dma_start3A = arith.constant 0 : i32
      %dma_start3A_10 = tpu.memref_slice %arg7[%scan3A_9, %dma_start3A] : memref<157x64xi32, #tpu.memory_space<vmem>> -> memref<1x64xi32, #tpu.memory_space<vmem>>
      %dma_start3A_11 = tpu.memref_squeeze %dma_start3A_10 : memref<1x64xi32, #tpu.memory_space<vmem>> -> memref<64xi32, #tpu.memory_space<vmem>>
      %dma_start3A_12 = arith.constant 0 : i32
      %dma_start3A_13 = arith.constant 0 : i32
      %dma_start3A_14 = tpu.memref_slice %arg2[%dma_start3A_12, %dma_start3A_13] : memref<10000x128xf32, #tpu.memory_space<hbm>> -> memref<10000x128xf32, #tpu.memory_space<hbm>>
      tpu.enqueue_indirect_dma source(%dma_start3A_14 : memref<10000x128xf32, #tpu.memory_space<hbm>>) target(%arg9 : memref<64x128xf32, #tpu.memory_space<vmem>>) offsets(%dma_start3A_11 : memref<64xi32, #tpu.memory_space<vmem>>) semaphore(%arg11 : memref<!tpu.dma_semaphore, #tpu.memory_space<semaphore_mem>>)
      %dma_wait3A = arith.constant 0 : i32
      %dma_wait3A_15 = tpu.memref_slice %arg7[%scan3A_9, %dma_wait3A] : memref<157x64xi32, #tpu.memory_space<vmem>> -> memref<1x64xi32, #tpu.memory_space<vmem>>
      %dma_wait3A_16 = tpu.memref_squeeze %dma_wait3A_15 : memref<1x64xi32, #tpu.memory_space<vmem>> -> memref<64xi32, #tpu.memory_space<vmem>>
      %dma_wait3A_17 = arith.constant 0 : i32
      %dma_wait3A_18 = arith.constant 0 : i32
      %dma_wait3A_19 = tpu.memref_slice %arg2[%dma_wait3A_17, %dma_wait3A_18] : memref<10000x128xf32, #tpu.memory_space<hbm>> -> memref<10000x128xf32, #tpu.memory_space<hbm>>
      tpu.wait_indirect_dma semaphore(%arg11 : memref<!tpu.dma_semaphore, #tpu.memory_space<semaphore_mem>>) src(%dma_wait3A_19 : memref<10000x128xf32, #tpu.memory_space<hbm>>) dst(%arg9 : memref<64x128xf32, #tpu.memory_space<vmem>>)
      "tpu.region"() ({
        %run_scoped3A = tpu.sem_alloc : memref<!tpu.dma_semaphore, #tpu.memory_space<semaphore_mem>>
        %dma_start3A_20 = arith.constant 0 : i32
        %dma_start3A_21 = tpu.memref_slice %arg8[%scan3A_9, %dma_start3A_20] : memref<157x64xi32, #tpu.memory_space<vmem>> -> memref<1x64xi32, #tpu.memory_space<vmem>>
        %dma_start3A_22 = tpu.memref_squeeze %dma_start3A_21 : memref<1x64xi32, #tpu.memory_space<vmem>> -> memref<64xi32, #tpu.memory_space<vmem>>
        %dma_start3A_23 = arith.constant 0 : i32
        %dma_start3A_24 = arith.constant 0 : i32
        %dma_start3A_25 = tpu.memref_slice %arg10[%dma_start3A_23, %dma_start3A_24] : memref<10112x128xf32, #tpu.memory_space<vmem_shared>> -> memref<10112x128xf32, #tpu.memory_space<vmem_shared>>
        tpu.enqueue_indirect_dma source(%arg9 : memref<64x128xf32, #tpu.memory_space<vmem>>) target(%dma_start3A_25 : memref<10112x128xf32, #tpu.memory_space<vmem_shared>>) offsets(%dma_start3A_22 : memref<64xi32, #tpu.memory_space<vmem>>) semaphore(%run_scoped3A : memref<!tpu.dma_semaphore, #tpu.memory_space<semaphore_mem>>) {add = true}
        %dma_wait3A_26 = arith.constant 0 : i32
        %dma_wait3A_27 = tpu.memref_slice %arg8[%scan3A_9, %dma_wait3A_26] : memref<157x64xi32, #tpu.memory_space<vmem>> -> memref<1x64xi32, #tpu.memory_space<vmem>>
        %dma_wait3A_28 = tpu.memref_squeeze %dma_wait3A_27 : memref<1x64xi32, #tpu.memory_space<vmem>> -> memref<64xi32, #tpu.memory_space<vmem>>
        %dma_wait3A_29 = arith.constant 0 : i32
        %dma_wait3A_30 = arith.constant 0 : i32
        %dma_wait3A_31 = tpu.memref_slice %arg10[%dma_wait3A_29, %dma_wait3A_30] : memref<10112x128xf32, #tpu.memory_space<vmem_shared>> -> memref<10112x128xf32, #tpu.memory_space<vmem_shared>>
        tpu.wait_indirect_dma semaphore(%run_scoped3A : memref<!tpu.dma_semaphore, #tpu.memory_space<semaphore_mem>>) src(%arg9 : memref<64x128xf32, #tpu.memory_space<vmem>>) dst(%dma_wait3A_31 : memref<10112x128xf32, #tpu.memory_space<vmem_shared>>)
        tpu.yield
      }) : () -> ()
    }
    %scan3A_7 = arith.constant 157 : i32
    %barrier3A_8 = arith.constant 0 : index
    tpu.barrier barrier_id(%barrier3A_8)
    "tpu.region"() ({
      %run_scoped3A = tpu.sem_alloc : memref<!tpu.dma_semaphore, #tpu.memory_space<semaphore_mem>>
      %dma_start3A = arith.constant 0 : i32
      %dma_start3A_9 = tpu.memref_slice %arg6[%arg0, %mul3A_2, %dma_start3A] : memref<2x10112x128xf32, #tpu.memory_space<hbm>> -> memref<1x632x128xf32, #tpu.memory_space<hbm>>
      %dma_start3A_10 = tpu.memref_squeeze %dma_start3A_9 : memref<1x632x128xf32, #tpu.memory_space<hbm>> -> memref<632x128xf32, #tpu.memory_space<hbm>>
      %dma_start3A_11 = arith.constant 0 : i32
      %dma_start3A_12 = tpu.memref_slice %arg10[%mul3A_2, %dma_start3A_11] : memref<10112x128xf32, #tpu.memory_space<vmem_shared>> -> memref<632x128xf32, #tpu.memory_space<vmem_shared>>
      tpu.enqueue_dma source(%dma_start3A_12 : memref<632x128xf32, #tpu.memory_space<vmem_shared>>) target(%dma_start3A_10 : memref<632x128xf32, #tpu.memory_space<hbm>>) target_semaphore(%run_scoped3A : memref<!tpu.dma_semaphore, #tpu.memory_space<semaphore_mem>>)
      %dma_wait3A = arith.constant 0 : i32
      %dma_wait3A_13 = tpu.memref_slice %arg6[%arg0, %mul3A_2, %dma_wait3A] : memref<2x10112x128xf32, #tpu.memory_space<hbm>> -> memref<1x632x128xf32, #tpu.memory_space<hbm>>
      %dma_wait3A_14 = tpu.memref_squeeze %dma_wait3A_13 : memref<1x632x128xf32, #tpu.memory_space<hbm>> -> memref<632x128xf32, #tpu.memory_space<hbm>>
      %dma_wait3A_15 = arith.constant 0 : i32
      %dma_wait3A_16 = tpu.memref_slice %arg10[%mul3A_2, %dma_wait3A_15] : memref<10112x128xf32, #tpu.memory_space<vmem_shared>> -> memref<632x128xf32, #tpu.memory_space<vmem_shared>>
      tpu.wait_dma2 semaphore(%run_scoped3A : memref<!tpu.dma_semaphore, #tpu.memory_space<semaphore_mem>>) src(%dma_wait3A_16 : memref<632x128xf32, #tpu.memory_space<vmem_shared>>) dst(%dma_wait3A_14 : memref<632x128xf32, #tpu.memory_space<hbm>>)
      tpu.yield
    }) : () -> ()
    return
  }
}

#map = affine_map<(d0, d1) -> (0, 0)>
#map1 = affine_map<(d0, d1) -> (0, 0, 0)>
module attributes {stable_mosaic.version = 14 : i64} {
  func.func @aggregate(%arg0: i32, %arg1: i32, %arg2: memref<10000x128xf32, #tpu.memory_space<hbm>>, %arg3: memref<32x157x64xi32, #tpu.memory_space<hbm>>, %arg4: memref<32x157x64xi32, #tpu.memory_space<hbm>>, %arg5: memref<10112x128xf32, #tpu.memory_space<hbm>>, %arg6: memref<2x10112x128xf32, #tpu.memory_space<hbm>>, %arg7: memref<157x64xi32, #tpu.memory_space<vmem>>, %arg8: memref<157x64xi32, #tpu.memory_space<vmem>>, %arg9: memref<64x128xf32, #tpu.memory_space<vmem>>, %arg10: memref<10112x128xf32, #tpu.memory_space<vmem_shared>>, %arg11: memref<!tpu.dma_semaphore, #tpu.memory_space<semaphore_mem>>) attributes {dimension_semantics = [#tpu.dimension_semantics<core_parallel>, #tpu.dimension_semantics<subcore_parallel>], iteration_bounds = array<i64: 2, 16>, scalar_prefetch = 0 : i64, scratch_operands = 5 : i64, tpu.core_type = #tpu.core_type<sc_vector_subcore>, window_params = [{transform_indices = #map}, {transform_indices = #map1}, {transform_indices = #map1}, {transform_indices = #map}, {transform_indices = #map1}]} {
    %mul3A = arith.constant 16 : i32
    %mul3A_0 = arith.muli %arg0, %mul3A : i32
    %add3A = arith.addi %mul3A_0, %arg1 : i32
    %mul3A_1 = arith.constant 632 : i32
    %mul3A_2 = arith.muli %arg1, %mul3A_1 : i32
    "tpu.region"() ({
      %run_scoped3A = tpu.sem_alloc : memref<!tpu.dma_semaphore, #tpu.memory_space<semaphore_mem>>
      %dma_start3A = arith.constant 0 : i32
      %dma_start3A_9 = tpu.memref_slice %arg10[%mul3A_2, %dma_start3A] : memref<10112x128xf32, #tpu.memory_space<vmem_shared>> -> memref<632x128xf32, #tpu.memory_space<vmem_shared>>
      %dma_start3A_10 = arith.constant 0 : i32
      %dma_start3A_11 = tpu.memref_slice %arg5[%mul3A_2, %dma_start3A_10] : memref<10112x128xf32, #tpu.memory_space<hbm>> -> memref<632x128xf32, #tpu.memory_space<hbm>>
      tpu.enqueue_dma source(%dma_start3A_11 : memref<632x128xf32, #tpu.memory_space<hbm>>) target(%dma_start3A_9 : memref<632x128xf32, #tpu.memory_space<vmem_shared>>) target_semaphore(%run_scoped3A : memref<!tpu.dma_semaphore, #tpu.memory_space<semaphore_mem>>)
      %dma_wait3A = arith.constant 0 : i32
      %dma_wait3A_12 = tpu.memref_slice %arg10[%mul3A_2, %dma_wait3A] : memref<10112x128xf32, #tpu.memory_space<vmem_shared>> -> memref<632x128xf32, #tpu.memory_space<vmem_shared>>
      %dma_wait3A_13 = arith.constant 0 : i32
      %dma_wait3A_14 = tpu.memref_slice %arg5[%mul3A_2, %dma_wait3A_13] : memref<10112x128xf32, #tpu.memory_space<hbm>> -> memref<632x128xf32, #tpu.memory_space<hbm>>
      tpu.wait_dma2 semaphore(%run_scoped3A : memref<!tpu.dma_semaphore, #tpu.memory_space<semaphore_mem>>) src(%dma_wait3A_14 : memref<632x128xf32, #tpu.memory_space<hbm>>) dst(%dma_wait3A_12 : memref<632x128xf32, #tpu.memory_space<vmem_shared>>)
      tpu.yield
    }) : () -> ()
    "tpu.region"() ({
      %run_scoped3A = tpu.sem_alloc : memref<!tpu.dma_semaphore, #tpu.memory_space<semaphore_mem>>
      %dma_start3A = arith.constant 0 : i32
      %dma_start3A_9 = arith.constant 0 : i32
      %dma_start3A_10 = tpu.memref_slice %arg3[%add3A, %dma_start3A, %dma_start3A_9] : memref<32x157x64xi32, #tpu.memory_space<hbm>> -> memref<1x157x64xi32, #tpu.memory_space<hbm>>
      %dma_start3A_11 = tpu.memref_squeeze %dma_start3A_10 : memref<1x157x64xi32, #tpu.memory_space<hbm>> -> memref<157x64xi32, #tpu.memory_space<hbm>>
      %dma_start3A_12 = arith.constant 0 : i32
      %dma_start3A_13 = arith.constant 0 : i32
      %dma_start3A_14 = tpu.memref_slice %arg3[%add3A, %dma_start3A_12, %dma_start3A_13] : memref<32x157x64xi32, #tpu.memory_space<hbm>> -> memref<1x157x64xi32, #tpu.memory_space<hbm>>
      %dma_start3A_15 = tpu.memref_squeeze %dma_start3A_14 : memref<1x157x64xi32, #tpu.memory_space<hbm>> -> memref<157x64xi32, #tpu.memory_space<hbm>>
      tpu.enqueue_dma source(%dma_start3A_15 : memref<157x64xi32, #tpu.memory_space<hbm>>) target(%arg7 : memref<157x64xi32, #tpu.memory_space<vmem>>) target_semaphore(%run_scoped3A : memref<!tpu.dma_semaphore, #tpu.memory_space<semaphore_mem>>)
      %dma_wait3A = arith.constant 0 : i32
      %dma_wait3A_16 = arith.constant 0 : i32
      %dma_wait3A_17 = tpu.memref_slice %arg3[%add3A, %dma_wait3A, %dma_wait3A_16] : memref<32x157x64xi32, #tpu.memory_space<hbm>> -> memref<1x157x64xi32, #tpu.memory_space<hbm>>
      %dma_wait3A_18 = tpu.memref_squeeze %dma_wait3A_17 : memref<1x157x64xi32, #tpu.memory_space<hbm>> -> memref<157x64xi32, #tpu.memory_space<hbm>>
      %dma_wait3A_19 = arith.constant 0 : i32
      %dma_wait3A_20 = arith.constant 0 : i32
      %dma_wait3A_21 = tpu.memref_slice %arg3[%add3A, %dma_wait3A_19, %dma_wait3A_20] : memref<32x157x64xi32, #tpu.memory_space<hbm>> -> memref<1x157x64xi32, #tpu.memory_space<hbm>>
      %dma_wait3A_22 = tpu.memref_squeeze %dma_wait3A_21 : memref<1x157x64xi32, #tpu.memory_space<hbm>> -> memref<157x64xi32, #tpu.memory_space<hbm>>
      tpu.wait_dma2 semaphore(%run_scoped3A : memref<!tpu.dma_semaphore, #tpu.memory_space<semaphore_mem>>) src(%dma_wait3A_22 : memref<157x64xi32, #tpu.memory_space<hbm>>) dst(%arg7 : memref<157x64xi32, #tpu.memory_space<vmem>>)
      tpu.yield
    }) : () -> ()
    "tpu.region"() ({
      %run_scoped3A = tpu.sem_alloc : memref<!tpu.dma_semaphore, #tpu.memory_space<semaphore_mem>>
      %dma_start3A = arith.constant 0 : i32
      %dma_start3A_9 = arith.constant 0 : i32
      %dma_start3A_10 = tpu.memref_slice %arg4[%add3A, %dma_start3A, %dma_start3A_9] : memref<32x157x64xi32, #tpu.memory_space<hbm>> -> memref<1x157x64xi32, #tpu.memory_space<hbm>>
      %dma_start3A_11 = tpu.memref_squeeze %dma_start3A_10 : memref<1x157x64xi32, #tpu.memory_space<hbm>> -> memref<157x64xi32, #tpu.memory_space<hbm>>
      %dma_start3A_12 = arith.constant 0 : i32
      %dma_start3A_13 = arith.constant 0 : i32
      %dma_start3A_14 = tpu.memref_slice %arg4[%add3A, %dma_start3A_12, %dma_start3A_13] : memref<32x157x64xi32, #tpu.memory_space<hbm>> -> memref<1x157x64xi32, #tpu.memory_space<hbm>>
      %dma_start3A_15 = tpu.memref_squeeze %dma_start3A_14 : memref<1x157x64xi32, #tpu.memory_space<hbm>> -> memref<157x64xi32, #tpu.memory_space<hbm>>
      tpu.enqueue_dma source(%dma_start3A_15 : memref<157x64xi32, #tpu.memory_space<hbm>>) target(%arg8 : memref<157x64xi32, #tpu.memory_space<vmem>>) target_semaphore(%run_scoped3A : memref<!tpu.dma_semaphore, #tpu.memory_space<semaphore_mem>>)
      %dma_wait3A = arith.constant 0 : i32
      %dma_wait3A_16 = arith.constant 0 : i32
      %dma_wait3A_17 = tpu.memref_slice %arg4[%add3A, %dma_wait3A, %dma_wait3A_16] : memref<32x157x64xi32, #tpu.memory_space<hbm>> -> memref<1x157x64xi32, #tpu.memory_space<hbm>>
      %dma_wait3A_18 = tpu.memref_squeeze %dma_wait3A_17 : memref<1x157x64xi32, #tpu.memory_space<hbm>> -> memref<157x64xi32, #tpu.memory_space<hbm>>
      %dma_wait3A_19 = arith.constant 0 : i32
      %dma_wait3A_20 = arith.constant 0 : i32
      %dma_wait3A_21 = tpu.memref_slice %arg4[%add3A, %dma_wait3A_19, %dma_wait3A_20] : memref<32x157x64xi32, #tpu.memory_space<hbm>> -> memref<1x157x64xi32, #tpu.memory_space<hbm>>
      %dma_wait3A_22 = tpu.memref_squeeze %dma_wait3A_21 : memref<1x157x64xi32, #tpu.memory_space<hbm>> -> memref<157x64xi32, #tpu.memory_space<hbm>>
      tpu.wait_dma2 semaphore(%run_scoped3A : memref<!tpu.dma_semaphore, #tpu.memory_space<semaphore_mem>>) src(%dma_wait3A_22 : memref<157x64xi32, #tpu.memory_space<hbm>>) dst(%arg8 : memref<157x64xi32, #tpu.memory_space<vmem>>)
      tpu.yield
    }) : () -> ()
    %barrier3A = arith.constant 0 : index
    tpu.barrier barrier_id(%barrier3A)
    %scan3A = arith.constant 0 : i32
    %scan3A_3 = arith.constant 0 : i32
    %scan3A_4 = arith.constant 157 : i32
    %scan3A_5 = arith.addi %scan3A_3, %scan3A_4 : i32
    %scan3A_6 = arith.constant 1 : i32
    scf.for %scan3A_9 = %scan3A_3 to %scan3A_5 step %scan3A_6  : i32 {
      %dma_start3A = arith.constant 0 : i32
      %dma_start3A_10 = tpu.memref_slice %arg7[%scan3A_9, %dma_start3A] : memref<157x64xi32, #tpu.memory_space<vmem>> -> memref<1x64xi32, #tpu.memory_space<vmem>>
      %dma_start3A_11 = tpu.memref_squeeze %dma_start3A_10 : memref<1x64xi32, #tpu.memory_space<vmem>> -> memref<64xi32, #tpu.memory_space<vmem>>
      %dma_start3A_12 = arith.constant 0 : i32
      %dma_start3A_13 = arith.constant 0 : i32
      %dma_start3A_14 = tpu.memref_slice %arg2[%dma_start3A_12, %dma_start3A_13] : memref<10000x128xf32, #tpu.memory_space<hbm>> -> memref<10000x128xf32, #tpu.memory_space<hbm>>
      tpu.enqueue_indirect_dma source(%dma_start3A_14 : memref<10000x128xf32, #tpu.memory_space<hbm>>) target(%arg9 : memref<64x128xf32, #tpu.memory_space<vmem>>) offsets(%dma_start3A_11 : memref<64xi32, #tpu.memory_space<vmem>>) semaphore(%arg11 : memref<!tpu.dma_semaphore, #tpu.memory_space<semaphore_mem>>)
      %dma_wait3A = arith.constant 0 : i32
      %dma_wait3A_15 = tpu.memref_slice %arg7[%scan3A_9, %dma_wait3A] : memref<157x64xi32, #tpu.memory_space<vmem>> -> memref<1x64xi32, #tpu.memory_space<vmem>>
      %dma_wait3A_16 = tpu.memref_squeeze %dma_wait3A_15 : memref<1x64xi32, #tpu.memory_space<vmem>> -> memref<64xi32, #tpu.memory_space<vmem>>
      %dma_wait3A_17 = arith.constant 0 : i32
      %dma_wait3A_18 = arith.constant 0 : i32
      %dma_wait3A_19 = tpu.memref_slice %arg2[%dma_wait3A_17, %dma_wait3A_18] : memref<10000x128xf32, #tpu.memory_space<hbm>> -> memref<10000x128xf32, #tpu.memory_space<hbm>>
      tpu.wait_indirect_dma semaphore(%arg11 : memref<!tpu.dma_semaphore, #tpu.memory_space<semaphore_mem>>) src(%dma_wait3A_19 : memref<10000x128xf32, #tpu.memory_space<hbm>>) dst(%arg9 : memref<64x128xf32, #tpu.memory_space<vmem>>)
      "tpu.region"() ({
        %run_scoped3A = tpu.sem_alloc : memref<!tpu.dma_semaphore, #tpu.memory_space<semaphore_mem>>
        %dma_start3A_20 = arith.constant 0 : i32
        %dma_start3A_21 = tpu.memref_slice %arg8[%scan3A_9, %dma_start3A_20] : memref<157x64xi32, #tpu.memory_space<vmem>> -> memref<1x64xi32, #tpu.memory_space<vmem>>
        %dma_start3A_22 = tpu.memref_squeeze %dma_start3A_21 : memref<1x64xi32, #tpu.memory_space<vmem>> -> memref<64xi32, #tpu.memory_space<vmem>>
        %dma_start3A_23 = arith.constant 0 : i32
        %dma_start3A_24 = arith.constant 0 : i32
        %dma_start3A_25 = tpu.memref_slice %arg10[%dma_start3A_23, %dma_start3A_24] : memref<10112x128xf32, #tpu.memory_space<vmem_shared>> -> memref<10112x128xf32, #tpu.memory_space<vmem_shared>>
        tpu.enqueue_indirect_dma source(%arg9 : memref<64x128xf32, #tpu.memory_space<vmem>>) target(%dma_start3A_25 : memref<10112x128xf32, #tpu.memory_space<vmem_shared>>) offsets(%dma_start3A_22 : memref<64xi32, #tpu.memory_space<vmem>>) semaphore(%run_scoped3A : memref<!tpu.dma_semaphore, #tpu.memory_space<semaphore_mem>>) {add = true}
        %dma_wait3A_26 = arith.constant 0 : i32
        %dma_wait3A_27 = tpu.memref_slice %arg8[%scan3A_9, %dma_wait3A_26] : memref<157x64xi32, #tpu.memory_space<vmem>> -> memref<1x64xi32, #tpu.memory_space<vmem>>
        %dma_wait3A_28 = tpu.memref_squeeze %dma_wait3A_27 : memref<1x64xi32, #tpu.memory_space<vmem>> -> memref<64xi32, #tpu.memory_space<vmem>>
        %dma_wait3A_29 = arith.constant 0 : i32
        %dma_wait3A_30 = arith.constant 0 : i32
        %dma_wait3A_31 = tpu.memref_slice %arg10[%dma_wait3A_29, %dma_wait3A_30] : memref<10112x128xf32, #tpu.memory_space<vmem_shared>> -> memref<10112x128xf32, #tpu.memory_space<vmem_shared>>
        tpu.wait_indirect_dma semaphore(%run_scoped3A : memref<!tpu.dma_semaphore, #tpu.memory_space<semaphore_mem>>) src(%arg9 : memref<64x128xf32, #tpu.memory_space<vmem>>) dst(%dma_wait3A_31 : memref<10112x128xf32, #tpu.memory_space<vmem_shared>>)
        tpu.yield
      }) : () -> ()
    }
    %scan3A_7 = arith.constant 157 : i32
    %barrier3A_8 = arith.constant 0 : index
    tpu.barrier barrier_id(%barrier3A_8)
    "tpu.region"() ({
      %run_scoped3A = tpu.sem_alloc : memref<!tpu.dma_semaphore, #tpu.memory_space<semaphore_mem>>
      %dma_start3A = arith.constant 0 : i32
      %dma_start3A_9 = tpu.memref_slice %arg6[%arg0, %mul3A_2, %dma_start3A] : memref<2x10112x128xf32, #tpu.memory_space<hbm>> -> memref<1x632x128xf32, #tpu.memory_space<hbm>>
      %dma_start3A_10 = tpu.memref_squeeze %dma_start3A_9 : memref<1x632x128xf32, #tpu.memory_space<hbm>> -> memref<632x128xf32, #tpu.memory_space<hbm>>
      %dma_start3A_11 = arith.constant 0 : i32
      %dma_start3A_12 = tpu.memref_slice %arg10[%mul3A_2, %dma_start3A_11] : memref<10112x128xf32, #tpu.memory_space<vmem_shared>> -> memref<632x128xf32, #tpu.memory_space<vmem_shared>>
      tpu.enqueue_dma source(%dma_start3A_12 : memref<632x128xf32, #tpu.memory_space<vmem_shared>>) target(%dma_start3A_10 : memref<632x128xf32, #tpu.memory_space<hbm>>) target_semaphore(%run_scoped3A : memref<!tpu.dma_semaphore, #tpu.memory_space<semaphore_mem>>)
      %dma_wait3A = arith.constant 0 : i32
      %dma_wait3A_13 = tpu.memref_slice %arg6[%arg0, %mul3A_2, %dma_wait3A] : memref<2x10112x128xf32, #tpu.memory_space<hbm>> -> memref<1x632x128xf32, #tpu.memory_space<hbm>>
      %dma_wait3A_14 = tpu.memref_squeeze %dma_wait3A_13 : memref<1x632x128xf32, #tpu.memory_space<hbm>> -> memref<632x128xf32, #tpu.memory_space<hbm>>
      %dma_wait3A_15 = arith.constant 0 : i32
      %dma_wait3A_16 = tpu.memref_slice %arg10[%mul3A_2, %dma_wait3A_15] : memref<10112x128xf32, #tpu.memory_space<vmem_shared>> -> memref<632x128xf32, #tpu.memory_space<vmem_shared>>
      tpu.wait_dma2 semaphore(%run_scoped3A : memref<!tpu.dma_semaphore, #tpu.memory_space<semaphore_mem>>) src(%dma_wait3A_16 : memref<632x128xf32, #tpu.memory_space<vmem_shared>>) dst(%dma_wait3A_14 : memref<632x128xf32, #tpu.memory_space<hbm>>)
      tpu.yield
    }) : () -> ()
    return
  }
}

#map = affine_map<(d0, d1) -> (0, 0)>
#map1 = affine_map<(d0, d1) -> (0, 0, 0)>
module attributes {stable_mosaic.version = 14 : i64} {
  func.func @aggregate(%arg0: i32, %arg1: i32, %arg2: memref<10000x128xf32, #tpu.memory_space<hbm>>, %arg3: memref<32x157x64xi32, #tpu.memory_space<hbm>>, %arg4: memref<32x157x64xi32, #tpu.memory_space<hbm>>, %arg5: memref<10112x128xf32, #tpu.memory_space<hbm>>, %arg6: memref<2x10112x128xf32, #tpu.memory_space<hbm>>, %arg7: memref<157x64xi32, #tpu.memory_space<vmem>>, %arg8: memref<157x64xi32, #tpu.memory_space<vmem>>, %arg9: memref<64x128xf32, #tpu.memory_space<vmem>>, %arg10: memref<10112x128xf32, #tpu.memory_space<vmem_shared>>, %arg11: memref<!tpu.dma_semaphore, #tpu.memory_space<semaphore_mem>>) attributes {dimension_semantics = [#tpu.dimension_semantics<core_parallel>, #tpu.dimension_semantics<subcore_parallel>], iteration_bounds = array<i64: 2, 16>, scalar_prefetch = 0 : i64, scratch_operands = 5 : i64, tpu.core_type = #tpu.core_type<sc_vector_subcore>, window_params = [{transform_indices = #map}, {transform_indices = #map1}, {transform_indices = #map1}, {transform_indices = #map}, {transform_indices = #map1}]} {
    %mul3A = arith.constant 16 : i32
    %mul3A_0 = arith.muli %arg0, %mul3A : i32
    %add3A = arith.addi %mul3A_0, %arg1 : i32
    %mul3A_1 = arith.constant 632 : i32
    %mul3A_2 = arith.muli %arg1, %mul3A_1 : i32
    "tpu.region"() ({
      %run_scoped3A = tpu.sem_alloc : memref<!tpu.dma_semaphore, #tpu.memory_space<semaphore_mem>>
      %dma_start3A = arith.constant 0 : i32
      %dma_start3A_9 = tpu.memref_slice %arg10[%mul3A_2, %dma_start3A] : memref<10112x128xf32, #tpu.memory_space<vmem_shared>> -> memref<632x128xf32, #tpu.memory_space<vmem_shared>>
      %dma_start3A_10 = arith.constant 0 : i32
      %dma_start3A_11 = tpu.memref_slice %arg5[%mul3A_2, %dma_start3A_10] : memref<10112x128xf32, #tpu.memory_space<hbm>> -> memref<632x128xf32, #tpu.memory_space<hbm>>
      tpu.enqueue_dma source(%dma_start3A_11 : memref<632x128xf32, #tpu.memory_space<hbm>>) target(%dma_start3A_9 : memref<632x128xf32, #tpu.memory_space<vmem_shared>>) target_semaphore(%run_scoped3A : memref<!tpu.dma_semaphore, #tpu.memory_space<semaphore_mem>>)
      %dma_wait3A = arith.constant 0 : i32
      %dma_wait3A_12 = tpu.memref_slice %arg10[%mul3A_2, %dma_wait3A] : memref<10112x128xf32, #tpu.memory_space<vmem_shared>> -> memref<632x128xf32, #tpu.memory_space<vmem_shared>>
      %dma_wait3A_13 = arith.constant 0 : i32
      %dma_wait3A_14 = tpu.memref_slice %arg5[%mul3A_2, %dma_wait3A_13] : memref<10112x128xf32, #tpu.memory_space<hbm>> -> memref<632x128xf32, #tpu.memory_space<hbm>>
      tpu.wait_dma2 semaphore(%run_scoped3A : memref<!tpu.dma_semaphore, #tpu.memory_space<semaphore_mem>>) src(%dma_wait3A_14 : memref<632x128xf32, #tpu.memory_space<hbm>>) dst(%dma_wait3A_12 : memref<632x128xf32, #tpu.memory_space<vmem_shared>>)
      tpu.yield
    }) : () -> ()
    "tpu.region"() ({
      %run_scoped3A = tpu.sem_alloc : memref<!tpu.dma_semaphore, #tpu.memory_space<semaphore_mem>>
      %dma_start3A = arith.constant 0 : i32
      %dma_start3A_9 = arith.constant 0 : i32
      %dma_start3A_10 = tpu.memref_slice %arg3[%add3A, %dma_start3A, %dma_start3A_9] : memref<32x157x64xi32, #tpu.memory_space<hbm>> -> memref<1x157x64xi32, #tpu.memory_space<hbm>>
      %dma_start3A_11 = tpu.memref_squeeze %dma_start3A_10 : memref<1x157x64xi32, #tpu.memory_space<hbm>> -> memref<157x64xi32, #tpu.memory_space<hbm>>
      %dma_start3A_12 = arith.constant 0 : i32
      %dma_start3A_13 = arith.constant 0 : i32
      %dma_start3A_14 = tpu.memref_slice %arg3[%add3A, %dma_start3A_12, %dma_start3A_13] : memref<32x157x64xi32, #tpu.memory_space<hbm>> -> memref<1x157x64xi32, #tpu.memory_space<hbm>>
      %dma_start3A_15 = tpu.memref_squeeze %dma_start3A_14 : memref<1x157x64xi32, #tpu.memory_space<hbm>> -> memref<157x64xi32, #tpu.memory_space<hbm>>
      tpu.enqueue_dma source(%dma_start3A_15 : memref<157x64xi32, #tpu.memory_space<hbm>>) target(%arg7 : memref<157x64xi32, #tpu.memory_space<vmem>>) target_semaphore(%run_scoped3A : memref<!tpu.dma_semaphore, #tpu.memory_space<semaphore_mem>>)
      %dma_wait3A = arith.constant 0 : i32
      %dma_wait3A_16 = arith.constant 0 : i32
      %dma_wait3A_17 = tpu.memref_slice %arg3[%add3A, %dma_wait3A, %dma_wait3A_16] : memref<32x157x64xi32, #tpu.memory_space<hbm>> -> memref<1x157x64xi32, #tpu.memory_space<hbm>>
      %dma_wait3A_18 = tpu.memref_squeeze %dma_wait3A_17 : memref<1x157x64xi32, #tpu.memory_space<hbm>> -> memref<157x64xi32, #tpu.memory_space<hbm>>
      %dma_wait3A_19 = arith.constant 0 : i32
      %dma_wait3A_20 = arith.constant 0 : i32
      %dma_wait3A_21 = tpu.memref_slice %arg3[%add3A, %dma_wait3A_19, %dma_wait3A_20] : memref<32x157x64xi32, #tpu.memory_space<hbm>> -> memref<1x157x64xi32, #tpu.memory_space<hbm>>
      %dma_wait3A_22 = tpu.memref_squeeze %dma_wait3A_21 : memref<1x157x64xi32, #tpu.memory_space<hbm>> -> memref<157x64xi32, #tpu.memory_space<hbm>>
      tpu.wait_dma2 semaphore(%run_scoped3A : memref<!tpu.dma_semaphore, #tpu.memory_space<semaphore_mem>>) src(%dma_wait3A_22 : memref<157x64xi32, #tpu.memory_space<hbm>>) dst(%arg7 : memref<157x64xi32, #tpu.memory_space<vmem>>)
      tpu.yield
    }) : () -> ()
    "tpu.region"() ({
      %run_scoped3A = tpu.sem_alloc : memref<!tpu.dma_semaphore, #tpu.memory_space<semaphore_mem>>
      %dma_start3A = arith.constant 0 : i32
      %dma_start3A_9 = arith.constant 0 : i32
      %dma_start3A_10 = tpu.memref_slice %arg4[%add3A, %dma_start3A, %dma_start3A_9] : memref<32x157x64xi32, #tpu.memory_space<hbm>> -> memref<1x157x64xi32, #tpu.memory_space<hbm>>
      %dma_start3A_11 = tpu.memref_squeeze %dma_start3A_10 : memref<1x157x64xi32, #tpu.memory_space<hbm>> -> memref<157x64xi32, #tpu.memory_space<hbm>>
      %dma_start3A_12 = arith.constant 0 : i32
      %dma_start3A_13 = arith.constant 0 : i32
      %dma_start3A_14 = tpu.memref_slice %arg4[%add3A, %dma_start3A_12, %dma_start3A_13] : memref<32x157x64xi32, #tpu.memory_space<hbm>> -> memref<1x157x64xi32, #tpu.memory_space<hbm>>
      %dma_start3A_15 = tpu.memref_squeeze %dma_start3A_14 : memref<1x157x64xi32, #tpu.memory_space<hbm>> -> memref<157x64xi32, #tpu.memory_space<hbm>>
      tpu.enqueue_dma source(%dma_start3A_15 : memref<157x64xi32, #tpu.memory_space<hbm>>) target(%arg8 : memref<157x64xi32, #tpu.memory_space<vmem>>) target_semaphore(%run_scoped3A : memref<!tpu.dma_semaphore, #tpu.memory_space<semaphore_mem>>)
      %dma_wait3A = arith.constant 0 : i32
      %dma_wait3A_16 = arith.constant 0 : i32
      %dma_wait3A_17 = tpu.memref_slice %arg4[%add3A, %dma_wait3A, %dma_wait3A_16] : memref<32x157x64xi32, #tpu.memory_space<hbm>> -> memref<1x157x64xi32, #tpu.memory_space<hbm>>
      %dma_wait3A_18 = tpu.memref_squeeze %dma_wait3A_17 : memref<1x157x64xi32, #tpu.memory_space<hbm>> -> memref<157x64xi32, #tpu.memory_space<hbm>>
      %dma_wait3A_19 = arith.constant 0 : i32
      %dma_wait3A_20 = arith.constant 0 : i32
      %dma_wait3A_21 = tpu.memref_slice %arg4[%add3A, %dma_wait3A_19, %dma_wait3A_20] : memref<32x157x64xi32, #tpu.memory_space<hbm>> -> memref<1x157x64xi32, #tpu.memory_space<hbm>>
      %dma_wait3A_22 = tpu.memref_squeeze %dma_wait3A_21 : memref<1x157x64xi32, #tpu.memory_space<hbm>> -> memref<157x64xi32, #tpu.memory_space<hbm>>
      tpu.wait_dma2 semaphore(%run_scoped3A : memref<!tpu.dma_semaphore, #tpu.memory_space<semaphore_mem>>) src(%dma_wait3A_22 : memref<157x64xi32, #tpu.memory_space<hbm>>) dst(%arg8 : memref<157x64xi32, #tpu.memory_space<vmem>>)
      tpu.yield
    }) : () -> ()
    %barrier3A = arith.constant 0 : index
    tpu.barrier barrier_id(%barrier3A)
    %scan3A = arith.constant 0 : i32
    %scan3A_3 = arith.constant 0 : i32
    %scan3A_4 = arith.constant 157 : i32
    %scan3A_5 = arith.addi %scan3A_3, %scan3A_4 : i32
    %scan3A_6 = arith.constant 1 : i32
    scf.for %scan3A_9 = %scan3A_3 to %scan3A_5 step %scan3A_6  : i32 {
      %dma_start3A = arith.constant 0 : i32
      %dma_start3A_10 = tpu.memref_slice %arg7[%scan3A_9, %dma_start3A] : memref<157x64xi32, #tpu.memory_space<vmem>> -> memref<1x64xi32, #tpu.memory_space<vmem>>
      %dma_start3A_11 = tpu.memref_squeeze %dma_start3A_10 : memref<1x64xi32, #tpu.memory_space<vmem>> -> memref<64xi32, #tpu.memory_space<vmem>>
      %dma_start3A_12 = arith.constant 0 : i32
      %dma_start3A_13 = arith.constant 0 : i32
      %dma_start3A_14 = tpu.memref_slice %arg2[%dma_start3A_12, %dma_start3A_13] : memref<10000x128xf32, #tpu.memory_space<hbm>> -> memref<10000x128xf32, #tpu.memory_space<hbm>>
      tpu.enqueue_indirect_dma source(%dma_start3A_14 : memref<10000x128xf32, #tpu.memory_space<hbm>>) target(%arg9 : memref<64x128xf32, #tpu.memory_space<vmem>>) offsets(%dma_start3A_11 : memref<64xi32, #tpu.memory_space<vmem>>) semaphore(%arg11 : memref<!tpu.dma_semaphore, #tpu.memory_space<semaphore_mem>>)
      %dma_wait3A = arith.constant 0 : i32
      %dma_wait3A_15 = tpu.memref_slice %arg7[%scan3A_9, %dma_wait3A] : memref<157x64xi32, #tpu.memory_space<vmem>> -> memref<1x64xi32, #tpu.memory_space<vmem>>
      %dma_wait3A_16 = tpu.memref_squeeze %dma_wait3A_15 : memref<1x64xi32, #tpu.memory_space<vmem>> -> memref<64xi32, #tpu.memory_space<vmem>>
      %dma_wait3A_17 = arith.constant 0 : i32
      %dma_wait3A_18 = arith.constant 0 : i32
      %dma_wait3A_19 = tpu.memref_slice %arg2[%dma_wait3A_17, %dma_wait3A_18] : memref<10000x128xf32, #tpu.memory_space<hbm>> -> memref<10000x128xf32, #tpu.memory_space<hbm>>
      tpu.wait_indirect_dma semaphore(%arg11 : memref<!tpu.dma_semaphore, #tpu.memory_space<semaphore_mem>>) src(%dma_wait3A_19 : memref<10000x128xf32, #tpu.memory_space<hbm>>) dst(%arg9 : memref<64x128xf32, #tpu.memory_space<vmem>>)
      "tpu.region"() ({
        %run_scoped3A = tpu.sem_alloc : memref<!tpu.dma_semaphore, #tpu.memory_space<semaphore_mem>>
        %dma_start3A_20 = arith.constant 0 : i32
        %dma_start3A_21 = tpu.memref_slice %arg8[%scan3A_9, %dma_start3A_20] : memref<157x64xi32, #tpu.memory_space<vmem>> -> memref<1x64xi32, #tpu.memory_space<vmem>>
        %dma_start3A_22 = tpu.memref_squeeze %dma_start3A_21 : memref<1x64xi32, #tpu.memory_space<vmem>> -> memref<64xi32, #tpu.memory_space<vmem>>
        %dma_start3A_23 = arith.constant 0 : i32
        %dma_start3A_24 = arith.constant 0 : i32
        %dma_start3A_25 = tpu.memref_slice %arg10[%dma_start3A_23, %dma_start3A_24] : memref<10112x128xf32, #tpu.memory_space<vmem_shared>> -> memref<10112x128xf32, #tpu.memory_space<vmem_shared>>
        tpu.enqueue_indirect_dma source(%arg9 : memref<64x128xf32, #tpu.memory_space<vmem>>) target(%dma_start3A_25 : memref<10112x128xf32, #tpu.memory_space<vmem_shared>>) offsets(%dma_start3A_22 : memref<64xi32, #tpu.memory_space<vmem>>) semaphore(%run_scoped3A : memref<!tpu.dma_semaphore, #tpu.memory_space<semaphore_mem>>) {add = true}
        %dma_wait3A_26 = arith.constant 0 : i32
        %dma_wait3A_27 = tpu.memref_slice %arg8[%scan3A_9, %dma_wait3A_26] : memref<157x64xi32, #tpu.memory_space<vmem>> -> memref<1x64xi32, #tpu.memory_space<vmem>>
        %dma_wait3A_28 = tpu.memref_squeeze %dma_wait3A_27 : memref<1x64xi32, #tpu.memory_space<vmem>> -> memref<64xi32, #tpu.memory_space<vmem>>
        %dma_wait3A_29 = arith.constant 0 : i32
        %dma_wait3A_30 = arith.constant 0 : i32
        %dma_wait3A_31 = tpu.memref_slice %arg10[%dma_wait3A_29, %dma_wait3A_30] : memref<10112x128xf32, #tpu.memory_space<vmem_shared>> -> memref<10112x128xf32, #tpu.memory_space<vmem_shared>>
        tpu.wait_indirect_dma semaphore(%run_scoped3A : memref<!tpu.dma_semaphore, #tpu.memory_space<semaphore_mem>>) src(%arg9 : memref<64x128xf32, #tpu.memory_space<vmem>>) dst(%dma_wait3A_31 : memref<10112x128xf32, #tpu.memory_space<vmem_shared>>)
        tpu.yield
      }) : () -> ()
    }
    %scan3A_7 = arith.constant 157 : i32
    %barrier3A_8 = arith.constant 0 : index
    tpu.barrier barrier_id(%barrier3A_8)
    "tpu.region"() ({
      %run_scoped3A = tpu.sem_alloc : memref<!tpu.dma_semaphore, #tpu.memory_space<semaphore_mem>>
      %dma_start3A = arith.constant 0 : i32
      %dma_start3A_9 = tpu.memref_slice %arg6[%arg0, %mul3A_2, %dma_start3A] : memref<2x10112x128xf32, #tpu.memory_space<hbm>> -> memref<1x632x128xf32, #tpu.memory_space<hbm>>
      %dma_start3A_10 = tpu.memref_squeeze %dma_start3A_9 : memref<1x632x128xf32, #tpu.memory_space<hbm>> -> memref<632x128xf32, #tpu.memory_space<hbm>>
      %dma_start3A_11 = arith.constant 0 : i32
      %dma_start3A_12 = tpu.memref_slice %arg10[%mul3A_2, %dma_start3A_11] : memref<10112x128xf32, #tpu.memory_space<vmem_shared>> -> memref<632x128xf32, #tpu.memory_space<vmem_shared>>
      tpu.enqueue_dma source(%dma_start3A_12 : memref<632x128xf32, #tpu.memory_space<vmem_shared>>) target(%dma_start3A_10 : memref<632x128xf32, #tpu.memory_space<hbm>>) target_semaphore(%run_scoped3A : memref<!tpu.dma_semaphore, #tpu.memory_space<semaphore_mem>>)
      %dma_wait3A = arith.constant 0 : i32
      %dma_wait3A_13 = tpu.memref_slice %arg6[%arg0, %mul3A_2, %dma_wait3A] : memref<2x10112x128xf32, #tpu.memory_space<hbm>> -> memref<1x632x128xf32, #tpu.memory_space<hbm>>
      %dma_wait3A_14 = tpu.memref_squeeze %dma_wait3A_13 : memref<1x632x128xf32, #tpu.memory_space<hbm>> -> memref<632x128xf32, #tpu.memory_space<hbm>>
      %dma_wait3A_15 = arith.constant 0 : i32
      %dma_wait3A_16 = tpu.memref_slice %arg10[%mul3A_2, %dma_wait3A_15] : memref<10112x128xf32, #tpu.memory_space<vmem_shared>> -> memref<632x128xf32, #tpu.memory_space<vmem_shared>>
      tpu.wait_dma2 semaphore(%run_scoped3A : memref<!tpu.dma_semaphore, #tpu.memory_space<semaphore_mem>>) src(%dma_wait3A_16 : memref<632x128xf32, #tpu.memory_space<vmem_shared>>) dst(%dma_wait3A_14 : memref<632x128xf32, #tpu.memory_space<hbm>>)
      tpu.yield
    }) : () -> ()
    return
  }
}

#map = affine_map<(d0, d1) -> (0, 0)>
#map1 = affine_map<(d0, d1) -> (0, 0, 0)>
module attributes {stable_mosaic.version = 14 : i64} {
  func.func @aggregate(%arg0: i32, %arg1: i32, %arg2: memref<10000x128xf32, #tpu.memory_space<hbm>>, %arg3: memref<32x157x64xi32, #tpu.memory_space<hbm>>, %arg4: memref<32x157x64xi32, #tpu.memory_space<hbm>>, %arg5: memref<10112x128xf32, #tpu.memory_space<hbm>>, %arg6: memref<2x10112x128xf32, #tpu.memory_space<hbm>>, %arg7: memref<157x64xi32, #tpu.memory_space<vmem>>, %arg8: memref<157x64xi32, #tpu.memory_space<vmem>>, %arg9: memref<64x128xf32, #tpu.memory_space<vmem>>, %arg10: memref<10112x128xf32, #tpu.memory_space<vmem_shared>>, %arg11: memref<!tpu.dma_semaphore, #tpu.memory_space<semaphore_mem>>) attributes {dimension_semantics = [#tpu.dimension_semantics<core_parallel>, #tpu.dimension_semantics<subcore_parallel>], iteration_bounds = array<i64: 2, 16>, scalar_prefetch = 0 : i64, scratch_operands = 5 : i64, tpu.core_type = #tpu.core_type<sc_vector_subcore>, window_params = [{transform_indices = #map}, {transform_indices = #map1}, {transform_indices = #map1}, {transform_indices = #map}, {transform_indices = #map1}]} {
    %mul3A = arith.constant 16 : i32
    %mul3A_0 = arith.muli %arg0, %mul3A : i32
    %add3A = arith.addi %mul3A_0, %arg1 : i32
    %mul3A_1 = arith.constant 632 : i32
    %mul3A_2 = arith.muli %arg1, %mul3A_1 : i32
    "tpu.region"() ({
      %run_scoped3A = tpu.sem_alloc : memref<!tpu.dma_semaphore, #tpu.memory_space<semaphore_mem>>
      %dma_start3A = arith.constant 0 : i32
      %dma_start3A_9 = tpu.memref_slice %arg10[%mul3A_2, %dma_start3A] : memref<10112x128xf32, #tpu.memory_space<vmem_shared>> -> memref<632x128xf32, #tpu.memory_space<vmem_shared>>
      %dma_start3A_10 = arith.constant 0 : i32
      %dma_start3A_11 = tpu.memref_slice %arg5[%mul3A_2, %dma_start3A_10] : memref<10112x128xf32, #tpu.memory_space<hbm>> -> memref<632x128xf32, #tpu.memory_space<hbm>>
      tpu.enqueue_dma source(%dma_start3A_11 : memref<632x128xf32, #tpu.memory_space<hbm>>) target(%dma_start3A_9 : memref<632x128xf32, #tpu.memory_space<vmem_shared>>) target_semaphore(%run_scoped3A : memref<!tpu.dma_semaphore, #tpu.memory_space<semaphore_mem>>)
      %dma_wait3A = arith.constant 0 : i32
      %dma_wait3A_12 = tpu.memref_slice %arg10[%mul3A_2, %dma_wait3A] : memref<10112x128xf32, #tpu.memory_space<vmem_shared>> -> memref<632x128xf32, #tpu.memory_space<vmem_shared>>
      %dma_wait3A_13 = arith.constant 0 : i32
      %dma_wait3A_14 = tpu.memref_slice %arg5[%mul3A_2, %dma_wait3A_13] : memref<10112x128xf32, #tpu.memory_space<hbm>> -> memref<632x128xf32, #tpu.memory_space<hbm>>
      tpu.wait_dma2 semaphore(%run_scoped3A : memref<!tpu.dma_semaphore, #tpu.memory_space<semaphore_mem>>) src(%dma_wait3A_14 : memref<632x128xf32, #tpu.memory_space<hbm>>) dst(%dma_wait3A_12 : memref<632x128xf32, #tpu.memory_space<vmem_shared>>)
      tpu.yield
    }) : () -> ()
    "tpu.region"() ({
      %run_scoped3A = tpu.sem_alloc : memref<!tpu.dma_semaphore, #tpu.memory_space<semaphore_mem>>
      %dma_start3A = arith.constant 0 : i32
      %dma_start3A_9 = arith.constant 0 : i32
      %dma_start3A_10 = tpu.memref_slice %arg3[%add3A, %dma_start3A, %dma_start3A_9] : memref<32x157x64xi32, #tpu.memory_space<hbm>> -> memref<1x157x64xi32, #tpu.memory_space<hbm>>
      %dma_start3A_11 = tpu.memref_squeeze %dma_start3A_10 : memref<1x157x64xi32, #tpu.memory_space<hbm>> -> memref<157x64xi32, #tpu.memory_space<hbm>>
      %dma_start3A_12 = arith.constant 0 : i32
      %dma_start3A_13 = arith.constant 0 : i32
      %dma_start3A_14 = tpu.memref_slice %arg3[%add3A, %dma_start3A_12, %dma_start3A_13] : memref<32x157x64xi32, #tpu.memory_space<hbm>> -> memref<1x157x64xi32, #tpu.memory_space<hbm>>
      %dma_start3A_15 = tpu.memref_squeeze %dma_start3A_14 : memref<1x157x64xi32, #tpu.memory_space<hbm>> -> memref<157x64xi32, #tpu.memory_space<hbm>>
      tpu.enqueue_dma source(%dma_start3A_15 : memref<157x64xi32, #tpu.memory_space<hbm>>) target(%arg7 : memref<157x64xi32, #tpu.memory_space<vmem>>) target_semaphore(%run_scoped3A : memref<!tpu.dma_semaphore, #tpu.memory_space<semaphore_mem>>)
      %dma_wait3A = arith.constant 0 : i32
      %dma_wait3A_16 = arith.constant 0 : i32
      %dma_wait3A_17 = tpu.memref_slice %arg3[%add3A, %dma_wait3A, %dma_wait3A_16] : memref<32x157x64xi32, #tpu.memory_space<hbm>> -> memref<1x157x64xi32, #tpu.memory_space<hbm>>
      %dma_wait3A_18 = tpu.memref_squeeze %dma_wait3A_17 : memref<1x157x64xi32, #tpu.memory_space<hbm>> -> memref<157x64xi32, #tpu.memory_space<hbm>>
      %dma_wait3A_19 = arith.constant 0 : i32
      %dma_wait3A_20 = arith.constant 0 : i32
      %dma_wait3A_21 = tpu.memref_slice %arg3[%add3A, %dma_wait3A_19, %dma_wait3A_20] : memref<32x157x64xi32, #tpu.memory_space<hbm>> -> memref<1x157x64xi32, #tpu.memory_space<hbm>>
      %dma_wait3A_22 = tpu.memref_squeeze %dma_wait3A_21 : memref<1x157x64xi32, #tpu.memory_space<hbm>> -> memref<157x64xi32, #tpu.memory_space<hbm>>
      tpu.wait_dma2 semaphore(%run_scoped3A : memref<!tpu.dma_semaphore, #tpu.memory_space<semaphore_mem>>) src(%dma_wait3A_22 : memref<157x64xi32, #tpu.memory_space<hbm>>) dst(%arg7 : memref<157x64xi32, #tpu.memory_space<vmem>>)
      tpu.yield
    }) : () -> ()
    "tpu.region"() ({
      %run_scoped3A = tpu.sem_alloc : memref<!tpu.dma_semaphore, #tpu.memory_space<semaphore_mem>>
      %dma_start3A = arith.constant 0 : i32
      %dma_start3A_9 = arith.constant 0 : i32
      %dma_start3A_10 = tpu.memref_slice %arg4[%add3A, %dma_start3A, %dma_start3A_9] : memref<32x157x64xi32, #tpu.memory_space<hbm>> -> memref<1x157x64xi32, #tpu.memory_space<hbm>>
      %dma_start3A_11 = tpu.memref_squeeze %dma_start3A_10 : memref<1x157x64xi32, #tpu.memory_space<hbm>> -> memref<157x64xi32, #tpu.memory_space<hbm>>
      %dma_start3A_12 = arith.constant 0 : i32
      %dma_start3A_13 = arith.constant 0 : i32
      %dma_start3A_14 = tpu.memref_slice %arg4[%add3A, %dma_start3A_12, %dma_start3A_13] : memref<32x157x64xi32, #tpu.memory_space<hbm>> -> memref<1x157x64xi32, #tpu.memory_space<hbm>>
      %dma_start3A_15 = tpu.memref_squeeze %dma_start3A_14 : memref<1x157x64xi32, #tpu.memory_space<hbm>> -> memref<157x64xi32, #tpu.memory_space<hbm>>
      tpu.enqueue_dma source(%dma_start3A_15 : memref<157x64xi32, #tpu.memory_space<hbm>>) target(%arg8 : memref<157x64xi32, #tpu.memory_space<vmem>>) target_semaphore(%run_scoped3A : memref<!tpu.dma_semaphore, #tpu.memory_space<semaphore_mem>>)
      %dma_wait3A = arith.constant 0 : i32
      %dma_wait3A_16 = arith.constant 0 : i32
      %dma_wait3A_17 = tpu.memref_slice %arg4[%add3A, %dma_wait3A, %dma_wait3A_16] : memref<32x157x64xi32, #tpu.memory_space<hbm>> -> memref<1x157x64xi32, #tpu.memory_space<hbm>>
      %dma_wait3A_18 = tpu.memref_squeeze %dma_wait3A_17 : memref<1x157x64xi32, #tpu.memory_space<hbm>> -> memref<157x64xi32, #tpu.memory_space<hbm>>
      %dma_wait3A_19 = arith.constant 0 : i32
      %dma_wait3A_20 = arith.constant 0 : i32
      %dma_wait3A_21 = tpu.memref_slice %arg4[%add3A, %dma_wait3A_19, %dma_wait3A_20] : memref<32x157x64xi32, #tpu.memory_space<hbm>> -> memref<1x157x64xi32, #tpu.memory_space<hbm>>
      %dma_wait3A_22 = tpu.memref_squeeze %dma_wait3A_21 : memref<1x157x64xi32, #tpu.memory_space<hbm>> -> memref<157x64xi32, #tpu.memory_space<hbm>>
      tpu.wait_dma2 semaphore(%run_scoped3A : memref<!tpu.dma_semaphore, #tpu.memory_space<semaphore_mem>>) src(%dma_wait3A_22 : memref<157x64xi32, #tpu.memory_space<hbm>>) dst(%arg8 : memref<157x64xi32, #tpu.memory_space<vmem>>)
      tpu.yield
    }) : () -> ()
    %barrier3A = arith.constant 0 : index
    tpu.barrier barrier_id(%barrier3A)
    %scan3A = arith.constant 0 : i32
    %scan3A_3 = arith.constant 0 : i32
    %scan3A_4 = arith.constant 157 : i32
    %scan3A_5 = arith.addi %scan3A_3, %scan3A_4 : i32
    %scan3A_6 = arith.constant 1 : i32
    scf.for %scan3A_9 = %scan3A_3 to %scan3A_5 step %scan3A_6  : i32 {
      %dma_start3A = arith.constant 0 : i32
      %dma_start3A_10 = tpu.memref_slice %arg7[%scan3A_9, %dma_start3A] : memref<157x64xi32, #tpu.memory_space<vmem>> -> memref<1x64xi32, #tpu.memory_space<vmem>>
      %dma_start3A_11 = tpu.memref_squeeze %dma_start3A_10 : memref<1x64xi32, #tpu.memory_space<vmem>> -> memref<64xi32, #tpu.memory_space<vmem>>
      %dma_start3A_12 = arith.constant 0 : i32
      %dma_start3A_13 = arith.constant 0 : i32
      %dma_start3A_14 = tpu.memref_slice %arg2[%dma_start3A_12, %dma_start3A_13] : memref<10000x128xf32, #tpu.memory_space<hbm>> -> memref<10000x128xf32, #tpu.memory_space<hbm>>
      tpu.enqueue_indirect_dma source(%dma_start3A_14 : memref<10000x128xf32, #tpu.memory_space<hbm>>) target(%arg9 : memref<64x128xf32, #tpu.memory_space<vmem>>) offsets(%dma_start3A_11 : memref<64xi32, #tpu.memory_space<vmem>>) semaphore(%arg11 : memref<!tpu.dma_semaphore, #tpu.memory_space<semaphore_mem>>)
      %dma_wait3A = arith.constant 0 : i32
      %dma_wait3A_15 = tpu.memref_slice %arg7[%scan3A_9, %dma_wait3A] : memref<157x64xi32, #tpu.memory_space<vmem>> -> memref<1x64xi32, #tpu.memory_space<vmem>>
      %dma_wait3A_16 = tpu.memref_squeeze %dma_wait3A_15 : memref<1x64xi32, #tpu.memory_space<vmem>> -> memref<64xi32, #tpu.memory_space<vmem>>
      %dma_wait3A_17 = arith.constant 0 : i32
      %dma_wait3A_18 = arith.constant 0 : i32
      %dma_wait3A_19 = tpu.memref_slice %arg2[%dma_wait3A_17, %dma_wait3A_18] : memref<10000x128xf32, #tpu.memory_space<hbm>> -> memref<10000x128xf32, #tpu.memory_space<hbm>>
      tpu.wait_indirect_dma semaphore(%arg11 : memref<!tpu.dma_semaphore, #tpu.memory_space<semaphore_mem>>) src(%dma_wait3A_19 : memref<10000x128xf32, #tpu.memory_space<hbm>>) dst(%arg9 : memref<64x128xf32, #tpu.memory_space<vmem>>)
      "tpu.region"() ({
        %run_scoped3A = tpu.sem_alloc : memref<!tpu.dma_semaphore, #tpu.memory_space<semaphore_mem>>
        %dma_start3A_20 = arith.constant 0 : i32
        %dma_start3A_21 = tpu.memref_slice %arg8[%scan3A_9, %dma_start3A_20] : memref<157x64xi32, #tpu.memory_space<vmem>> -> memref<1x64xi32, #tpu.memory_space<vmem>>
        %dma_start3A_22 = tpu.memref_squeeze %dma_start3A_21 : memref<1x64xi32, #tpu.memory_space<vmem>> -> memref<64xi32, #tpu.memory_space<vmem>>
        %dma_start3A_23 = arith.constant 0 : i32
        %dma_start3A_24 = arith.constant 0 : i32
        %dma_start3A_25 = tpu.memref_slice %arg10[%dma_start3A_23, %dma_start3A_24] : memref<10112x128xf32, #tpu.memory_space<vmem_shared>> -> memref<10112x128xf32, #tpu.memory_space<vmem_shared>>
        tpu.enqueue_indirect_dma source(%arg9 : memref<64x128xf32, #tpu.memory_space<vmem>>) target(%dma_start3A_25 : memref<10112x128xf32, #tpu.memory_space<vmem_shared>>) offsets(%dma_start3A_22 : memref<64xi32, #tpu.memory_space<vmem>>) semaphore(%run_scoped3A : memref<!tpu.dma_semaphore, #tpu.memory_space<semaphore_mem>>) {add = true}
        %dma_wait3A_26 = arith.constant 0 : i32
        %dma_wait3A_27 = tpu.memref_slice %arg8[%scan3A_9, %dma_wait3A_26] : memref<157x64xi32, #tpu.memory_space<vmem>> -> memref<1x64xi32, #tpu.memory_space<vmem>>
        %dma_wait3A_28 = tpu.memref_squeeze %dma_wait3A_27 : memref<1x64xi32, #tpu.memory_space<vmem>> -> memref<64xi32, #tpu.memory_space<vmem>>
        %dma_wait3A_29 = arith.constant 0 : i32
        %dma_wait3A_30 = arith.constant 0 : i32
        %dma_wait3A_31 = tpu.memref_slice %arg10[%dma_wait3A_29, %dma_wait3A_30] : memref<10112x128xf32, #tpu.memory_space<vmem_shared>> -> memref<10112x128xf32, #tpu.memory_space<vmem_shared>>
        tpu.wait_indirect_dma semaphore(%run_scoped3A : memref<!tpu.dma_semaphore, #tpu.memory_space<semaphore_mem>>) src(%arg9 : memref<64x128xf32, #tpu.memory_space<vmem>>) dst(%dma_wait3A_31 : memref<10112x128xf32, #tpu.memory_space<vmem_shared>>)
        tpu.yield
      }) : () -> ()
    }
    %scan3A_7 = arith.constant 157 : i32
    %barrier3A_8 = arith.constant 0 : index
    tpu.barrier barrier_id(%barrier3A_8)
    "tpu.region"() ({
      %run_scoped3A = tpu.sem_alloc : memref<!tpu.dma_semaphore, #tpu.memory_space<semaphore_mem>>
      %dma_start3A = arith.constant 0 : i32
      %dma_start3A_9 = tpu.memref_slice %arg6[%arg0, %mul3A_2, %dma_start3A] : memref<2x10112x128xf32, #tpu.memory_space<hbm>> -> memref<1x632x128xf32, #tpu.memory_space<hbm>>
      %dma_start3A_10 = tpu.memref_squeeze %dma_start3A_9 : memref<1x632x128xf32, #tpu.memory_space<hbm>> -> memref<632x128xf32, #tpu.memory_space<hbm>>
      %dma_start3A_11 = arith.constant 0 : i32
      %dma_start3A_12 = tpu.memref_slice %arg10[%mul3A_2, %dma_start3A_11] : memref<10112x128xf32, #tpu.memory_space<vmem_shared>> -> memref<632x128xf32, #tpu.memory_space<vmem_shared>>
      tpu.enqueue_dma source(%dma_start3A_12 : memref<632x128xf32, #tpu.memory_space<vmem_shared>>) target(%dma_start3A_10 : memref<632x128xf32, #tpu.memory_space<hbm>>) target_semaphore(%run_scoped3A : memref<!tpu.dma_semaphore, #tpu.memory_space<semaphore_mem>>)
      %dma_wait3A = arith.constant 0 : i32
      %dma_wait3A_13 = tpu.memref_slice %arg6[%arg0, %mul3A_2, %dma_wait3A] : memref<2x10112x128xf32, #tpu.memory_space<hbm>> -> memref<1x632x128xf32, #tpu.memory_space<hbm>>
      %dma_wait3A_14 = tpu.memref_squeeze %dma_wait3A_13 : memref<1x632x128xf32, #tpu.memory_space<hbm>> -> memref<632x128xf32, #tpu.memory_space<hbm>>
      %dma_wait3A_15 = arith.constant 0 : i32
      %dma_wait3A_16 = tpu.memref_slice %arg10[%mul3A_2, %dma_wait3A_15] : memref<10112x128xf32, #tpu.memory_space<vmem_shared>> -> memref<632x128xf32, #tpu.memory_space<vmem_shared>>
      tpu.wait_dma2 semaphore(%run_scoped3A : memref<!tpu.dma_semaphore, #tpu.memory_space<semaphore_mem>>) src(%dma_wait3A_16 : memref<632x128xf32, #tpu.memory_space<vmem_shared>>) dst(%dma_wait3A_14 : memref<632x128xf32, #tpu.memory_space<hbm>>)
      tpu.yield
    }) : () -> ()
    return
  }
}

#map = affine_map<(d0, d1) -> (0, 0)>
#map1 = affine_map<(d0, d1) -> (0, 0, 0)>
module attributes {stable_mosaic.version = 14 : i64} {
  func.func @aggregate(%arg0: i32, %arg1: i32, %arg2: memref<10000x128xf32, #tpu.memory_space<hbm>>, %arg3: memref<32x157x64xi32, #tpu.memory_space<hbm>>, %arg4: memref<32x157x64xi32, #tpu.memory_space<hbm>>, %arg5: memref<10112x128xf32, #tpu.memory_space<hbm>>, %arg6: memref<2x10112x128xf32, #tpu.memory_space<hbm>>, %arg7: memref<157x64xi32, #tpu.memory_space<vmem>>, %arg8: memref<157x64xi32, #tpu.memory_space<vmem>>, %arg9: memref<64x128xf32, #tpu.memory_space<vmem>>, %arg10: memref<10112x128xf32, #tpu.memory_space<vmem_shared>>, %arg11: memref<!tpu.dma_semaphore, #tpu.memory_space<semaphore_mem>>) attributes {dimension_semantics = [#tpu.dimension_semantics<core_parallel>, #tpu.dimension_semantics<subcore_parallel>], iteration_bounds = array<i64: 2, 16>, scalar_prefetch = 0 : i64, scratch_operands = 5 : i64, tpu.core_type = #tpu.core_type<sc_vector_subcore>, window_params = [{transform_indices = #map}, {transform_indices = #map1}, {transform_indices = #map1}, {transform_indices = #map}, {transform_indices = #map1}]} {
    %mul3A = arith.constant 16 : i32
    %mul3A_0 = arith.muli %arg0, %mul3A : i32
    %add3A = arith.addi %mul3A_0, %arg1 : i32
    %mul3A_1 = arith.constant 632 : i32
    %mul3A_2 = arith.muli %arg1, %mul3A_1 : i32
    "tpu.region"() ({
      %run_scoped3A = tpu.sem_alloc : memref<!tpu.dma_semaphore, #tpu.memory_space<semaphore_mem>>
      %dma_start3A = arith.constant 0 : i32
      %dma_start3A_9 = tpu.memref_slice %arg10[%mul3A_2, %dma_start3A] : memref<10112x128xf32, #tpu.memory_space<vmem_shared>> -> memref<632x128xf32, #tpu.memory_space<vmem_shared>>
      %dma_start3A_10 = arith.constant 0 : i32
      %dma_start3A_11 = tpu.memref_slice %arg5[%mul3A_2, %dma_start3A_10] : memref<10112x128xf32, #tpu.memory_space<hbm>> -> memref<632x128xf32, #tpu.memory_space<hbm>>
      tpu.enqueue_dma source(%dma_start3A_11 : memref<632x128xf32, #tpu.memory_space<hbm>>) target(%dma_start3A_9 : memref<632x128xf32, #tpu.memory_space<vmem_shared>>) target_semaphore(%run_scoped3A : memref<!tpu.dma_semaphore, #tpu.memory_space<semaphore_mem>>)
      %dma_wait3A = arith.constant 0 : i32
      %dma_wait3A_12 = tpu.memref_slice %arg10[%mul3A_2, %dma_wait3A] : memref<10112x128xf32, #tpu.memory_space<vmem_shared>> -> memref<632x128xf32, #tpu.memory_space<vmem_shared>>
      %dma_wait3A_13 = arith.constant 0 : i32
      %dma_wait3A_14 = tpu.memref_slice %arg5[%mul3A_2, %dma_wait3A_13] : memref<10112x128xf32, #tpu.memory_space<hbm>> -> memref<632x128xf32, #tpu.memory_space<hbm>>
      tpu.wait_dma2 semaphore(%run_scoped3A : memref<!tpu.dma_semaphore, #tpu.memory_space<semaphore_mem>>) src(%dma_wait3A_14 : memref<632x128xf32, #tpu.memory_space<hbm>>) dst(%dma_wait3A_12 : memref<632x128xf32, #tpu.memory_space<vmem_shared>>)
      tpu.yield
    }) : () -> ()
    "tpu.region"() ({
      %run_scoped3A = tpu.sem_alloc : memref<!tpu.dma_semaphore, #tpu.memory_space<semaphore_mem>>
      %dma_start3A = arith.constant 0 : i32
      %dma_start3A_9 = arith.constant 0 : i32
      %dma_start3A_10 = tpu.memref_slice %arg3[%add3A, %dma_start3A, %dma_start3A_9] : memref<32x157x64xi32, #tpu.memory_space<hbm>> -> memref<1x157x64xi32, #tpu.memory_space<hbm>>
      %dma_start3A_11 = tpu.memref_squeeze %dma_start3A_10 : memref<1x157x64xi32, #tpu.memory_space<hbm>> -> memref<157x64xi32, #tpu.memory_space<hbm>>
      %dma_start3A_12 = arith.constant 0 : i32
      %dma_start3A_13 = arith.constant 0 : i32
      %dma_start3A_14 = tpu.memref_slice %arg3[%add3A, %dma_start3A_12, %dma_start3A_13] : memref<32x157x64xi32, #tpu.memory_space<hbm>> -> memref<1x157x64xi32, #tpu.memory_space<hbm>>
      %dma_start3A_15 = tpu.memref_squeeze %dma_start3A_14 : memref<1x157x64xi32, #tpu.memory_space<hbm>> -> memref<157x64xi32, #tpu.memory_space<hbm>>
      tpu.enqueue_dma source(%dma_start3A_15 : memref<157x64xi32, #tpu.memory_space<hbm>>) target(%arg7 : memref<157x64xi32, #tpu.memory_space<vmem>>) target_semaphore(%run_scoped3A : memref<!tpu.dma_semaphore, #tpu.memory_space<semaphore_mem>>)
      %dma_wait3A = arith.constant 0 : i32
      %dma_wait3A_16 = arith.constant 0 : i32
      %dma_wait3A_17 = tpu.memref_slice %arg3[%add3A, %dma_wait3A, %dma_wait3A_16] : memref<32x157x64xi32, #tpu.memory_space<hbm>> -> memref<1x157x64xi32, #tpu.memory_space<hbm>>
      %dma_wait3A_18 = tpu.memref_squeeze %dma_wait3A_17 : memref<1x157x64xi32, #tpu.memory_space<hbm>> -> memref<157x64xi32, #tpu.memory_space<hbm>>
      %dma_wait3A_19 = arith.constant 0 : i32
      %dma_wait3A_20 = arith.constant 0 : i32
      %dma_wait3A_21 = tpu.memref_slice %arg3[%add3A, %dma_wait3A_19, %dma_wait3A_20] : memref<32x157x64xi32, #tpu.memory_space<hbm>> -> memref<1x157x64xi32, #tpu.memory_space<hbm>>
      %dma_wait3A_22 = tpu.memref_squeeze %dma_wait3A_21 : memref<1x157x64xi32, #tpu.memory_space<hbm>> -> memref<157x64xi32, #tpu.memory_space<hbm>>
      tpu.wait_dma2 semaphore(%run_scoped3A : memref<!tpu.dma_semaphore, #tpu.memory_space<semaphore_mem>>) src(%dma_wait3A_22 : memref<157x64xi32, #tpu.memory_space<hbm>>) dst(%arg7 : memref<157x64xi32, #tpu.memory_space<vmem>>)
      tpu.yield
    }) : () -> ()
    "tpu.region"() ({
      %run_scoped3A = tpu.sem_alloc : memref<!tpu.dma_semaphore, #tpu.memory_space<semaphore_mem>>
      %dma_start3A = arith.constant 0 : i32
      %dma_start3A_9 = arith.constant 0 : i32
      %dma_start3A_10 = tpu.memref_slice %arg4[%add3A, %dma_start3A, %dma_start3A_9] : memref<32x157x64xi32, #tpu.memory_space<hbm>> -> memref<1x157x64xi32, #tpu.memory_space<hbm>>
      %dma_start3A_11 = tpu.memref_squeeze %dma_start3A_10 : memref<1x157x64xi32, #tpu.memory_space<hbm>> -> memref<157x64xi32, #tpu.memory_space<hbm>>
      %dma_start3A_12 = arith.constant 0 : i32
      %dma_start3A_13 = arith.constant 0 : i32
      %dma_start3A_14 = tpu.memref_slice %arg4[%add3A, %dma_start3A_12, %dma_start3A_13] : memref<32x157x64xi32, #tpu.memory_space<hbm>> -> memref<1x157x64xi32, #tpu.memory_space<hbm>>
      %dma_start3A_15 = tpu.memref_squeeze %dma_start3A_14 : memref<1x157x64xi32, #tpu.memory_space<hbm>> -> memref<157x64xi32, #tpu.memory_space<hbm>>
      tpu.enqueue_dma source(%dma_start3A_15 : memref<157x64xi32, #tpu.memory_space<hbm>>) target(%arg8 : memref<157x64xi32, #tpu.memory_space<vmem>>) target_semaphore(%run_scoped3A : memref<!tpu.dma_semaphore, #tpu.memory_space<semaphore_mem>>)
      %dma_wait3A = arith.constant 0 : i32
      %dma_wait3A_16 = arith.constant 0 : i32
      %dma_wait3A_17 = tpu.memref_slice %arg4[%add3A, %dma_wait3A, %dma_wait3A_16] : memref<32x157x64xi32, #tpu.memory_space<hbm>> -> memref<1x157x64xi32, #tpu.memory_space<hbm>>
      %dma_wait3A_18 = tpu.memref_squeeze %dma_wait3A_17 : memref<1x157x64xi32, #tpu.memory_space<hbm>> -> memref<157x64xi32, #tpu.memory_space<hbm>>
      %dma_wait3A_19 = arith.constant 0 : i32
      %dma_wait3A_20 = arith.constant 0 : i32
      %dma_wait3A_21 = tpu.memref_slice %arg4[%add3A, %dma_wait3A_19, %dma_wait3A_20] : memref<32x157x64xi32, #tpu.memory_space<hbm>> -> memref<1x157x64xi32, #tpu.memory_space<hbm>>
      %dma_wait3A_22 = tpu.memref_squeeze %dma_wait3A_21 : memref<1x157x64xi32, #tpu.memory_space<hbm>> -> memref<157x64xi32, #tpu.memory_space<hbm>>
      tpu.wait_dma2 semaphore(%run_scoped3A : memref<!tpu.dma_semaphore, #tpu.memory_space<semaphore_mem>>) src(%dma_wait3A_22 : memref<157x64xi32, #tpu.memory_space<hbm>>) dst(%arg8 : memref<157x64xi32, #tpu.memory_space<vmem>>)
      tpu.yield
    }) : () -> ()
    %barrier3A = arith.constant 0 : index
    tpu.barrier barrier_id(%barrier3A)
    %scan3A = arith.constant 0 : i32
    %scan3A_3 = arith.constant 0 : i32
    %scan3A_4 = arith.constant 157 : i32
    %scan3A_5 = arith.addi %scan3A_3, %scan3A_4 : i32
    %scan3A_6 = arith.constant 1 : i32
    scf.for %scan3A_9 = %scan3A_3 to %scan3A_5 step %scan3A_6  : i32 {
      %dma_start3A = arith.constant 0 : i32
      %dma_start3A_10 = tpu.memref_slice %arg7[%scan3A_9, %dma_start3A] : memref<157x64xi32, #tpu.memory_space<vmem>> -> memref<1x64xi32, #tpu.memory_space<vmem>>
      %dma_start3A_11 = tpu.memref_squeeze %dma_start3A_10 : memref<1x64xi32, #tpu.memory_space<vmem>> -> memref<64xi32, #tpu.memory_space<vmem>>
      %dma_start3A_12 = arith.constant 0 : i32
      %dma_start3A_13 = arith.constant 0 : i32
      %dma_start3A_14 = tpu.memref_slice %arg2[%dma_start3A_12, %dma_start3A_13] : memref<10000x128xf32, #tpu.memory_space<hbm>> -> memref<10000x128xf32, #tpu.memory_space<hbm>>
      tpu.enqueue_indirect_dma source(%dma_start3A_14 : memref<10000x128xf32, #tpu.memory_space<hbm>>) target(%arg9 : memref<64x128xf32, #tpu.memory_space<vmem>>) offsets(%dma_start3A_11 : memref<64xi32, #tpu.memory_space<vmem>>) semaphore(%arg11 : memref<!tpu.dma_semaphore, #tpu.memory_space<semaphore_mem>>)
      %dma_wait3A = arith.constant 0 : i32
      %dma_wait3A_15 = tpu.memref_slice %arg7[%scan3A_9, %dma_wait3A] : memref<157x64xi32, #tpu.memory_space<vmem>> -> memref<1x64xi32, #tpu.memory_space<vmem>>
      %dma_wait3A_16 = tpu.memref_squeeze %dma_wait3A_15 : memref<1x64xi32, #tpu.memory_space<vmem>> -> memref<64xi32, #tpu.memory_space<vmem>>
      %dma_wait3A_17 = arith.constant 0 : i32
      %dma_wait3A_18 = arith.constant 0 : i32
      %dma_wait3A_19 = tpu.memref_slice %arg2[%dma_wait3A_17, %dma_wait3A_18] : memref<10000x128xf32, #tpu.memory_space<hbm>> -> memref<10000x128xf32, #tpu.memory_space<hbm>>
      tpu.wait_indirect_dma semaphore(%arg11 : memref<!tpu.dma_semaphore, #tpu.memory_space<semaphore_mem>>) src(%dma_wait3A_19 : memref<10000x128xf32, #tpu.memory_space<hbm>>) dst(%arg9 : memref<64x128xf32, #tpu.memory_space<vmem>>)
      "tpu.region"() ({
        %run_scoped3A = tpu.sem_alloc : memref<!tpu.dma_semaphore, #tpu.memory_space<semaphore_mem>>
        %dma_start3A_20 = arith.constant 0 : i32
        %dma_start3A_21 = tpu.memref_slice %arg8[%scan3A_9, %dma_start3A_20] : memref<157x64xi32, #tpu.memory_space<vmem>> -> memref<1x64xi32, #tpu.memory_space<vmem>>
        %dma_start3A_22 = tpu.memref_squeeze %dma_start3A_21 : memref<1x64xi32, #tpu.memory_space<vmem>> -> memref<64xi32, #tpu.memory_space<vmem>>
        %dma_start3A_23 = arith.constant 0 : i32
        %dma_start3A_24 = arith.constant 0 : i32
        %dma_start3A_25 = tpu.memref_slice %arg10[%dma_start3A_23, %dma_start3A_24] : memref<10112x128xf32, #tpu.memory_space<vmem_shared>> -> memref<10112x128xf32, #tpu.memory_space<vmem_shared>>
        tpu.enqueue_indirect_dma source(%arg9 : memref<64x128xf32, #tpu.memory_space<vmem>>) target(%dma_start3A_25 : memref<10112x128xf32, #tpu.memory_space<vmem_shared>>) offsets(%dma_start3A_22 : memref<64xi32, #tpu.memory_space<vmem>>) semaphore(%run_scoped3A : memref<!tpu.dma_semaphore, #tpu.memory_space<semaphore_mem>>) {add = true}
        %dma_wait3A_26 = arith.constant 0 : i32
        %dma_wait3A_27 = tpu.memref_slice %arg8[%scan3A_9, %dma_wait3A_26] : memref<157x64xi32, #tpu.memory_space<vmem>> -> memref<1x64xi32, #tpu.memory_space<vmem>>
        %dma_wait3A_28 = tpu.memref_squeeze %dma_wait3A_27 : memref<1x64xi32, #tpu.memory_space<vmem>> -> memref<64xi32, #tpu.memory_space<vmem>>
        %dma_wait3A_29 = arith.constant 0 : i32
        %dma_wait3A_30 = arith.constant 0 : i32
        %dma_wait3A_31 = tpu.memref_slice %arg10[%dma_wait3A_29, %dma_wait3A_30] : memref<10112x128xf32, #tpu.memory_space<vmem_shared>> -> memref<10112x128xf32, #tpu.memory_space<vmem_shared>>
        tpu.wait_indirect_dma semaphore(%run_scoped3A : memref<!tpu.dma_semaphore, #tpu.memory_space<semaphore_mem>>) src(%arg9 : memref<64x128xf32, #tpu.memory_space<vmem>>) dst(%dma_wait3A_31 : memref<10112x128xf32, #tpu.memory_space<vmem_shared>>)
        tpu.yield
      }) : () -> ()
    }
    %scan3A_7 = arith.constant 157 : i32
    %barrier3A_8 = arith.constant 0 : index
    tpu.barrier barrier_id(%barrier3A_8)
    "tpu.region"() ({
      %run_scoped3A = tpu.sem_alloc : memref<!tpu.dma_semaphore, #tpu.memory_space<semaphore_mem>>
      %dma_start3A = arith.constant 0 : i32
      %dma_start3A_9 = tpu.memref_slice %arg6[%arg0, %mul3A_2, %dma_start3A] : memref<2x10112x128xf32, #tpu.memory_space<hbm>> -> memref<1x632x128xf32, #tpu.memory_space<hbm>>
      %dma_start3A_10 = tpu.memref_squeeze %dma_start3A_9 : memref<1x632x128xf32, #tpu.memory_space<hbm>> -> memref<632x128xf32, #tpu.memory_space<hbm>>
      %dma_start3A_11 = arith.constant 0 : i32
      %dma_start3A_12 = tpu.memref_slice %arg10[%mul3A_2, %dma_start3A_11] : memref<10112x128xf32, #tpu.memory_space<vmem_shared>> -> memref<632x128xf32, #tpu.memory_space<vmem_shared>>
      tpu.enqueue_dma source(%dma_start3A_12 : memref<632x128xf32, #tpu.memory_space<vmem_shared>>) target(%dma_start3A_10 : memref<632x128xf32, #tpu.memory_space<hbm>>) target_semaphore(%run_scoped3A : memref<!tpu.dma_semaphore, #tpu.memory_space<semaphore_mem>>)
      %dma_wait3A = arith.constant 0 : i32
      %dma_wait3A_13 = tpu.memref_slice %arg6[%arg0, %mul3A_2, %dma_wait3A] : memref<2x10112x128xf32, #tpu.memory_space<hbm>> -> memref<1x632x128xf32, #tpu.memory_space<hbm>>
      %dma_wait3A_14 = tpu.memref_squeeze %dma_wait3A_13 : memref<1x632x128xf32, #tpu.memory_space<hbm>> -> memref<632x128xf32, #tpu.memory_space<hbm>>
      %dma_wait3A_15 = arith.constant 0 : i32
      %dma_wait3A_16 = tpu.memref_slice %arg10[%mul3A_2, %dma_wait3A_15] : memref<10112x128xf32, #tpu.memory_space<vmem_shared>> -> memref<632x128xf32, #tpu.memory_space<vmem_shared>>
      tpu.wait_dma2 semaphore(%run_scoped3A : memref<!tpu.dma_semaphore, #tpu.memory_space<semaphore_mem>>) src(%dma_wait3A_16 : memref<632x128xf32, #tpu.memory_space<vmem_shared>>) dst(%dma_wait3A_14 : memref<632x128xf32, #tpu.memory_space<hbm>>)
      tpu.yield
    }) : () -> ()
    return
  }
}

#map = affine_map<(d0, d1) -> (0, 0)>
#map1 = affine_map<(d0, d1) -> (0, 0, 0)>
module attributes {stable_mosaic.version = 14 : i64} {
  func.func @aggregate(%arg0: i32, %arg1: i32, %arg2: memref<10000x128xf32, #tpu.memory_space<hbm>>, %arg3: memref<32x157x64xi32, #tpu.memory_space<hbm>>, %arg4: memref<32x157x64xi32, #tpu.memory_space<hbm>>, %arg5: memref<10112x128xf32, #tpu.memory_space<hbm>>, %arg6: memref<2x10112x128xf32, #tpu.memory_space<hbm>>, %arg7: memref<157x64xi32, #tpu.memory_space<vmem>>, %arg8: memref<157x64xi32, #tpu.memory_space<vmem>>, %arg9: memref<64x128xf32, #tpu.memory_space<vmem>>, %arg10: memref<10112x128xf32, #tpu.memory_space<vmem_shared>>, %arg11: memref<!tpu.dma_semaphore, #tpu.memory_space<semaphore_mem>>) attributes {dimension_semantics = [#tpu.dimension_semantics<core_parallel>, #tpu.dimension_semantics<subcore_parallel>], iteration_bounds = array<i64: 2, 16>, scalar_prefetch = 0 : i64, scratch_operands = 5 : i64, tpu.core_type = #tpu.core_type<sc_vector_subcore>, window_params = [{transform_indices = #map}, {transform_indices = #map1}, {transform_indices = #map1}, {transform_indices = #map}, {transform_indices = #map1}]} {
    %mul3A = arith.constant 16 : i32
    %mul3A_0 = arith.muli %arg0, %mul3A : i32
    %add3A = arith.addi %mul3A_0, %arg1 : i32
    %mul3A_1 = arith.constant 632 : i32
    %mul3A_2 = arith.muli %arg1, %mul3A_1 : i32
    "tpu.region"() ({
      %run_scoped3A = tpu.sem_alloc : memref<!tpu.dma_semaphore, #tpu.memory_space<semaphore_mem>>
      %dma_start3A = arith.constant 0 : i32
      %dma_start3A_9 = tpu.memref_slice %arg10[%mul3A_2, %dma_start3A] : memref<10112x128xf32, #tpu.memory_space<vmem_shared>> -> memref<632x128xf32, #tpu.memory_space<vmem_shared>>
      %dma_start3A_10 = arith.constant 0 : i32
      %dma_start3A_11 = tpu.memref_slice %arg5[%mul3A_2, %dma_start3A_10] : memref<10112x128xf32, #tpu.memory_space<hbm>> -> memref<632x128xf32, #tpu.memory_space<hbm>>
      tpu.enqueue_dma source(%dma_start3A_11 : memref<632x128xf32, #tpu.memory_space<hbm>>) target(%dma_start3A_9 : memref<632x128xf32, #tpu.memory_space<vmem_shared>>) target_semaphore(%run_scoped3A : memref<!tpu.dma_semaphore, #tpu.memory_space<semaphore_mem>>)
      %dma_wait3A = arith.constant 0 : i32
      %dma_wait3A_12 = tpu.memref_slice %arg10[%mul3A_2, %dma_wait3A] : memref<10112x128xf32, #tpu.memory_space<vmem_shared>> -> memref<632x128xf32, #tpu.memory_space<vmem_shared>>
      %dma_wait3A_13 = arith.constant 0 : i32
      %dma_wait3A_14 = tpu.memref_slice %arg5[%mul3A_2, %dma_wait3A_13] : memref<10112x128xf32, #tpu.memory_space<hbm>> -> memref<632x128xf32, #tpu.memory_space<hbm>>
      tpu.wait_dma2 semaphore(%run_scoped3A : memref<!tpu.dma_semaphore, #tpu.memory_space<semaphore_mem>>) src(%dma_wait3A_14 : memref<632x128xf32, #tpu.memory_space<hbm>>) dst(%dma_wait3A_12 : memref<632x128xf32, #tpu.memory_space<vmem_shared>>)
      tpu.yield
    }) : () -> ()
    "tpu.region"() ({
      %run_scoped3A = tpu.sem_alloc : memref<!tpu.dma_semaphore, #tpu.memory_space<semaphore_mem>>
      %dma_start3A = arith.constant 0 : i32
      %dma_start3A_9 = arith.constant 0 : i32
      %dma_start3A_10 = tpu.memref_slice %arg3[%add3A, %dma_start3A, %dma_start3A_9] : memref<32x157x64xi32, #tpu.memory_space<hbm>> -> memref<1x157x64xi32, #tpu.memory_space<hbm>>
      %dma_start3A_11 = tpu.memref_squeeze %dma_start3A_10 : memref<1x157x64xi32, #tpu.memory_space<hbm>> -> memref<157x64xi32, #tpu.memory_space<hbm>>
      %dma_start3A_12 = arith.constant 0 : i32
      %dma_start3A_13 = arith.constant 0 : i32
      %dma_start3A_14 = tpu.memref_slice %arg3[%add3A, %dma_start3A_12, %dma_start3A_13] : memref<32x157x64xi32, #tpu.memory_space<hbm>> -> memref<1x157x64xi32, #tpu.memory_space<hbm>>
      %dma_start3A_15 = tpu.memref_squeeze %dma_start3A_14 : memref<1x157x64xi32, #tpu.memory_space<hbm>> -> memref<157x64xi32, #tpu.memory_space<hbm>>
      tpu.enqueue_dma source(%dma_start3A_15 : memref<157x64xi32, #tpu.memory_space<hbm>>) target(%arg7 : memref<157x64xi32, #tpu.memory_space<vmem>>) target_semaphore(%run_scoped3A : memref<!tpu.dma_semaphore, #tpu.memory_space<semaphore_mem>>)
      %dma_wait3A = arith.constant 0 : i32
      %dma_wait3A_16 = arith.constant 0 : i32
      %dma_wait3A_17 = tpu.memref_slice %arg3[%add3A, %dma_wait3A, %dma_wait3A_16] : memref<32x157x64xi32, #tpu.memory_space<hbm>> -> memref<1x157x64xi32, #tpu.memory_space<hbm>>
      %dma_wait3A_18 = tpu.memref_squeeze %dma_wait3A_17 : memref<1x157x64xi32, #tpu.memory_space<hbm>> -> memref<157x64xi32, #tpu.memory_space<hbm>>
      %dma_wait3A_19 = arith.constant 0 : i32
      %dma_wait3A_20 = arith.constant 0 : i32
      %dma_wait3A_21 = tpu.memref_slice %arg3[%add3A, %dma_wait3A_19, %dma_wait3A_20] : memref<32x157x64xi32, #tpu.memory_space<hbm>> -> memref<1x157x64xi32, #tpu.memory_space<hbm>>
      %dma_wait3A_22 = tpu.memref_squeeze %dma_wait3A_21 : memref<1x157x64xi32, #tpu.memory_space<hbm>> -> memref<157x64xi32, #tpu.memory_space<hbm>>
      tpu.wait_dma2 semaphore(%run_scoped3A : memref<!tpu.dma_semaphore, #tpu.memory_space<semaphore_mem>>) src(%dma_wait3A_22 : memref<157x64xi32, #tpu.memory_space<hbm>>) dst(%arg7 : memref<157x64xi32, #tpu.memory_space<vmem>>)
      tpu.yield
    }) : () -> ()
    "tpu.region"() ({
      %run_scoped3A = tpu.sem_alloc : memref<!tpu.dma_semaphore, #tpu.memory_space<semaphore_mem>>
      %dma_start3A = arith.constant 0 : i32
      %dma_start3A_9 = arith.constant 0 : i32
      %dma_start3A_10 = tpu.memref_slice %arg4[%add3A, %dma_start3A, %dma_start3A_9] : memref<32x157x64xi32, #tpu.memory_space<hbm>> -> memref<1x157x64xi32, #tpu.memory_space<hbm>>
      %dma_start3A_11 = tpu.memref_squeeze %dma_start3A_10 : memref<1x157x64xi32, #tpu.memory_space<hbm>> -> memref<157x64xi32, #tpu.memory_space<hbm>>
      %dma_start3A_12 = arith.constant 0 : i32
      %dma_start3A_13 = arith.constant 0 : i32
      %dma_start3A_14 = tpu.memref_slice %arg4[%add3A, %dma_start3A_12, %dma_start3A_13] : memref<32x157x64xi32, #tpu.memory_space<hbm>> -> memref<1x157x64xi32, #tpu.memory_space<hbm>>
      %dma_start3A_15 = tpu.memref_squeeze %dma_start3A_14 : memref<1x157x64xi32, #tpu.memory_space<hbm>> -> memref<157x64xi32, #tpu.memory_space<hbm>>
      tpu.enqueue_dma source(%dma_start3A_15 : memref<157x64xi32, #tpu.memory_space<hbm>>) target(%arg8 : memref<157x64xi32, #tpu.memory_space<vmem>>) target_semaphore(%run_scoped3A : memref<!tpu.dma_semaphore, #tpu.memory_space<semaphore_mem>>)
      %dma_wait3A = arith.constant 0 : i32
      %dma_wait3A_16 = arith.constant 0 : i32
      %dma_wait3A_17 = tpu.memref_slice %arg4[%add3A, %dma_wait3A, %dma_wait3A_16] : memref<32x157x64xi32, #tpu.memory_space<hbm>> -> memref<1x157x64xi32, #tpu.memory_space<hbm>>
      %dma_wait3A_18 = tpu.memref_squeeze %dma_wait3A_17 : memref<1x157x64xi32, #tpu.memory_space<hbm>> -> memref<157x64xi32, #tpu.memory_space<hbm>>
      %dma_wait3A_19 = arith.constant 0 : i32
      %dma_wait3A_20 = arith.constant 0 : i32
      %dma_wait3A_21 = tpu.memref_slice %arg4[%add3A, %dma_wait3A_19, %dma_wait3A_20] : memref<32x157x64xi32, #tpu.memory_space<hbm>> -> memref<1x157x64xi32, #tpu.memory_space<hbm>>
      %dma_wait3A_22 = tpu.memref_squeeze %dma_wait3A_21 : memref<1x157x64xi32, #tpu.memory_space<hbm>> -> memref<157x64xi32, #tpu.memory_space<hbm>>
      tpu.wait_dma2 semaphore(%run_scoped3A : memref<!tpu.dma_semaphore, #tpu.memory_space<semaphore_mem>>) src(%dma_wait3A_22 : memref<157x64xi32, #tpu.memory_space<hbm>>) dst(%arg8 : memref<157x64xi32, #tpu.memory_space<vmem>>)
      tpu.yield
    }) : () -> ()
    %barrier3A = arith.constant 0 : index
    tpu.barrier barrier_id(%barrier3A)
    %scan3A = arith.constant 0 : i32
    %scan3A_3 = arith.constant 0 : i32
    %scan3A_4 = arith.constant 157 : i32
    %scan3A_5 = arith.addi %scan3A_3, %scan3A_4 : i32
    %scan3A_6 = arith.constant 1 : i32
    scf.for %scan3A_9 = %scan3A_3 to %scan3A_5 step %scan3A_6  : i32 {
      %dma_start3A = arith.constant 0 : i32
      %dma_start3A_10 = tpu.memref_slice %arg7[%scan3A_9, %dma_start3A] : memref<157x64xi32, #tpu.memory_space<vmem>> -> memref<1x64xi32, #tpu.memory_space<vmem>>
      %dma_start3A_11 = tpu.memref_squeeze %dma_start3A_10 : memref<1x64xi32, #tpu.memory_space<vmem>> -> memref<64xi32, #tpu.memory_space<vmem>>
      %dma_start3A_12 = arith.constant 0 : i32
      %dma_start3A_13 = arith.constant 0 : i32
      %dma_start3A_14 = tpu.memref_slice %arg2[%dma_start3A_12, %dma_start3A_13] : memref<10000x128xf32, #tpu.memory_space<hbm>> -> memref<10000x128xf32, #tpu.memory_space<hbm>>
      tpu.enqueue_indirect_dma source(%dma_start3A_14 : memref<10000x128xf32, #tpu.memory_space<hbm>>) target(%arg9 : memref<64x128xf32, #tpu.memory_space<vmem>>) offsets(%dma_start3A_11 : memref<64xi32, #tpu.memory_space<vmem>>) semaphore(%arg11 : memref<!tpu.dma_semaphore, #tpu.memory_space<semaphore_mem>>)
      %dma_wait3A = arith.constant 0 : i32
      %dma_wait3A_15 = tpu.memref_slice %arg7[%scan3A_9, %dma_wait3A] : memref<157x64xi32, #tpu.memory_space<vmem>> -> memref<1x64xi32, #tpu.memory_space<vmem>>
      %dma_wait3A_16 = tpu.memref_squeeze %dma_wait3A_15 : memref<1x64xi32, #tpu.memory_space<vmem>> -> memref<64xi32, #tpu.memory_space<vmem>>
      %dma_wait3A_17 = arith.constant 0 : i32
      %dma_wait3A_18 = arith.constant 0 : i32
      %dma_wait3A_19 = tpu.memref_slice %arg2[%dma_wait3A_17, %dma_wait3A_18] : memref<10000x128xf32, #tpu.memory_space<hbm>> -> memref<10000x128xf32, #tpu.memory_space<hbm>>
      tpu.wait_indirect_dma semaphore(%arg11 : memref<!tpu.dma_semaphore, #tpu.memory_space<semaphore_mem>>) src(%dma_wait3A_19 : memref<10000x128xf32, #tpu.memory_space<hbm>>) dst(%arg9 : memref<64x128xf32, #tpu.memory_space<vmem>>)
      "tpu.region"() ({
        %run_scoped3A = tpu.sem_alloc : memref<!tpu.dma_semaphore, #tpu.memory_space<semaphore_mem>>
        %dma_start3A_20 = arith.constant 0 : i32
        %dma_start3A_21 = tpu.memref_slice %arg8[%scan3A_9, %dma_start3A_20] : memref<157x64xi32, #tpu.memory_space<vmem>> -> memref<1x64xi32, #tpu.memory_space<vmem>>
        %dma_start3A_22 = tpu.memref_squeeze %dma_start3A_21 : memref<1x64xi32, #tpu.memory_space<vmem>> -> memref<64xi32, #tpu.memory_space<vmem>>
        %dma_start3A_23 = arith.constant 0 : i32
        %dma_start3A_24 = arith.constant 0 : i32
        %dma_start3A_25 = tpu.memref_slice %arg10[%dma_start3A_23, %dma_start3A_24] : memref<10112x128xf32, #tpu.memory_space<vmem_shared>> -> memref<10112x128xf32, #tpu.memory_space<vmem_shared>>
        tpu.enqueue_indirect_dma source(%arg9 : memref<64x128xf32, #tpu.memory_space<vmem>>) target(%dma_start3A_25 : memref<10112x128xf32, #tpu.memory_space<vmem_shared>>) offsets(%dma_start3A_22 : memref<64xi32, #tpu.memory_space<vmem>>) semaphore(%run_scoped3A : memref<!tpu.dma_semaphore, #tpu.memory_space<semaphore_mem>>) {add = true}
        %dma_wait3A_26 = arith.constant 0 : i32
        %dma_wait3A_27 = tpu.memref_slice %arg8[%scan3A_9, %dma_wait3A_26] : memref<157x64xi32, #tpu.memory_space<vmem>> -> memref<1x64xi32, #tpu.memory_space<vmem>>
        %dma_wait3A_28 = tpu.memref_squeeze %dma_wait3A_27 : memref<1x64xi32, #tpu.memory_space<vmem>> -> memref<64xi32, #tpu.memory_space<vmem>>
        %dma_wait3A_29 = arith.constant 0 : i32
        %dma_wait3A_30 = arith.constant 0 : i32
        %dma_wait3A_31 = tpu.memref_slice %arg10[%dma_wait3A_29, %dma_wait3A_30] : memref<10112x128xf32, #tpu.memory_space<vmem_shared>> -> memref<10112x128xf32, #tpu.memory_space<vmem_shared>>
        tpu.wait_indirect_dma semaphore(%run_scoped3A : memref<!tpu.dma_semaphore, #tpu.memory_space<semaphore_mem>>) src(%arg9 : memref<64x128xf32, #tpu.memory_space<vmem>>) dst(%dma_wait3A_31 : memref<10112x128xf32, #tpu.memory_space<vmem_shared>>)
        tpu.yield
      }) : () -> ()
    }
    %scan3A_7 = arith.constant 157 : i32
    %barrier3A_8 = arith.constant 0 : index
    tpu.barrier barrier_id(%barrier3A_8)
    "tpu.region"() ({
      %run_scoped3A = tpu.sem_alloc : memref<!tpu.dma_semaphore, #tpu.memory_space<semaphore_mem>>
      %dma_start3A = arith.constant 0 : i32
      %dma_start3A_9 = tpu.memref_slice %arg6[%arg0, %mul3A_2, %dma_start3A] : memref<2x10112x128xf32, #tpu.memory_space<hbm>> -> memref<1x632x128xf32, #tpu.memory_space<hbm>>
      %dma_start3A_10 = tpu.memref_squeeze %dma_start3A_9 : memref<1x632x128xf32, #tpu.memory_space<hbm>> -> memref<632x128xf32, #tpu.memory_space<hbm>>
      %dma_start3A_11 = arith.constant 0 : i32
      %dma_start3A_12 = tpu.memref_slice %arg10[%mul3A_2, %dma_start3A_11] : memref<10112x128xf32, #tpu.memory_space<vmem_shared>> -> memref<632x128xf32, #tpu.memory_space<vmem_shared>>
      tpu.enqueue_dma source(%dma_start3A_12 : memref<632x128xf32, #tpu.memory_space<vmem_shared>>) target(%dma_start3A_10 : memref<632x128xf32, #tpu.memory_space<hbm>>) target_semaphore(%run_scoped3A : memref<!tpu.dma_semaphore, #tpu.memory_space<semaphore_mem>>)
      %dma_wait3A = arith.constant 0 : i32
      %dma_wait3A_13 = tpu.memref_slice %arg6[%arg0, %mul3A_2, %dma_wait3A] : memref<2x10112x128xf32, #tpu.memory_space<hbm>> -> memref<1x632x128xf32, #tpu.memory_space<hbm>>
      %dma_wait3A_14 = tpu.memref_squeeze %dma_wait3A_13 : memref<1x632x128xf32, #tpu.memory_space<hbm>> -> memref<632x128xf32, #tpu.memory_space<hbm>>
      %dma_wait3A_15 = arith.constant 0 : i32
      %dma_wait3A_16 = tpu.memref_slice %arg10[%mul3A_2, %dma_wait3A_15] : memref<10112x128xf32, #tpu.memory_space<vmem_shared>> -> memref<632x128xf32, #tpu.memory_space<vmem_shared>>
      tpu.wait_dma2 semaphore(%run_scoped3A : memref<!tpu.dma_semaphore, #tpu.memory_space<semaphore_mem>>) src(%dma_wait3A_16 : memref<632x128xf32, #tpu.memory_space<vmem_shared>>) dst(%dma_wait3A_14 : memref<632x128xf32, #tpu.memory_space<hbm>>)
      tpu.yield
    }) : () -> ()
    return
  }
}

module attributes {stable_mosaic.version = 14 : i64} {
  func.func @_enc_body(%arg0: i32, %arg1: memref<2000x18xf32, #tpu.memory_space<vmem>>, %arg2: memref<2000x1xi32, #tpu.memory_space<vmem>>, %arg3: memref<9x16xf32, #tpu.memory_space<vmem>>, %arg4: memref<40x128xf32, #tpu.memory_space<vmem>>, %arg5: memref<1x128xf32, #tpu.memory_space<vmem>>, %arg6: memref<128x128xf32, #tpu.memory_space<vmem>>, %arg7: memref<1x128xf32, #tpu.memory_space<vmem>>, %arg8: memref<2000x128xf32, #tpu.memory_space<vmem>>) attributes {dimension_semantics = [#tpu.dimension_semantics<arbitrary>], iteration_bounds = array<i64: 5>, scalar_prefetch = 0 : i64, scratch_operands = 0 : i64, tpu.core_type = #tpu.core_type<tc>, window_params = [{transform_indices = @transform_0, window_bounds = array<i64: 2000, 18>}, {transform_indices = @transform_1, window_bounds = array<i64: 2000, 1>}, {pipeline_mode = #tpu.pipeline_mode<synchronous>, transform_indices = @transform_2, window_bounds = array<i64: 9, 16>}, {pipeline_mode = #tpu.pipeline_mode<synchronous>, transform_indices = @transform_3, window_bounds = array<i64: 40, 128>}, {pipeline_mode = #tpu.pipeline_mode<synchronous>, transform_indices = @transform_4, window_bounds = array<i64: 1, 128>}, {pipeline_mode = #tpu.pipeline_mode<synchronous>, transform_indices = @transform_5, window_bounds = array<i64: 128, 128>}, {pipeline_mode = #tpu.pipeline_mode<synchronous>, transform_indices = @transform_6, window_bounds = array<i64: 1, 128>}, {transform_indices = @transform_7, window_bounds = array<i64: 2000, 128>}]} {
    %get3A = arith.constant 0 : index
    %get3A_0 = arith.constant 0 : index
    %get3A_1 = vector.load %arg1[%get3A, %get3A_0] : memref<2000x18xf32, #tpu.memory_space<vmem>>, vector<2000x18xf32>
    %slice3A = vector.extract_strided_slice %get3A_1 {offsets = [0, 15], sizes = [2000, 3], strides = [1, 1]} : vector<2000x18xf32> to vector<2000x3xf32>
    %slice3A_2 = vector.extract_strided_slice %get3A_1 {offsets = [0, 3], sizes = [2000, 15], strides = [1, 1]} : vector<2000x18xf32> to vector<2000x15xf32>
    %slice3A_3 = vector.extract_strided_slice %get3A_1 {offsets = [0, 0], sizes = [2000, 15], strides = [1, 1]} : vector<2000x18xf32> to vector<2000x15xf32>
    %sub3A = arith.subf %slice3A_2, %slice3A_3 : vector<2000x15xf32>
    %sub3A_4 = arith.constant 1.000000e-01 : f32
    %sub3A_5 = vector.broadcast %sub3A_4 : f32 to vector<2000x3xf32>
    %sub3A_6 = arith.subf %slice3A, %sub3A_5 : vector<2000x3xf32>
    %sub3A_7 = arith.constant 0.899999976 : f32
    %sub3A_8 = vector.broadcast %sub3A_7 : f32 to vector<2000x3xf32>
    %sub3A_9 = arith.subf %sub3A_8, %slice3A : vector<2000x3xf32>
    %concatenate3A = tpu.concatenate %sub3A_6, %sub3A_9 in 1 : vector<2000x3xf32>, vector<2000x3xf32> -> vector<2000x6xf32>
    %div3A = arith.constant 1.500000e-02 : f32
    %div3A_10 = vector.broadcast %div3A : f32 to vector<2000x6xf32>
    %div3A_11 = arith.divf %concatenate3A, %div3A_10 : vector<2000x6xf32>
    %jit3A = arith.constant -1.000000e+00 : f32
    %jit3A_12 = arith.constant 1.000000e+00 : f32
    %max3A = vector.broadcast %jit3A : f32 to vector<2000x6xf32>
    %max3A_13 = arith.maximumf %max3A, %div3A_11 : vector<2000x6xf32>
    %min3A = vector.broadcast %jit3A_12 : f32 to vector<2000x6xf32>
    %min3A_14 = arith.minimumf %min3A, %max3A_13 : vector<2000x6xf32>
    %get3A_15 = arith.constant 0 : index
    %get3A_16 = arith.constant 0 : index
    %get3A_17 = vector.load %arg2[%get3A_15, %get3A_16] : memref<2000x1xi32, #tpu.memory_space<vmem>>, vector<2000x1xi32>
    %iota3A = tpu.iota {dimensions = array<i32: 1>} : vector<2000x9xi32>
    %eq3A = vector.broadcast %get3A_17 : vector<2000x1xi32> to vector<2000x9xi32>
    %eq3A_18 = arith.cmpi eq, %eq3A, %iota3A : vector<2000x9xi32>
    %convert_element_type3A = arith.extui %eq3A_18 : vector<2000x9xi1> to vector<2000x9xi32>
    %convert_element_type3A_19 = arith.sitofp %convert_element_type3A : vector<2000x9xi32> to vector<2000x9xf32>
    %get3A_20 = arith.constant 0 : index
    %get3A_21 = arith.constant 0 : index
    %get3A_22 = vector.load %arg3[%get3A_20, %get3A_21] : memref<9x16xf32, #tpu.memory_space<vmem>>, vector<9x16xf32>
    %dot_general3A = arith.constant dense<0.000000e+00> : vector<2000x16xf32>
    %dot_general3A_23 = tpu.matmul %convert_element_type3A_19, %get3A_22, %dot_general3A {dimension_numbers = #tpu.dot_dimension_numbers<[1], [0], [0], [1], [0, 0, 1, 1], [], []>, transpose_lhs_hint = false} : vector<2000x9xf32>, vector<9x16xf32>, vector<2000x16xf32> -> vector<2000x16xf32>
    %concatenate3A_24 = tpu.concatenate %slice3A, %sub3A, %min3A_14, %dot_general3A_23 in 1 : vector<2000x3xf32>, vector<2000x15xf32>, vector<2000x6xf32>, vector<2000x16xf32> -> vector<2000x40xf32>
    %get3A_25 = arith.constant 0 : index
    %get3A_26 = arith.constant 0 : index
    %get3A_27 = vector.load %arg4[%get3A_25, %get3A_26] : memref<40x128xf32, #tpu.memory_space<vmem>>, vector<40x128xf32>
    %dot_general3A_28 = arith.constant dense<0.000000e+00> : vector<2000x128xf32>
    %dot_general3A_29 = tpu.matmul %concatenate3A_24, %get3A_27, %dot_general3A_28 {dimension_numbers = #tpu.dot_dimension_numbers<[1], [0], [0], [1], [0, 0, 1, 1], [], []>, transpose_lhs_hint = false} : vector<2000x40xf32>, vector<40x128xf32>, vector<2000x128xf32> -> vector<2000x128xf32>
    %get3A_30 = arith.constant 0 : index
    %get3A_31 = arith.constant 0 : index
    %get3A_32 = vector.load %arg5[%get3A_30, %get3A_31] : memref<1x128xf32, #tpu.memory_space<vmem>>, vector<1x128xf32>
    %add3A = vector.broadcast %get3A_32 : vector<1x128xf32> to vector<2000x128xf32>
    %add3A_33 = arith.addf %dot_general3A_29, %add3A : vector<2000x128xf32>
    %max3A_34 = arith.constant 0.000000e+00 : f32
    %max3A_35 = vector.broadcast %max3A_34 : f32 to vector<2000x128xf32>
    %max3A_36 = arith.maximumf %add3A_33, %max3A_35 : vector<2000x128xf32>
    %get3A_37 = arith.constant 0 : index
    %get3A_38 = arith.constant 0 : index
    %get3A_39 = vector.load %arg6[%get3A_37, %get3A_38] : memref<128x128xf32, #tpu.memory_space<vmem>>, vector<128x128xf32>
    %dot_general3A_40 = arith.constant dense<0.000000e+00> : vector<2000x128xf32>
    %dot_general3A_41 = tpu.matmul %max3A_36, %get3A_39, %dot_general3A_40 {dimension_numbers = #tpu.dot_dimension_numbers<[1], [0], [0], [1], [0, 0, 1, 1], [], []>, transpose_lhs_hint = false} : vector<2000x128xf32>, vector<128x128xf32>, vector<2000x128xf32> -> vector<2000x128xf32>
    %get3A_42 = arith.constant 0 : index
    %get3A_43 = arith.constant 0 : index
    %get3A_44 = vector.load %arg7[%get3A_42, %get3A_43] : memref<1x128xf32, #tpu.memory_space<vmem>>, vector<1x128xf32>
    %add3A_45 = vector.broadcast %get3A_44 : vector<1x128xf32> to vector<2000x128xf32>
    %add3A_46 = arith.addf %dot_general3A_41, %add3A_45 : vector<2000x128xf32>
    %reduce_sum3A = arith.constant dense<0.000000e+00> : vector<2000xf32>
    %reduce_sum3A_47 = vector.multi_reduction <add>, %add3A_46, %reduce_sum3A [1] : vector<2000x128xf32> to vector<2000xf32>
    %broadcast_in_dim3A = vector.shape_cast %reduce_sum3A_47 : vector<2000xf32> to vector<2000x1xf32>
    %div3A_48 = arith.constant 1.280000e+02 : f32
    %div3A_49 = vector.broadcast %div3A_48 : f32 to vector<2000x1xf32>
    %div3A_50 = arith.divf %broadcast_in_dim3A, %div3A_49 : vector<2000x1xf32>
    %jit3A_51 = arith.constant 0 : i32
    %reduce_sum3A_52 = arith.constant dense<0.000000e+00> : vector<2000xf32>
    %reduce_sum3A_53 = vector.multi_reduction <add>, %add3A_46, %reduce_sum3A_52 [1] : vector<2000x128xf32> to vector<2000xf32>
    %broadcast_in_dim3A_54 = vector.shape_cast %reduce_sum3A_53 : vector<2000xf32> to vector<2000x1xf32>
    %div3A_55 = arith.constant 1.280000e+02 : f32
    %div3A_56 = vector.broadcast %div3A_55 : f32 to vector<2000x1xf32>
    %div3A_57 = arith.divf %broadcast_in_dim3A_54, %div3A_56 : vector<2000x1xf32>
    %sub3A_58 = vector.broadcast %div3A_57 : vector<2000x1xf32> to vector<2000x128xf32>
    %sub3A_59 = arith.subf %add3A_46, %sub3A_58 : vector<2000x128xf32>
    %square3A = arith.mulf %sub3A_59, %sub3A_59 : vector<2000x128xf32>
    %convert_element_type3A_60 = arith.sitofp %jit3A_51 : i32 to f32
    %sub3A_61 = arith.constant 1.280000e+02 : f32
    %sub3A_62 = arith.subf %sub3A_61, %convert_element_type3A_60 : f32
    %reduce_sum3A_63 = arith.constant dense<0.000000e+00> : vector<2000xf32>
    %reduce_sum3A_64 = vector.multi_reduction <add>, %square3A, %reduce_sum3A_63 [1] : vector<2000x128xf32> to vector<2000xf32>
    %broadcast_in_dim3A_65 = vector.shape_cast %reduce_sum3A_64 : vector<2000xf32> to vector<2000x1xf32>
    %div3A_66 = vector.broadcast %sub3A_62 : f32 to vector<2000x1xf32>
    %div3A_67 = arith.divf %broadcast_in_dim3A_65, %div3A_66 : vector<2000x1xf32>
    %gt3A = arith.constant 0.000000e+00 : f32
    %gt3A_68 = arith.cmpf ogt, %sub3A_62, %gt3A : f32
    %jit3A_69 = arith.constant 0x7FC00000 : f32
    %broadcast_in_dim3A_70 = vector.broadcast %jit3A_69 : f32 to vector<2000x1xf32>
    %select_n3A = arith.select %gt3A_68, %div3A_67, %broadcast_in_dim3A_70 : vector<2000x1xf32>
    %sub3A_71 = vector.broadcast %div3A_50 : vector<2000x1xf32> to vector<2000x128xf32>
    %sub3A_72 = arith.subf %add3A_46, %sub3A_71 : vector<2000x128xf32>
    %add3A_73 = arith.constant 9.99999997E-7 : f32
    %add3A_74 = vector.broadcast %add3A_73 : f32 to vector<2000x1xf32>
    %add3A_75 = arith.addf %select_n3A, %add3A_74 : vector<2000x1xf32>
    %rsqrt3A = math.rsqrt %add3A_75 : vector<2000x1xf32>
    %mul3A = vector.broadcast %rsqrt3A : vector<2000x1xf32> to vector<2000x128xf32>
    %mul3A_76 = arith.mulf %sub3A_72, %mul3A : vector<2000x128xf32>
    %swap3A = arith.constant 0 : index
    %swap3A_77 = arith.constant 0 : index
    %swap3A_78 = vector.load %arg8[%swap3A, %swap3A_77] : memref<2000x128xf32, #tpu.memory_space<vmem>>, vector<2000x128xf32>
    tpu.vector_store %arg8[%swap3A, %swap3A_77], %mul3A_76 {strides = array<i32>} : memref<2000x128xf32, #tpu.memory_space<vmem>>, vector<2000x128xf32>,
    return
  }
  func.func @transform_0(%arg0: i32) -> (i32, i32) {
    %c0_i32 = arith.constant 0 : i32
    %c0_i32_0 = arith.constant 0 : i32
    return %arg0, %c0_i32 : i32, i32
  }
  func.func @transform_1(%arg0: i32) -> (i32, i32) {
    %c0_i32 = arith.constant 0 : i32
    %c0_i32_0 = arith.constant 0 : i32
    return %arg0, %c0_i32 : i32, i32
  }
  func.func @transform_2(%arg0: i32) -> (i32, i32) {
    %c0_i32 = arith.constant 0 : i32
    %c0_i32_0 = arith.constant 0 : i32
    %c0_i32_1 = arith.constant 0 : i32
    return %c0_i32, %c0_i32_0 : i32, i32
  }
  func.func @transform_3(%arg0: i32) -> (i32, i32) {
    %c0_i32 = arith.constant 0 : i32
    %c0_i32_0 = arith.constant 0 : i32
    %c0_i32_1 = arith.constant 0 : i32
    return %c0_i32, %c0_i32_0 : i32, i32
  }
  func.func @transform_4(%arg0: i32) -> (i32, i32) {
    %c0_i32 = arith.constant 0 : i32
    %c0_i32_0 = arith.constant 0 : i32
    %c0_i32_1 = arith.constant 0 : i32
    return %c0_i32, %c0_i32_0 : i32, i32
  }
  func.func @transform_5(%arg0: i32) -> (i32, i32) {
    %c0_i32 = arith.constant 0 : i32
    %c0_i32_0 = arith.constant 0 : i32
    %c0_i32_1 = arith.constant 0 : i32
    return %c0_i32, %c0_i32_0 : i32, i32
  }
  func.func @transform_6(%arg0: i32) -> (i32, i32) {
    %c0_i32 = arith.constant 0 : i32
    %c0_i32_0 = arith.constant 0 : i32
    %c0_i32_1 = arith.constant 0 : i32
    return %c0_i32, %c0_i32_0 : i32, i32
  }
  func.func @transform_7(%arg0: i32) -> (i32, i32) {
    %c0_i32 = arith.constant 0 : i32
    %c0_i32_0 = arith.constant 0 : i32
    return %arg0, %c0_i32 : i32, i32
  }
}

module attributes {stable_mosaic.version = 14 : i64} {
  func.func @_upd_body(%arg0: i32, %arg1: memref<2000x128xf32, #tpu.memory_space<vmem>>, %arg2: memref<2x2000x128xf32, #tpu.memory_space<vmem>>, %arg3: memref<2x2000x128xf32, #tpu.memory_space<vmem>>, %arg4: memref<128x128xf32, #tpu.memory_space<vmem>>, %arg5: memref<128x128xf32, #tpu.memory_space<vmem>>, %arg6: memref<1x128xf32, #tpu.memory_space<vmem>>, %arg7: memref<128x128xf32, #tpu.memory_space<vmem>>, %arg8: memref<1x128xf32, #tpu.memory_space<vmem>>, %arg9: memref<2000x128xf32, #tpu.memory_space<vmem>>) attributes {dimension_semantics = [#tpu.dimension_semantics<arbitrary>], iteration_bounds = array<i64: 5>, scalar_prefetch = 0 : i64, scratch_operands = 0 : i64, tpu.core_type = #tpu.core_type<tc>, window_params = [{transform_indices = @transform_0, window_bounds = array<i64: 2000, 128>}, {transform_indices = @transform_1, window_bounds = array<i64: 2, 2000, 128>}, {transform_indices = @transform_2, window_bounds = array<i64: 2, 2000, 128>}, {pipeline_mode = #tpu.pipeline_mode<synchronous>, transform_indices = @transform_3, window_bounds = array<i64: 128, 128>}, {pipeline_mode = #tpu.pipeline_mode<synchronous>, transform_indices = @transform_4, window_bounds = array<i64: 128, 128>}, {pipeline_mode = #tpu.pipeline_mode<synchronous>, transform_indices = @transform_5, window_bounds = array<i64: 1, 128>}, {pipeline_mode = #tpu.pipeline_mode<synchronous>, transform_indices = @transform_6, window_bounds = array<i64: 128, 128>}, {pipeline_mode = #tpu.pipeline_mode<synchronous>, transform_indices = @transform_7, window_bounds = array<i64: 1, 128>}, {transform_indices = @transform_8, window_bounds = array<i64: 2000, 128>}]} {
    %get3A = arith.constant 0 : index
    %get3A_0 = arith.constant 0 : index
    %get3A_1 = arith.constant 0 : index
    %get3A_2 = vector.load %arg2[%get3A, %get3A_0, %get3A_1] : memref<2x2000x128xf32, #tpu.memory_space<vmem>>, vector<2x2000x128xf32>
    %get3A_3 = arith.constant 0 : index
    %get3A_4 = arith.constant 0 : index
    %get3A_5 = arith.constant 0 : index
    %get3A_6 = vector.load %arg3[%get3A_3, %get3A_4, %get3A_5] : memref<2x2000x128xf32, #tpu.memory_space<vmem>>, vector<2x2000x128xf32>
    %slice3A = vector.extract_strided_slice %get3A_6 {offsets = [0, 0, 0], sizes = [1, 2000, 1], strides = [1, 1, 1]} : vector<2x2000x128xf32> to vector<1x2000x1xf32>
    %squeeze3A = vector.shape_cast %slice3A : vector<1x2000x1xf32> to vector<2000x1xf32>
    %slice3A_7 = vector.extract_strided_slice %get3A_6 {offsets = [1, 0, 0], sizes = [1, 2000, 1], strides = [1, 1, 1]} : vector<2x2000x128xf32> to vector<1x2000x1xf32>
    %squeeze3A_8 = vector.shape_cast %slice3A_7 : vector<1x2000x1xf32> to vector<2000x1xf32>
    %add3A = arith.addf %squeeze3A, %squeeze3A_8 : vector<2000x1xf32>
    %max3A = arith.constant 1.000000e+00 : f32
    %max3A_9 = vector.broadcast %max3A : f32 to vector<2000x1xf32>
    %max3A_10 = arith.maximumf %add3A, %max3A_9 : vector<2000x1xf32>
    %slice3A_11 = vector.extract_strided_slice %get3A_2 {offsets = [0, 0, 0], sizes = [1, 2000, 128], strides = [1, 1, 1]} : vector<2x2000x128xf32> to vector<1x2000x128xf32>
    %squeeze3A_12 = vector.shape_cast %slice3A_11 : vector<1x2000x128xf32> to vector<2000x128xf32>
    %slice3A_13 = vector.extract_strided_slice %get3A_2 {offsets = [1, 0, 0], sizes = [1, 2000, 128], strides = [1, 1, 1]} : vector<2x2000x128xf32> to vector<1x2000x128xf32>
    %squeeze3A_14 = vector.shape_cast %slice3A_13 : vector<1x2000x128xf32> to vector<2000x128xf32>
    %add3A_15 = arith.addf %squeeze3A_12, %squeeze3A_14 : vector<2000x128xf32>
    %div3A = vector.broadcast %max3A_10 : vector<2000x1xf32> to vector<2000x128xf32>
    %div3A_16 = arith.divf %add3A_15, %div3A : vector<2000x128xf32>
    %get3A_17 = arith.constant 0 : index
    %get3A_18 = arith.constant 0 : index
    %get3A_19 = vector.load %arg1[%get3A_17, %get3A_18] : memref<2000x128xf32, #tpu.memory_space<vmem>>, vector<2000x128xf32>
    %get3A_20 = arith.constant 0 : index
    %get3A_21 = arith.constant 0 : index
    %get3A_22 = vector.load %arg4[%get3A_20, %get3A_21] : memref<128x128xf32, #tpu.memory_space<vmem>>, vector<128x128xf32>
    %dot_general3A = arith.constant dense<0.000000e+00> : vector<2000x128xf32>
    %dot_general3A_23 = tpu.matmul %get3A_19, %get3A_22, %dot_general3A {dimension_numbers = #tpu.dot_dimension_numbers<[1], [0], [0], [1], [0, 0, 1, 1], [], []>, transpose_lhs_hint = false} : vector<2000x128xf32>, vector<128x128xf32>, vector<2000x128xf32> -> vector<2000x128xf32>
    %get3A_24 = arith.constant 0 : index
    %get3A_25 = arith.constant 0 : index
    %get3A_26 = vector.load %arg5[%get3A_24, %get3A_25] : memref<128x128xf32, #tpu.memory_space<vmem>>, vector<128x128xf32>
    %dot_general3A_27 = arith.constant dense<0.000000e+00> : vector<2000x128xf32>
    %dot_general3A_28 = tpu.matmul %div3A_16, %get3A_26, %dot_general3A_27 {dimension_numbers = #tpu.dot_dimension_numbers<[1], [0], [0], [1], [0, 0, 1, 1], [], []>, transpose_lhs_hint = false} : vector<2000x128xf32>, vector<128x128xf32>, vector<2000x128xf32> -> vector<2000x128xf32>
    %add3A_29 = arith.addf %dot_general3A_23, %dot_general3A_28 : vector<2000x128xf32>
    %get3A_30 = arith.constant 0 : index
    %get3A_31 = arith.constant 0 : index
    %get3A_32 = vector.load %arg6[%get3A_30, %get3A_31] : memref<1x128xf32, #tpu.memory_space<vmem>>, vector<1x128xf32>
    %add3A_33 = vector.broadcast %get3A_32 : vector<1x128xf32> to vector<2000x128xf32>
    %add3A_34 = arith.addf %add3A_29, %add3A_33 : vector<2000x128xf32>
    %max3A_35 = arith.constant 0.000000e+00 : f32
    %max3A_36 = vector.broadcast %max3A_35 : f32 to vector<2000x128xf32>
    %max3A_37 = arith.maximumf %add3A_34, %max3A_36 : vector<2000x128xf32>
    %get3A_38 = arith.constant 0 : index
    %get3A_39 = arith.constant 0 : index
    %get3A_40 = vector.load %arg7[%get3A_38, %get3A_39] : memref<128x128xf32, #tpu.memory_space<vmem>>, vector<128x128xf32>
    %dot_general3A_41 = arith.constant dense<0.000000e+00> : vector<2000x128xf32>
    %dot_general3A_42 = tpu.matmul %max3A_37, %get3A_40, %dot_general3A_41 {dimension_numbers = #tpu.dot_dimension_numbers<[1], [0], [0], [1], [0, 0, 1, 1], [], []>, transpose_lhs_hint = false} : vector<2000x128xf32>, vector<128x128xf32>, vector<2000x128xf32> -> vector<2000x128xf32>
    %get3A_43 = arith.constant 0 : index
    %get3A_44 = arith.constant 0 : index
    %get3A_45 = vector.load %arg8[%get3A_43, %get3A_44] : memref<1x128xf32, #tpu.memory_space<vmem>>, vector<1x128xf32>
    %add3A_46 = vector.broadcast %get3A_45 : vector<1x128xf32> to vector<2000x128xf32>
    %add3A_47 = arith.addf %dot_general3A_42, %add3A_46 : vector<2000x128xf32>
    %add3A_48 = arith.addf %get3A_19, %add3A_47 : vector<2000x128xf32>
    %reduce_sum3A = arith.constant dense<0.000000e+00> : vector<2000xf32>
    %reduce_sum3A_49 = vector.multi_reduction <add>, %add3A_48, %reduce_sum3A [1] : vector<2000x128xf32> to vector<2000xf32>
    %broadcast_in_dim3A = vector.shape_cast %reduce_sum3A_49 : vector<2000xf32> to vector<2000x1xf32>
    %div3A_50 = arith.constant 1.280000e+02 : f32
    %div3A_51 = vector.broadcast %div3A_50 : f32 to vector<2000x1xf32>
    %div3A_52 = arith.divf %broadcast_in_dim3A, %div3A_51 : vector<2000x1xf32>
    %jit3A = arith.constant 0 : i32
    %reduce_sum3A_53 = arith.constant dense<0.000000e+00> : vector<2000xf32>
    %reduce_sum3A_54 = vector.multi_reduction <add>, %add3A_48, %reduce_sum3A_53 [1] : vector<2000x128xf32> to vector<2000xf32>
    %broadcast_in_dim3A_55 = vector.shape_cast %reduce_sum3A_54 : vector<2000xf32> to vector<2000x1xf32>
    %div3A_56 = arith.constant 1.280000e+02 : f32
    %div3A_57 = vector.broadcast %div3A_56 : f32 to vector<2000x1xf32>
    %div3A_58 = arith.divf %broadcast_in_dim3A_55, %div3A_57 : vector<2000x1xf32>
    %sub3A = vector.broadcast %div3A_58 : vector<2000x1xf32> to vector<2000x128xf32>
    %sub3A_59 = arith.subf %add3A_48, %sub3A : vector<2000x128xf32>
    %square3A = arith.mulf %sub3A_59, %sub3A_59 : vector<2000x128xf32>
    %convert_element_type3A = arith.sitofp %jit3A : i32 to f32
    %sub3A_60 = arith.constant 1.280000e+02 : f32
    %sub3A_61 = arith.subf %sub3A_60, %convert_element_type3A : f32
    %reduce_sum3A_62 = arith.constant dense<0.000000e+00> : vector<2000xf32>
    %reduce_sum3A_63 = vector.multi_reduction <add>, %square3A, %reduce_sum3A_62 [1] : vector<2000x128xf32> to vector<2000xf32>
    %broadcast_in_dim3A_64 = vector.shape_cast %reduce_sum3A_63 : vector<2000xf32> to vector<2000x1xf32>
    %div3A_65 = vector.broadcast %sub3A_61 : f32 to vector<2000x1xf32>
    %div3A_66 = arith.divf %broadcast_in_dim3A_64, %div3A_65 : vector<2000x1xf32>
    %gt3A = arith.constant 0.000000e+00 : f32
    %gt3A_67 = arith.cmpf ogt, %sub3A_61, %gt3A : f32
    %jit3A_68 = arith.constant 0x7FC00000 : f32
    %broadcast_in_dim3A_69 = vector.broadcast %jit3A_68 : f32 to vector<2000x1xf32>
    %select_n3A = arith.select %gt3A_67, %div3A_66, %broadcast_in_dim3A_69 : vector<2000x1xf32>
    %sub3A_70 = vector.broadcast %div3A_52 : vector<2000x1xf32> to vector<2000x128xf32>
    %sub3A_71 = arith.subf %add3A_48, %sub3A_70 : vector<2000x128xf32>
    %add3A_72 = arith.constant 9.99999997E-7 : f32
    %add3A_73 = vector.broadcast %add3A_72 : f32 to vector<2000x1xf32>
    %add3A_74 = arith.addf %select_n3A, %add3A_73 : vector<2000x1xf32>
    %rsqrt3A = math.rsqrt %add3A_74 : vector<2000x1xf32>
    %mul3A = vector.broadcast %rsqrt3A : vector<2000x1xf32> to vector<2000x128xf32>
    %mul3A_75 = arith.mulf %sub3A_71, %mul3A : vector<2000x128xf32>
    %swap3A = arith.constant 0 : index
    %swap3A_76 = arith.constant 0 : index
    %swap3A_77 = vector.load %arg9[%swap3A, %swap3A_76] : memref<2000x128xf32, #tpu.memory_space<vmem>>, vector<2000x128xf32>
    tpu.vector_store %arg9[%swap3A, %swap3A_76], %mul3A_75 {strides = array<i32>} : memref<2000x128xf32, #tpu.memory_space<vmem>>, vector<2000x128xf32>,
    return
  }
  func.func @transform_0(%arg0: i32) -> (i32, i32) {
    %c0_i32 = arith.constant 0 : i32
    %c0_i32_0 = arith.constant 0 : i32
    return %arg0, %c0_i32 : i32, i32
  }
  func.func @transform_1(%arg0: i32) -> (i32, i32, i32) {
    %c0_i32 = arith.constant 0 : i32
    %c0_i32_0 = arith.constant 0 : i32
    %c0_i32_1 = arith.constant 0 : i32
    return %c0_i32, %arg0, %c0_i32_0 : i32, i32, i32
  }
  func.func @transform_2(%arg0: i32) -> (i32, i32, i32) {
    %c0_i32 = arith.constant 0 : i32
    %c0_i32_0 = arith.constant 0 : i32
    %c0_i32_1 = arith.constant 0 : i32
    return %c0_i32, %arg0, %c0_i32_0 : i32, i32, i32
  }
  func.func @transform_3(%arg0: i32) -> (i32, i32) {
    %c0_i32 = arith.constant 0 : i32
    %c0_i32_0 = arith.constant 0 : i32
    %c0_i32_1 = arith.constant 0 : i32
    return %c0_i32, %c0_i32_0 : i32, i32
  }
  func.func @transform_4(%arg0: i32) -> (i32, i32) {
    %c0_i32 = arith.constant 0 : i32
    %c0_i32_0 = arith.constant 0 : i32
    %c0_i32_1 = arith.constant 0 : i32
    return %c0_i32, %c0_i32_0 : i32, i32
  }
  func.func @transform_5(%arg0: i32) -> (i32, i32) {
    %c0_i32 = arith.constant 0 : i32
    %c0_i32_0 = arith.constant 0 : i32
    %c0_i32_1 = arith.constant 0 : i32
    return %c0_i32, %c0_i32_0 : i32, i32
  }
  func.func @transform_6(%arg0: i32) -> (i32, i32) {
    %c0_i32 = arith.constant 0 : i32
    %c0_i32_0 = arith.constant 0 : i32
    %c0_i32_1 = arith.constant 0 : i32
    return %c0_i32, %c0_i32_0 : i32, i32
  }
  func.func @transform_7(%arg0: i32) -> (i32, i32) {
    %c0_i32 = arith.constant 0 : i32
    %c0_i32_0 = arith.constant 0 : i32
    %c0_i32_1 = arith.constant 0 : i32
    return %c0_i32, %c0_i32_0 : i32, i32
  }
  func.func @transform_8(%arg0: i32) -> (i32, i32) {
    %c0_i32 = arith.constant 0 : i32
    %c0_i32_0 = arith.constant 0 : i32
    return %arg0, %c0_i32 : i32, i32
  }
}

module attributes {stable_mosaic.version = 14 : i64} {
  func.func @_dec_body(%arg0: i32, %arg1: memref<2000x128xf32, #tpu.memory_space<vmem>>, %arg2: memref<2000x18xf32, #tpu.memory_space<vmem>>, %arg3: memref<128x128xf32, #tpu.memory_space<vmem>>, %arg4: memref<1x128xf32, #tpu.memory_space<vmem>>, %arg5: memref<128x3xf32, #tpu.memory_space<vmem>>, %arg6: memref<1x3xf32, #tpu.memory_space<vmem>>, %arg7: memref<2000x3xf32, #tpu.memory_space<vmem>>) attributes {dimension_semantics = [#tpu.dimension_semantics<arbitrary>], iteration_bounds = array<i64: 5>, scalar_prefetch = 0 : i64, scratch_operands = 0 : i64, tpu.core_type = #tpu.core_type<tc>, window_params = [{transform_indices = @transform_0, window_bounds = array<i64: 2000, 128>}, {transform_indices = @transform_1, window_bounds = array<i64: 2000, 18>}, {pipeline_mode = #tpu.pipeline_mode<synchronous>, transform_indices = @transform_2, window_bounds = array<i64: 128, 128>}, {pipeline_mode = #tpu.pipeline_mode<synchronous>, transform_indices = @transform_3, window_bounds = array<i64: 1, 128>}, {pipeline_mode = #tpu.pipeline_mode<synchronous>, transform_indices = @transform_4, window_bounds = array<i64: 128, 3>}, {pipeline_mode = #tpu.pipeline_mode<synchronous>, transform_indices = @transform_5, window_bounds = array<i64: 1, 3>}, {transform_indices = @transform_6, window_bounds = array<i64: 2000, 3>}]} {
    %get3A = arith.constant 0 : index
    %get3A_0 = arith.constant 0 : index
    %get3A_1 = vector.load %arg1[%get3A, %get3A_0] : memref<2000x128xf32, #tpu.memory_space<vmem>>, vector<2000x128xf32>
    %get3A_2 = arith.constant 0 : index
    %get3A_3 = arith.constant 0 : index
    %get3A_4 = vector.load %arg3[%get3A_2, %get3A_3] : memref<128x128xf32, #tpu.memory_space<vmem>>, vector<128x128xf32>
    %dot_general3A = arith.constant dense<0.000000e+00> : vector<2000x128xf32>
    %dot_general3A_5 = tpu.matmul %get3A_1, %get3A_4, %dot_general3A {dimension_numbers = #tpu.dot_dimension_numbers<[1], [0], [0], [1], [0, 0, 1, 1], [], []>, transpose_lhs_hint = false} : vector<2000x128xf32>, vector<128x128xf32>, vector<2000x128xf32> -> vector<2000x128xf32>
    %get3A_6 = arith.constant 0 : index
    %get3A_7 = arith.constant 0 : index
    %get3A_8 = vector.load %arg4[%get3A_6, %get3A_7] : memref<1x128xf32, #tpu.memory_space<vmem>>, vector<1x128xf32>
    %add3A = vector.broadcast %get3A_8 : vector<1x128xf32> to vector<2000x128xf32>
    %add3A_9 = arith.addf %dot_general3A_5, %add3A : vector<2000x128xf32>
    %max3A = arith.constant 0.000000e+00 : f32
    %max3A_10 = vector.broadcast %max3A : f32 to vector<2000x128xf32>
    %max3A_11 = arith.maximumf %add3A_9, %max3A_10 : vector<2000x128xf32>
    %get3A_12 = arith.constant 0 : index
    %get3A_13 = arith.constant 0 : index
    %get3A_14 = vector.load %arg5[%get3A_12, %get3A_13] : memref<128x3xf32, #tpu.memory_space<vmem>>, vector<128x3xf32>
    %dot_general3A_15 = arith.constant dense<0.000000e+00> : vector<2000x3xf32>
    %dot_general3A_16 = tpu.matmul %max3A_11, %get3A_14, %dot_general3A_15 {dimension_numbers = #tpu.dot_dimension_numbers<[1], [0], [0], [1], [0, 0, 1, 1], [], []>, transpose_lhs_hint = false} : vector<2000x128xf32>, vector<128x3xf32>, vector<2000x3xf32> -> vector<2000x3xf32>
    %get3A_17 = arith.constant 0 : index
    %get3A_18 = arith.constant 0 : index
    %get3A_19 = vector.load %arg6[%get3A_17, %get3A_18] : memref<1x3xf32, #tpu.memory_space<vmem>>, vector<1x3xf32>
    %add3A_20 = vector.broadcast %get3A_19 : vector<1x3xf32> to vector<2000x3xf32>
    %add3A_21 = arith.addf %dot_general3A_16, %add3A_20 : vector<2000x3xf32>
    %get3A_22 = arith.constant 0 : index
    %get3A_23 = arith.constant 0 : index
    %get3A_24 = vector.load %arg2[%get3A_22, %get3A_23] : memref<2000x18xf32, #tpu.memory_space<vmem>>, vector<2000x18xf32>
    %slice3A = vector.extract_strided_slice %get3A_24 {offsets = [0, 15], sizes = [2000, 3], strides = [1, 1]} : vector<2000x18xf32> to vector<2000x3xf32>
    %slice3A_25 = vector.extract_strided_slice %get3A_24 {offsets = [0, 12], sizes = [2000, 3], strides = [1, 1]} : vector<2000x18xf32> to vector<2000x3xf32>
    %sub3A = arith.subf %slice3A, %slice3A_25 : vector<2000x3xf32>
    %add3A_26 = arith.addf %slice3A, %sub3A : vector<2000x3xf32>
    %add3A_27 = arith.addf %add3A_26, %add3A_21 : vector<2000x3xf32>
    %swap3A = arith.constant 0 : index
    %swap3A_28 = arith.constant 0 : index
    %swap3A_29 = vector.load %arg7[%swap3A, %swap3A_28] : memref<2000x3xf32, #tpu.memory_space<vmem>>, vector<2000x3xf32>
    tpu.vector_store %arg7[%swap3A, %swap3A_28], %add3A_27 {strides = array<i32>} : memref<2000x3xf32, #tpu.memory_space<vmem>>, vector<2000x3xf32>,
    return
  }
  func.func @transform_0(%arg0: i32) -> (i32, i32) {
    %c0_i32 = arith.constant 0 : i32
    %c0_i32_0 = arith.constant 0 : i32
    return %arg0, %c0_i32 : i32, i32
  }
  func.func @transform_1(%arg0: i32) -> (i32, i32) {
    %c0_i32 = arith.constant 0 : i32
    %c0_i32_0 = arith.constant 0 : i32
    return %arg0, %c0_i32 : i32, i32
  }
  func.func @transform_2(%arg0: i32) -> (i32, i32) {
    %c0_i32 = arith.constant 0 : i32
    %c0_i32_0 = arith.constant 0 : i32
    %c0_i32_1 = arith.constant 0 : i32
    return %c0_i32, %c0_i32_0 : i32, i32
  }
  func.func @transform_3(%arg0: i32) -> (i32, i32) {
    %c0_i32 = arith.constant 0 : i32
    %c0_i32_0 = arith.constant 0 : i32
    %c0_i32_1 = arith.constant 0 : i32
    return %c0_i32, %c0_i32_0 : i32, i32
  }
  func.func @transform_4(%arg0: i32) -> (i32, i32) {
    %c0_i32 = arith.constant 0 : i32
    %c0_i32_0 = arith.constant 0 : i32
    %c0_i32_1 = arith.constant 0 : i32
    return %c0_i32, %c0_i32_0 : i32, i32
  }
  func.func @transform_5(%arg0: i32) -> (i32, i32) {
    %c0_i32 = arith.constant 0 : i32
    %c0_i32_0 = arith.constant 0 : i32
    %c0_i32_1 = arith.constant 0 : i32
    return %c0_i32, %c0_i32_0 : i32, i32
  }
  func.func @transform_6(%arg0: i32) -> (i32, i32) {
    %c0_i32 = arith.constant 0 : i32
    %c0_i32_0 = arith.constant 0 : i32
    return %arg0, %c0_i32 : i32, i32
  }
}

</mosaic_0001>

<sc_bundles>
// kernel: kernel.25.cloned.1.call-start
scs
__scs_entry_jumppad:
0x0: {  	(pc) =	sbr.rel $0x88, $3  }
0x1: {  	(tag) =	ssettag $0x0;
	lr =	simm.s32 $0x1  }
0x2: {  	[smem:$0x3F91] =	sst lr;
	_ =	strace $0xD0000000  }
0x3: {  	_ = 	snop  }
0x4: {  	_ = 	snop  }
0x5: {  	_ = 	snop  }
0x6: {  	_ = 	snop  }
0x7: {  	_ = 	snop  }
__scs_overlays_trampoline_lowered:
0x8: {  	[smem:$0x3FA0] =	sst s0  }
0x9: {  	[smem:$0x3FA1] =	sst s1  }
0xa: {  	[smem:$0x3FA2] =	sst s2  }
0xb: {  	[smem:$0x3FA3] =	sst s3  }
0xc: {  	[smem:$0x3FA4] =	sst s4  }
0xd: {  	[smem:$0x3FA5] =	sst s5  }
0xe: {  	[smem:$0x3FA6] =	sst s6  }
0xf: {  	[smem:$0x3FA7] =	sst s7  }
0x10: {  	[smem:$0x3FA8] =	sst s8  }
0x11: {  	[smem:$0x3FA9] =	sst s9;
	s0 =	simm.s32 @!p0 $0x0  }
0x12: {  	s1 =	sld [smem:$0x3F8F];
	s0 =	simm.s32 @p0 $0x1  }
0x13: {  	[smem:$0x3FAA] =	sst s0;
	s0 =	simm.s32 @!p1 $0x0  }
0x14: {  	s2 =	sld [smem:$0x3F8E];
	s0 =	simm.s32 @p1 $0x1  }
0x15: {  	[smem:$0x3FAB] =	sst s0;
	s0 =	simm.s32 @!p2 $0x0  }
0x16: {  	s3 =	sld [smem:$0x3FDB];
	s0 =	simm.s32 @p2 $0x1  }
0x17: {  	s4 =	simm.s32 $0x1BF5;
	[smem:$0x3FAD] =	sst s0  }
0x18: {  	s0 =	sld [smem:$0x3F90];
	_ =	swait.ge [sflag:s4], $0x0  }
0x19: {  	s7 =	sld [smem:$0x3F91]  }
0x1a: {  	s8 =	sadd.s32 $0xFFFFE003, lr  }
0x1b: {  	s9 =	sadd.s32 $0xFFFFFEF7, lr;
	s5 =	simm.s32 $0xFFFFFFFF;
	p2 =	slt.u32 s8, $0xFFFFF086  }
0x1c: {  	p1 =	slt.u32 s9, $0xF7A;
	s5 =	simm.s32 @!p2 $0x0  }
0x1d: {  	s5 =	simm.s32 @p1 $0x1;
	p0 =	seq.s32 s7, s2  }
0x1e: {  	s7 =	smul.u32 @!p0 $0xF7A, s2;
	p2 =	seq.s32 @!p0 s5, $0x0  }
0x1f: {  	s9 =	smul.u32 $0xF7A, s1;
	s8 =	simm.s32 @!p0 $0x1BF5;
	p2 =	por !p2, p0  }
0x20: {  	[sflag:s8] =	ssyncset.s32 @!p0 $0xFFFFF086;
	s6 =	sadd.s32 @!p0 s3, s7;
	s7 =	simm.s32 @!p0 $0x108  }
0x21: {  	s3 =	sadd.s32 s3, s9;
	s6 =	sadd.s32 @!p0 $0x88, s6;
	s7 =	simm.s32 @p2 $0x1082  }
0x22: {  	[simem:s7], [sflag:s8] =	dma.local @!p0 [hbm:s6], $0xF7A  }
0x23: {  	s9 =	sor.u32 $0xD0000000, s2;
	s6 =	simm.s32 $0x108;
	_ =	swait.ge @!p0 [sflag:s8], $0x0  }
0x24: {  	s3 =	sadd.s32 $0x88, s3;
	s6 =	simm.s32 @!p1 $0x1082;
	[sflag:s4] =	ssyncset.s32 $0xFFFFF086  }
0x25: {  	[simem:s6], [sflag:s4] =	dma.local [hbm:s3], $0xF7A  }
0x26: {  	[smem:$0x3F91] =	sst s1;
	(tag) =	ssettag s2;
	_ =	strace s9  }
0x27: {  	s1 =	sld [smem:$0x3FA1]  }
0x28: {  	s2 =	sld [smem:$0x3FA2]  }
0x29: {  	s4 =	sld [smem:$0x3FA4]  }
0x2a: {  	p0 =	seq.s32 s5, $0x0;
	s5 =	sld [smem:$0x3FA5]  }
0x2b: {  	s6 =	sld [smem:$0x3FA6]  }
0x2c: {  	s7 =	sld [smem:$0x3FA7]  }
0x2d: {  	s3 =	simm.s32 $0x108;
	s8 =	sld [smem:$0x3FA8]  }
0x2e: {  	s3 =	simm.s32 @!p0 $0x1082;
	s9 =	sld [smem:$0x3FA9]  }
0x2f: {  	lr =	sadd.s32 s0, s3;
	s0 =	sld [smem:$0x3FA0]  }
0x30: {  	s3 =	sld [smem:$0x3FA3]  }
0x31: {  	[smem:$0x3FAC] =	sst s10  }
0x32: {  	s10 =	sld [smem:$0x3FAA];
	_ =	sdelay $0x3  }
0x33: {  	p0 =	seq.s32 s10, $0x1;
	s10 =	sld [smem:$0x3FAC];
	_ =	sdelay $0x3  }
0x34: {  	[smem:$0x3FAC] =	sst s10  }
0x35: {  	s10 =	sld [smem:$0x3FAB];
	_ =	sdelay $0x3  }
0x36: {  	p1 =	seq.s32 s10, $0x1;
	s10 =	sld [smem:$0x3FAC];
	_ =	sdelay $0x3  }
0x37: {  	[smem:$0x3FAC] =	sst s10  }
0x38: {  	s10 =	sld [smem:$0x3FAD]  }
0x39: {  	_ = 	snop;
	(pc) =	sbr.ind lr, $3  }
0x3a: {  	_ = 	snop  }
0x3b: {  	_ = 	snop  }
0x3c: {  	p2 =	seq.s32 s10, $0x1;
	s10 =	sld [smem:$0x3FAC]  }
0x3d: {  	_ =	shalt  }
0x3e: {  	_ =	shalt  }
0x3f: {  	_ =	shalt  }
0x40: {  	_ =	shalt  }
0x41: {  	_ =	shalt  }
0x42: {  	_ =	shalt  }
0x43: {  	_ =	shalt  }
0x44: {  	_ =	shalt  }
0x45: {  	_ =	shalt  }
0x46: {  	_ =	shalt  }
0x47: {  	_ =	shalt  }
0x48: {  	_ =	shalt  }
0x49: {  	_ =	shalt  }
0x4a: {  	_ =	shalt  }
0x4b: {  	_ =	shalt  }
0x4c: {  	_ =	shalt  }
0x4d: {  	_ =	shalt  }
0x4e: {  	_ =	shalt  }
0x4f: {  	_ =	shalt  }
0x50: {  	_ =	shalt  }
0x51: {  	_ =	shalt  }
0x52: {  	_ =	shalt  }
0x53: {  	_ =	shalt  }
0x54: {  	_ =	shalt  }
0x55: {  	_ =	shalt  }
0x56: {  	_ =	shalt  }
0x57: {  	_ =	shalt  }
0x58: {  	_ =	shalt  }
0x59: {  	_ =	shalt  }
0x5a: {  	_ =	shalt  }
0x5b: {  	_ =	shalt  }
0x5c: {  	_ =	shalt  }
0x5d: {  	_ =	shalt  }
0x5e: {  	_ =	shalt  }
0x5f: {  	_ =	shalt  }
0x60: {  	_ =	shalt  }
0x61: {  	_ =	shalt  }
0x62: {  	_ =	shalt  }
0x63: {  	_ =	shalt  }
0x64: {  	_ =	shalt  }
0x65: {  	_ =	shalt  }
0x66: {  	_ =	shalt  }
0x67: {  	_ =	shalt  }
0x68: {  	_ =	shalt  }
0x69: {  	_ =	shalt  }
0x6a: {  	_ =	shalt  }
0x6b: {  	_ =	shalt  }
0x6c: {  	_ =	shalt  }
0x6d: {  	_ =	shalt  }
0x6e: {  	_ =	shalt  }
0x6f: {  	_ =	shalt  }
0x70: {  	_ =	shalt  }
0x71: {  	_ =	shalt  }
0x72: {  	_ =	shalt  }
0x73: {  	_ =	shalt  }
0x74: {  	_ =	shalt  }
0x75: {  	_ =	shalt  }
0x76: {  	_ =	shalt  }
0x77: {  	_ =	shalt  }
0x78: {  	_ =	shalt  }
0x79: {  	_ =	shalt  }
0x7a: {  	_ =	shalt  }
0x7b: {  	_ =	shalt  }
0x7c: {  	_ =	shalt  }
0x7d: {  	_ =	shalt  }
0x7e: {  	_ =	shalt  }
0x7f: {  	_ =	shalt  }
0x80: {  	_ =	shalt  }
0x81: {  	_ =	shalt  }
0x82: {  	_ =	shalt  }
0x83: {  	_ =	shalt  }
0x84: {  	_ =	shalt  }
0x85: {  	_ =	shalt  }
0x86: {  	_ =	shalt  }
0x87: {  	_ =	shalt  }
.Lfunc_end0:
.L_simem_size_0:
called_computation_lowered:
.L_overlay_start_0:
0x88: {  	s2 =	sld [smem:$0x3FD9]  }
0x89: {  	s3 =	sld [smem:$0x3FFE];
	_ =	sdelay $0x1  }
0x8a: {  	s1 =	srdreg.scid  }
0x8b: {  	s0 =	sand.u32 $0x1, s1  }
0x8c: {  	s17 =	sshll.u32 s0, $0xA;
	s2 =	sadd.s32 s3, s2  }
0x8d: {  	s2 =	sadd.s32 s2, s17  }
0x8e: {  	[smem:$0x3FB8] =	sst s2  }
0x8f: {  	_ = 	snop  }
0x90: {  	(tm) =	ssettm $0x1  }
0x91: {  	s18 =	sld [smem:$0x3FFB];
	_ =	sdelay $0x3  }
0x92: {  	_ =	strace s18  }
0x93: {  	s2 =	sld [smem:$0x3FFC];
	_ =	sdelay $0x3  }
0x94: {  	_ =	strace s2  }
0x95: {  	s2 =	sld [smem:$0x3FFD];
	_ =	sdelay $0x3  }
0x96: {  	_ =	strace s2  }
0x97: {  	_ =	strace $0x8FFFFFFF  }
0x98: {  	s19 =	sld [smem:$0x3FDB];
	_ =	sdelay $0x1  }
0x99: {  	s20 =	simm.s32 $_scs_section_size  }
0x9a: {  	s4 =	simm.s32 $_size__tile_overlayer_lowered;
	s5 =	simm.s32 $_tile_overlayer_lowered  }
0x9b: {  	s6 =	simm.s32 $0x1BFF;
	s21 =	sshll.u32 s5, $0x1;
	s3 =	sadd.s32 s20, s19  }
0x9c: {  	s22 =	simm.s32 $0x0;
	s4 =	sshll.u32 s4, $0x1;
	s5 =	sadd.s32 s21, s3  }
0x9d: {  	[timem:s22], [sflag:s6] =	dma.local [hbm:s5], s4  }
0x9e: {  	_ =	swait.ge [sflag:s6], s4  }
0x9f: {  	s4 =	ssub.s32 $0x0, s4;
	[sflag:s6] =	ssyncset.done $0x0  }
0xa0: {  	[sflag:s6] =	ssyncadd.s32 s4;
	_ =	sdelay $0x1  }
0xa1: {  	s23 =	simm.s32 $0x1B8B  }
0xa2: {  	_ =	swait.ge [sflag:s23], $0x1  }
0xa3: {  	[sflag:s23] =	ssyncset.done $0x0  }
0xa4: {  	[sflag:s23] =	ssyncadd.s32 $0xFFFFFFFF  }
0xa5: {  	s4 =	sld [smem:$0x0]  }
0xa6: {  	s5 =	sand.u32 $0xFFFFFFFE, s1  }
0xa7: {  	p0 =	sne.s32 s1, s5  }
0xa8: {  	s5 =	sshll.u32 @p0 s5, $0xE  }
0xa9: {  	s5 =	sadd.s32 @p0 $0x11B8D, s5;
	s6 =	sshll.u32 @p0 s4, $0x11  }
0xaa: {  	s5 =	sor.u32 @p0 s6, s5  }
0xab: {  	[sflag:s5] =	ssyncadd.remote.s32 @p0 $0x1;
	_ =	sdelay $0x1  }
0xac: {  	s5 =	simm.s32 @p0 $0x1B8D  }
0xad: {  	_ =	swait.eq @p0 [sflag:s5], $0x1  }
0xae: {  	[sflag:s5] =	ssyncadd.s32 @p0 $0xFFFFFFFF  }
0xaf: {  	s6 =	sshll.u32 @!p0 s1, $0xE  }
0xb0: {  	s6 =	sor.u32 @!p0 $0x4000, s6;
	s5 =	simm.s32 @!p0 $0x1B8D  }
0xb1: {  	s4 =	sshll.u32 @!p0 s4, $0x11;
	s6 =	sadd.s32 @!p0 $0x11B8D, s6;
	_ =	swait.eq @!p0 [sflag:s5], $0x1  }
0xb2: {  	s4 =	sor.u32 @!p0 s4, s6;
	[sflag:s5] =	ssyncadd.s32 @!p0 $0xFFFFFFFF  }
0xb3: {  	s25 =	simm.s32 $0x1B8E;
	s24 =	sld [smem:$0x3FFE];
	[sflag:s4] =	ssyncadd.remote.s32 @!p0 $0x1  }
0xb4: {  	s26 =	simm.s32 $execute0_lowered;
	[smem:$0x3FD2] =	sst s25  }
0xb5: {  	s5 =	sshll.u32 s26, $0x1;
	_ =	strace $0x80000049;
	[dreg:$0x1] =	wrdreg $0xFFFFFFFF  }
0xb6: {  	s28 =	simm.s32 $_size_execute0_lowered;
	s3 =	sadd.s32 s3, s5;
	[dreg:$0x0] =	wrdreg $0x0  }
0xb7: {  	s5 =	sshll.u32 s28, $0x1;
	[dreg:$0x2] =	wrdreg s3  }
0xb8: {  	[dreg:$0x3] =	wrdreg s5  }
0xb9: {  	[dreg:$0x4] =	wrdreg $0xC0  }
0xba: {  	_ =	task [dreg:s22], $0x5FFFF  }
0xbb: {  	[dreg:$0x1] =	wrdreg $0xFFFFFFFF  }
0xbc: {  	[dreg:$0x0] =	wrdreg $0x60  }
0xbd: {  	[dreg:$0x2] =	wrdreg s24  }
0xbe: {  	[dreg:$0x3] =	wrdreg $0x70000  }
0xbf: {  	[dreg:$0x4] =	wrdreg $0x9  }
0xc0: {  	_ =	task.clear_ibuf [dreg:s22], $0x5FFFF;
	_ =	strace $0x90000049  }
0xc1: {  	s29 =	simm.s32 $0x9;
	_ =	strace $0x8000004B  }
0xc2: {  	_ =	swait.ge [sflag:s29], $0x1  }
0xc3: {  	[sflag:s29] =	ssyncadd.s32 $0xFFFFFFFF  }
0xc4: {  	_ =	strace $0x9000004B  }
0xc5: {  	_ =	sfence  }
0xc6: {  	s30 =	sld [smem:$0x0];
	_ =	sdelay $0x2  }
0xc7: {  	s31 =	sshll.u32 s1, $0xD;
	s1 =	sshrl.u32 s1, $0x2  }
0xc8: {  	s4 =	sand.u32 $0x4000, s31;
	s1 =	sadd.s32 s1, s30  }
0xc9: {  	s0 =	sor.u32 s4, s0;
	s1 =	sshll.u32 s1, $0x11  }
0xca: {  	s0 =	sor.u32 s1, s0  }
0xcb: {  	s0 =	sadd.s32 $0x8F2B, s0  }
0xcc: {  	[sflag:s0] =	ssyncadd.remote.s32 $0x1  }
0xcd: {  	_ =	sfence.sel $0xFFFF  }
0xce: {  	[dreg:$0x0] =	wrdreg $0xFFFFFFFF;
	(pc) =	sbr.abs _section_cstart, $3  }
0xcf: {  	[dreg:$0x1] =	wrdreg $0xFFFFFFFF  }
0xd0: {  	_ =	task.clear_ibuf [dreg:s22], $0x2FFFF;
	_ =	strace $0x9FFFFFFF  }
0xd1: {  	(tm) =	ssettm $0x7FFFFFFF  }
tec
execute0_lowered:
.L_overlay_start_1:
0x0: {  	(tag) =	ssettag $0x1  }
0x1: {  	s0 =	srdreg.scid;
	s6 =	rddreg [dreg:$0x0]  }
0x2: {  	s2 =	rddreg [dreg:$0x1];
	s5 =	sand.u32 $0x1, s0;
	s0 =	stileid.u32  }
0x3: {  	s3 =	simm.s32 $0x0;
	s14 =	simm.s32 $0x0;
	s7 =	smul.u32 $0x13C00, s0  }
0x4: {  	[smem:$0x7FF] =	sst s3;
	s1 =	sshll.u32 s5, $0x4;
	s8 =	smul.u32 $0x13C000, s5  }
0x5: {  	s5 =	ssub.s32 $0x2, s5;
	s29 =	smul.u32 $0x4F000, s0;
	s31 =	sshll.u32 s0, $0x6  }
0x6: {  	s4 =	sor.u32 s0, s1;
	s1 =	rddreg [dreg:$0x2];
	_ =	strace $0x8000004A  }
0x7: {  	s11 =	sshrl.u32 s5, $0x1;
	s4 =	smul.u32 $0xA00, s4;
	s10 =	sshrl.u32 s7, $0x3  }
0x8: {  	s7 =	sadd.s32 s7, s8;
	s11 =	ssub.s32 s5, s11;
	s30 =	sshrl.u32 s29, $0x2  }
0x9: {  	s10 =	sadd.s32 s10, s6;
	s7 =	sshrl.u32 s7, $0x3;
	s13 =	sadd.s32 s30, s2  }
0xa: {  	s9 =	sadd.s32 s4, s6;
	s4 =	sadd.s32 $0xF9400, s6;
	s12 =	sadd.s32 s7, s6  }
0xb: {  	s5 =	sadd.s32 $0x82C00, s10;
	s6 =	sor.u32 $0x1C01, s31;
	s10 =	sshrl.u32 s13, $0x3  }
0xc: {  	s13 =	simm.s32 $0x40;
	s7 =	sadd.s32 $0xC800, s9;
	s8 =	sadd.s32 $0xF9800, s12  }
0xd: {  	s9 =	smax.u32 s11, $0x1;
	s11 =	simm.s32 $0x1;
	s12 =	simm.s32 $0x5000  }
.LBB2_1:
0xe: {  	[spmem:s10], [sflag:s6] =	dma.local [hbm:s5], $0x2780  }
0xf: {  	_ =	swait.ge [sflag:s11], $0x2780  }
0x10: {  	[sflag:s11] =	ssyncset.done $0x0  }
0x11: {  	[sflag:s11] =	ssyncadd.s32 $0xFFFFD880  }
0x12: {  	[tilespmem:s3], [sflag:$0x1] =	stream.linear.gather [hbm4b:s7+s3], $0x4E80, $0x38;
	[tilespmem:$0x1AC00] =	vst v63  }
0x13: {  	_ =	swait.ge [sflag:s11], $0x4E80  }
0x14: {  	[sflag:s11] =	ssyncset.done $0x0  }
0x15: {  	[sflag:s11] =	ssyncadd.s32 $0xFFFFB180  }
0x16: {  	[tilespmem:s12], [sflag:$0x1] =	stream.linear.gather [hbm4b:s4+s3], $0x2000, $0x38;
	[tilespmem:$0x1AC00] =	vst v63  }
0x17: {  	_ =	swait.ge [sflag:s11], $0x2000  }
0x18: {  	[sflag:s11] =	ssyncset.done $0x0  }
0x19: {  	[sflag:s11] =	ssyncadd.s32 $0xFFFFE000  }
0x1a: {  	s15 =	simm.s32 $0x0;
	[bflag:$0x0] =	sbarrier.arrive $0xFFFF  }
0x1b: {  	[spmem:s2] =	stream.indirect.scatter.add.f32 [tilespmem:s12], [sflag:$0x1], $0x80, s15, s13, $0xb8;
	[tilespmem:$0x1AC00] =	vst v63  }
0x1c: {  	_ =	swait.ge [sflag:s11], $0x2000  }
0x1d: {  	s15 =	simm.s32 $0x200;
	[sflag:s11] =	ssyncset.done $0x0  }
.LBB2_2:
0x1e: {  	s16 =	sshra.s32 s15, $0x2;
	[sflag:s11] =	ssyncadd.s32 $0xFFFFE000;
	p0 =	sne.s32 s15, $0x13800  }
0x1f: {  	[spmem:s2] =	stream.indirect.scatter.add.f32 [tilespmem:s12], [sflag:$0x1], $0x80, s16, s13, $0xb8;
	[tilespmem:$0x1AC00] =	vst v63  }
.Ltmp0:
0x20: {  	_ = 	snop;
	(pc) =	sbr.rel @p0 .LBB2_2-.Ltmp0, $4  }
0x21: {  	_ = 	snop  }
0x22: {  	s15 =	sadd.s32 $0x200, s15  }
0x23: {  	_ =	swait.ge [sflag:s11], $0x2000  }
0x24: {  	[sflag:s11] =	ssyncset.done $0x0  }
0x25: {  	s14 =	sadd.s32 $0x1, s14  }
0x26: {  	[sflag:s11] =	ssyncadd.s32 $0xFFFFE000;
	p0 =	sne.s32 s14, s9  }
.Ltmp1:
0x27: {  	[bflag:$0x0] =	sbarrier.arrive $0xFFFF;
	(pc) =	sbr.rel @p0 .LBB2_1-.Ltmp1, $4  }
0x28: {  	[hbm:s8], [sflag:s6] =	dma.local [spmem:s10], $0x2780  }
0x29: {  	_ =	swait.ge [sflag:s11], $0x2780  }
0x2a: {  	[sflag:s11] =	ssyncset.done $0x0  }
0x2b: {  	[sflag:s11] =	ssyncadd.s32 $0xFFFFD880  }
0x2c: {  	_ =	sfence.sel $0x180000  }
0x2d: {  	[bflag:$0x0] =	sbarrier.arrive $0xFFFF  }
0x2e: {  	p0 =	sne.s32 s0, $0x0;
	_ =	strace $0x9000004A  }
0x2f: {  	s0 =	sadd.s32 @!p0 $0x100000, s1;
	[bflag:$0x2] =	sbarrier.arrive $0xFFFF  }
0x30: {  	[sflag:s0] =	ssyncadd.tile.s32 @!p0 $0x1;
	_ =	shalt  }
.Lfunc_end2:
_tile_overlayer_lowered:
.L_overlay_start_2:
0x31: {  	(tag) =	ssettag $0x2  }
0x32: {  	s0 =	rddreg [dreg:$0x0];
	s2 =	stileid.u32  }
0x33: {  	s1 =	rddreg [dreg:$0x1];
	p0 =	sne.s32 s2, $0x0  }
0x34: {  	s3 =	rddreg [dreg:$0x2];
	[bflag:$0x3] =	sbarrier.arrive $0xFFFF;
	s2 =	simm.s32 @!p0 $0x1C01  }
0x35: {  	[timem:s3], [sflag:s2] =	dma.local @!p0 [hbm:s0], s1  }
0x36: {  	s0 =	simm.s32 @!p0 $0x1  }
0x37: {  	_ =	swait.ge @!p0 [sflag:s0], s1  }
0x38: {  	s1 =	ssub.s32 @!p0 $0x0, s1;
	[sflag:s0] =	ssyncset.done @!p0 $0x0  }
0x39: {  	[sflag:s0] =	ssyncadd.s32 @!p0 s1  }
0x3a: {  	[bflag:$0x3] =	sbarrier.arrive $0xFFFF  }
0x3b: {  	_ =	shalt  }

// kernel: kernel.28.cloned.1.call-start
scs
__scs_entry_jumppad:
0x0: {  	(pc) =	sbr.rel $0x88, $3  }
0x1: {  	(tag) =	ssettag $0x0;
	lr =	simm.s32 $0x1  }
0x2: {  	[smem:$0x3F91] =	sst lr;
	_ =	strace $0xD0000000  }
0x3: {  	_ = 	snop  }
0x4: {  	_ = 	snop  }
0x5: {  	_ = 	snop  }
0x6: {  	_ = 	snop  }
0x7: {  	_ = 	snop  }
__scs_overlays_trampoline_lowered:
0x8: {  	[smem:$0x3FA0] =	sst s0  }
0x9: {  	[smem:$0x3FA1] =	sst s1  }
0xa: {  	[smem:$0x3FA2] =	sst s2  }
0xb: {  	[smem:$0x3FA3] =	sst s3  }
0xc: {  	[smem:$0x3FA4] =	sst s4  }
0xd: {  	[smem:$0x3FA5] =	sst s5  }
0xe: {  	[smem:$0x3FA6] =	sst s6  }
0xf: {  	[smem:$0x3FA7] =	sst s7  }
0x10: {  	[smem:$0x3FA8] =	sst s8  }
0x11: {  	[smem:$0x3FA9] =	sst s9;
	s0 =	simm.s32 @!p0 $0x0  }
0x12: {  	s1 =	sld [smem:$0x3F8F];
	s0 =	simm.s32 @p0 $0x1  }
0x13: {  	[smem:$0x3FAA] =	sst s0;
	s0 =	simm.s32 @!p1 $0x0  }
0x14: {  	s2 =	sld [smem:$0x3F8E];
	s0 =	simm.s32 @p1 $0x1  }
0x15: {  	[smem:$0x3FAB] =	sst s0;
	s0 =	simm.s32 @!p2 $0x0  }
0x16: {  	s3 =	sld [smem:$0x3FDB];
	s0 =	simm.s32 @p2 $0x1  }
0x17: {  	s4 =	simm.s32 $0x1BF5;
	[smem:$0x3FAD] =	sst s0  }
0x18: {  	s0 =	sld [smem:$0x3F90];
	_ =	swait.ge [sflag:s4], $0x0  }
0x19: {  	s7 =	sld [smem:$0x3F91]  }
0x1a: {  	s8 =	sadd.s32 $0xFFFFE003, lr  }
0x1b: {  	s9 =	sadd.s32 $0xFFFFFEF7, lr;
	s5 =	simm.s32 $0xFFFFFFFF;
	p2 =	slt.u32 s8, $0xFFFFF086  }
0x1c: {  	p1 =	slt.u32 s9, $0xF7A;
	s5 =	simm.s32 @!p2 $0x0  }
0x1d: {  	s5 =	simm.s32 @p1 $0x1;
	p0 =	seq.s32 s7, s2  }
0x1e: {  	s7 =	smul.u32 @!p0 $0xF7A, s2;
	p2 =	seq.s32 @!p0 s5, $0x0  }
0x1f: {  	s9 =	smul.u32 $0xF7A, s1;
	s8 =	simm.s32 @!p0 $0x1BF5;
	p2 =	por !p2, p0  }
0x20: {  	[sflag:s8] =	ssyncset.s32 @!p0 $0xFFFFF086;
	s6 =	sadd.s32 @!p0 s3, s7;
	s7 =	simm.s32 @!p0 $0x108  }
0x21: {  	s3 =	sadd.s32 s3, s9;
	s6 =	sadd.s32 @!p0 $0x88, s6;
	s7 =	simm.s32 @p2 $0x1082  }
0x22: {  	[simem:s7], [sflag:s8] =	dma.local @!p0 [hbm:s6], $0xF7A  }
0x23: {  	s9 =	sor.u32 $0xD0000000, s2;
	s6 =	simm.s32 $0x108;
	_ =	swait.ge @!p0 [sflag:s8], $0x0  }
0x24: {  	s3 =	sadd.s32 $0x88, s3;
	s6 =	simm.s32 @!p1 $0x1082;
	[sflag:s4] =	ssyncset.s32 $0xFFFFF086  }
0x25: {  	[simem:s6], [sflag:s4] =	dma.local [hbm:s3], $0xF7A  }
0x26: {  	[smem:$0x3F91] =	sst s1;
	(tag) =	ssettag s2;
	_ =	strace s9  }
0x27: {  	s1 =	sld [smem:$0x3FA1]  }
0x28: {  	s2 =	sld [smem:$0x3FA2]  }
0x29: {  	s4 =	sld [smem:$0x3FA4]  }
0x2a: {  	p0 =	seq.s32 s5, $0x0;
	s5 =	sld [smem:$0x3FA5]  }
0x2b: {  	s6 =	sld [smem:$0x3FA6]  }
0x2c: {  	s7 =	sld [smem:$0x3FA7]  }
0x2d: {  	s3 =	simm.s32 $0x108;
	s8 =	sld [smem:$0x3FA8]  }
0x2e: {  	s3 =	simm.s32 @!p0 $0x1082;
	s9 =	sld [smem:$0x3FA9]  }
0x2f: {  	lr =	sadd.s32 s0, s3;
	s0 =	sld [smem:$0x3FA0]  }
0x30: {  	s3 =	sld [smem:$0x3FA3]  }
0x31: {  	[smem:$0x3FAC] =	sst s10  }
0x32: {  	s10 =	sld [smem:$0x3FAA];
	_ =	sdelay $0x3  }
0x33: {  	p0 =	seq.s32 s10, $0x1;
	s10 =	sld [smem:$0x3FAC];
	_ =	sdelay $0x3  }
0x34: {  	[smem:$0x3FAC] =	sst s10  }
0x35: {  	s10 =	sld [smem:$0x3FAB];
	_ =	sdelay $0x3  }
0x36: {  	p1 =	seq.s32 s10, $0x1;
	s10 =	sld [smem:$0x3FAC];
	_ =	sdelay $0x3  }
0x37: {  	[smem:$0x3FAC] =	sst s10  }
0x38: {  	s10 =	sld [smem:$0x3FAD]  }
0x39: {  	_ = 	snop;
	(pc) =	sbr.ind lr, $3  }
0x3a: {  	_ = 	snop  }
0x3b: {  	_ = 	snop  }
0x3c: {  	p2 =	seq.s32 s10, $0x1;
	s10 =	sld [smem:$0x3FAC]  }
0x3d: {  	_ =	shalt  }
0x3e: {  	_ =	shalt  }
0x3f: {  	_ =	shalt  }
0x40: {  	_ =	shalt  }
0x41: {  	_ =	shalt  }
0x42: {  	_ =	shalt  }
0x43: {  	_ =	shalt  }
0x44: {  	_ =	shalt  }
0x45: {  	_ =	shalt  }
0x46: {  	_ =	shalt  }
0x47: {  	_ =	shalt  }
0x48: {  	_ =	shalt  }
0x49: {  	_ =	shalt  }
0x4a: {  	_ =	shalt  }
0x4b: {  	_ =	shalt  }
0x4c: {  	_ =	shalt  }
0x4d: {  	_ =	shalt  }
0x4e: {  	_ =	shalt  }
0x4f: {  	_ =	shalt  }
0x50: {  	_ =	shalt  }
0x51: {  	_ =	shalt  }
0x52: {  	_ =	shalt  }
0x53: {  	_ =	shalt  }
0x54: {  	_ =	shalt  }
0x55: {  	_ =	shalt  }
0x56: {  	_ =	shalt  }
0x57: {  	_ =	shalt  }
0x58: {  	_ =	shalt  }
0x59: {  	_ =	shalt  }
0x5a: {  	_ =	shalt  }
0x5b: {  	_ =	shalt  }
0x5c: {  	_ =	shalt  }
0x5d: {  	_ =	shalt  }
0x5e: {  	_ =	shalt  }
0x5f: {  	_ =	shalt  }
0x60: {  	_ =	shalt  }
0x61: {  	_ =	shalt  }
0x62: {  	_ =	shalt  }
0x63: {  	_ =	shalt  }
0x64: {  	_ =	shalt  }
0x65: {  	_ =	shalt  }
0x66: {  	_ =	shalt  }
0x67: {  	_ =	shalt  }
0x68: {  	_ =	shalt  }
0x69: {  	_ =	shalt  }
0x6a: {  	_ =	shalt  }
0x6b: {  	_ =	shalt  }
0x6c: {  	_ =	shalt  }
0x6d: {  	_ =	shalt  }
0x6e: {  	_ =	shalt  }
0x6f: {  	_ =	shalt  }
0x70: {  	_ =	shalt  }
0x71: {  	_ =	shalt  }
0x72: {  	_ =	shalt  }
0x73: {  	_ =	shalt  }
0x74: {  	_ =	shalt  }
0x75: {  	_ =	shalt  }
0x76: {  	_ =	shalt  }
0x77: {  	_ =	shalt  }
0x78: {  	_ =	shalt  }
0x79: {  	_ =	shalt  }
0x7a: {  	_ =	shalt  }
0x7b: {  	_ =	shalt  }
0x7c: {  	_ =	shalt  }
0x7d: {  	_ =	shalt  }
0x7e: {  	_ =	shalt  }
0x7f: {  	_ =	shalt  }
0x80: {  	_ =	shalt  }
0x81: {  	_ =	shalt  }
0x82: {  	_ =	shalt  }
0x83: {  	_ =	shalt  }
0x84: {  	_ =	shalt  }
0x85: {  	_ =	shalt  }
0x86: {  	_ =	shalt  }
0x87: {  	_ =	shalt  }
.Lfunc_end0:
.L_simem_size_0:
called_computation.1_lowered:
.L_overlay_start_0:
0x88: {  	s2 =	sld [smem:$0x3FD9]  }
0x89: {  	s3 =	sld [smem:$0x3FFE];
	_ =	sdelay $0x1  }
0x8a: {  	s1 =	srdreg.scid  }
0x8b: {  	s0 =	sand.u32 $0x1, s1  }
0x8c: {  	s16 =	sshll.u32 s0, $0xA;
	s2 =	sadd.s32 s3, s2  }
0x8d: {  	s2 =	sadd.s32 s2, s16  }
0x8e: {  	[smem:$0x3FB8] =	sst s2  }
0x8f: {  	_ = 	snop  }
0x90: {  	(tm) =	ssettm $0x1  }
0x91: {  	s17 =	sld [smem:$0x3FFB];
	_ =	sdelay $0x3  }
0x92: {  	_ =	strace s17  }
0x93: {  	s2 =	sld [smem:$0x3FFC];
	_ =	sdelay $0x3  }
0x94: {  	_ =	strace s2  }
0x95: {  	s2 =	sld [smem:$0x3FFD];
	_ =	sdelay $0x3  }
0x96: {  	_ =	strace s2  }
0x97: {  	_ =	strace $0x8FFFFFFF  }
0x98: {  	s18 =	sld [smem:$0x3FDB];
	_ =	sdelay $0x1  }
0x99: {  	s19 =	simm.s32 $_scs_section_size  }
0x9a: {  	s4 =	simm.s32 $_size__tile_overlayer_lowered;
	s5 =	simm.s32 $_tile_overlayer_lowered  }
0x9b: {  	s22 =	simm.s32 $0x1BFF;
	s21 =	sshll.u32 s5, $0x1;
	s2 =	sadd.s32 s19, s18  }
0x9c: {  	s6 =	simm.s32 $0x0;
	s20 =	sshll.u32 s4, $0x1;
	s4 =	sadd.s32 s21, s2  }
0x9d: {  	[timem:s6], [sflag:s22] =	dma.local [hbm:s4], s20  }
0x9e: {  	_ =	swait.ge [sflag:s22], s20  }
0x9f: {  	s3 =	ssub.s32 $0x0, s20;
	[sflag:s22] =	ssyncset.done $0x0  }
0xa0: {  	[sflag:s22] =	ssyncadd.s32 s3;
	_ =	sdelay $0x1  }
0xa1: {  	s23 =	simm.s32 $0x1B8B  }
0xa2: {  	_ =	swait.ge [sflag:s23], $0x1  }
0xa3: {  	[sflag:s23] =	ssyncset.done $0x0  }
0xa4: {  	s25 =	simm.s32 $0x1B8E;
	s24 =	sld [smem:$0x3FFE];
	[sflag:s23] =	ssyncadd.s32 $0xFFFFFFFF  }
0xa5: {  	s26 =	simm.s32 $execute0_lowered;
	[smem:$0x3FD2] =	sst s25  }
0xa6: {  	s4 =	sshll.u32 s26, $0x1;
	_ =	strace $0x80000046;
	[dreg:$0x1] =	wrdreg $0xFFFFFFFF  }
0xa7: {  	s28 =	simm.s32 $_size_execute0_lowered;
	s2 =	sadd.s32 s2, s4;
	[dreg:$0x0] =	wrdreg $0x0  }
0xa8: {  	s4 =	sshll.u32 s28, $0x1;
	[dreg:$0x2] =	wrdreg s2  }
0xa9: {  	[dreg:$0x3] =	wrdreg s4  }
0xaa: {  	[dreg:$0x4] =	wrdreg $0xC0  }
0xab: {  	_ =	task [dreg:s6], $0x5FFFF  }
0xac: {  	[dreg:$0x1] =	wrdreg $0xFFFFFFFF  }
0xad: {  	[dreg:$0x0] =	wrdreg $0x60  }
0xae: {  	[dreg:$0x2] =	wrdreg s24  }
0xaf: {  	[dreg:$0x3] =	wrdreg $0xC0000  }
0xb0: {  	[dreg:$0x4] =	wrdreg $0xA  }
0xb1: {  	_ =	task.clear_ibuf [dreg:s6], $0x5FFFF;
	_ =	strace $0x90000046  }
0xb2: {  	s29 =	simm.s32 $0xA;
	_ =	strace $0x80000048  }
0xb3: {  	_ =	swait.ge [sflag:s29], $0x1  }
0xb4: {  	[sflag:s29] =	ssyncadd.s32 $0xFFFFFFFF  }
0xb5: {  	_ =	strace $0x90000048  }
0xb6: {  	_ =	sfence  }
0xb7: {  	s30 =	sld [smem:$0x0];
	_ =	sdelay $0x2  }
0xb8: {  	s31 =	sshll.u32 s1, $0xD;
	s1 =	sshrl.u32 s1, $0x2  }
0xb9: {  	s3 =	sand.u32 $0x4000, s31;
	s1 =	sadd.s32 s1, s30  }
0xba: {  	s0 =	sor.u32 s3, s0;
	s1 =	sshll.u32 s1, $0x11  }
0xbb: {  	s0 =	sor.u32 s1, s0  }
0xbc: {  	s0 =	sadd.s32 $0x8F2B, s0  }
0xbd: {  	[sflag:s0] =	ssyncadd.remote.s32 $0x1  }
0xbe: {  	_ =	sfence.sel $0xFFFF  }
0xbf: {  	[dreg:$0x0] =	wrdreg $0xFFFFFFFF;
	(pc) =	sbr.abs _section_cstart, $3  }
0xc0: {  	[dreg:$0x1] =	wrdreg $0xFFFFFFFF  }
0xc1: {  	_ =	task.clear_ibuf [dreg:s6], $0x2FFFF;
	_ =	strace $0x9FFFFFFF  }
0xc2: {  	(tm) =	ssettm $0x7FFFFFFF  }
0xc3: {  	_ =	shalt  }
tec
execute0_lowered:
.L_overlay_start_1:
0x0: {  	(tag) =	ssettag $0x1  }
0x1: {  	s0 =	srdreg.scid;
	s6 =	rddreg [dreg:$0x0]  }
0x2: {  	s2 =	rddreg [dreg:$0x1];
	s3 =	simm.s32 $0x0;
	s14 =	simm.s32 $0x40  }
0x3: {  	s15 =	simm.s32 $0xA000;
	s5 =	sand.u32 $0x1, s0;
	s0 =	stileid.u32  }
0x4: {  	s16 =	simm.s32 $0x1;
	s17 =	simm.s32 $0x0;
	s8 =	smul.u32 $0x13C00, s0  }
0x5: {  	[smem:$0x7FF] =	sst s3;
	s1 =	sshll.u32 s5, $0x4;
	s9 =	smul.u32 $0x13C000, s5  }
0x6: {  	s5 =	ssub.s32 $0x2, s5;
	s29 =	smul.u32 $0x4F000, s0;
	s31 =	sshll.u32 s0, $0x6  }
0x7: {  	s4 =	sor.u32 s0, s1;
	s1 =	rddreg [dreg:$0x2];
	_ =	strace $0x80000047  }
0x8: {  	s11 =	sshrl.u32 s5, $0x1;
	s7 =	smul.u32 $0xA00, s4;
	s4 =	sadd.s32 $0x5BA00, s6  }
0x9: {  	s28 =	sshrl.u32 s8, $0x3;
	s8 =	sadd.s32 s8, s9;
	s30 =	sshrl.u32 s29, $0x2  }
0xa: {  	s11 =	ssub.s32 s5, s11;
	s8 =	sshrl.u32 s8, $0x3;
	s13 =	sadd.s32 s30, s2  }
0xb: {  	s10 =	sadd.s32 s7, s6;
	s7 =	sadd.s32 s28, s6;
	s12 =	sadd.s32 s8, s6  }
0xc: {  	s6 =	sor.u32 $0x1C02, s31;
	s5 =	sadd.s32 $0x82C00, s7;
	s7 =	sadd.s32 $0x20800, s10  }
0xd: {  	s8 =	sadd.s32 $0xC800, s10;
	s9 =	sadd.s32 $0xAA400, s12;
	s10 =	smax.u32 s11, $0x1  }
0xe: {  	s11 =	sshrl.u32 s13, $0x3;
	s12 =	simm.s32 $0x2;
	s13 =	simm.s32 $0x5000  }
.LBB2_1:
0xf: {  	[spmem:s11], [sflag:s6] =	dma.local [hbm:s5], $0x2780  }
0x10: {  	_ =	swait.ge [sflag:s12], $0x2780  }
0x11: {  	[sflag:s12] =	ssyncset.done $0x0  }
0x12: {  	[sflag:s12] =	ssyncadd.s32 $0xFFFFD880  }
0x13: {  	[tilespmem:s3], [sflag:$0x2] =	stream.linear.gather [hbm4b:s7+s3], $0x4E80, $0x38;
	[tilespmem:$0x1FC00] =	vst v63  }
0x14: {  	_ =	swait.ge [sflag:s12], $0x4E80  }
0x15: {  	[sflag:s12] =	ssyncset.done $0x0  }
0x16: {  	[sflag:s12] =	ssyncadd.s32 $0xFFFFB180  }
0x17: {  	[tilespmem:s13], [sflag:$0x2] =	stream.linear.gather [hbm4b:s8+s3], $0x4E80, $0x38;
	[tilespmem:$0x1FC00] =	vst v63  }
0x18: {  	_ =	swait.ge [sflag:s12], $0x4E80  }
0x19: {  	[sflag:s12] =	ssyncset.done $0x0  }
0x1a: {  	[sflag:s12] =	ssyncadd.s32 $0xFFFFB180  }
0x1b: {  	s18 =	simm.s32 $0x0;
	[bflag:$0x0] =	sbarrier.arrive $0xFFFF  }
0x1c: {  	[tilespmem:s15], [sflag:$0x1] =	stream.indirect.gather [hbm4b:s4+s14], $0x80, s18, s14, $0xb8;
	[tilespmem:$0x1FC00] =	vst v63  }
0x1d: {  	_ =	swait.ge [sflag:s16], $0x2000  }
0x1e: {  	[sflag:s16] =	ssyncset.done $0x0  }
0x1f: {  	s31 =	simm.s32 $0x5000;
	[sflag:s16] =	ssyncadd.s32 $0xFFFFE000  }
0x20: {  	[spmem:s2] =	stream.indirect.scatter.add.f32 [tilespmem:s15], [sflag:$0x2], $0x80, s31, s14, $0xb8;
	[tilespmem:$0x1FC00] =	vst v63  }
0x21: {  	_ =	swait.ge [sflag:s12], $0x2000  }
0x22: {  	s19 =	simm.s32 $0x400;
	s18 =	simm.s32 $0x200;
	[sflag:s12] =	ssyncset.done $0x0  }
.LBB2_2:
0x23: {  	s20 =	sshra.s32 s18, $0x2  }
0x24: {  	[sflag:s12] =	ssyncadd.s32 $0xFFFFE000;
	s18 =	smov.u32 s19;
	s21 =	sadd.s32 $0x200, s19  }
0x25: {  	[tilespmem:s15], [sflag:$0x1] =	stream.indirect.gather [hbm4b:s4+s14], $0x80, s20, s14, $0xb8;
	[tilespmem:$0x1FC00] =	vst v63  }
0x26: {  	p0 =	sne.s32 s19, $0x13800;
	_ =	swait.ge [sflag:s16], $0x2000  }
.Ltmp0:
0x27: {  	[sflag:s16] =	ssyncset.done $0x0;
	(pc) =	sbr.rel @p0 .LBB2_2-.Ltmp0, $4  }
0x28: {  	s19 =	sadd.s32 $0x5000, s20;
	[sflag:s16] =	ssyncadd.s32 $0xFFFFE000  }
0x29: {  	[spmem:s2] =	stream.indirect.scatter.add.f32 [tilespmem:s15], [sflag:$0x2], $0x80, s19, s14, $0xb8;
	[tilespmem:$0x1FC00] =	vst v63  }
0x2a: {  	_ =	swait.ge [sflag:s12], $0x2000  }
0x2b: {  	s19 =	smov.u32 s21;
	[sflag:s12] =	ssyncset.done $0x0  }
0x2c: {  	s18 =	sshra.s32 s18, $0x2;
	[sflag:s12] =	ssyncadd.s32 $0xFFFFE000  }
0x2d: {  	[tilespmem:s15], [sflag:$0x1] =	stream.indirect.gather [hbm4b:s4+s14], $0x80, s18, s14, $0xb8;
	[tilespmem:$0x1FC00] =	vst v63  }
0x2e: {  	_ =	swait.ge [sflag:s16], $0x2000  }
0x2f: {  	[sflag:s16] =	ssyncset.done $0x0  }
0x30: {  	s18 =	sadd.s32 $0x5000, s18;
	[sflag:s16] =	ssyncadd.s32 $0xFFFFE000  }
0x31: {  	[spmem:s2] =	stream.indirect.scatter.add.f32 [tilespmem:s15], [sflag:$0x2], $0x80, s18, s14, $0xb8;
	[tilespmem:$0x1FC00] =	vst v63  }
0x32: {  	_ =	swait.ge [sflag:s12], $0x2000  }
0x33: {  	s17 =	sadd.s32 $0x1, s17;
	[sflag:s12] =	ssyncset.done $0x0  }
0x34: {  	p0 =	sne.s32 s17, s10;
	[sflag:s12] =	ssyncadd.s32 $0xFFFFE000  }
.Ltmp1:
0x35: {  	[bflag:$0x0] =	sbarrier.arrive $0xFFFF;
	(pc) =	sbr.rel @p0 .LBB2_1-.Ltmp1, $4  }
0x36: {  	[hbm:s9], [sflag:s6] =	dma.local [spmem:s11], $0x2780  }
0x37: {  	_ =	swait.ge [sflag:s12], $0x2780  }
0x38: {  	[sflag:s12] =	ssyncset.done $0x0  }
0x39: {  	[sflag:s12] =	ssyncadd.s32 $0xFFFFD880  }
0x3a: {  	_ =	sfence.sel $0x180000  }
0x3b: {  	[bflag:$0x0] =	sbarrier.arrive $0xFFFF  }
0x3c: {  	p0 =	sne.s32 s0, $0x0;
	_ =	strace $0x90000047  }
0x3d: {  	s0 =	sadd.s32 @!p0 $0x100000, s1;
	[bflag:$0x2] =	sbarrier.arrive $0xFFFF  }
0x3e: {  	[sflag:s0] =	ssyncadd.tile.s32 @!p0 $0x1;
	_ =	shalt  }
.Lfunc_end2:
_tile_overlayer_lowered:
.L_overlay_start_2:
0x3f: {  	(tag) =	ssettag $0x2  }
0x40: {  	s0 =	rddreg [dreg:$0x0];
	s2 =	stileid.u32  }
0x41: {  	s1 =	rddreg [dreg:$0x1];
	p0 =	sne.s32 s2, $0x0  }
0x42: {  	s3 =	rddreg [dreg:$0x2];
	[bflag:$0x3] =	sbarrier.arrive $0xFFFF;
	s2 =	simm.s32 @!p0 $0x1C02  }
0x43: {  	[timem:s3], [sflag:s2] =	dma.local @!p0 [hbm:s0], s1  }
0x44: {  	s0 =	simm.s32 @!p0 $0x2  }
0x45: {  	_ =	swait.ge @!p0 [sflag:s0], s1  }
0x46: {  	s1 =	ssub.s32 @!p0 $0x0, s1;
	[sflag:s0] =	ssyncset.done @!p0 $0x0  }
0x47: {  	[sflag:s0] =	ssyncadd.s32 @!p0 s1  }
0x48: {  	[bflag:$0x3] =	sbarrier.arrive $0xFFFF  }
0x49: {  	_ =	shalt  }

// kernel: kernel.31.cloned.1.call-start
scs
__scs_entry_jumppad:
0x0: {  	(pc) =	sbr.rel $0x88, $3  }
0x1: {  	(tag) =	ssettag $0x0;
	lr =	simm.s32 $0x1  }
0x2: {  	[smem:$0x3F91] =	sst lr;
	_ =	strace $0xD0000000  }
0x3: {  	_ = 	snop  }
0x4: {  	_ = 	snop  }
0x5: {  	_ = 	snop  }
0x6: {  	_ = 	snop  }
0x7: {  	_ = 	snop  }
__scs_overlays_trampoline_lowered:
0x8: {  	[smem:$0x3FA0] =	sst s0  }
0x9: {  	[smem:$0x3FA1] =	sst s1  }
0xa: {  	[smem:$0x3FA2] =	sst s2  }
0xb: {  	[smem:$0x3FA3] =	sst s3  }
0xc: {  	[smem:$0x3FA4] =	sst s4  }
0xd: {  	[smem:$0x3FA5] =	sst s5  }
0xe: {  	[smem:$0x3FA6] =	sst s6  }
0xf: {  	[smem:$0x3FA7] =	sst s7  }
0x10: {  	[smem:$0x3FA8] =	sst s8  }
0x11: {  	[smem:$0x3FA9] =	sst s9;
	s0 =	simm.s32 @!p0 $0x0  }
0x12: {  	s1 =	sld [smem:$0x3F8F];
	s0 =	simm.s32 @p0 $0x1  }
0x13: {  	[smem:$0x3FAA] =	sst s0;
	s0 =	simm.s32 @!p1 $0x0  }
0x14: {  	s2 =	sld [smem:$0x3F8E];
	s0 =	simm.s32 @p1 $0x1  }
0x15: {  	[smem:$0x3FAB] =	sst s0;
	s0 =	simm.s32 @!p2 $0x0  }
0x16: {  	s3 =	sld [smem:$0x3FDB];
	s0 =	simm.s32 @p2 $0x1  }
0x17: {  	s4 =	simm.s32 $0x1BF5;
	[smem:$0x3FAD] =	sst s0  }
0x18: {  	s0 =	sld [smem:$0x3F90];
	_ =	swait.ge [sflag:s4], $0x0  }
0x19: {  	s7 =	sld [smem:$0x3F91]  }
0x1a: {  	s8 =	sadd.s32 $0xFFFFE003, lr  }
0x1b: {  	s9 =	sadd.s32 $0xFFFFFEF7, lr;
	s5 =	simm.s32 $0xFFFFFFFF;
	p2 =	slt.u32 s8, $0xFFFFF086  }
0x1c: {  	p1 =	slt.u32 s9, $0xF7A;
	s5 =	simm.s32 @!p2 $0x0  }
0x1d: {  	s5 =	simm.s32 @p1 $0x1;
	p0 =	seq.s32 s7, s2  }
0x1e: {  	s7 =	smul.u32 @!p0 $0xF7A, s2;
	p2 =	seq.s32 @!p0 s5, $0x0  }
0x1f: {  	s9 =	smul.u32 $0xF7A, s1;
	s8 =	simm.s32 @!p0 $0x1BF5;
	p2 =	por !p2, p0  }
0x20: {  	[sflag:s8] =	ssyncset.s32 @!p0 $0xFFFFF086;
	s6 =	sadd.s32 @!p0 s3, s7;
	s7 =	simm.s32 @!p0 $0x108  }
0x21: {  	s3 =	sadd.s32 s3, s9;
	s6 =	sadd.s32 @!p0 $0x88, s6;
	s7 =	simm.s32 @p2 $0x1082  }
0x22: {  	[simem:s7], [sflag:s8] =	dma.local @!p0 [hbm:s6], $0xF7A  }
0x23: {  	s9 =	sor.u32 $0xD0000000, s2;
	s6 =	simm.s32 $0x108;
	_ =	swait.ge @!p0 [sflag:s8], $0x0  }
0x24: {  	s3 =	sadd.s32 $0x88, s3;
	s6 =	simm.s32 @!p1 $0x1082;
	[sflag:s4] =	ssyncset.s32 $0xFFFFF086  }
0x25: {  	[simem:s6], [sflag:s4] =	dma.local [hbm:s3], $0xF7A  }
0x26: {  	[smem:$0x3F91] =	sst s1;
	(tag) =	ssettag s2;
	_ =	strace s9  }
0x27: {  	s1 =	sld [smem:$0x3FA1]  }
0x28: {  	s2 =	sld [smem:$0x3FA2]  }
0x29: {  	s4 =	sld [smem:$0x3FA4]  }
0x2a: {  	p0 =	seq.s32 s5, $0x0;
	s5 =	sld [smem:$0x3FA5]  }
0x2b: {  	s6 =	sld [smem:$0x3FA6]  }
0x2c: {  	s7 =	sld [smem:$0x3FA7]  }
0x2d: {  	s3 =	simm.s32 $0x108;
	s8 =	sld [smem:$0x3FA8]  }
0x2e: {  	s3 =	simm.s32 @!p0 $0x1082;
	s9 =	sld [smem:$0x3FA9]  }
0x2f: {  	lr =	sadd.s32 s0, s3;
	s0 =	sld [smem:$0x3FA0]  }
0x30: {  	s3 =	sld [smem:$0x3FA3]  }
0x31: {  	[smem:$0x3FAC] =	sst s10  }
0x32: {  	s10 =	sld [smem:$0x3FAA];
	_ =	sdelay $0x3  }
0x33: {  	p0 =	seq.s32 s10, $0x1;
	s10 =	sld [smem:$0x3FAC];
	_ =	sdelay $0x3  }
0x34: {  	[smem:$0x3FAC] =	sst s10  }
0x35: {  	s10 =	sld [smem:$0x3FAB];
	_ =	sdelay $0x3  }
0x36: {  	p1 =	seq.s32 s10, $0x1;
	s10 =	sld [smem:$0x3FAC];
	_ =	sdelay $0x3  }
0x37: {  	[smem:$0x3FAC] =	sst s10  }
0x38: {  	s10 =	sld [smem:$0x3FAD]  }
0x39: {  	_ = 	snop;
	(pc) =	sbr.ind lr, $3  }
0x3a: {  	_ = 	snop  }
0x3b: {  	_ = 	snop  }
0x3c: {  	p2 =	seq.s32 s10, $0x1;
	s10 =	sld [smem:$0x3FAC]  }
0x3d: {  	_ =	shalt  }
0x3e: {  	_ =	shalt  }
0x3f: {  	_ =	shalt  }
0x40: {  	_ =	shalt  }
0x41: {  	_ =	shalt  }
0x42: {  	_ =	shalt  }
0x43: {  	_ =	shalt  }
0x44: {  	_ =	shalt  }
0x45: {  	_ =	shalt  }
0x46: {  	_ =	shalt  }
0x47: {  	_ =	shalt  }
0x48: {  	_ =	shalt  }
0x49: {  	_ =	shalt  }
0x4a: {  	_ =	shalt  }
0x4b: {  	_ =	shalt  }
0x4c: {  	_ =	shalt  }
0x4d: {  	_ =	shalt  }
0x4e: {  	_ =	shalt  }
0x4f: {  	_ =	shalt  }
0x50: {  	_ =	shalt  }
0x51: {  	_ =	shalt  }
0x52: {  	_ =	shalt  }
0x53: {  	_ =	shalt  }
0x54: {  	_ =	shalt  }
0x55: {  	_ =	shalt  }
0x56: {  	_ =	shalt  }
0x57: {  	_ =	shalt  }
0x58: {  	_ =	shalt  }
0x59: {  	_ =	shalt  }
0x5a: {  	_ =	shalt  }
0x5b: {  	_ =	shalt  }
0x5c: {  	_ =	shalt  }
0x5d: {  	_ =	shalt  }
0x5e: {  	_ =	shalt  }
0x5f: {  	_ =	shalt  }
0x60: {  	_ =	shalt  }
0x61: {  	_ =	shalt  }
0x62: {  	_ =	shalt  }
0x63: {  	_ =	shalt  }
0x64: {  	_ =	shalt  }
0x65: {  	_ =	shalt  }
0x66: {  	_ =	shalt  }
0x67: {  	_ =	shalt  }
0x68: {  	_ =	shalt  }
0x69: {  	_ =	shalt  }
0x6a: {  	_ =	shalt  }
0x6b: {  	_ =	shalt  }
0x6c: {  	_ =	shalt  }
0x6d: {  	_ =	shalt  }
0x6e: {  	_ =	shalt  }
0x6f: {  	_ =	shalt  }
0x70: {  	_ =	shalt  }
0x71: {  	_ =	shalt  }
0x72: {  	_ =	shalt  }
0x73: {  	_ =	shalt  }
0x74: {  	_ =	shalt  }
0x75: {  	_ =	shalt  }
0x76: {  	_ =	shalt  }
0x77: {  	_ =	shalt  }
0x78: {  	_ =	shalt  }
0x79: {  	_ =	shalt  }
0x7a: {  	_ =	shalt  }
0x7b: {  	_ =	shalt  }
0x7c: {  	_ =	shalt  }
0x7d: {  	_ =	shalt  }
0x7e: {  	_ =	shalt  }
0x7f: {  	_ =	shalt  }
0x80: {  	_ =	shalt  }
0x81: {  	_ =	shalt  }
0x82: {  	_ =	shalt  }
0x83: {  	_ =	shalt  }
0x84: {  	_ =	shalt  }
0x85: {  	_ =	shalt  }
0x86: {  	_ =	shalt  }
0x87: {  	_ =	shalt  }
.Lfunc_end0:
.L_simem_size_0:
called_computation.2_lowered:
.L_overlay_start_0:
0x88: {  	s2 =	sld [smem:$0x3FD9]  }
0x89: {  	s3 =	sld [smem:$0x3FFE];
	_ =	sdelay $0x1  }
0x8a: {  	s1 =	srdreg.scid  }
0x8b: {  	s0 =	sand.u32 $0x1, s1  }
0x8c: {  	s16 =	sshll.u32 s0, $0xA;
	s2 =	sadd.s32 s3, s2  }
0x8d: {  	s2 =	sadd.s32 s2, s16  }
0x8e: {  	[smem:$0x3FB8] =	sst s2  }
0x8f: {  	_ = 	snop  }
0x90: {  	(tm) =	ssettm $0x1  }
0x91: {  	s17 =	sld [smem:$0x3FFB];
	_ =	sdelay $0x3  }
0x92: {  	_ =	strace s17  }
0x93: {  	s2 =	sld [smem:$0x3FFC];
	_ =	sdelay $0x3  }
0x94: {  	_ =	strace s2  }
0x95: {  	s2 =	sld [smem:$0x3FFD];
	_ =	sdelay $0x3  }
0x96: {  	_ =	strace s2  }
0x97: {  	_ =	strace $0x8FFFFFFF  }
0x98: {  	s18 =	sld [smem:$0x3FDB];
	_ =	sdelay $0x1  }
0x99: {  	s19 =	simm.s32 $_scs_section_size  }
0x9a: {  	s4 =	simm.s32 $_size__tile_overlayer_lowered;
	s5 =	simm.s32 $_tile_overlayer_lowered  }
0x9b: {  	s22 =	simm.s32 $0x1BFF;
	s21 =	sshll.u32 s5, $0x1;
	s2 =	sadd.s32 s19, s18  }
0x9c: {  	s6 =	simm.s32 $0x0;
	s20 =	sshll.u32 s4, $0x1;
	s4 =	sadd.s32 s21, s2  }
0x9d: {  	[timem:s6], [sflag:s22] =	dma.local [hbm:s4], s20  }
0x9e: {  	_ =	swait.ge [sflag:s22], s20  }
0x9f: {  	s3 =	ssub.s32 $0x0, s20;
	[sflag:s22] =	ssyncset.done $0x0  }
0xa0: {  	[sflag:s22] =	ssyncadd.s32 s3;
	_ =	sdelay $0x1  }
0xa1: {  	s23 =	simm.s32 $0x1B8B  }
0xa2: {  	_ =	swait.ge [sflag:s23], $0x1  }
0xa3: {  	[sflag:s23] =	ssyncset.done $0x0  }
0xa4: {  	s25 =	simm.s32 $0x1B8E;
	s24 =	sld [smem:$0x3FFE];
	[sflag:s23] =	ssyncadd.s32 $0xFFFFFFFF  }
0xa5: {  	s26 =	simm.s32 $execute0_lowered;
	[smem:$0x3FD2] =	sst s25  }
0xa6: {  	s4 =	sshll.u32 s26, $0x1;
	_ =	strace $0x8000004C;
	[dreg:$0x1] =	wrdreg $0xFFFFFFFF  }
0xa7: {  	s28 =	simm.s32 $_size_execute0_lowered;
	s2 =	sadd.s32 s2, s4;
	[dreg:$0x0] =	wrdreg $0x0  }
0xa8: {  	s4 =	sshll.u32 s28, $0x1;
	[dreg:$0x2] =	wrdreg s2  }
0xa9: {  	[dreg:$0x3] =	wrdreg s4  }
0xaa: {  	[dreg:$0x4] =	wrdreg $0xC0  }
0xab: {  	_ =	task [dreg:s6], $0x5FFFF  }
0xac: {  	[dreg:$0x1] =	wrdreg $0xFFFFFFFF  }
0xad: {  	[dreg:$0x0] =	wrdreg $0x60  }
0xae: {  	[dreg:$0x2] =	wrdreg s24  }
0xaf: {  	[dreg:$0x3] =	wrdreg $0xC0000  }
0xb0: {  	[dreg:$0x4] =	wrdreg $0x9  }
0xb1: {  	_ =	task.clear_ibuf [dreg:s6], $0x5FFFF;
	_ =	strace $0x9000004C  }
0xb2: {  	s29 =	simm.s32 $0x9;
	_ =	strace $0x8000004E  }
0xb3: {  	_ =	swait.ge [sflag:s29], $0x1  }
0xb4: {  	[sflag:s29] =	ssyncadd.s32 $0xFFFFFFFF  }
0xb5: {  	_ =	strace $0x9000004E  }
0xb6: {  	_ =	sfence  }
0xb7: {  	s30 =	sld [smem:$0x0];
	_ =	sdelay $0x2  }
0xb8: {  	s31 =	sshll.u32 s1, $0xD;
	s1 =	sshrl.u32 s1, $0x2  }
0xb9: {  	s3 =	sand.u32 $0x4000, s31;
	s1 =	sadd.s32 s1, s30  }
0xba: {  	s0 =	sor.u32 s3, s0;
	s1 =	sshll.u32 s1, $0x11  }
0xbb: {  	s0 =	sor.u32 s1, s0  }
0xbc: {  	s0 =	sadd.s32 $0x8F2B, s0  }
0xbd: {  	[sflag:s0] =	ssyncadd.remote.s32 $0x1  }
0xbe: {  	_ =	sfence.sel $0xFFFF  }
0xbf: {  	[dreg:$0x0] =	wrdreg $0xFFFFFFFF;
	(pc) =	sbr.abs _section_cstart, $3  }
0xc0: {  	[dreg:$0x1] =	wrdreg $0xFFFFFFFF  }
0xc1: {  	_ =	task.clear_ibuf [dreg:s6], $0x2FFFF;
	_ =	strace $0x9FFFFFFF  }
0xc2: {  	(tm) =	ssettm $0x7FFFFFFF  }
0xc3: {  	_ =	shalt  }
tec
execute0_lowered:
.L_overlay_start_1:
0x0: {  	(tag) =	ssettag $0x1  }
0x1: {  	s0 =	srdreg.scid;
	s6 =	rddreg [dreg:$0x0]  }
0x2: {  	s2 =	rddreg [dreg:$0x1];
	s3 =	simm.s32 $0x0;
	s14 =	simm.s32 $0x40  }
0x3: {  	s15 =	simm.s32 $0xA000;
	s5 =	sand.u32 $0x1, s0;
	s0 =	stileid.u32  }
0x4: {  	s16 =	simm.s32 $0x1;
	s17 =	simm.s32 $0x0;
	s8 =	smul.u32 $0x13C00, s0  }
0x5: {  	[smem:$0x7FF] =	sst s3;
	s1 =	sshll.u32 s5, $0x4;
	s9 =	smul.u32 $0x13C000, s5  }
0x6: {  	s5 =	ssub.s32 $0x2, s5;
	s29 =	smul.u32 $0x4F000, s0;
	s31 =	sshll.u32 s0, $0x6  }
0x7: {  	s4 =	sor.u32 s0, s1;
	s1 =	rddreg [dreg:$0x2];
	_ =	strace $0x8000004D  }
0x8: {  	s11 =	sshrl.u32 s5, $0x1;
	s7 =	smul.u32 $0xA00, s4;
	s4 =	sadd.s32 $0x5BA00, s6  }
0x9: {  	s28 =	sshrl.u32 s8, $0x3;
	s8 =	sadd.s32 s8, s9;
	s30 =	sshrl.u32 s29, $0x2  }
0xa: {  	s11 =	ssub.s32 s5, s11;
	s8 =	sshrl.u32 s8, $0x3;
	s13 =	sadd.s32 s30, s2  }
0xb: {  	s10 =	sadd.s32 s7, s6;
	s7 =	sadd.s32 s28, s6;
	s12 =	sadd.s32 s8, s6  }
0xc: {  	s6 =	sor.u32 $0x1C02, s31;
	s5 =	sadd.s32 $0x82C00, s7;
	s7 =	sadd.s32 $0x20800, s10  }
0xd: {  	s8 =	sadd.s32 $0xC800, s10;
	s9 =	sadd.s32 $0xAA400, s12;
	s10 =	smax.u32 s11, $0x1  }
0xe: {  	s11 =	sshrl.u32 s13, $0x3;
	s12 =	simm.s32 $0x2;
	s13 =	simm.s32 $0x5000  }
.LBB2_1:
0xf: {  	[spmem:s11], [sflag:s6] =	dma.local [hbm:s5], $0x2780  }
0x10: {  	_ =	swait.ge [sflag:s12], $0x2780  }
0x11: {  	[sflag:s12] =	ssyncset.done $0x0  }
0x12: {  	[sflag:s12] =	ssyncadd.s32 $0xFFFFD880  }
0x13: {  	[tilespmem:s3], [sflag:$0x2] =	stream.linear.gather [hbm4b:s7+s3], $0x4E80, $0x38;
	[tilespmem:$0x1FC00] =	vst v63  }
0x14: {  	_ =	swait.ge [sflag:s12], $0x4E80  }
0x15: {  	[sflag:s12] =	ssyncset.done $0x0  }
0x16: {  	[sflag:s12] =	ssyncadd.s32 $0xFFFFB180  }
0x17: {  	[tilespmem:s13], [sflag:$0x2] =	stream.linear.gather [hbm4b:s8+s3], $0x4E80, $0x38;
	[tilespmem:$0x1FC00] =	vst v63  }
0x18: {  	_ =	swait.ge [sflag:s12], $0x4E80  }
0x19: {  	[sflag:s12] =	ssyncset.done $0x0  }
0x1a: {  	[sflag:s12] =	ssyncadd.s32 $0xFFFFB180  }
0x1b: {  	s18 =	simm.s32 $0x0;
	[bflag:$0x0] =	sbarrier.arrive $0xFFFF  }
0x1c: {  	[tilespmem:s15], [sflag:$0x1] =	stream.indirect.gather [hbm4b:s4+s14], $0x80, s18, s14, $0xb8;
	[tilespmem:$0x1FC00] =	vst v63  }
0x1d: {  	_ =	swait.ge [sflag:s16], $0x2000  }
0x1e: {  	[sflag:s16] =	ssyncset.done $0x0  }
0x1f: {  	s31 =	simm.s32 $0x5000;
	[sflag:s16] =	ssyncadd.s32 $0xFFFFE000  }
0x20: {  	[spmem:s2] =	stream.indirect.scatter.add.f32 [tilespmem:s15], [sflag:$0x2], $0x80, s31, s14, $0xb8;
	[tilespmem:$0x1FC00] =	vst v63  }
0x21: {  	_ =	swait.ge [sflag:s12], $0x2000  }
0x22: {  	s19 =	simm.s32 $0x400;
	s18 =	simm.s32 $0x200;
	[sflag:s12] =	ssyncset.done $0x0  }
.LBB2_2:
0x23: {  	s20 =	sshra.s32 s18, $0x2  }
0x24: {  	[sflag:s12] =	ssyncadd.s32 $0xFFFFE000;
	s18 =	smov.u32 s19;
	s21 =	sadd.s32 $0x200, s19  }
0x25: {  	[tilespmem:s15], [sflag:$0x1] =	stream.indirect.gather [hbm4b:s4+s14], $0x80, s20, s14, $0xb8;
	[tilespmem:$0x1FC00] =	vst v63  }
0x26: {  	p0 =	sne.s32 s19, $0x13800;
	_ =	swait.ge [sflag:s16], $0x2000  }
.Ltmp0:
0x27: {  	[sflag:s16] =	ssyncset.done $0x0;
	(pc) =	sbr.rel @p0 .LBB2_2-.Ltmp0, $4  }
0x28: {  	s19 =	sadd.s32 $0x5000, s20;
	[sflag:s16] =	ssyncadd.s32 $0xFFFFE000  }
0x29: {  	[spmem:s2] =	stream.indirect.scatter.add.f32 [tilespmem:s15], [sflag:$0x2], $0x80, s19, s14, $0xb8;
	[tilespmem:$0x1FC00] =	vst v63  }
0x2a: {  	_ =	swait.ge [sflag:s12], $0x2000  }
0x2b: {  	s19 =	smov.u32 s21;
	[sflag:s12] =	ssyncset.done $0x0  }
0x2c: {  	s18 =	sshra.s32 s18, $0x2;
	[sflag:s12] =	ssyncadd.s32 $0xFFFFE000  }
0x2d: {  	[tilespmem:s15], [sflag:$0x1] =	stream.indirect.gather [hbm4b:s4+s14], $0x80, s18, s14, $0xb8;
	[tilespmem:$0x1FC00] =	vst v63  }
0x2e: {  	_ =	swait.ge [sflag:s16], $0x2000  }
0x2f: {  	[sflag:s16] =	ssyncset.done $0x0  }
0x30: {  	s18 =	sadd.s32 $0x5000, s18;
	[sflag:s16] =	ssyncadd.s32 $0xFFFFE000  }
0x31: {  	[spmem:s2] =	stream.indirect.scatter.add.f32 [tilespmem:s15], [sflag:$0x2], $0x80, s18, s14, $0xb8;
	[tilespmem:$0x1FC00] =	vst v63  }
0x32: {  	_ =	swait.ge [sflag:s12], $0x2000  }
0x33: {  	s17 =	sadd.s32 $0x1, s17;
	[sflag:s12] =	ssyncset.done $0x0  }
0x34: {  	p0 =	sne.s32 s17, s10;
	[sflag:s12] =	ssyncadd.s32 $0xFFFFE000  }
.Ltmp1:
0x35: {  	[bflag:$0x0] =	sbarrier.arrive $0xFFFF;
	(pc) =	sbr.rel @p0 .LBB2_1-.Ltmp1, $4  }
0x36: {  	[hbm:s9], [sflag:s6] =	dma.local [spmem:s11], $0x2780  }
0x37: {  	_ =	swait.ge [sflag:s12], $0x2780  }
0x38: {  	[sflag:s12] =	ssyncset.done $0x0  }
0x39: {  	[sflag:s12] =	ssyncadd.s32 $0xFFFFD880  }
0x3a: {  	_ =	sfence.sel $0x180000  }
0x3b: {  	[bflag:$0x0] =	sbarrier.arrive $0xFFFF  }
0x3c: {  	p0 =	sne.s32 s0, $0x0;
	_ =	strace $0x9000004D  }
0x3d: {  	s0 =	sadd.s32 @!p0 $0x100000, s1;
	[bflag:$0x2] =	sbarrier.arrive $0xFFFF  }
0x3e: {  	[sflag:s0] =	ssyncadd.tile.s32 @!p0 $0x1;
	_ =	shalt  }
.Lfunc_end2:
_tile_overlayer_lowered:
.L_overlay_start_2:
0x3f: {  	(tag) =	ssettag $0x2  }
0x40: {  	s0 =	rddreg [dreg:$0x0];
	s2 =	stileid.u32  }
0x41: {  	s1 =	rddreg [dreg:$0x1];
	p0 =	sne.s32 s2, $0x0  }
0x42: {  	s3 =	rddreg [dreg:$0x2];
	[bflag:$0x3] =	sbarrier.arrive $0xFFFF;
	s2 =	simm.s32 @!p0 $0x1C02  }
0x43: {  	[timem:s3], [sflag:s2] =	dma.local @!p0 [hbm:s0], s1  }
0x44: {  	s0 =	simm.s32 @!p0 $0x2  }
0x45: {  	_ =	swait.ge @!p0 [sflag:s0], s1  }
0x46: {  	s1 =	ssub.s32 @!p0 $0x0, s1;
	[sflag:s0] =	ssyncset.done @!p0 $0x0  }
0x47: {  	[sflag:s0] =	ssyncadd.s32 @!p0 s1  }
0x48: {  	[bflag:$0x3] =	sbarrier.arrive $0xFFFF  }
0x49: {  	_ =	shalt  }

// kernel: kernel.34.cloned.1.call-start
scs
__scs_entry_jumppad:
0x0: {  	(pc) =	sbr.rel $0x88, $3  }
0x1: {  	(tag) =	ssettag $0x0;
	lr =	simm.s32 $0x1  }
0x2: {  	[smem:$0x3F91] =	sst lr;
	_ =	strace $0xD0000000  }
0x3: {  	_ = 	snop  }
0x4: {  	_ = 	snop  }
0x5: {  	_ = 	snop  }
0x6: {  	_ = 	snop  }
0x7: {  	_ = 	snop  }
__scs_overlays_trampoline_lowered:
0x8: {  	[smem:$0x3FA0] =	sst s0  }
0x9: {  	[smem:$0x3FA1] =	sst s1  }
0xa: {  	[smem:$0x3FA2] =	sst s2  }
0xb: {  	[smem:$0x3FA3] =	sst s3  }
0xc: {  	[smem:$0x3FA4] =	sst s4  }
0xd: {  	[smem:$0x3FA5] =	sst s5  }
0xe: {  	[smem:$0x3FA6] =	sst s6  }
0xf: {  	[smem:$0x3FA7] =	sst s7  }
0x10: {  	[smem:$0x3FA8] =	sst s8  }
0x11: {  	[smem:$0x3FA9] =	sst s9;
	s0 =	simm.s32 @!p0 $0x0  }
0x12: {  	s1 =	sld [smem:$0x3F8F];
	s0 =	simm.s32 @p0 $0x1  }
0x13: {  	[smem:$0x3FAA] =	sst s0;
	s0 =	simm.s32 @!p1 $0x0  }
0x14: {  	s2 =	sld [smem:$0x3F8E];
	s0 =	simm.s32 @p1 $0x1  }
0x15: {  	[smem:$0x3FAB] =	sst s0;
	s0 =	simm.s32 @!p2 $0x0  }
0x16: {  	s3 =	sld [smem:$0x3FDB];
	s0 =	simm.s32 @p2 $0x1  }
0x17: {  	s4 =	simm.s32 $0x1BF5;
	[smem:$0x3FAD] =	sst s0  }
0x18: {  	s0 =	sld [smem:$0x3F90];
	_ =	swait.ge [sflag:s4], $0x0  }
0x19: {  	s7 =	sld [smem:$0x3F91]  }
0x1a: {  	s8 =	sadd.s32 $0xFFFFE003, lr  }
0x1b: {  	s9 =	sadd.s32 $0xFFFFFEF7, lr;
	s5 =	simm.s32 $0xFFFFFFFF;
	p2 =	slt.u32 s8, $0xFFFFF086  }
0x1c: {  	p1 =	slt.u32 s9, $0xF7A;
	s5 =	simm.s32 @!p2 $0x0  }
0x1d: {  	s5 =	simm.s32 @p1 $0x1;
	p0 =	seq.s32 s7, s2  }
0x1e: {  	s7 =	smul.u32 @!p0 $0xF7A, s2;
	p2 =	seq.s32 @!p0 s5, $0x0  }
0x1f: {  	s9 =	smul.u32 $0xF7A, s1;
	s8 =	simm.s32 @!p0 $0x1BF5;
	p2 =	por !p2, p0  }
0x20: {  	[sflag:s8] =	ssyncset.s32 @!p0 $0xFFFFF086;
	s6 =	sadd.s32 @!p0 s3, s7;
	s7 =	simm.s32 @!p0 $0x108  }
0x21: {  	s3 =	sadd.s32 s3, s9;
	s6 =	sadd.s32 @!p0 $0x88, s6;
	s7 =	simm.s32 @p2 $0x1082  }
0x22: {  	[simem:s7], [sflag:s8] =	dma.local @!p0 [hbm:s6], $0xF7A  }
0x23: {  	s9 =	sor.u32 $0xD0000000, s2;
	s6 =	simm.s32 $0x108;
	_ =	swait.ge @!p0 [sflag:s8], $0x0  }
0x24: {  	s3 =	sadd.s32 $0x88, s3;
	s6 =	simm.s32 @!p1 $0x1082;
	[sflag:s4] =	ssyncset.s32 $0xFFFFF086  }
0x25: {  	[simem:s6], [sflag:s4] =	dma.local [hbm:s3], $0xF7A  }
0x26: {  	[smem:$0x3F91] =	sst s1;
	(tag) =	ssettag s2;
	_ =	strace s9  }
0x27: {  	s1 =	sld [smem:$0x3FA1]  }
0x28: {  	s2 =	sld [smem:$0x3FA2]  }
0x29: {  	s4 =	sld [smem:$0x3FA4]  }
0x2a: {  	p0 =	seq.s32 s5, $0x0;
	s5 =	sld [smem:$0x3FA5]  }
0x2b: {  	s6 =	sld [smem:$0x3FA6]  }
0x2c: {  	s7 =	sld [smem:$0x3FA7]  }
0x2d: {  	s3 =	simm.s32 $0x108;
	s8 =	sld [smem:$0x3FA8]  }
0x2e: {  	s3 =	simm.s32 @!p0 $0x1082;
	s9 =	sld [smem:$0x3FA9]  }
0x2f: {  	lr =	sadd.s32 s0, s3;
	s0 =	sld [smem:$0x3FA0]  }
0x30: {  	s3 =	sld [smem:$0x3FA3]  }
0x31: {  	[smem:$0x3FAC] =	sst s10  }
0x32: {  	s10 =	sld [smem:$0x3FAA];
	_ =	sdelay $0x3  }
0x33: {  	p0 =	seq.s32 s10, $0x1;
	s10 =	sld [smem:$0x3FAC];
	_ =	sdelay $0x3  }
0x34: {  	[smem:$0x3FAC] =	sst s10  }
0x35: {  	s10 =	sld [smem:$0x3FAB];
	_ =	sdelay $0x3  }
0x36: {  	p1 =	seq.s32 s10, $0x1;
	s10 =	sld [smem:$0x3FAC];
	_ =	sdelay $0x3  }
0x37: {  	[smem:$0x3FAC] =	sst s10  }
0x38: {  	s10 =	sld [smem:$0x3FAD]  }
0x39: {  	_ = 	snop;
	(pc) =	sbr.ind lr, $3  }
0x3a: {  	_ = 	snop  }
0x3b: {  	_ = 	snop  }
0x3c: {  	p2 =	seq.s32 s10, $0x1;
	s10 =	sld [smem:$0x3FAC]  }
0x3d: {  	_ =	shalt  }
0x3e: {  	_ =	shalt  }
0x3f: {  	_ =	shalt  }
0x40: {  	_ =	shalt  }
0x41: {  	_ =	shalt  }
0x42: {  	_ =	shalt  }
0x43: {  	_ =	shalt  }
0x44: {  	_ =	shalt  }
0x45: {  	_ =	shalt  }
0x46: {  	_ =	shalt  }
0x47: {  	_ =	shalt  }
0x48: {  	_ =	shalt  }
0x49: {  	_ =	shalt  }
0x4a: {  	_ =	shalt  }
0x4b: {  	_ =	shalt  }
0x4c: {  	_ =	shalt  }
0x4d: {  	_ =	shalt  }
0x4e: {  	_ =	shalt  }
0x4f: {  	_ =	shalt  }
0x50: {  	_ =	shalt  }
0x51: {  	_ =	shalt  }
0x52: {  	_ =	shalt  }
0x53: {  	_ =	shalt  }
0x54: {  	_ =	shalt  }
0x55: {  	_ =	shalt  }
0x56: {  	_ =	shalt  }
0x57: {  	_ =	shalt  }
0x58: {  	_ =	shalt  }
0x59: {  	_ =	shalt  }
0x5a: {  	_ =	shalt  }
0x5b: {  	_ =	shalt  }
0x5c: {  	_ =	shalt  }
0x5d: {  	_ =	shalt  }
0x5e: {  	_ =	shalt  }
0x5f: {  	_ =	shalt  }
0x60: {  	_ =	shalt  }
0x61: {  	_ =	shalt  }
0x62: {  	_ =	shalt  }
0x63: {  	_ =	shalt  }
0x64: {  	_ =	shalt  }
0x65: {  	_ =	shalt  }
0x66: {  	_ =	shalt  }
0x67: {  	_ =	shalt  }
0x68: {  	_ =	shalt  }
0x69: {  	_ =	shalt  }
0x6a: {  	_ =	shalt  }
0x6b: {  	_ =	shalt  }
0x6c: {  	_ =	shalt  }
0x6d: {  	_ =	shalt  }
0x6e: {  	_ =	shalt  }
0x6f: {  	_ =	shalt  }
0x70: {  	_ =	shalt  }
0x71: {  	_ =	shalt  }
0x72: {  	_ =	shalt  }
0x73: {  	_ =	shalt  }
0x74: {  	_ =	shalt  }
0x75: {  	_ =	shalt  }
0x76: {  	_ =	shalt  }
0x77: {  	_ =	shalt  }
0x78: {  	_ =	shalt  }
0x79: {  	_ =	shalt  }
0x7a: {  	_ =	shalt  }
0x7b: {  	_ =	shalt  }
0x7c: {  	_ =	shalt  }
0x7d: {  	_ =	shalt  }
0x7e: {  	_ =	shalt  }
0x7f: {  	_ =	shalt  }
0x80: {  	_ =	shalt  }
0x81: {  	_ =	shalt  }
0x82: {  	_ =	shalt  }
0x83: {  	_ =	shalt  }
0x84: {  	_ =	shalt  }
0x85: {  	_ =	shalt  }
0x86: {  	_ =	shalt  }
0x87: {  	_ =	shalt  }
.Lfunc_end0:
.L_simem_size_0:
called_computation.3_lowered:
.L_overlay_start_0:
0x88: {  	s2 =	sld [smem:$0x3FD9]  }
0x89: {  	s3 =	sld [smem:$0x3FFE];
	_ =	sdelay $0x1  }
0x8a: {  	s1 =	srdreg.scid  }
0x8b: {  	s0 =	sand.u32 $0x1, s1  }
0x8c: {  	s16 =	sshll.u32 s0, $0xA;
	s2 =	sadd.s32 s3, s2  }
0x8d: {  	s2 =	sadd.s32 s2, s16  }
0x8e: {  	[smem:$0x3FB8] =	sst s2  }
0x8f: {  	_ = 	snop  }
0x90: {  	(tm) =	ssettm $0x1  }
0x91: {  	s17 =	sld [smem:$0x3FFB];
	_ =	sdelay $0x3  }
0x92: {  	_ =	strace s17  }
0x93: {  	s2 =	sld [smem:$0x3FFC];
	_ =	sdelay $0x3  }
0x94: {  	_ =	strace s2  }
0x95: {  	s2 =	sld [smem:$0x3FFD];
	_ =	sdelay $0x3  }
0x96: {  	_ =	strace s2  }
0x97: {  	_ =	strace $0x8FFFFFFF  }
0x98: {  	s18 =	sld [smem:$0x3FDB];
	_ =	sdelay $0x1  }
0x99: {  	s19 =	simm.s32 $_scs_section_size  }
0x9a: {  	s4 =	simm.s32 $_size__tile_overlayer_lowered;
	s5 =	simm.s32 $_tile_overlayer_lowered  }
0x9b: {  	s22 =	simm.s32 $0x1BFF;
	s21 =	sshll.u32 s5, $0x1;
	s2 =	sadd.s32 s19, s18  }
0x9c: {  	s6 =	simm.s32 $0x0;
	s20 =	sshll.u32 s4, $0x1;
	s4 =	sadd.s32 s21, s2  }
0x9d: {  	[timem:s6], [sflag:s22] =	dma.local [hbm:s4], s20  }
0x9e: {  	_ =	swait.ge [sflag:s22], s20  }
0x9f: {  	s3 =	ssub.s32 $0x0, s20;
	[sflag:s22] =	ssyncset.done $0x0  }
0xa0: {  	[sflag:s22] =	ssyncadd.s32 s3;
	_ =	sdelay $0x1  }
0xa1: {  	s23 =	simm.s32 $0x1B8B  }
0xa2: {  	_ =	swait.ge [sflag:s23], $0x1  }
0xa3: {  	[sflag:s23] =	ssyncset.done $0x0  }
0xa4: {  	s25 =	simm.s32 $0x1B8E;
	s24 =	sld [smem:$0x3FFE];
	[sflag:s23] =	ssyncadd.s32 $0xFFFFFFFF  }
0xa5: {  	s26 =	simm.s32 $execute0_lowered;
	[smem:$0x3FD2] =	sst s25  }
0xa6: {  	s4 =	sshll.u32 s26, $0x1;
	_ =	strace $0x8000004F;
	[dreg:$0x1] =	wrdreg $0xFFFFFFFF  }
0xa7: {  	s28 =	simm.s32 $_size_execute0_lowered;
	s2 =	sadd.s32 s2, s4;
	[dreg:$0x0] =	wrdreg $0x0  }
0xa8: {  	s4 =	sshll.u32 s28, $0x1;
	[dreg:$0x2] =	wrdreg s2  }
0xa9: {  	[dreg:$0x3] =	wrdreg s4  }
0xaa: {  	[dreg:$0x4] =	wrdreg $0xC0  }
0xab: {  	_ =	task [dreg:s6], $0x5FFFF  }
0xac: {  	[dreg:$0x1] =	wrdreg $0xFFFFFFFF  }
0xad: {  	[dreg:$0x0] =	wrdreg $0x60  }
0xae: {  	[dreg:$0x2] =	wrdreg s24  }
0xaf: {  	[dreg:$0x3] =	wrdreg $0xC0000  }
0xb0: {  	[dreg:$0x4] =	wrdreg $0x9  }
0xb1: {  	_ =	task.clear_ibuf [dreg:s6], $0x5FFFF;
	_ =	strace $0x9000004F  }
0xb2: {  	s29 =	simm.s32 $0x9;
	_ =	strace $0x80000051  }
0xb3: {  	_ =	swait.ge [sflag:s29], $0x1  }
0xb4: {  	[sflag:s29] =	ssyncadd.s32 $0xFFFFFFFF  }
0xb5: {  	_ =	strace $0x90000051  }
0xb6: {  	_ =	sfence  }
0xb7: {  	s30 =	sld [smem:$0x0];
	_ =	sdelay $0x2  }
0xb8: {  	s31 =	sshll.u32 s1, $0xD;
	s1 =	sshrl.u32 s1, $0x2  }
0xb9: {  	s3 =	sand.u32 $0x4000, s31;
	s1 =	sadd.s32 s1, s30  }
0xba: {  	s0 =	sor.u32 s3, s0;
	s1 =	sshll.u32 s1, $0x11  }
0xbb: {  	s0 =	sor.u32 s1, s0  }
0xbc: {  	s0 =	sadd.s32 $0x8F2B, s0  }
0xbd: {  	[sflag:s0] =	ssyncadd.remote.s32 $0x1  }
0xbe: {  	_ =	sfence.sel $0xFFFF  }
0xbf: {  	[dreg:$0x0] =	wrdreg $0xFFFFFFFF;
	(pc) =	sbr.abs _section_cstart, $3  }
0xc0: {  	[dreg:$0x1] =	wrdreg $0xFFFFFFFF  }
0xc1: {  	_ =	task.clear_ibuf [dreg:s6], $0x2FFFF;
	_ =	strace $0x9FFFFFFF  }
0xc2: {  	(tm) =	ssettm $0x7FFFFFFF  }
0xc3: {  	_ =	shalt  }
tec
execute0_lowered:
.L_overlay_start_1:
0x0: {  	(tag) =	ssettag $0x1  }
0x1: {  	s0 =	srdreg.scid;
	s6 =	rddreg [dreg:$0x0]  }
0x2: {  	s2 =	rddreg [dreg:$0x1];
	s3 =	simm.s32 $0x0;
	s14 =	simm.s32 $0x40  }
0x3: {  	s15 =	simm.s32 $0xA000;
	s5 =	sand.u32 $0x1, s0;
	s0 =	stileid.u32  }
0x4: {  	s16 =	simm.s32 $0x1;
	s17 =	simm.s32 $0x0;
	s8 =	smul.u32 $0x13C00, s0  }
0x5: {  	[smem:$0x7FF] =	sst s3;
	s1 =	sshll.u32 s5, $0x4;
	s9 =	smul.u32 $0x13C000, s5  }
0x6: {  	s5 =	ssub.s32 $0x2, s5;
	s29 =	smul.u32 $0x4F000, s0;
	s31 =	sshll.u32 s0, $0x6  }
0x7: {  	s4 =	sor.u32 s0, s1;
	s1 =	rddreg [dreg:$0x2];
	_ =	strace $0x80000050  }
0x8: {  	s11 =	sshrl.u32 s5, $0x1;
	s7 =	smul.u32 $0xA00, s4;
	s4 =	sadd.s32 $0x5BA00, s6  }
0x9: {  	s28 =	sshrl.u32 s8, $0x3;
	s8 =	sadd.s32 s8, s9;
	s30 =	sshrl.u32 s29, $0x2  }
0xa: {  	s11 =	ssub.s32 s5, s11;
	s8 =	sshrl.u32 s8, $0x3;
	s13 =	sadd.s32 s30, s2  }
0xb: {  	s10 =	sadd.s32 s7, s6;
	s7 =	sadd.s32 s28, s6;
	s12 =	sadd.s32 s8, s6  }
0xc: {  	s6 =	sor.u32 $0x1C02, s31;
	s5 =	sadd.s32 $0x82C00, s7;
	s7 =	sadd.s32 $0x20800, s10  }
0xd: {  	s8 =	sadd.s32 $0xC800, s10;
	s9 =	sadd.s32 $0xAA400, s12;
	s10 =	smax.u32 s11, $0x1  }
0xe: {  	s11 =	sshrl.u32 s13, $0x3;
	s12 =	simm.s32 $0x2;
	s13 =	simm.s32 $0x5000  }
.LBB2_1:
0xf: {  	[spmem:s11], [sflag:s6] =	dma.local [hbm:s5], $0x2780  }
0x10: {  	_ =	swait.ge [sflag:s12], $0x2780  }
0x11: {  	[sflag:s12] =	ssyncset.done $0x0  }
0x12: {  	[sflag:s12] =	ssyncadd.s32 $0xFFFFD880  }
0x13: {  	[tilespmem:s3], [sflag:$0x2] =	stream.linear.gather [hbm4b:s7+s3], $0x4E80, $0x38;
	[tilespmem:$0x1FC00] =	vst v63  }
0x14: {  	_ =	swait.ge [sflag:s12], $0x4E80  }
0x15: {  	[sflag:s12] =	ssyncset.done $0x0  }
0x16: {  	[sflag:s12] =	ssyncadd.s32 $0xFFFFB180  }
0x17: {  	[tilespmem:s13], [sflag:$0x2] =	stream.linear.gather [hbm4b:s8+s3], $0x4E80, $0x38;
	[tilespmem:$0x1FC00] =	vst v63  }
0x18: {  	_ =	swait.ge [sflag:s12], $0x4E80  }
0x19: {  	[sflag:s12] =	ssyncset.done $0x0  }
0x1a: {  	[sflag:s12] =	ssyncadd.s32 $0xFFFFB180  }
0x1b: {  	s18 =	simm.s32 $0x0;
	[bflag:$0x0] =	sbarrier.arrive $0xFFFF  }
0x1c: {  	[tilespmem:s15], [sflag:$0x1] =	stream.indirect.gather [hbm4b:s4+s14], $0x80, s18, s14, $0xb8;
	[tilespmem:$0x1FC00] =	vst v63  }
0x1d: {  	_ =	swait.ge [sflag:s16], $0x2000  }
0x1e: {  	[sflag:s16] =	ssyncset.done $0x0  }
0x1f: {  	s31 =	simm.s32 $0x5000;
	[sflag:s16] =	ssyncadd.s32 $0xFFFFE000  }
0x20: {  	[spmem:s2] =	stream.indirect.scatter.add.f32 [tilespmem:s15], [sflag:$0x2], $0x80, s31, s14, $0xb8;
	[tilespmem:$0x1FC00] =	vst v63  }
0x21: {  	_ =	swait.ge [sflag:s12], $0x2000  }
0x22: {  	s19 =	simm.s32 $0x400;
	s18 =	simm.s32 $0x200;
	[sflag:s12] =	ssyncset.done $0x0  }
.LBB2_2:
0x23: {  	s20 =	sshra.s32 s18, $0x2  }
0x24: {  	[sflag:s12] =	ssyncadd.s32 $0xFFFFE000;
	s18 =	smov.u32 s19;
	s21 =	sadd.s32 $0x200, s19  }
0x25: {  	[tilespmem:s15], [sflag:$0x1] =	stream.indirect.gather [hbm4b:s4+s14], $0x80, s20, s14, $0xb8;
	[tilespmem:$0x1FC00] =	vst v63  }
0x26: {  	p0 =	sne.s32 s19, $0x13800;
	_ =	swait.ge [sflag:s16], $0x2000  }
.Ltmp0:
0x27: {  	[sflag:s16] =	ssyncset.done $0x0;
	(pc) =	sbr.rel @p0 .LBB2_2-.Ltmp0, $4  }
0x28: {  	s19 =	sadd.s32 $0x5000, s20;
	[sflag:s16] =	ssyncadd.s32 $0xFFFFE000  }
0x29: {  	[spmem:s2] =	stream.indirect.scatter.add.f32 [tilespmem:s15], [sflag:$0x2], $0x80, s19, s14, $0xb8;
	[tilespmem:$0x1FC00] =	vst v63  }
0x2a: {  	_ =	swait.ge [sflag:s12], $0x2000  }
0x2b: {  	s19 =	smov.u32 s21;
	[sflag:s12] =	ssyncset.done $0x0  }
0x2c: {  	s18 =	sshra.s32 s18, $0x2;
	[sflag:s12] =	ssyncadd.s32 $0xFFFFE000  }
0x2d: {  	[tilespmem:s15], [sflag:$0x1] =	stream.indirect.gather [hbm4b:s4+s14], $0x80, s18, s14, $0xb8;
	[tilespmem:$0x1FC00] =	vst v63  }
0x2e: {  	_ =	swait.ge [sflag:s16], $0x2000  }
0x2f: {  	[sflag:s16] =	ssyncset.done $0x0  }
0x30: {  	s18 =	sadd.s32 $0x5000, s18;
	[sflag:s16] =	ssyncadd.s32 $0xFFFFE000  }
0x31: {  	[spmem:s2] =	stream.indirect.scatter.add.f32 [tilespmem:s15], [sflag:$0x2], $0x80, s18, s14, $0xb8;
	[tilespmem:$0x1FC00] =	vst v63  }
0x32: {  	_ =	swait.ge [sflag:s12], $0x2000  }
0x33: {  	s17 =	sadd.s32 $0x1, s17;
	[sflag:s12] =	ssyncset.done $0x0  }
0x34: {  	p0 =	sne.s32 s17, s10;
	[sflag:s12] =	ssyncadd.s32 $0xFFFFE000  }
.Ltmp1:
0x35: {  	[bflag:$0x0] =	sbarrier.arrive $0xFFFF;
	(pc) =	sbr.rel @p0 .LBB2_1-.Ltmp1, $4  }
0x36: {  	[hbm:s9], [sflag:s6] =	dma.local [spmem:s11], $0x2780  }
0x37: {  	_ =	swait.ge [sflag:s12], $0x2780  }
0x38: {  	[sflag:s12] =	ssyncset.done $0x0  }
0x39: {  	[sflag:s12] =	ssyncadd.s32 $0xFFFFD880  }
0x3a: {  	_ =	sfence.sel $0x180000  }
0x3b: {  	[bflag:$0x0] =	sbarrier.arrive $0xFFFF  }
0x3c: {  	p0 =	sne.s32 s0, $0x0;
	_ =	strace $0x90000050  }
0x3d: {  	s0 =	sadd.s32 @!p0 $0x100000, s1;
	[bflag:$0x2] =	sbarrier.arrive $0xFFFF  }
0x3e: {  	[sflag:s0] =	ssyncadd.tile.s32 @!p0 $0x1;
	_ =	shalt  }
.Lfunc_end2:
_tile_overlayer_lowered:
.L_overlay_start_2:
0x3f: {  	(tag) =	ssettag $0x2  }
0x40: {  	s0 =	rddreg [dreg:$0x0];
	s2 =	stileid.u32  }
0x41: {  	s1 =	rddreg [dreg:$0x1];
	p0 =	sne.s32 s2, $0x0  }
0x42: {  	s3 =	rddreg [dreg:$0x2];
	[bflag:$0x3] =	sbarrier.arrive $0xFFFF;
	s2 =	simm.s32 @!p0 $0x1C02  }
0x43: {  	[timem:s3], [sflag:s2] =	dma.local @!p0 [hbm:s0], s1  }
0x44: {  	s0 =	simm.s32 @!p0 $0x2  }
0x45: {  	_ =	swait.ge @!p0 [sflag:s0], s1  }
0x46: {  	s1 =	ssub.s32 @!p0 $0x0, s1;
	[sflag:s0] =	ssyncset.done @!p0 $0x0  }
0x47: {  	[sflag:s0] =	ssyncadd.s32 @!p0 s1  }
0x48: {  	[bflag:$0x3] =	sbarrier.arrive $0xFFFF  }
0x49: {  	_ =	shalt  }

// kernel: kernel.37.cloned.1.call-start
scs
__scs_entry_jumppad:
0x0: {  	(pc) =	sbr.rel $0x88, $3  }
0x1: {  	(tag) =	ssettag $0x0;
	lr =	simm.s32 $0x1  }
0x2: {  	[smem:$0x3F91] =	sst lr;
	_ =	strace $0xD0000000  }
0x3: {  	_ = 	snop  }
0x4: {  	_ = 	snop  }
0x5: {  	_ = 	snop  }
0x6: {  	_ = 	snop  }
0x7: {  	_ = 	snop  }
__scs_overlays_trampoline_lowered:
0x8: {  	[smem:$0x3FA0] =	sst s0  }
0x9: {  	[smem:$0x3FA1] =	sst s1  }
0xa: {  	[smem:$0x3FA2] =	sst s2  }
0xb: {  	[smem:$0x3FA3] =	sst s3  }
0xc: {  	[smem:$0x3FA4] =	sst s4  }
0xd: {  	[smem:$0x3FA5] =	sst s5  }
0xe: {  	[smem:$0x3FA6] =	sst s6  }
0xf: {  	[smem:$0x3FA7] =	sst s7  }
0x10: {  	[smem:$0x3FA8] =	sst s8  }
0x11: {  	[smem:$0x3FA9] =	sst s9;
	s0 =	simm.s32 @!p0 $0x0  }
0x12: {  	s1 =	sld [smem:$0x3F8F];
	s0 =	simm.s32 @p0 $0x1  }
0x13: {  	[smem:$0x3FAA] =	sst s0;
	s0 =	simm.s32 @!p1 $0x0  }
0x14: {  	s2 =	sld [smem:$0x3F8E];
	s0 =	simm.s32 @p1 $0x1  }
0x15: {  	[smem:$0x3FAB] =	sst s0;
	s0 =	simm.s32 @!p2 $0x0  }
0x16: {  	s3 =	sld [smem:$0x3FDB];
	s0 =	simm.s32 @p2 $0x1  }
0x17: {  	s4 =	simm.s32 $0x1BF5;
	[smem:$0x3FAD] =	sst s0  }
0x18: {  	s0 =	sld [smem:$0x3F90];
	_ =	swait.ge [sflag:s4], $0x0  }
0x19: {  	s7 =	sld [smem:$0x3F91]  }
0x1a: {  	s8 =	sadd.s32 $0xFFFFE003, lr  }
0x1b: {  	s9 =	sadd.s32 $0xFFFFFEF7, lr;
	s5 =	simm.s32 $0xFFFFFFFF;
	p2 =	slt.u32 s8, $0xFFFFF086  }
0x1c: {  	p1 =	slt.u32 s9, $0xF7A;
	s5 =	simm.s32 @!p2 $0x0  }
0x1d: {  	s5 =	simm.s32 @p1 $0x1;
	p0 =	seq.s32 s7, s2  }
0x1e: {  	s7 =	smul.u32 @!p0 $0xF7A, s2;
	p2 =	seq.s32 @!p0 s5, $0x0  }
0x1f: {  	s9 =	smul.u32 $0xF7A, s1;
	s8 =	simm.s32 @!p0 $0x1BF5;
	p2 =	por !p2, p0  }
0x20: {  	[sflag:s8] =	ssyncset.s32 @!p0 $0xFFFFF086;
	s6 =	sadd.s32 @!p0 s3, s7;
	s7 =	simm.s32 @!p0 $0x108  }
0x21: {  	s3 =	sadd.s32 s3, s9;
	s6 =	sadd.s32 @!p0 $0x88, s6;
	s7 =	simm.s32 @p2 $0x1082  }
0x22: {  	[simem:s7], [sflag:s8] =	dma.local @!p0 [hbm:s6], $0xF7A  }
0x23: {  	s9 =	sor.u32 $0xD0000000, s2;
	s6 =	simm.s32 $0x108;
	_ =	swait.ge @!p0 [sflag:s8], $0x0  }
0x24: {  	s3 =	sadd.s32 $0x88, s3;
	s6 =	simm.s32 @!p1 $0x1082;
	[sflag:s4] =	ssyncset.s32 $0xFFFFF086  }
0x25: {  	[simem:s6], [sflag:s4] =	dma.local [hbm:s3], $0xF7A  }
0x26: {  	[smem:$0x3F91] =	sst s1;
	(tag) =	ssettag s2;
	_ =	strace s9  }
0x27: {  	s1 =	sld [smem:$0x3FA1]  }
0x28: {  	s2 =	sld [smem:$0x3FA2]  }
0x29: {  	s4 =	sld [smem:$0x3FA4]  }
0x2a: {  	p0 =	seq.s32 s5, $0x0;
	s5 =	sld [smem:$0x3FA5]  }
0x2b: {  	s6 =	sld [smem:$0x3FA6]  }
0x2c: {  	s7 =	sld [smem:$0x3FA7]  }
0x2d: {  	s3 =	simm.s32 $0x108;
	s8 =	sld [smem:$0x3FA8]  }
0x2e: {  	s3 =	simm.s32 @!p0 $0x1082;
	s9 =	sld [smem:$0x3FA9]  }
0x2f: {  	lr =	sadd.s32 s0, s3;
	s0 =	sld [smem:$0x3FA0]  }
0x30: {  	s3 =	sld [smem:$0x3FA3]  }
0x31: {  	[smem:$0x3FAC] =	sst s10  }
0x32: {  	s10 =	sld [smem:$0x3FAA];
	_ =	sdelay $0x3  }
0x33: {  	p0 =	seq.s32 s10, $0x1;
	s10 =	sld [smem:$0x3FAC];
	_ =	sdelay $0x3  }
0x34: {  	[smem:$0x3FAC] =	sst s10  }
0x35: {  	s10 =	sld [smem:$0x3FAB];
	_ =	sdelay $0x3  }
0x36: {  	p1 =	seq.s32 s10, $0x1;
	s10 =	sld [smem:$0x3FAC];
	_ =	sdelay $0x3  }
0x37: {  	[smem:$0x3FAC] =	sst s10  }
0x38: {  	s10 =	sld [smem:$0x3FAD]  }
0x39: {  	_ = 	snop;
	(pc) =	sbr.ind lr, $3  }
0x3a: {  	_ = 	snop  }
0x3b: {  	_ = 	snop  }
0x3c: {  	p2 =	seq.s32 s10, $0x1;
	s10 =	sld [smem:$0x3FAC]  }
0x3d: {  	_ =	shalt  }
0x3e: {  	_ =	shalt  }
0x3f: {  	_ =	shalt  }
0x40: {  	_ =	shalt  }
0x41: {  	_ =	shalt  }
0x42: {  	_ =	shalt  }
0x43: {  	_ =	shalt  }
0x44: {  	_ =	shalt  }
0x45: {  	_ =	shalt  }
0x46: {  	_ =	shalt  }
0x47: {  	_ =	shalt  }
0x48: {  	_ =	shalt  }
0x49: {  	_ =	shalt  }
0x4a: {  	_ =	shalt  }
0x4b: {  	_ =	shalt  }
0x4c: {  	_ =	shalt  }
0x4d: {  	_ =	shalt  }
0x4e: {  	_ =	shalt  }
0x4f: {  	_ =	shalt  }
0x50: {  	_ =	shalt  }
0x51: {  	_ =	shalt  }
0x52: {  	_ =	shalt  }
0x53: {  	_ =	shalt  }
0x54: {  	_ =	shalt  }
0x55: {  	_ =	shalt  }
0x56: {  	_ =	shalt  }
0x57: {  	_ =	shalt  }
0x58: {  	_ =	shalt  }
0x59: {  	_ =	shalt  }
0x5a: {  	_ =	shalt  }
0x5b: {  	_ =	shalt  }
0x5c: {  	_ =	shalt  }
0x5d: {  	_ =	shalt  }
0x5e: {  	_ =	shalt  }
0x5f: {  	_ =	shalt  }
0x60: {  	_ =	shalt  }
0x61: {  	_ =	shalt  }
0x62: {  	_ =	shalt  }
0x63: {  	_ =	shalt  }
0x64: {  	_ =	shalt  }
0x65: {  	_ =	shalt  }
0x66: {  	_ =	shalt  }
0x67: {  	_ =	shalt  }
0x68: {  	_ =	shalt  }
0x69: {  	_ =	shalt  }
0x6a: {  	_ =	shalt  }
0x6b: {  	_ =	shalt  }
0x6c: {  	_ =	shalt  }
0x6d: {  	_ =	shalt  }
0x6e: {  	_ =	shalt  }
0x6f: {  	_ =	shalt  }
0x70: {  	_ =	shalt  }
0x71: {  	_ =	shalt  }
0x72: {  	_ =	shalt  }
0x73: {  	_ =	shalt  }
0x74: {  	_ =	shalt  }
0x75: {  	_ =	shalt  }
0x76: {  	_ =	shalt  }
0x77: {  	_ =	shalt  }
0x78: {  	_ =	shalt  }
0x79: {  	_ =	shalt  }
0x7a: {  	_ =	shalt  }
0x7b: {  	_ =	shalt  }
0x7c: {  	_ =	shalt  }
0x7d: {  	_ =	shalt  }
0x7e: {  	_ =	shalt  }
0x7f: {  	_ =	shalt  }
0x80: {  	_ =	shalt  }
0x81: {  	_ =	shalt  }
0x82: {  	_ =	shalt  }
0x83: {  	_ =	shalt  }
0x84: {  	_ =	shalt  }
0x85: {  	_ =	shalt  }
0x86: {  	_ =	shalt  }
0x87: {  	_ =	shalt  }
.Lfunc_end0:
.L_simem_size_0:
called_computation.4_lowered:
.L_overlay_start_0:
0x88: {  	s2 =	sld [smem:$0x3FD9]  }
0x89: {  	s3 =	sld [smem:$0x3FFE];
	_ =	sdelay $0x1  }
0x8a: {  	s1 =	srdreg.scid  }
0x8b: {  	s0 =	sand.u32 $0x1, s1  }
0x8c: {  	s16 =	sshll.u32 s0, $0xA;
	s2 =	sadd.s32 s3, s2  }
0x8d: {  	s2 =	sadd.s32 s2, s16  }
0x8e: {  	[smem:$0x3FB8] =	sst s2  }
0x8f: {  	_ = 	snop  }
0x90: {  	(tm) =	ssettm $0x1  }
0x91: {  	s17 =	sld [smem:$0x3FFB];
	_ =	sdelay $0x3  }
0x92: {  	_ =	strace s17  }
0x93: {  	s2 =	sld [smem:$0x3FFC];
	_ =	sdelay $0x3  }
0x94: {  	_ =	strace s2  }
0x95: {  	s2 =	sld [smem:$0x3FFD];
	_ =	sdelay $0x3  }
0x96: {  	_ =	strace s2  }
0x97: {  	_ =	strace $0x8FFFFFFF  }
0x98: {  	s18 =	sld [smem:$0x3FDB];
	_ =	sdelay $0x1  }
0x99: {  	s19 =	simm.s32 $_scs_section_size  }
0x9a: {  	s4 =	simm.s32 $_size__tile_overlayer_lowered;
	s5 =	simm.s32 $_tile_overlayer_lowered  }
0x9b: {  	s22 =	simm.s32 $0x1BFF;
	s21 =	sshll.u32 s5, $0x1;
	s2 =	sadd.s32 s19, s18  }
0x9c: {  	s6 =	simm.s32 $0x0;
	s20 =	sshll.u32 s4, $0x1;
	s4 =	sadd.s32 s21, s2  }
0x9d: {  	[timem:s6], [sflag:s22] =	dma.local [hbm:s4], s20  }
0x9e: {  	_ =	swait.ge [sflag:s22], s20  }
0x9f: {  	s3 =	ssub.s32 $0x0, s20;
	[sflag:s22] =	ssyncset.done $0x0  }
0xa0: {  	[sflag:s22] =	ssyncadd.s32 s3;
	_ =	sdelay $0x1  }
0xa1: {  	s23 =	simm.s32 $0x1B8B  }
0xa2: {  	_ =	swait.ge [sflag:s23], $0x1  }
0xa3: {  	[sflag:s23] =	ssyncset.done $0x0  }
0xa4: {  	s25 =	simm.s32 $0x1B8E;
	s24 =	sld [smem:$0x3FFE];
	[sflag:s23] =	ssyncadd.s32 $0xFFFFFFFF  }
0xa5: {  	s26 =	simm.s32 $execute0_lowered;
	[smem:$0x3FD2] =	sst s25  }
0xa6: {  	s4 =	sshll.u32 s26, $0x1;
	_ =	strace $0x80000052;
	[dreg:$0x1] =	wrdreg $0xFFFFFFFF  }
0xa7: {  	s28 =	simm.s32 $_size_execute0_lowered;
	s2 =	sadd.s32 s2, s4;
	[dreg:$0x0] =	wrdreg $0x0  }
0xa8: {  	s4 =	sshll.u32 s28, $0x1;
	[dreg:$0x2] =	wrdreg s2  }
0xa9: {  	[dreg:$0x3] =	wrdreg s4  }
0xaa: {  	[dreg:$0x4] =	wrdreg $0xC0  }
0xab: {  	_ =	task [dreg:s6], $0x5FFFF  }
0xac: {  	[dreg:$0x1] =	wrdreg $0xFFFFFFFF  }
0xad: {  	[dreg:$0x0] =	wrdreg $0x60  }
0xae: {  	[dreg:$0x2] =	wrdreg s24  }
0xaf: {  	[dreg:$0x3] =	wrdreg $0xC0000  }
0xb0: {  	[dreg:$0x4] =	wrdreg $0x9  }
0xb1: {  	_ =	task.clear_ibuf [dreg:s6], $0x5FFFF;
	_ =	strace $0x90000052  }
0xb2: {  	s29 =	simm.s32 $0x9;
	_ =	strace $0x80000054  }
0xb3: {  	_ =	swait.ge [sflag:s29], $0x1  }
0xb4: {  	[sflag:s29] =	ssyncadd.s32 $0xFFFFFFFF  }
0xb5: {  	_ =	strace $0x90000054  }
0xb6: {  	_ =	sfence  }
0xb7: {  	s30 =	sld [smem:$0x0];
	_ =	sdelay $0x2  }
0xb8: {  	s31 =	sshll.u32 s1, $0xD;
	s1 =	sshrl.u32 s1, $0x2  }
0xb9: {  	s3 =	sand.u32 $0x4000, s31;
	s1 =	sadd.s32 s1, s30  }
0xba: {  	s0 =	sor.u32 s3, s0;
	s1 =	sshll.u32 s1, $0x11  }
0xbb: {  	s0 =	sor.u32 s1, s0  }
0xbc: {  	s0 =	sadd.s32 $0x8F2B, s0  }
0xbd: {  	[sflag:s0] =	ssyncadd.remote.s32 $0x1  }
0xbe: {  	_ =	sfence.sel $0xFFFF  }
0xbf: {  	[dreg:$0x0] =	wrdreg $0xFFFFFFFF;
	(pc) =	sbr.abs _section_cstart, $3  }
0xc0: {  	[dreg:$0x1] =	wrdreg $0xFFFFFFFF  }
0xc1: {  	_ =	task.clear_ibuf [dreg:s6], $0x2FFFF;
	_ =	strace $0x9FFFFFFF  }
0xc2: {  	(tm) =	ssettm $0x7FFFFFFF  }
0xc3: {  	_ =	shalt  }
tec
execute0_lowered:
.L_overlay_start_1:
0x0: {  	(tag) =	ssettag $0x1  }
0x1: {  	s0 =	srdreg.scid;
	s6 =	rddreg [dreg:$0x0]  }
0x2: {  	s2 =	rddreg [dreg:$0x1];
	s3 =	simm.s32 $0x0;
	s14 =	simm.s32 $0x40  }
0x3: {  	s15 =	simm.s32 $0xA000;
	s5 =	sand.u32 $0x1, s0;
	s0 =	stileid.u32  }
0x4: {  	s16 =	simm.s32 $0x1;
	s17 =	simm.s32 $0x0;
	s8 =	smul.u32 $0x13C00, s0  }
0x5: {  	[smem:$0x7FF] =	sst s3;
	s1 =	sshll.u32 s5, $0x4;
	s9 =	smul.u32 $0x13C000, s5  }
0x6: {  	s5 =	ssub.s32 $0x2, s5;
	s29 =	smul.u32 $0x4F000, s0;
	s31 =	sshll.u32 s0, $0x6  }
0x7: {  	s4 =	sor.u32 s0, s1;
	s1 =	rddreg [dreg:$0x2];
	_ =	strace $0x80000053  }
0x8: {  	s11 =	sshrl.u32 s5, $0x1;
	s7 =	smul.u32 $0xA00, s4;
	s4 =	sadd.s32 $0x5BA00, s6  }
0x9: {  	s28 =	sshrl.u32 s8, $0x3;
	s8 =	sadd.s32 s8, s9;
	s30 =	sshrl.u32 s29, $0x2  }
0xa: {  	s11 =	ssub.s32 s5, s11;
	s8 =	sshrl.u32 s8, $0x3;
	s13 =	sadd.s32 s30, s2  }
0xb: {  	s10 =	sadd.s32 s7, s6;
	s7 =	sadd.s32 s28, s6;
	s12 =	sadd.s32 s8, s6  }
0xc: {  	s6 =	sor.u32 $0x1C02, s31;
	s5 =	sadd.s32 $0x82C00, s7;
	s7 =	sadd.s32 $0x20800, s10  }
0xd: {  	s8 =	sadd.s32 $0xC800, s10;
	s9 =	sadd.s32 $0xAA400, s12;
	s10 =	smax.u32 s11, $0x1  }
0xe: {  	s11 =	sshrl.u32 s13, $0x3;
	s12 =	simm.s32 $0x2;
	s13 =	simm.s32 $0x5000  }
.LBB2_1:
0xf: {  	[spmem:s11], [sflag:s6] =	dma.local [hbm:s5], $0x2780  }
0x10: {  	_ =	swait.ge [sflag:s12], $0x2780  }
0x11: {  	[sflag:s12] =	ssyncset.done $0x0  }
0x12: {  	[sflag:s12] =	ssyncadd.s32 $0xFFFFD880  }
0x13: {  	[tilespmem:s3], [sflag:$0x2] =	stream.linear.gather [hbm4b:s7+s3], $0x4E80, $0x38;
	[tilespmem:$0x1FC00] =	vst v63  }
0x14: {  	_ =	swait.ge [sflag:s12], $0x4E80  }
0x15: {  	[sflag:s12] =	ssyncset.done $0x0  }
0x16: {  	[sflag:s12] =	ssyncadd.s32 $0xFFFFB180  }
0x17: {  	[tilespmem:s13], [sflag:$0x2] =	stream.linear.gather [hbm4b:s8+s3], $0x4E80, $0x38;
	[tilespmem:$0x1FC00] =	vst v63  }
0x18: {  	_ =	swait.ge [sflag:s12], $0x4E80  }
0x19: {  	[sflag:s12] =	ssyncset.done $0x0  }
0x1a: {  	[sflag:s12] =	ssyncadd.s32 $0xFFFFB180  }
0x1b: {  	s18 =	simm.s32 $0x0;
	[bflag:$0x0] =	sbarrier.arrive $0xFFFF  }
0x1c: {  	[tilespmem:s15], [sflag:$0x1] =	stream.indirect.gather [hbm4b:s4+s14], $0x80, s18, s14, $0xb8;
	[tilespmem:$0x1FC00] =	vst v63  }
0x1d: {  	_ =	swait.ge [sflag:s16], $0x2000  }
0x1e: {  	[sflag:s16] =	ssyncset.done $0x0  }
0x1f: {  	s31 =	simm.s32 $0x5000;
	[sflag:s16] =	ssyncadd.s32 $0xFFFFE000  }
0x20: {  	[spmem:s2] =	stream.indirect.scatter.add.f32 [tilespmem:s15], [sflag:$0x2], $0x80, s31, s14, $0xb8;
	[tilespmem:$0x1FC00] =	vst v63  }
0x21: {  	_ =	swait.ge [sflag:s12], $0x2000  }
0x22: {  	s19 =	simm.s32 $0x400;
	s18 =	simm.s32 $0x200;
	[sflag:s12] =	ssyncset.done $0x0  }
.LBB2_2:
0x23: {  	s20 =	sshra.s32 s18, $0x2  }
0x24: {  	[sflag:s12] =	ssyncadd.s32 $0xFFFFE000;
	s18 =	smov.u32 s19;
	s21 =	sadd.s32 $0x200, s19  }
0x25: {  	[tilespmem:s15], [sflag:$0x1] =	stream.indirect.gather [hbm4b:s4+s14], $0x80, s20, s14, $0xb8;
	[tilespmem:$0x1FC00] =	vst v63  }
0x26: {  	p0 =	sne.s32 s19, $0x13800;
	_ =	swait.ge [sflag:s16], $0x2000  }
.Ltmp0:
0x27: {  	[sflag:s16] =	ssyncset.done $0x0;
	(pc) =	sbr.rel @p0 .LBB2_2-.Ltmp0, $4  }
0x28: {  	s19 =	sadd.s32 $0x5000, s20;
	[sflag:s16] =	ssyncadd.s32 $0xFFFFE000  }
0x29: {  	[spmem:s2] =	stream.indirect.scatter.add.f32 [tilespmem:s15], [sflag:$0x2], $0x80, s19, s14, $0xb8;
	[tilespmem:$0x1FC00] =	vst v63  }
0x2a: {  	_ =	swait.ge [sflag:s12], $0x2000  }
0x2b: {  	s19 =	smov.u32 s21;
	[sflag:s12] =	ssyncset.done $0x0  }
0x2c: {  	s18 =	sshra.s32 s18, $0x2;
	[sflag:s12] =	ssyncadd.s32 $0xFFFFE000  }
0x2d: {  	[tilespmem:s15], [sflag:$0x1] =	stream.indirect.gather [hbm4b:s4+s14], $0x80, s18, s14, $0xb8;
	[tilespmem:$0x1FC00] =	vst v63  }
0x2e: {  	_ =	swait.ge [sflag:s16], $0x2000  }
0x2f: {  	[sflag:s16] =	ssyncset.done $0x0  }
0x30: {  	s18 =	sadd.s32 $0x5000, s18;
	[sflag:s16] =	ssyncadd.s32 $0xFFFFE000  }
0x31: {  	[spmem:s2] =	stream.indirect.scatter.add.f32 [tilespmem:s15], [sflag:$0x2], $0x80, s18, s14, $0xb8;
	[tilespmem:$0x1FC00] =	vst v63  }
0x32: {  	_ =	swait.ge [sflag:s12], $0x2000  }
0x33: {  	s17 =	sadd.s32 $0x1, s17;
	[sflag:s12] =	ssyncset.done $0x0  }
0x34: {  	p0 =	sne.s32 s17, s10;
	[sflag:s12] =	ssyncadd.s32 $0xFFFFE000  }
.Ltmp1:
0x35: {  	[bflag:$0x0] =	sbarrier.arrive $0xFFFF;
	(pc) =	sbr.rel @p0 .LBB2_1-.Ltmp1, $4  }
0x36: {  	[hbm:s9], [sflag:s6] =	dma.local [spmem:s11], $0x2780  }
0x37: {  	_ =	swait.ge [sflag:s12], $0x2780  }
0x38: {  	[sflag:s12] =	ssyncset.done $0x0  }
0x39: {  	[sflag:s12] =	ssyncadd.s32 $0xFFFFD880  }
0x3a: {  	_ =	sfence.sel $0x180000  }
0x3b: {  	[bflag:$0x0] =	sbarrier.arrive $0xFFFF  }
0x3c: {  	p0 =	sne.s32 s0, $0x0;
	_ =	strace $0x90000053  }
0x3d: {  	s0 =	sadd.s32 @!p0 $0x100000, s1;
	[bflag:$0x2] =	sbarrier.arrive $0xFFFF  }
0x3e: {  	[sflag:s0] =	ssyncadd.tile.s32 @!p0 $0x1;
	_ =	shalt  }
.Lfunc_end2:
_tile_overlayer_lowered:
.L_overlay_start_2:
0x3f: {  	(tag) =	ssettag $0x2  }
0x40: {  	s0 =	rddreg [dreg:$0x0];
	s2 =	stileid.u32  }
0x41: {  	s1 =	rddreg [dreg:$0x1];
	p0 =	sne.s32 s2, $0x0  }
0x42: {  	s3 =	rddreg [dreg:$0x2];
	[bflag:$0x3] =	sbarrier.arrive $0xFFFF;
	s2 =	simm.s32 @!p0 $0x1C02  }
0x43: {  	[timem:s3], [sflag:s2] =	dma.local @!p0 [hbm:s0], s1  }
0x44: {  	s0 =	simm.s32 @!p0 $0x2  }
0x45: {  	_ =	swait.ge @!p0 [sflag:s0], s1  }
0x46: {  	s1 =	ssub.s32 @!p0 $0x0, s1;
	[sflag:s0] =	ssyncset.done @!p0 $0x0  }
0x47: {  	[sflag:s0] =	ssyncadd.s32 @!p0 s1  }
0x48: {  	[bflag:$0x3] =	sbarrier.arrive $0xFFFF  }
0x49: {  	_ =	shalt  }

// kernel: kernel.40.cloned.1.call-start
scs
__scs_entry_jumppad:
0x0: {  	(pc) =	sbr.rel $0x88, $3  }
0x1: {  	(tag) =	ssettag $0x0;
	lr =	simm.s32 $0x1  }
0x2: {  	[smem:$0x3F91] =	sst lr;
	_ =	strace $0xD0000000  }
0x3: {  	_ = 	snop  }
0x4: {  	_ = 	snop  }
0x5: {  	_ = 	snop  }
0x6: {  	_ = 	snop  }
0x7: {  	_ = 	snop  }
__scs_overlays_trampoline_lowered:
0x8: {  	[smem:$0x3FA0] =	sst s0  }
0x9: {  	[smem:$0x3FA1] =	sst s1  }
0xa: {  	[smem:$0x3FA2] =	sst s2  }
0xb: {  	[smem:$0x3FA3] =	sst s3  }
0xc: {  	[smem:$0x3FA4] =	sst s4  }
0xd: {  	[smem:$0x3FA5] =	sst s5  }
0xe: {  	[smem:$0x3FA6] =	sst s6  }
0xf: {  	[smem:$0x3FA7] =	sst s7  }
0x10: {  	[smem:$0x3FA8] =	sst s8  }
0x11: {  	[smem:$0x3FA9] =	sst s9;
	s0 =	simm.s32 @!p0 $0x0  }
0x12: {  	s1 =	sld [smem:$0x3F8F];
	s0 =	simm.s32 @p0 $0x1  }
0x13: {  	[smem:$0x3FAA] =	sst s0;
	s0 =	simm.s32 @!p1 $0x0  }
0x14: {  	s2 =	sld [smem:$0x3F8E];
	s0 =	simm.s32 @p1 $0x1  }
0x15: {  	[smem:$0x3FAB] =	sst s0;
	s0 =	simm.s32 @!p2 $0x0  }
0x16: {  	s3 =	sld [smem:$0x3FDB];
	s0 =	simm.s32 @p2 $0x1  }
0x17: {  	s4 =	simm.s32 $0x1BF5;
	[smem:$0x3FAD] =	sst s0  }
0x18: {  	s0 =	sld [smem:$0x3F90];
	_ =	swait.ge [sflag:s4], $0x0  }
0x19: {  	s7 =	sld [smem:$0x3F91]  }
0x1a: {  	s8 =	sadd.s32 $0xFFFFE003, lr  }
0x1b: {  	s9 =	sadd.s32 $0xFFFFFEF7, lr;
	s5 =	simm.s32 $0xFFFFFFFF;
	p2 =	slt.u32 s8, $0xFFFFF086  }
0x1c: {  	p1 =	slt.u32 s9, $0xF7A;
	s5 =	simm.s32 @!p2 $0x0  }
0x1d: {  	s5 =	simm.s32 @p1 $0x1;
	p0 =	seq.s32 s7, s2  }
0x1e: {  	s7 =	smul.u32 @!p0 $0xF7A, s2;
	p2 =	seq.s32 @!p0 s5, $0x0  }
0x1f: {  	s9 =	smul.u32 $0xF7A, s1;
	s8 =	simm.s32 @!p0 $0x1BF5;
	p2 =	por !p2, p0  }
0x20: {  	[sflag:s8] =	ssyncset.s32 @!p0 $0xFFFFF086;
	s6 =	sadd.s32 @!p0 s3, s7;
	s7 =	simm.s32 @!p0 $0x108  }
0x21: {  	s3 =	sadd.s32 s3, s9;
	s6 =	sadd.s32 @!p0 $0x88, s6;
	s7 =	simm.s32 @p2 $0x1082  }
0x22: {  	[simem:s7], [sflag:s8] =	dma.local @!p0 [hbm:s6], $0xF7A  }
0x23: {  	s9 =	sor.u32 $0xD0000000, s2;
	s6 =	simm.s32 $0x108;
	_ =	swait.ge @!p0 [sflag:s8], $0x0  }
0x24: {  	s3 =	sadd.s32 $0x88, s3;
	s6 =	simm.s32 @!p1 $0x1082;
	[sflag:s4] =	ssyncset.s32 $0xFFFFF086  }
0x25: {  	[simem:s6], [sflag:s4] =	dma.local [hbm:s3], $0xF7A  }
0x26: {  	[smem:$0x3F91] =	sst s1;
	(tag) =	ssettag s2;
	_ =	strace s9  }
0x27: {  	s1 =	sld [smem:$0x3FA1]  }
0x28: {  	s2 =	sld [smem:$0x3FA2]  }
0x29: {  	s4 =	sld [smem:$0x3FA4]  }
0x2a: {  	p0 =	seq.s32 s5, $0x0;
	s5 =	sld [smem:$0x3FA5]  }
0x2b: {  	s6 =	sld [smem:$0x3FA6]  }
0x2c: {  	s7 =	sld [smem:$0x3FA7]  }
0x2d: {  	s3 =	simm.s32 $0x108;
	s8 =	sld [smem:$0x3FA8]  }
0x2e: {  	s3 =	simm.s32 @!p0 $0x1082;
	s9 =	sld [smem:$0x3FA9]  }
0x2f: {  	lr =	sadd.s32 s0, s3;
	s0 =	sld [smem:$0x3FA0]  }
0x30: {  	s3 =	sld [smem:$0x3FA3]  }
0x31: {  	[smem:$0x3FAC] =	sst s10  }
0x32: {  	s10 =	sld [smem:$0x3FAA];
	_ =	sdelay $0x3  }
0x33: {  	p0 =	seq.s32 s10, $0x1;
	s10 =	sld [smem:$0x3FAC];
	_ =	sdelay $0x3  }
0x34: {  	[smem:$0x3FAC] =	sst s10  }
0x35: {  	s10 =	sld [smem:$0x3FAB];
	_ =	sdelay $0x3  }
0x36: {  	p1 =	seq.s32 s10, $0x1;
	s10 =	sld [smem:$0x3FAC];
	_ =	sdelay $0x3  }
0x37: {  	[smem:$0x3FAC] =	sst s10  }
0x38: {  	s10 =	sld [smem:$0x3FAD]  }
0x39: {  	_ = 	snop;
	(pc) =	sbr.ind lr, $3  }
0x3a: {  	_ = 	snop  }
0x3b: {  	_ = 	snop  }
0x3c: {  	p2 =	seq.s32 s10, $0x1;
	s10 =	sld [smem:$0x3FAC]  }
0x3d: {  	_ =	shalt  }
0x3e: {  	_ =	shalt  }
0x3f: {  	_ =	shalt  }
0x40: {  	_ =	shalt  }
0x41: {  	_ =	shalt  }
0x42: {  	_ =	shalt  }
0x43: {  	_ =	shalt  }
0x44: {  	_ =	shalt  }
0x45: {  	_ =	shalt  }
0x46: {  	_ =	shalt  }
0x47: {  	_ =	shalt  }
0x48: {  	_ =	shalt  }
0x49: {  	_ =	shalt  }
0x4a: {  	_ =	shalt  }
0x4b: {  	_ =	shalt  }
0x4c: {  	_ =	shalt  }
0x4d: {  	_ =	shalt  }
0x4e: {  	_ =	shalt  }
0x4f: {  	_ =	shalt  }
0x50: {  	_ =	shalt  }
0x51: {  	_ =	shalt  }
0x52: {  	_ =	shalt  }
0x53: {  	_ =	shalt  }
0x54: {  	_ =	shalt  }
0x55: {  	_ =	shalt  }
0x56: {  	_ =	shalt  }
0x57: {  	_ =	shalt  }
0x58: {  	_ =	shalt  }
0x59: {  	_ =	shalt  }
0x5a: {  	_ =	shalt  }
0x5b: {  	_ =	shalt  }
0x5c: {  	_ =	shalt  }
0x5d: {  	_ =	shalt  }
0x5e: {  	_ =	shalt  }
0x5f: {  	_ =	shalt  }
0x60: {  	_ =	shalt  }
0x61: {  	_ =	shalt  }
0x62: {  	_ =	shalt  }
0x63: {  	_ =	shalt  }
0x64: {  	_ =	shalt  }
0x65: {  	_ =	shalt  }
0x66: {  	_ =	shalt  }
0x67: {  	_ =	shalt  }
0x68: {  	_ =	shalt  }
0x69: {  	_ =	shalt  }
0x6a: {  	_ =	shalt  }
0x6b: {  	_ =	shalt  }
0x6c: {  	_ =	shalt  }
0x6d: {  	_ =	shalt  }
0x6e: {  	_ =	shalt  }
0x6f: {  	_ =	shalt  }
0x70: {  	_ =	shalt  }
0x71: {  	_ =	shalt  }
0x72: {  	_ =	shalt  }
0x73: {  	_ =	shalt  }
0x74: {  	_ =	shalt  }
0x75: {  	_ =	shalt  }
0x76: {  	_ =	shalt  }
0x77: {  	_ =	shalt  }
0x78: {  	_ =	shalt  }
0x79: {  	_ =	shalt  }
0x7a: {  	_ =	shalt  }
0x7b: {  	_ =	shalt  }
0x7c: {  	_ =	shalt  }
0x7d: {  	_ =	shalt  }
0x7e: {  	_ =	shalt  }
0x7f: {  	_ =	shalt  }
0x80: {  	_ =	shalt  }
0x81: {  	_ =	shalt  }
0x82: {  	_ =	shalt  }
0x83: {  	_ =	shalt  }
0x84: {  	_ =	shalt  }
0x85: {  	_ =	shalt  }
0x86: {  	_ =	shalt  }
0x87: {  	_ =	shalt  }
.Lfunc_end0:
.L_simem_size_0:
called_computation.5_lowered:
.L_overlay_start_0:
0x88: {  	s2 =	sld [smem:$0x3FD9]  }
0x89: {  	s3 =	sld [smem:$0x3FFE];
	_ =	sdelay $0x1  }
0x8a: {  	s1 =	srdreg.scid  }
0x8b: {  	s0 =	sand.u32 $0x1, s1  }
0x8c: {  	s16 =	sshll.u32 s0, $0xA;
	s2 =	sadd.s32 s3, s2  }
0x8d: {  	s2 =	sadd.s32 s2, s16  }
0x8e: {  	[smem:$0x3FB8] =	sst s2  }
0x8f: {  	_ = 	snop  }
0x90: {  	(tm) =	ssettm $0x1  }
0x91: {  	s17 =	sld [smem:$0x3FFB];
	_ =	sdelay $0x3  }
0x92: {  	_ =	strace s17  }
0x93: {  	s2 =	sld [smem:$0x3FFC];
	_ =	sdelay $0x3  }
0x94: {  	_ =	strace s2  }
0x95: {  	s2 =	sld [smem:$0x3FFD];
	_ =	sdelay $0x3  }
0x96: {  	_ =	strace s2  }
0x97: {  	_ =	strace $0x8FFFFFFF  }
0x98: {  	s18 =	sld [smem:$0x3FDB];
	_ =	sdelay $0x1  }
0x99: {  	s19 =	simm.s32 $_scs_section_size  }
0x9a: {  	s4 =	simm.s32 $_size__tile_overlayer_lowered;
	s5 =	simm.s32 $_tile_overlayer_lowered  }
0x9b: {  	s22 =	simm.s32 $0x1BFF;
	s21 =	sshll.u32 s5, $0x1;
	s2 =	sadd.s32 s19, s18  }
0x9c: {  	s6 =	simm.s32 $0x0;
	s20 =	sshll.u32 s4, $0x1;
	s4 =	sadd.s32 s21, s2  }
0x9d: {  	[timem:s6], [sflag:s22] =	dma.local [hbm:s4], s20  }
0x9e: {  	_ =	swait.ge [sflag:s22], s20  }
0x9f: {  	s3 =	ssub.s32 $0x0, s20;
	[sflag:s22] =	ssyncset.done $0x0  }
0xa0: {  	[sflag:s22] =	ssyncadd.s32 s3;
	_ =	sdelay $0x1  }
0xa1: {  	s23 =	simm.s32 $0x1B8B  }
0xa2: {  	_ =	swait.ge [sflag:s23], $0x1  }
0xa3: {  	[sflag:s23] =	ssyncset.done $0x0  }
0xa4: {  	s25 =	simm.s32 $0x1B8E;
	s24 =	sld [smem:$0x3FFE];
	[sflag:s23] =	ssyncadd.s32 $0xFFFFFFFF  }
0xa5: {  	s26 =	simm.s32 $execute0_lowered;
	[smem:$0x3FD2] =	sst s25  }
0xa6: {  	s4 =	sshll.u32 s26, $0x1;
	_ =	strace $0x80000055;
	[dreg:$0x1] =	wrdreg $0xFFFFFFFF  }
0xa7: {  	s28 =	simm.s32 $_size_execute0_lowered;
	s2 =	sadd.s32 s2, s4;
	[dreg:$0x0] =	wrdreg $0x0  }
0xa8: {  	s4 =	sshll.u32 s28, $0x1;
	[dreg:$0x2] =	wrdreg s2  }
0xa9: {  	[dreg:$0x3] =	wrdreg s4  }
0xaa: {  	[dreg:$0x4] =	wrdreg $0xC0  }
0xab: {  	_ =	task [dreg:s6], $0x5FFFF  }
0xac: {  	[dreg:$0x1] =	wrdreg $0xFFFFFFFF  }
0xad: {  	[dreg:$0x0] =	wrdreg $0x60  }
0xae: {  	[dreg:$0x2] =	wrdreg s24  }
0xaf: {  	[dreg:$0x3] =	wrdreg $0xC0000  }
0xb0: {  	[dreg:$0x4] =	wrdreg $0x9  }
0xb1: {  	_ =	task.clear_ibuf [dreg:s6], $0x5FFFF;
	_ =	strace $0x90000055  }
0xb2: {  	s29 =	simm.s32 $0x9;
	_ =	strace $0x80000057  }
0xb3: {  	_ =	swait.ge [sflag:s29], $0x1  }
0xb4: {  	[sflag:s29] =	ssyncadd.s32 $0xFFFFFFFF  }
0xb5: {  	_ =	strace $0x90000057  }
0xb6: {  	_ =	sfence  }
0xb7: {  	s30 =	sld [smem:$0x0];
	_ =	sdelay $0x2  }
0xb8: {  	s31 =	sshll.u32 s1, $0xD;
	s1 =	sshrl.u32 s1, $0x2  }
0xb9: {  	s3 =	sand.u32 $0x4000, s31;
	s1 =	sadd.s32 s1, s30  }
0xba: {  	s0 =	sor.u32 s3, s0;
	s1 =	sshll.u32 s1, $0x11  }
0xbb: {  	s0 =	sor.u32 s1, s0  }
0xbc: {  	s0 =	sadd.s32 $0x8F2B, s0  }
0xbd: {  	[sflag:s0] =	ssyncadd.remote.s32 $0x1  }
0xbe: {  	_ =	sfence.sel $0xFFFF  }
0xbf: {  	[dreg:$0x0] =	wrdreg $0xFFFFFFFF;
	(pc) =	sbr.abs _section_cstart, $3  }
0xc0: {  	[dreg:$0x1] =	wrdreg $0xFFFFFFFF  }
0xc1: {  	_ =	task.clear_ibuf [dreg:s6], $0x2FFFF;
	_ =	strace $0x9FFFFFFF  }
0xc2: {  	(tm) =	ssettm $0x7FFFFFFF  }
0xc3: {  	_ =	shalt  }
tec
execute0_lowered:
.L_overlay_start_1:
0x0: {  	(tag) =	ssettag $0x1  }
0x1: {  	s0 =	srdreg.scid;
	s6 =	rddreg [dreg:$0x0]  }
0x2: {  	s2 =	rddreg [dreg:$0x1];
	s3 =	simm.s32 $0x0;
	s14 =	simm.s32 $0x40  }
0x3: {  	s15 =	simm.s32 $0xA000;
	s5 =	sand.u32 $0x1, s0;
	s0 =	stileid.u32  }
0x4: {  	s16 =	simm.s32 $0x1;
	s17 =	simm.s32 $0x0;
	s8 =	smul.u32 $0x13C00, s0  }
0x5: {  	[smem:$0x7FF] =	sst s3;
	s1 =	sshll.u32 s5, $0x4;
	s9 =	smul.u32 $0x13C000, s5  }
0x6: {  	s5 =	ssub.s32 $0x2, s5;
	s29 =	smul.u32 $0x4F000, s0;
	s31 =	sshll.u32 s0, $0x6  }
0x7: {  	s4 =	sor.u32 s0, s1;
	s1 =	rddreg [dreg:$0x2];
	_ =	strace $0x80000056  }
0x8: {  	s11 =	sshrl.u32 s5, $0x1;
	s7 =	smul.u32 $0xA00, s4;
	s4 =	sadd.s32 $0x5BA00, s6  }
0x9: {  	s28 =	sshrl.u32 s8, $0x3;
	s8 =	sadd.s32 s8, s9;
	s30 =	sshrl.u32 s29, $0x2  }
0xa: {  	s11 =	ssub.s32 s5, s11;
	s8 =	sshrl.u32 s8, $0x3;
	s13 =	sadd.s32 s30, s2  }
0xb: {  	s10 =	sadd.s32 s7, s6;
	s7 =	sadd.s32 s28, s6;
	s12 =	sadd.s32 s8, s6  }
0xc: {  	s6 =	sor.u32 $0x1C02, s31;
	s5 =	sadd.s32 $0x82C00, s7;
	s7 =	sadd.s32 $0x20800, s10  }
0xd: {  	s8 =	sadd.s32 $0xC800, s10;
	s9 =	sadd.s32 $0xAA400, s12;
	s10 =	smax.u32 s11, $0x1  }
0xe: {  	s11 =	sshrl.u32 s13, $0x3;
	s12 =	simm.s32 $0x2;
	s13 =	simm.s32 $0x5000  }
.LBB2_1:
0xf: {  	[spmem:s11], [sflag:s6] =	dma.local [hbm:s5], $0x2780  }
0x10: {  	_ =	swait.ge [sflag:s12], $0x2780  }
0x11: {  	[sflag:s12] =	ssyncset.done $0x0  }
0x12: {  	[sflag:s12] =	ssyncadd.s32 $0xFFFFD880  }
0x13: {  	[tilespmem:s3], [sflag:$0x2] =	stream.linear.gather [hbm4b:s7+s3], $0x4E80, $0x38;
	[tilespmem:$0x1FC00] =	vst v63  }
0x14: {  	_ =	swait.ge [sflag:s12], $0x4E80  }
0x15: {  	[sflag:s12] =	ssyncset.done $0x0  }
0x16: {  	[sflag:s12] =	ssyncadd.s32 $0xFFFFB180  }
0x17: {  	[tilespmem:s13], [sflag:$0x2] =	stream.linear.gather [hbm4b:s8+s3], $0x4E80, $0x38;
	[tilespmem:$0x1FC00] =	vst v63  }
0x18: {  	_ =	swait.ge [sflag:s12], $0x4E80  }
0x19: {  	[sflag:s12] =	ssyncset.done $0x0  }
0x1a: {  	[sflag:s12] =	ssyncadd.s32 $0xFFFFB180  }
0x1b: {  	s18 =	simm.s32 $0x0;
	[bflag:$0x0] =	sbarrier.arrive $0xFFFF  }
0x1c: {  	[tilespmem:s15], [sflag:$0x1] =	stream.indirect.gather [hbm4b:s4+s14], $0x80, s18, s14, $0xb8;
	[tilespmem:$0x1FC00] =	vst v63  }
0x1d: {  	_ =	swait.ge [sflag:s16], $0x2000  }
0x1e: {  	[sflag:s16] =	ssyncset.done $0x0  }
0x1f: {  	s31 =	simm.s32 $0x5000;
	[sflag:s16] =	ssyncadd.s32 $0xFFFFE000  }
0x20: {  	[spmem:s2] =	stream.indirect.scatter.add.f32 [tilespmem:s15], [sflag:$0x2], $0x80, s31, s14, $0xb8;
	[tilespmem:$0x1FC00] =	vst v63  }
0x21: {  	_ =	swait.ge [sflag:s12], $0x2000  }
0x22: {  	s19 =	simm.s32 $0x400;
	s18 =	simm.s32 $0x200;
	[sflag:s12] =	ssyncset.done $0x0  }
.LBB2_2:
0x23: {  	s20 =	sshra.s32 s18, $0x2  }
0x24: {  	[sflag:s12] =	ssyncadd.s32 $0xFFFFE000;
	s18 =	smov.u32 s19;
	s21 =	sadd.s32 $0x200, s19  }
0x25: {  	[tilespmem:s15], [sflag:$0x1] =	stream.indirect.gather [hbm4b:s4+s14], $0x80, s20, s14, $0xb8;
	[tilespmem:$0x1FC00] =	vst v63  }
0x26: {  	p0 =	sne.s32 s19, $0x13800;
	_ =	swait.ge [sflag:s16], $0x2000  }
.Ltmp0:
0x27: {  	[sflag:s16] =	ssyncset.done $0x0;
	(pc) =	sbr.rel @p0 .LBB2_2-.Ltmp0, $4  }
0x28: {  	s19 =	sadd.s32 $0x5000, s20;
	[sflag:s16] =	ssyncadd.s32 $0xFFFFE000  }
0x29: {  	[spmem:s2] =	stream.indirect.scatter.add.f32 [tilespmem:s15], [sflag:$0x2], $0x80, s19, s14, $0xb8;
	[tilespmem:$0x1FC00] =	vst v63  }
0x2a: {  	_ =	swait.ge [sflag:s12], $0x2000  }
0x2b: {  	s19 =	smov.u32 s21;
	[sflag:s12] =	ssyncset.done $0x0  }
0x2c: {  	s18 =	sshra.s32 s18, $0x2;
	[sflag:s12] =	ssyncadd.s32 $0xFFFFE000  }
0x2d: {  	[tilespmem:s15], [sflag:$0x1] =	stream.indirect.gather [hbm4b:s4+s14], $0x80, s18, s14, $0xb8;
	[tilespmem:$0x1FC00] =	vst v63  }
0x2e: {  	_ =	swait.ge [sflag:s16], $0x2000  }
0x2f: {  	[sflag:s16] =	ssyncset.done $0x0  }
0x30: {  	s18 =	sadd.s32 $0x5000, s18;
	[sflag:s16] =	ssyncadd.s32 $0xFFFFE000  }
0x31: {  	[spmem:s2] =	stream.indirect.scatter.add.f32 [tilespmem:s15], [sflag:$0x2], $0x80, s18, s14, $0xb8;
	[tilespmem:$0x1FC00] =	vst v63  }
0x32: {  	_ =	swait.ge [sflag:s12], $0x2000  }
0x33: {  	s17 =	sadd.s32 $0x1, s17;
	[sflag:s12] =	ssyncset.done $0x0  }
0x34: {  	p0 =	sne.s32 s17, s10;
	[sflag:s12] =	ssyncadd.s32 $0xFFFFE000  }
.Ltmp1:
0x35: {  	[bflag:$0x0] =	sbarrier.arrive $0xFFFF;
	(pc) =	sbr.rel @p0 .LBB2_1-.Ltmp1, $4  }
0x36: {  	[hbm:s9], [sflag:s6] =	dma.local [spmem:s11], $0x2780  }
0x37: {  	_ =	swait.ge [sflag:s12], $0x2780  }
0x38: {  	[sflag:s12] =	ssyncset.done $0x0  }
0x39: {  	[sflag:s12] =	ssyncadd.s32 $0xFFFFD880  }
0x3a: {  	_ =	sfence.sel $0x180000  }
0x3b: {  	[bflag:$0x0] =	sbarrier.arrive $0xFFFF  }
0x3c: {  	p0 =	sne.s32 s0, $0x0;
	_ =	strace $0x90000056  }
0x3d: {  	s0 =	sadd.s32 @!p0 $0x100000, s1;
	[bflag:$0x2] =	sbarrier.arrive $0xFFFF  }
0x3e: {  	[sflag:s0] =	ssyncadd.tile.s32 @!p0 $0x1;
	_ =	shalt  }
.Lfunc_end2:
_tile_overlayer_lowered:
.L_overlay_start_2:
0x3f: {  	(tag) =	ssettag $0x2  }
0x40: {  	s0 =	rddreg [dreg:$0x0];
	s2 =	stileid.u32  }
0x41: {  	s1 =	rddreg [dreg:$0x1];
	p0 =	sne.s32 s2, $0x0  }
0x42: {  	s3 =	rddreg [dreg:$0x2];
	[bflag:$0x3] =	sbarrier.arrive $0xFFFF;
	s2 =	simm.s32 @!p0 $0x1C02  }
0x43: {  	[timem:s3], [sflag:s2] =	dma.local @!p0 [hbm:s0], s1  }
0x44: {  	s0 =	simm.s32 @!p0 $0x2  }
0x45: {  	_ =	swait.ge @!p0 [sflag:s0], s1  }
0x46: {  	s1 =	ssub.s32 @!p0 $0x0, s1;
	[sflag:s0] =	ssyncset.done @!p0 $0x0  }
0x47: {  	[sflag:s0] =	ssyncadd.s32 @!p0 s1  }
0x48: {  	[bflag:$0x3] =	sbarrier.arrive $0xFFFF  }
0x49: {  	_ =	shalt  }

// kernel: kernel.43.cloned.1.call-start
scs
__scs_entry_jumppad:
0x0: {  	(pc) =	sbr.rel $0x88, $3  }
0x1: {  	(tag) =	ssettag $0x0;
	lr =	simm.s32 $0x1  }
0x2: {  	[smem:$0x3F91] =	sst lr;
	_ =	strace $0xD0000000  }
0x3: {  	_ = 	snop  }
0x4: {  	_ = 	snop  }
0x5: {  	_ = 	snop  }
0x6: {  	_ = 	snop  }
0x7: {  	_ = 	snop  }
__scs_overlays_trampoline_lowered:
0x8: {  	[smem:$0x3FA0] =	sst s0  }
0x9: {  	[smem:$0x3FA1] =	sst s1  }
0xa: {  	[smem:$0x3FA2] =	sst s2  }
0xb: {  	[smem:$0x3FA3] =	sst s3  }
0xc: {  	[smem:$0x3FA4] =	sst s4  }
0xd: {  	[smem:$0x3FA5] =	sst s5  }
0xe: {  	[smem:$0x3FA6] =	sst s6  }
0xf: {  	[smem:$0x3FA7] =	sst s7  }
0x10: {  	[smem:$0x3FA8] =	sst s8  }
0x11: {  	[smem:$0x3FA9] =	sst s9;
	s0 =	simm.s32 @!p0 $0x0  }
0x12: {  	s1 =	sld [smem:$0x3F8F];
	s0 =	simm.s32 @p0 $0x1  }
0x13: {  	[smem:$0x3FAA] =	sst s0;
	s0 =	simm.s32 @!p1 $0x0  }
0x14: {  	s2 =	sld [smem:$0x3F8E];
	s0 =	simm.s32 @p1 $0x1  }
0x15: {  	[smem:$0x3FAB] =	sst s0;
	s0 =	simm.s32 @!p2 $0x0  }
0x16: {  	s3 =	sld [smem:$0x3FDB];
	s0 =	simm.s32 @p2 $0x1  }
0x17: {  	s4 =	simm.s32 $0x1BF5;
	[smem:$0x3FAD] =	sst s0  }
0x18: {  	s0 =	sld [smem:$0x3F90];
	_ =	swait.ge [sflag:s4], $0x0  }
0x19: {  	s7 =	sld [smem:$0x3F91]  }
0x1a: {  	s8 =	sadd.s32 $0xFFFFE003, lr  }
0x1b: {  	s9 =	sadd.s32 $0xFFFFFEF7, lr;
	s5 =	simm.s32 $0xFFFFFFFF;
	p2 =	slt.u32 s8, $0xFFFFF086  }
0x1c: {  	p1 =	slt.u32 s9, $0xF7A;
	s5 =	simm.s32 @!p2 $0x0  }
0x1d: {  	s5 =	simm.s32 @p1 $0x1;
	p0 =	seq.s32 s7, s2  }
0x1e: {  	s7 =	smul.u32 @!p0 $0xF7A, s2;
	p2 =	seq.s32 @!p0 s5, $0x0  }
0x1f: {  	s9 =	smul.u32 $0xF7A, s1;
	s8 =	simm.s32 @!p0 $0x1BF5;
	p2 =	por !p2, p0  }
0x20: {  	[sflag:s8] =	ssyncset.s32 @!p0 $0xFFFFF086;
	s6 =	sadd.s32 @!p0 s3, s7;
	s7 =	simm.s32 @!p0 $0x108  }
0x21: {  	s3 =	sadd.s32 s3, s9;
	s6 =	sadd.s32 @!p0 $0x88, s6;
	s7 =	simm.s32 @p2 $0x1082  }
0x22: {  	[simem:s7], [sflag:s8] =	dma.local @!p0 [hbm:s6], $0xF7A  }
0x23: {  	s9 =	sor.u32 $0xD0000000, s2;
	s6 =	simm.s32 $0x108;
	_ =	swait.ge @!p0 [sflag:s8], $0x0  }
0x24: {  	s3 =	sadd.s32 $0x88, s3;
	s6 =	simm.s32 @!p1 $0x1082;
	[sflag:s4] =	ssyncset.s32 $0xFFFFF086  }
0x25: {  	[simem:s6], [sflag:s4] =	dma.local [hbm:s3], $0xF7A  }
0x26: {  	[smem:$0x3F91] =	sst s1;
	(tag) =	ssettag s2;
	_ =	strace s9  }
0x27: {  	s1 =	sld [smem:$0x3FA1]  }
0x28: {  	s2 =	sld [smem:$0x3FA2]  }
0x29: {  	s4 =	sld [smem:$0x3FA4]  }
0x2a: {  	p0 =	seq.s32 s5, $0x0;
	s5 =	sld [smem:$0x3FA5]  }
0x2b: {  	s6 =	sld [smem:$0x3FA6]  }
0x2c: {  	s7 =	sld [smem:$0x3FA7]  }
0x2d: {  	s3 =	simm.s32 $0x108;
	s8 =	sld [smem:$0x3FA8]  }
0x2e: {  	s3 =	simm.s32 @!p0 $0x1082;
	s9 =	sld [smem:$0x3FA9]  }
0x2f: {  	lr =	sadd.s32 s0, s3;
	s0 =	sld [smem:$0x3FA0]  }
0x30: {  	s3 =	sld [smem:$0x3FA3]  }
0x31: {  	[smem:$0x3FAC] =	sst s10  }
0x32: {  	s10 =	sld [smem:$0x3FAA];
	_ =	sdelay $0x3  }
0x33: {  	p0 =	seq.s32 s10, $0x1;
	s10 =	sld [smem:$0x3FAC];
	_ =	sdelay $0x3  }
0x34: {  	[smem:$0x3FAC] =	sst s10  }
0x35: {  	s10 =	sld [smem:$0x3FAB];
	_ =	sdelay $0x3  }
0x36: {  	p1 =	seq.s32 s10, $0x1;
	s10 =	sld [smem:$0x3FAC];
	_ =	sdelay $0x3  }
0x37: {  	[smem:$0x3FAC] =	sst s10  }
0x38: {  	s10 =	sld [smem:$0x3FAD]  }
0x39: {  	_ = 	snop;
	(pc) =	sbr.ind lr, $3  }
0x3a: {  	_ = 	snop  }
0x3b: {  	_ = 	snop  }
0x3c: {  	p2 =	seq.s32 s10, $0x1;
	s10 =	sld [smem:$0x3FAC]  }
0x3d: {  	_ =	shalt  }
0x3e: {  	_ =	shalt  }
0x3f: {  	_ =	shalt  }
0x40: {  	_ =	shalt  }
0x41: {  	_ =	shalt  }
0x42: {  	_ =	shalt  }
0x43: {  	_ =	shalt  }
0x44: {  	_ =	shalt  }
0x45: {  	_ =	shalt  }
0x46: {  	_ =	shalt  }
0x47: {  	_ =	shalt  }
0x48: {  	_ =	shalt  }
0x49: {  	_ =	shalt  }
0x4a: {  	_ =	shalt  }
0x4b: {  	_ =	shalt  }
0x4c: {  	_ =	shalt  }
0x4d: {  	_ =	shalt  }
0x4e: {  	_ =	shalt  }
0x4f: {  	_ =	shalt  }
0x50: {  	_ =	shalt  }
0x51: {  	_ =	shalt  }
0x52: {  	_ =	shalt  }
0x53: {  	_ =	shalt  }
0x54: {  	_ =	shalt  }
0x55: {  	_ =	shalt  }
0x56: {  	_ =	shalt  }
0x57: {  	_ =	shalt  }
0x58: {  	_ =	shalt  }
0x59: {  	_ =	shalt  }
0x5a: {  	_ =	shalt  }
0x5b: {  	_ =	shalt  }
0x5c: {  	_ =	shalt  }
0x5d: {  	_ =	shalt  }
0x5e: {  	_ =	shalt  }
0x5f: {  	_ =	shalt  }
0x60: {  	_ =	shalt  }
0x61: {  	_ =	shalt  }
0x62: {  	_ =	shalt  }
0x63: {  	_ =	shalt  }
0x64: {  	_ =	shalt  }
0x65: {  	_ =	shalt  }
0x66: {  	_ =	shalt  }
0x67: {  	_ =	shalt  }
0x68: {  	_ =	shalt  }
0x69: {  	_ =	shalt  }
0x6a: {  	_ =	shalt  }
0x6b: {  	_ =	shalt  }
0x6c: {  	_ =	shalt  }
0x6d: {  	_ =	shalt  }
0x6e: {  	_ =	shalt  }
0x6f: {  	_ =	shalt  }
0x70: {  	_ =	shalt  }
0x71: {  	_ =	shalt  }
0x72: {  	_ =	shalt  }
0x73: {  	_ =	shalt  }
0x74: {  	_ =	shalt  }
0x75: {  	_ =	shalt  }
0x76: {  	_ =	shalt  }
0x77: {  	_ =	shalt  }
0x78: {  	_ =	shalt  }
0x79: {  	_ =	shalt  }
0x7a: {  	_ =	shalt  }
0x7b: {  	_ =	shalt  }
0x7c: {  	_ =	shalt  }
0x7d: {  	_ =	shalt  }
0x7e: {  	_ =	shalt  }
0x7f: {  	_ =	shalt  }
0x80: {  	_ =	shalt  }
0x81: {  	_ =	shalt  }
0x82: {  	_ =	shalt  }
0x83: {  	_ =	shalt  }
0x84: {  	_ =	shalt  }
0x85: {  	_ =	shalt  }
0x86: {  	_ =	shalt  }
0x87: {  	_ =	shalt  }
.Lfunc_end0:
.L_simem_size_0:
called_computation.6_lowered:
.L_overlay_start_0:
0x88: {  	s2 =	sld [smem:$0x3FD9]  }
0x89: {  	s3 =	sld [smem:$0x3FFE];
	_ =	sdelay $0x1  }
0x8a: {  	s1 =	srdreg.scid  }
0x8b: {  	s0 =	sand.u32 $0x1, s1  }
0x8c: {  	s16 =	sshll.u32 s0, $0xA;
	s2 =	sadd.s32 s3, s2  }
0x8d: {  	s2 =	sadd.s32 s2, s16  }
0x8e: {  	[smem:$0x3FB8] =	sst s2  }
0x8f: {  	_ = 	snop  }
0x90: {  	(tm) =	ssettm $0x1  }
0x91: {  	s17 =	sld [smem:$0x3FFB];
	_ =	sdelay $0x3  }
0x92: {  	_ =	strace s17  }
0x93: {  	s2 =	sld [smem:$0x3FFC];
	_ =	sdelay $0x3  }
0x94: {  	_ =	strace s2  }
0x95: {  	s2 =	sld [smem:$0x3FFD];
	_ =	sdelay $0x3  }
0x96: {  	_ =	strace s2  }
0x97: {  	_ =	strace $0x8FFFFFFF  }
0x98: {  	s18 =	sld [smem:$0x3FDB];
	_ =	sdelay $0x1  }
0x99: {  	s19 =	simm.s32 $_scs_section_size  }
0x9a: {  	s4 =	simm.s32 $_size__tile_overlayer_lowered;
	s5 =	simm.s32 $_tile_overlayer_lowered  }
0x9b: {  	s22 =	simm.s32 $0x1BFF;
	s21 =	sshll.u32 s5, $0x1;
	s2 =	sadd.s32 s19, s18  }
0x9c: {  	s6 =	simm.s32 $0x0;
	s20 =	sshll.u32 s4, $0x1;
	s4 =	sadd.s32 s21, s2  }
0x9d: {  	[timem:s6], [sflag:s22] =	dma.local [hbm:s4], s20  }
0x9e: {  	_ =	swait.ge [sflag:s22], s20  }
0x9f: {  	s3 =	ssub.s32 $0x0, s20;
	[sflag:s22] =	ssyncset.done $0x0  }
0xa0: {  	[sflag:s22] =	ssyncadd.s32 s3;
	_ =	sdelay $0x1  }
0xa1: {  	s23 =	simm.s32 $0x1B8B  }
0xa2: {  	_ =	swait.ge [sflag:s23], $0x1  }
0xa3: {  	[sflag:s23] =	ssyncset.done $0x0  }
0xa4: {  	s25 =	simm.s32 $0x1B8E;
	s24 =	sld [smem:$0x3FFE];
	[sflag:s23] =	ssyncadd.s32 $0xFFFFFFFF  }
0xa5: {  	s26 =	simm.s32 $execute0_lowered;
	[smem:$0x3FD2] =	sst s25  }
0xa6: {  	s4 =	sshll.u32 s26, $0x1;
	_ =	strace $0x80000058;
	[dreg:$0x1] =	wrdreg $0xFFFFFFFF  }
0xa7: {  	s28 =	simm.s32 $_size_execute0_lowered;
	s2 =	sadd.s32 s2, s4;
	[dreg:$0x0] =	wrdreg $0x0  }
0xa8: {  	s4 =	sshll.u32 s28, $0x1;
	[dreg:$0x2] =	wrdreg s2  }
0xa9: {  	[dreg:$0x3] =	wrdreg s4  }
0xaa: {  	[dreg:$0x4] =	wrdreg $0xC0  }
0xab: {  	_ =	task [dreg:s6], $0x5FFFF  }
0xac: {  	[dreg:$0x1] =	wrdreg $0xFFFFFFFF  }
0xad: {  	[dreg:$0x0] =	wrdreg $0x60  }
0xae: {  	[dreg:$0x2] =	wrdreg s24  }
0xaf: {  	[dreg:$0x3] =	wrdreg $0xC0000  }
0xb0: {  	[dreg:$0x4] =	wrdreg $0x9  }
0xb1: {  	_ =	task.clear_ibuf [dreg:s6], $0x5FFFF;
	_ =	strace $0x90000058  }
0xb2: {  	s29 =	simm.s32 $0x9;
	_ =	strace $0x8000005A  }
0xb3: {  	_ =	swait.ge [sflag:s29], $0x1  }
0xb4: {  	[sflag:s29] =	ssyncadd.s32 $0xFFFFFFFF  }
0xb5: {  	_ =	strace $0x9000005A  }
0xb6: {  	_ =	sfence  }
0xb7: {  	s30 =	sld [smem:$0x0];
	_ =	sdelay $0x2  }
0xb8: {  	s31 =	sshll.u32 s1, $0xD;
	s1 =	sshrl.u32 s1, $0x2  }
0xb9: {  	s3 =	sand.u32 $0x4000, s31;
	s1 =	sadd.s32 s1, s30  }
0xba: {  	s0 =	sor.u32 s3, s0;
	s1 =	sshll.u32 s1, $0x11  }
0xbb: {  	s0 =	sor.u32 s1, s0  }
0xbc: {  	s0 =	sadd.s32 $0x8F2B, s0  }
0xbd: {  	[sflag:s0] =	ssyncadd.remote.s32 $0x1  }
0xbe: {  	_ =	sfence.sel $0xFFFF  }
0xbf: {  	[dreg:$0x0] =	wrdreg $0xFFFFFFFF;
	(pc) =	sbr.abs _section_cstart, $3  }
0xc0: {  	[dreg:$0x1] =	wrdreg $0xFFFFFFFF  }
0xc1: {  	_ =	task.clear_ibuf [dreg:s6], $0x2FFFF;
	_ =	strace $0x9FFFFFFF  }
0xc2: {  	(tm) =	ssettm $0x7FFFFFFF  }
0xc3: {  	_ =	shalt  }
tec
execute0_lowered:
.L_overlay_start_1:
0x0: {  	(tag) =	ssettag $0x1  }
0x1: {  	s0 =	srdreg.scid;
	s6 =	rddreg [dreg:$0x0]  }
0x2: {  	s2 =	rddreg [dreg:$0x1];
	s3 =	simm.s32 $0x0;
	s14 =	simm.s32 $0x40  }
0x3: {  	s15 =	simm.s32 $0xA000;
	s5 =	sand.u32 $0x1, s0;
	s0 =	stileid.u32  }
0x4: {  	s16 =	simm.s32 $0x1;
	s17 =	simm.s32 $0x0;
	s8 =	smul.u32 $0x13C00, s0  }
0x5: {  	[smem:$0x7FF] =	sst s3;
	s1 =	sshll.u32 s5, $0x4;
	s9 =	smul.u32 $0x13C000, s5  }
0x6: {  	s5 =	ssub.s32 $0x2, s5;
	s29 =	smul.u32 $0x4F000, s0;
	s31 =	sshll.u32 s0, $0x6  }
0x7: {  	s4 =	sor.u32 s0, s1;
	s1 =	rddreg [dreg:$0x2];
	_ =	strace $0x80000059  }
0x8: {  	s11 =	sshrl.u32 s5, $0x1;
	s7 =	smul.u32 $0xA00, s4;
	s4 =	sadd.s32 $0x5BA00, s6  }
0x9: {  	s28 =	sshrl.u32 s8, $0x3;
	s8 =	sadd.s32 s8, s9;
	s30 =	sshrl.u32 s29, $0x2  }
0xa: {  	s11 =	ssub.s32 s5, s11;
	s8 =	sshrl.u32 s8, $0x3;
	s13 =	sadd.s32 s30, s2  }
0xb: {  	s10 =	sadd.s32 s7, s6;
	s7 =	sadd.s32 s28, s6;
	s12 =	sadd.s32 s8, s6  }
0xc: {  	s6 =	sor.u32 $0x1C02, s31;
	s5 =	sadd.s32 $0x82C00, s7;
	s7 =	sadd.s32 $0x20800, s10  }
0xd: {  	s8 =	sadd.s32 $0xC800, s10;
	s9 =	sadd.s32 $0xAA400, s12;
	s10 =	smax.u32 s11, $0x1  }
0xe: {  	s11 =	sshrl.u32 s13, $0x3;
	s12 =	simm.s32 $0x2;
	s13 =	simm.s32 $0x5000  }
.LBB2_1:
0xf: {  	[spmem:s11], [sflag:s6] =	dma.local [hbm:s5], $0x2780  }
0x10: {  	_ =	swait.ge [sflag:s12], $0x2780  }
0x11: {  	[sflag:s12] =	ssyncset.done $0x0  }
0x12: {  	[sflag:s12] =	ssyncadd.s32 $0xFFFFD880  }
0x13: {  	[tilespmem:s3], [sflag:$0x2] =	stream.linear.gather [hbm4b:s7+s3], $0x4E80, $0x38;
	[tilespmem:$0x1FC00] =	vst v63  }
0x14: {  	_ =	swait.ge [sflag:s12], $0x4E80  }
0x15: {  	[sflag:s12] =	ssyncset.done $0x0  }
0x16: {  	[sflag:s12] =	ssyncadd.s32 $0xFFFFB180  }
0x17: {  	[tilespmem:s13], [sflag:$0x2] =	stream.linear.gather [hbm4b:s8+s3], $0x4E80, $0x38;
	[tilespmem:$0x1FC00] =	vst v63  }
0x18: {  	_ =	swait.ge [sflag:s12], $0x4E80  }
0x19: {  	[sflag:s12] =	ssyncset.done $0x0  }
0x1a: {  	[sflag:s12] =	ssyncadd.s32 $0xFFFFB180  }
0x1b: {  	s18 =	simm.s32 $0x0;
	[bflag:$0x0] =	sbarrier.arrive $0xFFFF  }
0x1c: {  	[tilespmem:s15], [sflag:$0x1] =	stream.indirect.gather [hbm4b:s4+s14], $0x80, s18, s14, $0xb8;
	[tilespmem:$0x1FC00] =	vst v63  }
0x1d: {  	_ =	swait.ge [sflag:s16], $0x2000  }
0x1e: {  	[sflag:s16] =	ssyncset.done $0x0  }
0x1f: {  	s31 =	simm.s32 $0x5000;
	[sflag:s16] =	ssyncadd.s32 $0xFFFFE000  }
0x20: {  	[spmem:s2] =	stream.indirect.scatter.add.f32 [tilespmem:s15], [sflag:$0x2], $0x80, s31, s14, $0xb8;
	[tilespmem:$0x1FC00] =	vst v63  }
0x21: {  	_ =	swait.ge [sflag:s12], $0x2000  }
0x22: {  	s19 =	simm.s32 $0x400;
	s18 =	simm.s32 $0x200;
	[sflag:s12] =	ssyncset.done $0x0  }
.LBB2_2:
0x23: {  	s20 =	sshra.s32 s18, $0x2  }
0x24: {  	[sflag:s12] =	ssyncadd.s32 $0xFFFFE000;
	s18 =	smov.u32 s19;
	s21 =	sadd.s32 $0x200, s19  }
0x25: {  	[tilespmem:s15], [sflag:$0x1] =	stream.indirect.gather [hbm4b:s4+s14], $0x80, s20, s14, $0xb8;
	[tilespmem:$0x1FC00] =	vst v63  }
0x26: {  	p0 =	sne.s32 s19, $0x13800;
	_ =	swait.ge [sflag:s16], $0x2000  }
.Ltmp0:
0x27: {  	[sflag:s16] =	ssyncset.done $0x0;
	(pc) =	sbr.rel @p0 .LBB2_2-.Ltmp0, $4  }
0x28: {  	s19 =	sadd.s32 $0x5000, s20;
	[sflag:s16] =	ssyncadd.s32 $0xFFFFE000  }
0x29: {  	[spmem:s2] =	stream.indirect.scatter.add.f32 [tilespmem:s15], [sflag:$0x2], $0x80, s19, s14, $0xb8;
	[tilespmem:$0x1FC00] =	vst v63  }
0x2a: {  	_ =	swait.ge [sflag:s12], $0x2000  }
0x2b: {  	s19 =	smov.u32 s21;
	[sflag:s12] =	ssyncset.done $0x0  }
0x2c: {  	s18 =	sshra.s32 s18, $0x2;
	[sflag:s12] =	ssyncadd.s32 $0xFFFFE000  }
0x2d: {  	[tilespmem:s15], [sflag:$0x1] =	stream.indirect.gather [hbm4b:s4+s14], $0x80, s18, s14, $0xb8;
	[tilespmem:$0x1FC00] =	vst v63  }
0x2e: {  	_ =	swait.ge [sflag:s16], $0x2000  }
0x2f: {  	[sflag:s16] =	ssyncset.done $0x0  }
0x30: {  	s18 =	sadd.s32 $0x5000, s18;
	[sflag:s16] =	ssyncadd.s32 $0xFFFFE000  }
0x31: {  	[spmem:s2] =	stream.indirect.scatter.add.f32 [tilespmem:s15], [sflag:$0x2], $0x80, s18, s14, $0xb8;
	[tilespmem:$0x1FC00] =	vst v63  }
0x32: {  	_ =	swait.ge [sflag:s12], $0x2000  }
0x33: {  	s17 =	sadd.s32 $0x1, s17;
	[sflag:s12] =	ssyncset.done $0x0  }
0x34: {  	p0 =	sne.s32 s17, s10;
	[sflag:s12] =	ssyncadd.s32 $0xFFFFE000  }
.Ltmp1:
0x35: {  	[bflag:$0x0] =	sbarrier.arrive $0xFFFF;
	(pc) =	sbr.rel @p0 .LBB2_1-.Ltmp1, $4  }
0x36: {  	[hbm:s9], [sflag:s6] =	dma.local [spmem:s11], $0x2780  }
0x37: {  	_ =	swait.ge [sflag:s12], $0x2780  }
0x38: {  	[sflag:s12] =	ssyncset.done $0x0  }
0x39: {  	[sflag:s12] =	ssyncadd.s32 $0xFFFFD880  }
0x3a: {  	_ =	sfence.sel $0x180000  }
0x3b: {  	[bflag:$0x0] =	sbarrier.arrive $0xFFFF  }
0x3c: {  	p0 =	sne.s32 s0, $0x0;
	_ =	strace $0x90000059  }
0x3d: {  	s0 =	sadd.s32 @!p0 $0x100000, s1;
	[bflag:$0x2] =	sbarrier.arrive $0xFFFF  }
0x3e: {  	[sflag:s0] =	ssyncadd.tile.s32 @!p0 $0x1;
	_ =	shalt  }
.Lfunc_end2:
_tile_overlayer_lowered:
.L_overlay_start_2:
0x3f: {  	(tag) =	ssettag $0x2  }
0x40: {  	s0 =	rddreg [dreg:$0x0];
	s2 =	stileid.u32  }
0x41: {  	s1 =	rddreg [dreg:$0x1];
	p0 =	sne.s32 s2, $0x0  }
0x42: {  	s3 =	rddreg [dreg:$0x2];
	[bflag:$0x3] =	sbarrier.arrive $0xFFFF;
	s2 =	simm.s32 @!p0 $0x1C02  }
0x43: {  	[timem:s3], [sflag:s2] =	dma.local @!p0 [hbm:s0], s1  }
0x44: {  	s0 =	simm.s32 @!p0 $0x2  }
0x45: {  	_ =	swait.ge @!p0 [sflag:s0], s1  }
0x46: {  	s1 =	ssub.s32 @!p0 $0x0, s1;
	[sflag:s0] =	ssyncset.done @!p0 $0x0  }
0x47: {  	[sflag:s0] =	ssyncadd.s32 @!p0 s1  }
0x48: {  	[bflag:$0x3] =	sbarrier.arrive $0xFFFF  }
0x49: {  	_ =	shalt  }

// kernel: kernel.46.cloned.1.call-start
scs
__scs_entry_jumppad:
0x0: {  	(pc) =	sbr.rel $0x88, $3  }
0x1: {  	(tag) =	ssettag $0x0;
	lr =	simm.s32 $0x1  }
0x2: {  	[smem:$0x3F91] =	sst lr;
	_ =	strace $0xD0000000  }
0x3: {  	_ = 	snop  }
0x4: {  	_ = 	snop  }
0x5: {  	_ = 	snop  }
0x6: {  	_ = 	snop  }
0x7: {  	_ = 	snop  }
__scs_overlays_trampoline_lowered:
0x8: {  	[smem:$0x3FA0] =	sst s0  }
0x9: {  	[smem:$0x3FA1] =	sst s1  }
0xa: {  	[smem:$0x3FA2] =	sst s2  }
0xb: {  	[smem:$0x3FA3] =	sst s3  }
0xc: {  	[smem:$0x3FA4] =	sst s4  }
0xd: {  	[smem:$0x3FA5] =	sst s5  }
0xe: {  	[smem:$0x3FA6] =	sst s6  }
0xf: {  	[smem:$0x3FA7] =	sst s7  }
0x10: {  	[smem:$0x3FA8] =	sst s8  }
0x11: {  	[smem:$0x3FA9] =	sst s9;
	s0 =	simm.s32 @!p0 $0x0  }
0x12: {  	s1 =	sld [smem:$0x3F8F];
	s0 =	simm.s32 @p0 $0x1  }
0x13: {  	[smem:$0x3FAA] =	sst s0;
	s0 =	simm.s32 @!p1 $0x0  }
0x14: {  	s2 =	sld [smem:$0x3F8E];
	s0 =	simm.s32 @p1 $0x1  }
0x15: {  	[smem:$0x3FAB] =	sst s0;
	s0 =	simm.s32 @!p2 $0x0  }
0x16: {  	s3 =	sld [smem:$0x3FDB];
	s0 =	simm.s32 @p2 $0x1  }
0x17: {  	s4 =	simm.s32 $0x1BF5;
	[smem:$0x3FAD] =	sst s0  }
0x18: {  	s0 =	sld [smem:$0x3F90];
	_ =	swait.ge [sflag:s4], $0x0  }
0x19: {  	s7 =	sld [smem:$0x3F91]  }
0x1a: {  	s8 =	sadd.s32 $0xFFFFE003, lr  }
0x1b: {  	s9 =	sadd.s32 $0xFFFFFEF7, lr;
	s5 =	simm.s32 $0xFFFFFFFF;
	p2 =	slt.u32 s8, $0xFFFFF086  }
0x1c: {  	p1 =	slt.u32 s9, $0xF7A;
	s5 =	simm.s32 @!p2 $0x0  }
0x1d: {  	s5 =	simm.s32 @p1 $0x1;
	p0 =	seq.s32 s7, s2  }
0x1e: {  	s7 =	smul.u32 @!p0 $0xF7A, s2;
	p2 =	seq.s32 @!p0 s5, $0x0  }
0x1f: {  	s9 =	smul.u32 $0xF7A, s1;
	s8 =	simm.s32 @!p0 $0x1BF5;
	p2 =	por !p2, p0  }
0x20: {  	[sflag:s8] =	ssyncset.s32 @!p0 $0xFFFFF086;
	s6 =	sadd.s32 @!p0 s3, s7;
	s7 =	simm.s32 @!p0 $0x108  }
0x21: {  	s3 =	sadd.s32 s3, s9;
	s6 =	sadd.s32 @!p0 $0x88, s6;
	s7 =	simm.s32 @p2 $0x1082  }
0x22: {  	[simem:s7], [sflag:s8] =	dma.local @!p0 [hbm:s6], $0xF7A  }
0x23: {  	s9 =	sor.u32 $0xD0000000, s2;
	s6 =	simm.s32 $0x108;
	_ =	swait.ge @!p0 [sflag:s8], $0x0  }
0x24: {  	s3 =	sadd.s32 $0x88, s3;
	s6 =	simm.s32 @!p1 $0x1082;
	[sflag:s4] =	ssyncset.s32 $0xFFFFF086  }
0x25: {  	[simem:s6], [sflag:s4] =	dma.local [hbm:s3], $0xF7A  }
0x26: {  	[smem:$0x3F91] =	sst s1;
	(tag) =	ssettag s2;
	_ =	strace s9  }
0x27: {  	s1 =	sld [smem:$0x3FA1]  }
0x28: {  	s2 =	sld [smem:$0x3FA2]  }
0x29: {  	s4 =	sld [smem:$0x3FA4]  }
0x2a: {  	p0 =	seq.s32 s5, $0x0;
	s5 =	sld [smem:$0x3FA5]  }
0x2b: {  	s6 =	sld [smem:$0x3FA6]  }
0x2c: {  	s7 =	sld [smem:$0x3FA7]  }
0x2d: {  	s3 =	simm.s32 $0x108;
	s8 =	sld [smem:$0x3FA8]  }
0x2e: {  	s3 =	simm.s32 @!p0 $0x1082;
	s9 =	sld [smem:$0x3FA9]  }
0x2f: {  	lr =	sadd.s32 s0, s3;
	s0 =	sld [smem:$0x3FA0]  }
0x30: {  	s3 =	sld [smem:$0x3FA3]  }
0x31: {  	[smem:$0x3FAC] =	sst s10  }
0x32: {  	s10 =	sld [smem:$0x3FAA];
	_ =	sdelay $0x3  }
0x33: {  	p0 =	seq.s32 s10, $0x1;
	s10 =	sld [smem:$0x3FAC];
	_ =	sdelay $0x3  }
0x34: {  	[smem:$0x3FAC] =	sst s10  }
0x35: {  	s10 =	sld [smem:$0x3FAB];
	_ =	sdelay $0x3  }
0x36: {  	p1 =	seq.s32 s10, $0x1;
	s10 =	sld [smem:$0x3FAC];
	_ =	sdelay $0x3  }
0x37: {  	[smem:$0x3FAC] =	sst s10  }
0x38: {  	s10 =	sld [smem:$0x3FAD]  }
0x39: {  	_ = 	snop;
	(pc) =	sbr.ind lr, $3  }
0x3a: {  	_ = 	snop  }
0x3b: {  	_ = 	snop  }
0x3c: {  	p2 =	seq.s32 s10, $0x1;
	s10 =	sld [smem:$0x3FAC]  }
0x3d: {  	_ =	shalt  }
0x3e: {  	_ =	shalt  }
0x3f: {  	_ =	shalt  }
0x40: {  	_ =	shalt  }
0x41: {  	_ =	shalt  }
0x42: {  	_ =	shalt  }
0x43: {  	_ =	shalt  }
0x44: {  	_ =	shalt  }
0x45: {  	_ =	shalt  }
0x46: {  	_ =	shalt  }
0x47: {  	_ =	shalt  }
0x48: {  	_ =	shalt  }
0x49: {  	_ =	shalt  }
0x4a: {  	_ =	shalt  }
0x4b: {  	_ =	shalt  }
0x4c: {  	_ =	shalt  }
0x4d: {  	_ =	shalt  }
0x4e: {  	_ =	shalt  }
0x4f: {  	_ =	shalt  }
0x50: {  	_ =	shalt  }
0x51: {  	_ =	shalt  }
0x52: {  	_ =	shalt  }
0x53: {  	_ =	shalt  }
0x54: {  	_ =	shalt  }
0x55: {  	_ =	shalt  }
0x56: {  	_ =	shalt  }
0x57: {  	_ =	shalt  }
0x58: {  	_ =	shalt  }
0x59: {  	_ =	shalt  }
0x5a: {  	_ =	shalt  }
0x5b: {  	_ =	shalt  }
0x5c: {  	_ =	shalt  }
0x5d: {  	_ =	shalt  }
0x5e: {  	_ =	shalt  }
0x5f: {  	_ =	shalt  }
0x60: {  	_ =	shalt  }
0x61: {  	_ =	shalt  }
0x62: {  	_ =	shalt  }
0x63: {  	_ =	shalt  }
0x64: {  	_ =	shalt  }
0x65: {  	_ =	shalt  }
0x66: {  	_ =	shalt  }
0x67: {  	_ =	shalt  }
0x68: {  	_ =	shalt  }
0x69: {  	_ =	shalt  }
0x6a: {  	_ =	shalt  }
0x6b: {  	_ =	shalt  }
0x6c: {  	_ =	shalt  }
0x6d: {  	_ =	shalt  }
0x6e: {  	_ =	shalt  }
0x6f: {  	_ =	shalt  }
0x70: {  	_ =	shalt  }
0x71: {  	_ =	shalt  }
0x72: {  	_ =	shalt  }
0x73: {  	_ =	shalt  }
0x74: {  	_ =	shalt  }
0x75: {  	_ =	shalt  }
0x76: {  	_ =	shalt  }
0x77: {  	_ =	shalt  }
0x78: {  	_ =	shalt  }
0x79: {  	_ =	shalt  }
0x7a: {  	_ =	shalt  }
0x7b: {  	_ =	shalt  }
0x7c: {  	_ =	shalt  }
0x7d: {  	_ =	shalt  }
0x7e: {  	_ =	shalt  }
0x7f: {  	_ =	shalt  }
0x80: {  	_ =	shalt  }
0x81: {  	_ =	shalt  }
0x82: {  	_ =	shalt  }
0x83: {  	_ =	shalt  }
0x84: {  	_ =	shalt  }
0x85: {  	_ =	shalt  }
0x86: {  	_ =	shalt  }
0x87: {  	_ =	shalt  }
.Lfunc_end0:
.L_simem_size_0:
called_computation.7_lowered:
.L_overlay_start_0:
0x88: {  	s2 =	sld [smem:$0x3FD9]  }
0x89: {  	s3 =	sld [smem:$0x3FFE];
	_ =	sdelay $0x1  }
0x8a: {  	s1 =	srdreg.scid  }
0x8b: {  	s0 =	sand.u32 $0x1, s1  }
0x8c: {  	s16 =	sshll.u32 s0, $0xA;
	s2 =	sadd.s32 s3, s2  }
0x8d: {  	s2 =	sadd.s32 s2, s16  }
0x8e: {  	[smem:$0x3FB8] =	sst s2  }
0x8f: {  	_ = 	snop  }
0x90: {  	(tm) =	ssettm $0x1  }
0x91: {  	s17 =	sld [smem:$0x3FFB];
	_ =	sdelay $0x3  }
0x92: {  	_ =	strace s17  }
0x93: {  	s2 =	sld [smem:$0x3FFC];
	_ =	sdelay $0x3  }
0x94: {  	_ =	strace s2  }
0x95: {  	s2 =	sld [smem:$0x3FFD];
	_ =	sdelay $0x3  }
0x96: {  	_ =	strace s2  }
0x97: {  	_ =	strace $0x8FFFFFFF  }
0x98: {  	s18 =	sld [smem:$0x3FDB];
	_ =	sdelay $0x1  }
0x99: {  	s19 =	simm.s32 $_scs_section_size  }
0x9a: {  	s4 =	simm.s32 $_size__tile_overlayer_lowered;
	s5 =	simm.s32 $_tile_overlayer_lowered  }
0x9b: {  	s22 =	simm.s32 $0x1BFF;
	s21 =	sshll.u32 s5, $0x1;
	s2 =	sadd.s32 s19, s18  }
0x9c: {  	s6 =	simm.s32 $0x0;
	s20 =	sshll.u32 s4, $0x1;
	s4 =	sadd.s32 s21, s2  }
0x9d: {  	[timem:s6], [sflag:s22] =	dma.local [hbm:s4], s20  }
0x9e: {  	_ =	swait.ge [sflag:s22], s20  }
0x9f: {  	s3 =	ssub.s32 $0x0, s20;
	[sflag:s22] =	ssyncset.done $0x0  }
0xa0: {  	[sflag:s22] =	ssyncadd.s32 s3;
	_ =	sdelay $0x1  }
0xa1: {  	s23 =	simm.s32 $0x1B8B  }
0xa2: {  	_ =	swait.ge [sflag:s23], $0x1  }
0xa3: {  	[sflag:s23] =	ssyncset.done $0x0  }
0xa4: {  	s25 =	simm.s32 $0x1B8E;
	s24 =	sld [smem:$0x3FFE];
	[sflag:s23] =	ssyncadd.s32 $0xFFFFFFFF  }
0xa5: {  	s26 =	simm.s32 $execute0_lowered;
	[smem:$0x3FD2] =	sst s25  }
0xa6: {  	s4 =	sshll.u32 s26, $0x1;
	_ =	strace $0x8000005B;
	[dreg:$0x1] =	wrdreg $0xFFFFFFFF  }
0xa7: {  	s28 =	simm.s32 $_size_execute0_lowered;
	s2 =	sadd.s32 s2, s4;
	[dreg:$0x0] =	wrdreg $0x0  }
0xa8: {  	s4 =	sshll.u32 s28, $0x1;
	[dreg:$0x2] =	wrdreg s2  }
0xa9: {  	[dreg:$0x3] =	wrdreg s4  }
0xaa: {  	[dreg:$0x4] =	wrdreg $0xC0  }
0xab: {  	_ =	task [dreg:s6], $0x5FFFF  }
0xac: {  	[dreg:$0x1] =	wrdreg $0xFFFFFFFF  }
0xad: {  	[dreg:$0x0] =	wrdreg $0x60  }
0xae: {  	[dreg:$0x2] =	wrdreg s24  }
0xaf: {  	[dreg:$0x3] =	wrdreg $0xC0000  }
0xb0: {  	[dreg:$0x4] =	wrdreg $0x9  }
0xb1: {  	_ =	task.clear_ibuf [dreg:s6], $0x5FFFF;
	_ =	strace $0x9000005B  }
0xb2: {  	s29 =	simm.s32 $0x9;
	_ =	strace $0x8000005D  }
0xb3: {  	_ =	swait.ge [sflag:s29], $0x1  }
0xb4: {  	[sflag:s29] =	ssyncadd.s32 $0xFFFFFFFF  }
0xb5: {  	_ =	strace $0x9000005D  }
0xb6: {  	_ =	sfence  }
0xb7: {  	s30 =	sld [smem:$0x0];
	_ =	sdelay $0x2  }
0xb8: {  	s31 =	sshll.u32 s1, $0xD;
	s1 =	sshrl.u32 s1, $0x2  }
0xb9: {  	s3 =	sand.u32 $0x4000, s31;
	s1 =	sadd.s32 s1, s30  }
0xba: {  	s0 =	sor.u32 s3, s0;
	s1 =	sshll.u32 s1, $0x11  }
0xbb: {  	s0 =	sor.u32 s1, s0  }
0xbc: {  	s0 =	sadd.s32 $0x8F2B, s0  }
0xbd: {  	[sflag:s0] =	ssyncadd.remote.s32 $0x1  }
0xbe: {  	_ =	sfence.sel $0xFFFF  }
0xbf: {  	[dreg:$0x0] =	wrdreg $0xFFFFFFFF;
	(pc) =	sbr.abs _section_cstart, $3  }
0xc0: {  	[dreg:$0x1] =	wrdreg $0xFFFFFFFF  }
0xc1: {  	_ =	task.clear_ibuf [dreg:s6], $0x2FFFF;
	_ =	strace $0x9FFFFFFF  }
0xc2: {  	(tm) =	ssettm $0x7FFFFFFF  }
0xc3: {  	_ =	shalt  }
tec
execute0_lowered:
.L_overlay_start_1:
0x0: {  	(tag) =	ssettag $0x1  }
0x1: {  	s0 =	srdreg.scid;
	s6 =	rddreg [dreg:$0x0]  }
0x2: {  	s2 =	rddreg [dreg:$0x1];
	s3 =	simm.s32 $0x0;
	s14 =	simm.s32 $0x40  }
0x3: {  	s15 =	simm.s32 $0xA000;
	s5 =	sand.u32 $0x1, s0;
	s0 =	stileid.u32  }
0x4: {  	s16 =	simm.s32 $0x1;
	s17 =	simm.s32 $0x0;
	s8 =	smul.u32 $0x13C00, s0  }
0x5: {  	[smem:$0x7FF] =	sst s3;
	s1 =	sshll.u32 s5, $0x4;
	s9 =	smul.u32 $0x13C000, s5  }
0x6: {  	s5 =	ssub.s32 $0x2, s5;
	s29 =	smul.u32 $0x4F000, s0;
	s31 =	sshll.u32 s0, $0x6  }
0x7: {  	s4 =	sor.u32 s0, s1;
	s1 =	rddreg [dreg:$0x2];
	_ =	strace $0x8000005C  }
0x8: {  	s11 =	sshrl.u32 s5, $0x1;
	s7 =	smul.u32 $0xA00, s4;
	s4 =	sadd.s32 $0x5BA00, s6  }
0x9: {  	s28 =	sshrl.u32 s8, $0x3;
	s8 =	sadd.s32 s8, s9;
	s30 =	sshrl.u32 s29, $0x2  }
0xa: {  	s11 =	ssub.s32 s5, s11;
	s8 =	sshrl.u32 s8, $0x3;
	s13 =	sadd.s32 s30, s2  }
0xb: {  	s10 =	sadd.s32 s7, s6;
	s7 =	sadd.s32 s28, s6;
	s12 =	sadd.s32 s8, s6  }
0xc: {  	s6 =	sor.u32 $0x1C02, s31;
	s5 =	sadd.s32 $0x82C00, s7;
	s7 =	sadd.s32 $0x20800, s10  }
0xd: {  	s8 =	sadd.s32 $0xC800, s10;
	s9 =	sadd.s32 $0xAA400, s12;
	s10 =	smax.u32 s11, $0x1  }
0xe: {  	s11 =	sshrl.u32 s13, $0x3;
	s12 =	simm.s32 $0x2;
	s13 =	simm.s32 $0x5000  }
.LBB2_1:
0xf: {  	[spmem:s11], [sflag:s6] =	dma.local [hbm:s5], $0x2780  }
0x10: {  	_ =	swait.ge [sflag:s12], $0x2780  }
0x11: {  	[sflag:s12] =	ssyncset.done $0x0  }
0x12: {  	[sflag:s12] =	ssyncadd.s32 $0xFFFFD880  }
0x13: {  	[tilespmem:s3], [sflag:$0x2] =	stream.linear.gather [hbm4b:s7+s3], $0x4E80, $0x38;
	[tilespmem:$0x1FC00] =	vst v63  }
0x14: {  	_ =	swait.ge [sflag:s12], $0x4E80  }
0x15: {  	[sflag:s12] =	ssyncset.done $0x0  }
0x16: {  	[sflag:s12] =	ssyncadd.s32 $0xFFFFB180  }
0x17: {  	[tilespmem:s13], [sflag:$0x2] =	stream.linear.gather [hbm4b:s8+s3], $0x4E80, $0x38;
	[tilespmem:$0x1FC00] =	vst v63  }
0x18: {  	_ =	swait.ge [sflag:s12], $0x4E80  }
0x19: {  	[sflag:s12] =	ssyncset.done $0x0  }
0x1a: {  	[sflag:s12] =	ssyncadd.s32 $0xFFFFB180  }
0x1b: {  	s18 =	simm.s32 $0x0;
	[bflag:$0x0] =	sbarrier.arrive $0xFFFF  }
0x1c: {  	[tilespmem:s15], [sflag:$0x1] =	stream.indirect.gather [hbm4b:s4+s14], $0x80, s18, s14, $0xb8;
	[tilespmem:$0x1FC00] =	vst v63  }
0x1d: {  	_ =	swait.ge [sflag:s16], $0x2000  }
0x1e: {  	[sflag:s16] =	ssyncset.done $0x0  }
0x1f: {  	s31 =	simm.s32 $0x5000;
	[sflag:s16] =	ssyncadd.s32 $0xFFFFE000  }
0x20: {  	[spmem:s2] =	stream.indirect.scatter.add.f32 [tilespmem:s15], [sflag:$0x2], $0x80, s31, s14, $0xb8;
	[tilespmem:$0x1FC00] =	vst v63  }
0x21: {  	_ =	swait.ge [sflag:s12], $0x2000  }
0x22: {  	s19 =	simm.s32 $0x400;
	s18 =	simm.s32 $0x200;
	[sflag:s12] =	ssyncset.done $0x0  }
.LBB2_2:
0x23: {  	s20 =	sshra.s32 s18, $0x2  }
0x24: {  	[sflag:s12] =	ssyncadd.s32 $0xFFFFE000;
	s18 =	smov.u32 s19;
	s21 =	sadd.s32 $0x200, s19  }
0x25: {  	[tilespmem:s15], [sflag:$0x1] =	stream.indirect.gather [hbm4b:s4+s14], $0x80, s20, s14, $0xb8;
	[tilespmem:$0x1FC00] =	vst v63  }
0x26: {  	p0 =	sne.s32 s19, $0x13800;
	_ =	swait.ge [sflag:s16], $0x2000  }
.Ltmp0:
0x27: {  	[sflag:s16] =	ssyncset.done $0x0;
	(pc) =	sbr.rel @p0 .LBB2_2-.Ltmp0, $4  }
0x28: {  	s19 =	sadd.s32 $0x5000, s20;
	[sflag:s16] =	ssyncadd.s32 $0xFFFFE000  }
0x29: {  	[spmem:s2] =	stream.indirect.scatter.add.f32 [tilespmem:s15], [sflag:$0x2], $0x80, s19, s14, $0xb8;
	[tilespmem:$0x1FC00] =	vst v63  }
0x2a: {  	_ =	swait.ge [sflag:s12], $0x2000  }
0x2b: {  	s19 =	smov.u32 s21;
	[sflag:s12] =	ssyncset.done $0x0  }
0x2c: {  	s18 =	sshra.s32 s18, $0x2;
	[sflag:s12] =	ssyncadd.s32 $0xFFFFE000  }
0x2d: {  	[tilespmem:s15], [sflag:$0x1] =	stream.indirect.gather [hbm4b:s4+s14], $0x80, s18, s14, $0xb8;
	[tilespmem:$0x1FC00] =	vst v63  }
0x2e: {  	_ =	swait.ge [sflag:s16], $0x2000  }
0x2f: {  	[sflag:s16] =	ssyncset.done $0x0  }
0x30: {  	s18 =	sadd.s32 $0x5000, s18;
	[sflag:s16] =	ssyncadd.s32 $0xFFFFE000  }
0x31: {  	[spmem:s2] =	stream.indirect.scatter.add.f32 [tilespmem:s15], [sflag:$0x2], $0x80, s18, s14, $0xb8;
	[tilespmem:$0x1FC00] =	vst v63  }
0x32: {  	_ =	swait.ge [sflag:s12], $0x2000  }
0x33: {  	s17 =	sadd.s32 $0x1, s17;
	[sflag:s12] =	ssyncset.done $0x0  }
0x34: {  	p0 =	sne.s32 s17, s10;
	[sflag:s12] =	ssyncadd.s32 $0xFFFFE000  }
.Ltmp1:
0x35: {  	[bflag:$0x0] =	sbarrier.arrive $0xFFFF;
	(pc) =	sbr.rel @p0 .LBB2_1-.Ltmp1, $4  }
0x36: {  	[hbm:s9], [sflag:s6] =	dma.local [spmem:s11], $0x2780  }
0x37: {  	_ =	swait.ge [sflag:s12], $0x2780  }
0x38: {  	[sflag:s12] =	ssyncset.done $0x0  }
0x39: {  	[sflag:s12] =	ssyncadd.s32 $0xFFFFD880  }
0x3a: {  	_ =	sfence.sel $0x180000  }
0x3b: {  	[bflag:$0x0] =	sbarrier.arrive $0xFFFF  }
0x3c: {  	p0 =	sne.s32 s0, $0x0;
	_ =	strace $0x9000005C  }
0x3d: {  	s0 =	sadd.s32 @!p0 $0x100000, s1;
	[bflag:$0x2] =	sbarrier.arrive $0xFFFF  }
0x3e: {  	[sflag:s0] =	ssyncadd.tile.s32 @!p0 $0x1;
	_ =	shalt  }
.Lfunc_end2:
_tile_overlayer_lowered:
.L_overlay_start_2:
0x3f: {  	(tag) =	ssettag $0x2  }
0x40: {  	s0 =	rddreg [dreg:$0x0];
	s2 =	stileid.u32  }
0x41: {  	s1 =	rddreg [dreg:$0x1];
	p0 =	sne.s32 s2, $0x0  }
0x42: {  	s3 =	rddreg [dreg:$0x2];
	[bflag:$0x3] =	sbarrier.arrive $0xFFFF;
	s2 =	simm.s32 @!p0 $0x1C02  }
0x43: {  	[timem:s3], [sflag:s2] =	dma.local @!p0 [hbm:s0], s1  }
0x44: {  	s0 =	simm.s32 @!p0 $0x2  }
0x45: {  	_ =	swait.ge @!p0 [sflag:s0], s1  }
0x46: {  	s1 =	ssub.s32 @!p0 $0x0, s1;
	[sflag:s0] =	ssyncset.done @!p0 $0x0  }
0x47: {  	[sflag:s0] =	ssyncadd.s32 @!p0 s1  }
0x48: {  	[bflag:$0x3] =	sbarrier.arrive $0xFFFF  }
0x49: {  	_ =	shalt  }

// kernel: kernel.49.cloned.1.call-start
scs
__scs_entry_jumppad:
0x0: {  	(pc) =	sbr.rel $0x88, $3  }
0x1: {  	(tag) =	ssettag $0x0;
	lr =	simm.s32 $0x1  }
0x2: {  	[smem:$0x3F91] =	sst lr;
	_ =	strace $0xD0000000  }
0x3: {  	_ = 	snop  }
0x4: {  	_ = 	snop  }
0x5: {  	_ = 	snop  }
0x6: {  	_ = 	snop  }
0x7: {  	_ = 	snop  }
__scs_overlays_trampoline_lowered:
0x8: {  	[smem:$0x3FA0] =	sst s0  }
0x9: {  	[smem:$0x3FA1] =	sst s1  }
0xa: {  	[smem:$0x3FA2] =	sst s2  }
0xb: {  	[smem:$0x3FA3] =	sst s3  }
0xc: {  	[smem:$0x3FA4] =	sst s4  }
0xd: {  	[smem:$0x3FA5] =	sst s5  }
0xe: {  	[smem:$0x3FA6] =	sst s6  }
0xf: {  	[smem:$0x3FA7] =	sst s7  }
0x10: {  	[smem:$0x3FA8] =	sst s8  }
0x11: {  	[smem:$0x3FA9] =	sst s9;
	s0 =	simm.s32 @!p0 $0x0  }
0x12: {  	s1 =	sld [smem:$0x3F8F];
	s0 =	simm.s32 @p0 $0x1  }
0x13: {  	[smem:$0x3FAA] =	sst s0;
	s0 =	simm.s32 @!p1 $0x0  }
0x14: {  	s2 =	sld [smem:$0x3F8E];
	s0 =	simm.s32 @p1 $0x1  }
0x15: {  	[smem:$0x3FAB] =	sst s0;
	s0 =	simm.s32 @!p2 $0x0  }
0x16: {  	s3 =	sld [smem:$0x3FDB];
	s0 =	simm.s32 @p2 $0x1  }
0x17: {  	s4 =	simm.s32 $0x1BF5;
	[smem:$0x3FAD] =	sst s0  }
0x18: {  	s0 =	sld [smem:$0x3F90];
	_ =	swait.ge [sflag:s4], $0x0  }
0x19: {  	s7 =	sld [smem:$0x3F91]  }
0x1a: {  	s8 =	sadd.s32 $0xFFFFE003, lr  }
0x1b: {  	s9 =	sadd.s32 $0xFFFFFEF7, lr;
	s5 =	simm.s32 $0xFFFFFFFF;
	p2 =	slt.u32 s8, $0xFFFFF086  }
0x1c: {  	p1 =	slt.u32 s9, $0xF7A;
	s5 =	simm.s32 @!p2 $0x0  }
0x1d: {  	s5 =	simm.s32 @p1 $0x1;
	p0 =	seq.s32 s7, s2  }
0x1e: {  	s7 =	smul.u32 @!p0 $0xF7A, s2;
	p2 =	seq.s32 @!p0 s5, $0x0  }
0x1f: {  	s9 =	smul.u32 $0xF7A, s1;
	s8 =	simm.s32 @!p0 $0x1BF5;
	p2 =	por !p2, p0  }
0x20: {  	[sflag:s8] =	ssyncset.s32 @!p0 $0xFFFFF086;
	s6 =	sadd.s32 @!p0 s3, s7;
	s7 =	simm.s32 @!p0 $0x108  }
0x21: {  	s3 =	sadd.s32 s3, s9;
	s6 =	sadd.s32 @!p0 $0x88, s6;
	s7 =	simm.s32 @p2 $0x1082  }
0x22: {  	[simem:s7], [sflag:s8] =	dma.local @!p0 [hbm:s6], $0xF7A  }
0x23: {  	s9 =	sor.u32 $0xD0000000, s2;
	s6 =	simm.s32 $0x108;
	_ =	swait.ge @!p0 [sflag:s8], $0x0  }
0x24: {  	s3 =	sadd.s32 $0x88, s3;
	s6 =	simm.s32 @!p1 $0x1082;
	[sflag:s4] =	ssyncset.s32 $0xFFFFF086  }
0x25: {  	[simem:s6], [sflag:s4] =	dma.local [hbm:s3], $0xF7A  }
0x26: {  	[smem:$0x3F91] =	sst s1;
	(tag) =	ssettag s2;
	_ =	strace s9  }
0x27: {  	s1 =	sld [smem:$0x3FA1]  }
0x28: {  	s2 =	sld [smem:$0x3FA2]  }
0x29: {  	s4 =	sld [smem:$0x3FA4]  }
0x2a: {  	p0 =	seq.s32 s5, $0x0;
	s5 =	sld [smem:$0x3FA5]  }
0x2b: {  	s6 =	sld [smem:$0x3FA6]  }
0x2c: {  	s7 =	sld [smem:$0x3FA7]  }
0x2d: {  	s3 =	simm.s32 $0x108;
	s8 =	sld [smem:$0x3FA8]  }
0x2e: {  	s3 =	simm.s32 @!p0 $0x1082;
	s9 =	sld [smem:$0x3FA9]  }
0x2f: {  	lr =	sadd.s32 s0, s3;
	s0 =	sld [smem:$0x3FA0]  }
0x30: {  	s3 =	sld [smem:$0x3FA3]  }
0x31: {  	[smem:$0x3FAC] =	sst s10  }
0x32: {  	s10 =	sld [smem:$0x3FAA];
	_ =	sdelay $0x3  }
0x33: {  	p0 =	seq.s32 s10, $0x1;
	s10 =	sld [smem:$0x3FAC];
	_ =	sdelay $0x3  }
0x34: {  	[smem:$0x3FAC] =	sst s10  }
0x35: {  	s10 =	sld [smem:$0x3FAB];
	_ =	sdelay $0x3  }
0x36: {  	p1 =	seq.s32 s10, $0x1;
	s10 =	sld [smem:$0x3FAC];
	_ =	sdelay $0x3  }
0x37: {  	[smem:$0x3FAC] =	sst s10  }
0x38: {  	s10 =	sld [smem:$0x3FAD]  }
0x39: {  	_ = 	snop;
	(pc) =	sbr.ind lr, $3  }
0x3a: {  	_ = 	snop  }
0x3b: {  	_ = 	snop  }
0x3c: {  	p2 =	seq.s32 s10, $0x1;
	s10 =	sld [smem:$0x3FAC]  }
0x3d: {  	_ =	shalt  }
0x3e: {  	_ =	shalt  }
0x3f: {  	_ =	shalt  }
0x40: {  	_ =	shalt  }
0x41: {  	_ =	shalt  }
0x42: {  	_ =	shalt  }
0x43: {  	_ =	shalt  }
0x44: {  	_ =	shalt  }
0x45: {  	_ =	shalt  }
0x46: {  	_ =	shalt  }
0x47: {  	_ =	shalt  }
0x48: {  	_ =	shalt  }
0x49: {  	_ =	shalt  }
0x4a: {  	_ =	shalt  }
0x4b: {  	_ =	shalt  }
0x4c: {  	_ =	shalt  }
0x4d: {  	_ =	shalt  }
0x4e: {  	_ =	shalt  }
0x4f: {  	_ =	shalt  }
0x50: {  	_ =	shalt  }
0x51: {  	_ =	shalt  }
0x52: {  	_ =	shalt  }
0x53: {  	_ =	shalt  }
0x54: {  	_ =	shalt  }
0x55: {  	_ =	shalt  }
0x56: {  	_ =	shalt  }
0x57: {  	_ =	shalt  }
0x58: {  	_ =	shalt  }
0x59: {  	_ =	shalt  }
0x5a: {  	_ =	shalt  }
0x5b: {  	_ =	shalt  }
0x5c: {  	_ =	shalt  }
0x5d: {  	_ =	shalt  }
0x5e: {  	_ =	shalt  }
0x5f: {  	_ =	shalt  }
0x60: {  	_ =	shalt  }
0x61: {  	_ =	shalt  }
0x62: {  	_ =	shalt  }
0x63: {  	_ =	shalt  }
0x64: {  	_ =	shalt  }
0x65: {  	_ =	shalt  }
0x66: {  	_ =	shalt  }
0x67: {  	_ =	shalt  }
0x68: {  	_ =	shalt  }
0x69: {  	_ =	shalt  }
0x6a: {  	_ =	shalt  }
0x6b: {  	_ =	shalt  }
0x6c: {  	_ =	shalt  }
0x6d: {  	_ =	shalt  }
0x6e: {  	_ =	shalt  }
0x6f: {  	_ =	shalt  }
0x70: {  	_ =	shalt  }
0x71: {  	_ =	shalt  }
0x72: {  	_ =	shalt  }
0x73: {  	_ =	shalt  }
0x74: {  	_ =	shalt  }
0x75: {  	_ =	shalt  }
0x76: {  	_ =	shalt  }
0x77: {  	_ =	shalt  }
0x78: {  	_ =	shalt  }
0x79: {  	_ =	shalt  }
0x7a: {  	_ =	shalt  }
0x7b: {  	_ =	shalt  }
0x7c: {  	_ =	shalt  }
0x7d: {  	_ =	shalt  }
0x7e: {  	_ =	shalt  }
0x7f: {  	_ =	shalt  }
0x80: {  	_ =	shalt  }
0x81: {  	_ =	shalt  }
0x82: {  	_ =	shalt  }
0x83: {  	_ =	shalt  }
0x84: {  	_ =	shalt  }
0x85: {  	_ =	shalt  }
0x86: {  	_ =	shalt  }
0x87: {  	_ =	shalt  }
.Lfunc_end0:
.L_simem_size_0:
called_computation.8_lowered:
.L_overlay_start_0:
0x88: {  	s2 =	sld [smem:$0x3FD9]  }
0x89: {  	s3 =	sld [smem:$0x3FFE];
	_ =	sdelay $0x1  }
0x8a: {  	s1 =	srdreg.scid  }
0x8b: {  	s0 =	sand.u32 $0x1, s1  }
0x8c: {  	s16 =	sshll.u32 s0, $0xA;
	s2 =	sadd.s32 s3, s2  }
0x8d: {  	s2 =	sadd.s32 s2, s16  }
0x8e: {  	[smem:$0x3FB8] =	sst s2  }
0x8f: {  	_ = 	snop  }
0x90: {  	(tm) =	ssettm $0x1  }
0x91: {  	s17 =	sld [smem:$0x3FFB];
	_ =	sdelay $0x3  }
0x92: {  	_ =	strace s17  }
0x93: {  	s2 =	sld [smem:$0x3FFC];
	_ =	sdelay $0x3  }
0x94: {  	_ =	strace s2  }
0x95: {  	s2 =	sld [smem:$0x3FFD];
	_ =	sdelay $0x3  }
0x96: {  	_ =	strace s2  }
0x97: {  	_ =	strace $0x8FFFFFFF  }
0x98: {  	s18 =	sld [smem:$0x3FDB];
	_ =	sdelay $0x1  }
0x99: {  	s19 =	simm.s32 $_scs_section_size  }
0x9a: {  	s4 =	simm.s32 $_size__tile_overlayer_lowered;
	s5 =	simm.s32 $_tile_overlayer_lowered  }
0x9b: {  	s22 =	simm.s32 $0x1BFF;
	s21 =	sshll.u32 s5, $0x1;
	s2 =	sadd.s32 s19, s18  }
0x9c: {  	s6 =	simm.s32 $0x0;
	s20 =	sshll.u32 s4, $0x1;
	s4 =	sadd.s32 s21, s2  }
0x9d: {  	[timem:s6], [sflag:s22] =	dma.local [hbm:s4], s20  }
0x9e: {  	_ =	swait.ge [sflag:s22], s20  }
0x9f: {  	s3 =	ssub.s32 $0x0, s20;
	[sflag:s22] =	ssyncset.done $0x0  }
0xa0: {  	[sflag:s22] =	ssyncadd.s32 s3;
	_ =	sdelay $0x1  }
0xa1: {  	s23 =	simm.s32 $0x1B8B  }
0xa2: {  	_ =	swait.ge [sflag:s23], $0x1  }
0xa3: {  	[sflag:s23] =	ssyncset.done $0x0  }
0xa4: {  	s25 =	simm.s32 $0x1B8E;
	s24 =	sld [smem:$0x3FFE];
	[sflag:s23] =	ssyncadd.s32 $0xFFFFFFFF  }
0xa5: {  	s26 =	simm.s32 $execute0_lowered;
	[smem:$0x3FD2] =	sst s25  }
0xa6: {  	s4 =	sshll.u32 s26, $0x1;
	_ =	strace $0x8000005E;
	[dreg:$0x1] =	wrdreg $0xFFFFFFFF  }
0xa7: {  	s28 =	simm.s32 $_size_execute0_lowered;
	s2 =	sadd.s32 s2, s4;
	[dreg:$0x0] =	wrdreg $0x0  }
0xa8: {  	s4 =	sshll.u32 s28, $0x1;
	[dreg:$0x2] =	wrdreg s2  }
0xa9: {  	[dreg:$0x3] =	wrdreg s4  }
0xaa: {  	[dreg:$0x4] =	wrdreg $0xC0  }
0xab: {  	_ =	task [dreg:s6], $0x5FFFF  }
0xac: {  	[dreg:$0x1] =	wrdreg $0xFFFFFFFF  }
0xad: {  	[dreg:$0x0] =	wrdreg $0x60  }
0xae: {  	[dreg:$0x2] =	wrdreg s24  }
0xaf: {  	[dreg:$0x3] =	wrdreg $0xC0000  }
0xb0: {  	[dreg:$0x4] =	wrdreg $0x9  }
0xb1: {  	_ =	task.clear_ibuf [dreg:s6], $0x5FFFF;
	_ =	strace $0x9000005E  }
0xb2: {  	s29 =	simm.s32 $0x9;
	_ =	strace $0x80000060  }
0xb3: {  	_ =	swait.ge [sflag:s29], $0x1  }
0xb4: {  	[sflag:s29] =	ssyncadd.s32 $0xFFFFFFFF  }
0xb5: {  	_ =	strace $0x90000060  }
0xb6: {  	_ =	sfence  }
0xb7: {  	s30 =	sld [smem:$0x0];
	_ =	sdelay $0x2  }
0xb8: {  	s31 =	sshll.u32 s1, $0xD;
	s1 =	sshrl.u32 s1, $0x2  }
0xb9: {  	s3 =	sand.u32 $0x4000, s31;
	s1 =	sadd.s32 s1, s30  }
0xba: {  	s0 =	sor.u32 s3, s0;
	s1 =	sshll.u32 s1, $0x11  }
0xbb: {  	s0 =	sor.u32 s1, s0  }
0xbc: {  	s0 =	sadd.s32 $0x8F2B, s0  }
0xbd: {  	[sflag:s0] =	ssyncadd.remote.s32 $0x1  }
0xbe: {  	_ =	sfence.sel $0xFFFF  }
0xbf: {  	[dreg:$0x0] =	wrdreg $0xFFFFFFFF;
	(pc) =	sbr.abs _section_cstart, $3  }
0xc0: {  	[dreg:$0x1] =	wrdreg $0xFFFFFFFF  }
0xc1: {  	_ =	task.clear_ibuf [dreg:s6], $0x2FFFF;
	_ =	strace $0x9FFFFFFF  }
0xc2: {  	(tm) =	ssettm $0x7FFFFFFF  }
0xc3: {  	_ =	shalt  }
tec
execute0_lowered:
.L_overlay_start_1:
0x0: {  	(tag) =	ssettag $0x1  }
0x1: {  	s0 =	srdreg.scid;
	s6 =	rddreg [dreg:$0x0]  }
0x2: {  	s2 =	rddreg [dreg:$0x1];
	s3 =	simm.s32 $0x0;
	s14 =	simm.s32 $0x40  }
0x3: {  	s15 =	simm.s32 $0xA000;
	s5 =	sand.u32 $0x1, s0;
	s0 =	stileid.u32  }
0x4: {  	s16 =	simm.s32 $0x1;
	s17 =	simm.s32 $0x0;
	s8 =	smul.u32 $0x13C00, s0  }
0x5: {  	[smem:$0x7FF] =	sst s3;
	s1 =	sshll.u32 s5, $0x4;
	s9 =	smul.u32 $0x13C000, s5  }
0x6: {  	s5 =	ssub.s32 $0x2, s5;
	s29 =	smul.u32 $0x4F000, s0;
	s31 =	sshll.u32 s0, $0x6  }
0x7: {  	s4 =	sor.u32 s0, s1;
	s1 =	rddreg [dreg:$0x2];
	_ =	strace $0x8000005F  }
0x8: {  	s11 =	sshrl.u32 s5, $0x1;
	s7 =	smul.u32 $0xA00, s4;
	s4 =	sadd.s32 $0x5BA00, s6  }
0x9: {  	s28 =	sshrl.u32 s8, $0x3;
	s8 =	sadd.s32 s8, s9;
	s30 =	sshrl.u32 s29, $0x2  }
0xa: {  	s11 =	ssub.s32 s5, s11;
	s8 =	sshrl.u32 s8, $0x3;
	s13 =	sadd.s32 s30, s2  }
0xb: {  	s10 =	sadd.s32 s7, s6;
	s7 =	sadd.s32 s28, s6;
	s12 =	sadd.s32 s8, s6  }
0xc: {  	s6 =	sor.u32 $0x1C02, s31;
	s5 =	sadd.s32 $0x82C00, s7;
	s7 =	sadd.s32 $0x20800, s10  }
0xd: {  	s8 =	sadd.s32 $0xC800, s10;
	s9 =	sadd.s32 $0xAA400, s12;
	s10 =	smax.u32 s11, $0x1  }
0xe: {  	s11 =	sshrl.u32 s13, $0x3;
	s12 =	simm.s32 $0x2;
	s13 =	simm.s32 $0x5000  }
.LBB2_1:
0xf: {  	[spmem:s11], [sflag:s6] =	dma.local [hbm:s5], $0x2780  }
0x10: {  	_ =	swait.ge [sflag:s12], $0x2780  }
0x11: {  	[sflag:s12] =	ssyncset.done $0x0  }
0x12: {  	[sflag:s12] =	ssyncadd.s32 $0xFFFFD880  }
0x13: {  	[tilespmem:s3], [sflag:$0x2] =	stream.linear.gather [hbm4b:s7+s3], $0x4E80, $0x38;
	[tilespmem:$0x1FC00] =	vst v63  }
0x14: {  	_ =	swait.ge [sflag:s12], $0x4E80  }
0x15: {  	[sflag:s12] =	ssyncset.done $0x0  }
0x16: {  	[sflag:s12] =	ssyncadd.s32 $0xFFFFB180  }
0x17: {  	[tilespmem:s13], [sflag:$0x2] =	stream.linear.gather [hbm4b:s8+s3], $0x4E80, $0x38;
	[tilespmem:$0x1FC00] =	vst v63  }
0x18: {  	_ =	swait.ge [sflag:s12], $0x4E80  }
0x19: {  	[sflag:s12] =	ssyncset.done $0x0  }
0x1a: {  	[sflag:s12] =	ssyncadd.s32 $0xFFFFB180  }
0x1b: {  	s18 =	simm.s32 $0x0;
	[bflag:$0x0] =	sbarrier.arrive $0xFFFF  }
0x1c: {  	[tilespmem:s15], [sflag:$0x1] =	stream.indirect.gather [hbm4b:s4+s14], $0x80, s18, s14, $0xb8;
	[tilespmem:$0x1FC00] =	vst v63  }
0x1d: {  	_ =	swait.ge [sflag:s16], $0x2000  }
0x1e: {  	[sflag:s16] =	ssyncset.done $0x0  }
0x1f: {  	s31 =	simm.s32 $0x5000;
	[sflag:s16] =	ssyncadd.s32 $0xFFFFE000  }
0x20: {  	[spmem:s2] =	stream.indirect.scatter.add.f32 [tilespmem:s15], [sflag:$0x2], $0x80, s31, s14, $0xb8;
	[tilespmem:$0x1FC00] =	vst v63  }
0x21: {  	_ =	swait.ge [sflag:s12], $0x2000  }
0x22: {  	s19 =	simm.s32 $0x400;
	s18 =	simm.s32 $0x200;
	[sflag:s12] =	ssyncset.done $0x0  }
.LBB2_2:
0x23: {  	s20 =	sshra.s32 s18, $0x2  }
0x24: {  	[sflag:s12] =	ssyncadd.s32 $0xFFFFE000;
	s18 =	smov.u32 s19;
	s21 =	sadd.s32 $0x200, s19  }
0x25: {  	[tilespmem:s15], [sflag:$0x1] =	stream.indirect.gather [hbm4b:s4+s14], $0x80, s20, s14, $0xb8;
	[tilespmem:$0x1FC00] =	vst v63  }
0x26: {  	p0 =	sne.s32 s19, $0x13800;
	_ =	swait.ge [sflag:s16], $0x2000  }
.Ltmp0:
0x27: {  	[sflag:s16] =	ssyncset.done $0x0;
	(pc) =	sbr.rel @p0 .LBB2_2-.Ltmp0, $4  }
0x28: {  	s19 =	sadd.s32 $0x5000, s20;
	[sflag:s16] =	ssyncadd.s32 $0xFFFFE000  }
0x29: {  	[spmem:s2] =	stream.indirect.scatter.add.f32 [tilespmem:s15], [sflag:$0x2], $0x80, s19, s14, $0xb8;
	[tilespmem:$0x1FC00] =	vst v63  }
0x2a: {  	_ =	swait.ge [sflag:s12], $0x2000  }
0x2b: {  	s19 =	smov.u32 s21;
	[sflag:s12] =	ssyncset.done $0x0  }
0x2c: {  	s18 =	sshra.s32 s18, $0x2;
	[sflag:s12] =	ssyncadd.s32 $0xFFFFE000  }
0x2d: {  	[tilespmem:s15], [sflag:$0x1] =	stream.indirect.gather [hbm4b:s4+s14], $0x80, s18, s14, $0xb8;
	[tilespmem:$0x1FC00] =	vst v63  }
0x2e: {  	_ =	swait.ge [sflag:s16], $0x2000  }
0x2f: {  	[sflag:s16] =	ssyncset.done $0x0  }
0x30: {  	s18 =	sadd.s32 $0x5000, s18;
	[sflag:s16] =	ssyncadd.s32 $0xFFFFE000  }
0x31: {  	[spmem:s2] =	stream.indirect.scatter.add.f32 [tilespmem:s15], [sflag:$0x2], $0x80, s18, s14, $0xb8;
	[tilespmem:$0x1FC00] =	vst v63  }
0x32: {  	_ =	swait.ge [sflag:s12], $0x2000  }
0x33: {  	s17 =	sadd.s32 $0x1, s17;
	[sflag:s12] =	ssyncset.done $0x0  }
0x34: {  	p0 =	sne.s32 s17, s10;
	[sflag:s12] =	ssyncadd.s32 $0xFFFFE000  }
.Ltmp1:
0x35: {  	[bflag:$0x0] =	sbarrier.arrive $0xFFFF;
	(pc) =	sbr.rel @p0 .LBB2_1-.Ltmp1, $4  }
0x36: {  	[hbm:s9], [sflag:s6] =	dma.local [spmem:s11], $0x2780  }
0x37: {  	_ =	swait.ge [sflag:s12], $0x2780  }
0x38: {  	[sflag:s12] =	ssyncset.done $0x0  }
0x39: {  	[sflag:s12] =	ssyncadd.s32 $0xFFFFD880  }
0x3a: {  	_ =	sfence.sel $0x180000  }
0x3b: {  	[bflag:$0x0] =	sbarrier.arrive $0xFFFF  }
0x3c: {  	p0 =	sne.s32 s0, $0x0;
	_ =	strace $0x9000005F  }
0x3d: {  	s0 =	sadd.s32 @!p0 $0x100000, s1;
	[bflag:$0x2] =	sbarrier.arrive $0xFFFF  }
0x3e: {  	[sflag:s0] =	ssyncadd.tile.s32 @!p0 $0x1;
	_ =	shalt  }
.Lfunc_end2:
_tile_overlayer_lowered:
.L_overlay_start_2:
0x3f: {  	(tag) =	ssettag $0x2  }
0x40: {  	s0 =	rddreg [dreg:$0x0];
	s2 =	stileid.u32  }
0x41: {  	s1 =	rddreg [dreg:$0x1];
	p0 =	sne.s32 s2, $0x0  }
0x42: {  	s3 =	rddreg [dreg:$0x2];
	[bflag:$0x3] =	sbarrier.arrive $0xFFFF;
	s2 =	simm.s32 @!p0 $0x1C02  }
0x43: {  	[timem:s3], [sflag:s2] =	dma.local @!p0 [hbm:s0], s1  }
0x44: {  	s0 =	simm.s32 @!p0 $0x2  }
0x45: {  	_ =	swait.ge @!p0 [sflag:s0], s1  }
0x46: {  	s1 =	ssub.s32 @!p0 $0x0, s1;
	[sflag:s0] =	ssyncset.done @!p0 $0x0  }
0x47: {  	[sflag:s0] =	ssyncadd.s32 @!p0 s1  }
0x48: {  	[bflag:$0x3] =	sbarrier.arrive $0xFFFF  }
0x49: {  	_ =	shalt  }

// kernel: kernel.52.cloned.1.call-start
scs
__scs_entry_jumppad:
0x0: {  	(pc) =	sbr.rel $0x88, $3  }
0x1: {  	(tag) =	ssettag $0x0;
	lr =	simm.s32 $0x1  }
0x2: {  	[smem:$0x3F91] =	sst lr;
	_ =	strace $0xD0000000  }
0x3: {  	_ = 	snop  }
0x4: {  	_ = 	snop  }
0x5: {  	_ = 	snop  }
0x6: {  	_ = 	snop  }
0x7: {  	_ = 	snop  }
__scs_overlays_trampoline_lowered:
0x8: {  	[smem:$0x3FA0] =	sst s0  }
0x9: {  	[smem:$0x3FA1] =	sst s1  }
0xa: {  	[smem:$0x3FA2] =	sst s2  }
0xb: {  	[smem:$0x3FA3] =	sst s3  }
0xc: {  	[smem:$0x3FA4] =	sst s4  }
0xd: {  	[smem:$0x3FA5] =	sst s5  }
0xe: {  	[smem:$0x3FA6] =	sst s6  }
0xf: {  	[smem:$0x3FA7] =	sst s7  }
0x10: {  	[smem:$0x3FA8] =	sst s8  }
0x11: {  	[smem:$0x3FA9] =	sst s9;
	s0 =	simm.s32 @!p0 $0x0  }
0x12: {  	s1 =	sld [smem:$0x3F8F];
	s0 =	simm.s32 @p0 $0x1  }
0x13: {  	[smem:$0x3FAA] =	sst s0;
	s0 =	simm.s32 @!p1 $0x0  }
0x14: {  	s2 =	sld [smem:$0x3F8E];
	s0 =	simm.s32 @p1 $0x1  }
0x15: {  	[smem:$0x3FAB] =	sst s0;
	s0 =	simm.s32 @!p2 $0x0  }
0x16: {  	s3 =	sld [smem:$0x3FDB];
	s0 =	simm.s32 @p2 $0x1  }
0x17: {  	s4 =	simm.s32 $0x1BF5;
	[smem:$0x3FAD] =	sst s0  }
0x18: {  	s0 =	sld [smem:$0x3F90];
	_ =	swait.ge [sflag:s4], $0x0  }
0x19: {  	s7 =	sld [smem:$0x3F91]  }
0x1a: {  	s8 =	sadd.s32 $0xFFFFE003, lr  }
0x1b: {  	s9 =	sadd.s32 $0xFFFFFEF7, lr;
	s5 =	simm.s32 $0xFFFFFFFF;
	p2 =	slt.u32 s8, $0xFFFFF086  }
0x1c: {  	p1 =	slt.u32 s9, $0xF7A;
	s5 =	simm.s32 @!p2 $0x0  }
0x1d: {  	s5 =	simm.s32 @p1 $0x1;
	p0 =	seq.s32 s7, s2  }
0x1e: {  	s7 =	smul.u32 @!p0 $0xF7A, s2;
	p2 =	seq.s32 @!p0 s5, $0x0  }
0x1f: {  	s9 =	smul.u32 $0xF7A, s1;
	s8 =	simm.s32 @!p0 $0x1BF5;
	p2 =	por !p2, p0  }
0x20: {  	[sflag:s8] =	ssyncset.s32 @!p0 $0xFFFFF086;
	s6 =	sadd.s32 @!p0 s3, s7;
	s7 =	simm.s32 @!p0 $0x108  }
0x21: {  	s3 =	sadd.s32 s3, s9;
	s6 =	sadd.s32 @!p0 $0x88, s6;
	s7 =	simm.s32 @p2 $0x1082  }
0x22: {  	[simem:s7], [sflag:s8] =	dma.local @!p0 [hbm:s6], $0xF7A  }
0x23: {  	s9 =	sor.u32 $0xD0000000, s2;
	s6 =	simm.s32 $0x108;
	_ =	swait.ge @!p0 [sflag:s8], $0x0  }
0x24: {  	s3 =	sadd.s32 $0x88, s3;
	s6 =	simm.s32 @!p1 $0x1082;
	[sflag:s4] =	ssyncset.s32 $0xFFFFF086  }
0x25: {  	[simem:s6], [sflag:s4] =	dma.local [hbm:s3], $0xF7A  }
0x26: {  	[smem:$0x3F91] =	sst s1;
	(tag) =	ssettag s2;
	_ =	strace s9  }
0x27: {  	s1 =	sld [smem:$0x3FA1]  }
0x28: {  	s2 =	sld [smem:$0x3FA2]  }
0x29: {  	s4 =	sld [smem:$0x3FA4]  }
0x2a: {  	p0 =	seq.s32 s5, $0x0;
	s5 =	sld [smem:$0x3FA5]  }
0x2b: {  	s6 =	sld [smem:$0x3FA6]  }
0x2c: {  	s7 =	sld [smem:$0x3FA7]  }
0x2d: {  	s3 =	simm.s32 $0x108;
	s8 =	sld [smem:$0x3FA8]  }
0x2e: {  	s3 =	simm.s32 @!p0 $0x1082;
	s9 =	sld [smem:$0x3FA9]  }
0x2f: {  	lr =	sadd.s32 s0, s3;
	s0 =	sld [smem:$0x3FA0]  }
0x30: {  	s3 =	sld [smem:$0x3FA3]  }
0x31: {  	[smem:$0x3FAC] =	sst s10  }
0x32: {  	s10 =	sld [smem:$0x3FAA];
	_ =	sdelay $0x3  }
0x33: {  	p0 =	seq.s32 s10, $0x1;
	s10 =	sld [smem:$0x3FAC];
	_ =	sdelay $0x3  }
0x34: {  	[smem:$0x3FAC] =	sst s10  }
0x35: {  	s10 =	sld [smem:$0x3FAB];
	_ =	sdelay $0x3  }
0x36: {  	p1 =	seq.s32 s10, $0x1;
	s10 =	sld [smem:$0x3FAC];
	_ =	sdelay $0x3  }
0x37: {  	[smem:$0x3FAC] =	sst s10  }
0x38: {  	s10 =	sld [smem:$0x3FAD]  }
0x39: {  	_ = 	snop;
	(pc) =	sbr.ind lr, $3  }
0x3a: {  	_ = 	snop  }
0x3b: {  	_ = 	snop  }
0x3c: {  	p2 =	seq.s32 s10, $0x1;
	s10 =	sld [smem:$0x3FAC]  }
0x3d: {  	_ =	shalt  }
0x3e: {  	_ =	shalt  }
0x3f: {  	_ =	shalt  }
0x40: {  	_ =	shalt  }
0x41: {  	_ =	shalt  }
0x42: {  	_ =	shalt  }
0x43: {  	_ =	shalt  }
0x44: {  	_ =	shalt  }
0x45: {  	_ =	shalt  }
0x46: {  	_ =	shalt  }
0x47: {  	_ =	shalt  }
0x48: {  	_ =	shalt  }
0x49: {  	_ =	shalt  }
0x4a: {  	_ =	shalt  }
0x4b: {  	_ =	shalt  }
0x4c: {  	_ =	shalt  }
0x4d: {  	_ =	shalt  }
0x4e: {  	_ =	shalt  }
0x4f: {  	_ =	shalt  }
0x50: {  	_ =	shalt  }
0x51: {  	_ =	shalt  }
0x52: {  	_ =	shalt  }
0x53: {  	_ =	shalt  }
0x54: {  	_ =	shalt  }
0x55: {  	_ =	shalt  }
0x56: {  	_ =	shalt  }
0x57: {  	_ =	shalt  }
0x58: {  	_ =	shalt  }
0x59: {  	_ =	shalt  }
0x5a: {  	_ =	shalt  }
0x5b: {  	_ =	shalt  }
0x5c: {  	_ =	shalt  }
0x5d: {  	_ =	shalt  }
0x5e: {  	_ =	shalt  }
0x5f: {  	_ =	shalt  }
0x60: {  	_ =	shalt  }
0x61: {  	_ =	shalt  }
0x62: {  	_ =	shalt  }
0x63: {  	_ =	shalt  }
0x64: {  	_ =	shalt  }
0x65: {  	_ =	shalt  }
0x66: {  	_ =	shalt  }
0x67: {  	_ =	shalt  }
0x68: {  	_ =	shalt  }
0x69: {  	_ =	shalt  }
0x6a: {  	_ =	shalt  }
0x6b: {  	_ =	shalt  }
0x6c: {  	_ =	shalt  }
0x6d: {  	_ =	shalt  }
0x6e: {  	_ =	shalt  }
0x6f: {  	_ =	shalt  }
0x70: {  	_ =	shalt  }
0x71: {  	_ =	shalt  }
0x72: {  	_ =	shalt  }
0x73: {  	_ =	shalt  }
0x74: {  	_ =	shalt  }
0x75: {  	_ =	shalt  }
0x76: {  	_ =	shalt  }
0x77: {  	_ =	shalt  }
0x78: {  	_ =	shalt  }
0x79: {  	_ =	shalt  }
0x7a: {  	_ =	shalt  }
0x7b: {  	_ =	shalt  }
0x7c: {  	_ =	shalt  }
0x7d: {  	_ =	shalt  }
0x7e: {  	_ =	shalt  }
0x7f: {  	_ =	shalt  }
0x80: {  	_ =	shalt  }
0x81: {  	_ =	shalt  }
0x82: {  	_ =	shalt  }
0x83: {  	_ =	shalt  }
0x84: {  	_ =	shalt  }
0x85: {  	_ =	shalt  }
0x86: {  	_ =	shalt  }
0x87: {  	_ =	shalt  }
.Lfunc_end0:
.L_simem_size_0:
called_computation.9_lowered:
.L_overlay_start_0:
0x88: {  	s2 =	sld [smem:$0x3FD9]  }
0x89: {  	s3 =	sld [smem:$0x3FFE];
	_ =	sdelay $0x1  }
0x8a: {  	s1 =	srdreg.scid  }
0x8b: {  	s0 =	sand.u32 $0x1, s1  }
0x8c: {  	s16 =	sshll.u32 s0, $0xA;
	s2 =	sadd.s32 s3, s2  }
0x8d: {  	s2 =	sadd.s32 s2, s16  }
0x8e: {  	[smem:$0x3FB8] =	sst s2  }
0x8f: {  	_ = 	snop  }
0x90: {  	(tm) =	ssettm $0x1  }
0x91: {  	s17 =	sld [smem:$0x3FFB];
	_ =	sdelay $0x3  }
0x92: {  	_ =	strace s17  }
0x93: {  	s2 =	sld [smem:$0x3FFC];
	_ =	sdelay $0x3  }
0x94: {  	_ =	strace s2  }
0x95: {  	s2 =	sld [smem:$0x3FFD];
	_ =	sdelay $0x3  }
0x96: {  	_ =	strace s2  }
0x97: {  	_ =	strace $0x8FFFFFFF  }
0x98: {  	s18 =	sld [smem:$0x3FDB];
	_ =	sdelay $0x1  }
0x99: {  	s19 =	simm.s32 $_scs_section_size  }
0x9a: {  	s4 =	simm.s32 $_size__tile_overlayer_lowered;
	s5 =	simm.s32 $_tile_overlayer_lowered  }
0x9b: {  	s22 =	simm.s32 $0x1BFF;
	s21 =	sshll.u32 s5, $0x1;
	s2 =	sadd.s32 s19, s18  }
0x9c: {  	s6 =	simm.s32 $0x0;
	s20 =	sshll.u32 s4, $0x1;
	s4 =	sadd.s32 s21, s2  }
0x9d: {  	[timem:s6], [sflag:s22] =	dma.local [hbm:s4], s20  }
0x9e: {  	_ =	swait.ge [sflag:s22], s20  }
0x9f: {  	s3 =	ssub.s32 $0x0, s20;
	[sflag:s22] =	ssyncset.done $0x0  }
0xa0: {  	[sflag:s22] =	ssyncadd.s32 s3;
	_ =	sdelay $0x1  }
0xa1: {  	s23 =	simm.s32 $0x1B8B  }
0xa2: {  	_ =	swait.ge [sflag:s23], $0x1  }
0xa3: {  	[sflag:s23] =	ssyncset.done $0x0  }
0xa4: {  	s25 =	simm.s32 $0x1B8E;
	s24 =	sld [smem:$0x3FFE];
	[sflag:s23] =	ssyncadd.s32 $0xFFFFFFFF  }
0xa5: {  	s26 =	simm.s32 $execute0_lowered;
	[smem:$0x3FD2] =	sst s25  }
0xa6: {  	s4 =	sshll.u32 s26, $0x1;
	_ =	strace $0x80000061;
	[dreg:$0x1] =	wrdreg $0xFFFFFFFF  }
0xa7: {  	s28 =	simm.s32 $_size_execute0_lowered;
	s2 =	sadd.s32 s2, s4;
	[dreg:$0x0] =	wrdreg $0x0  }
0xa8: {  	s4 =	sshll.u32 s28, $0x1;
	[dreg:$0x2] =	wrdreg s2  }
0xa9: {  	[dreg:$0x3] =	wrdreg s4  }
0xaa: {  	[dreg:$0x4] =	wrdreg $0xC0  }
0xab: {  	_ =	task [dreg:s6], $0x5FFFF  }
0xac: {  	[dreg:$0x1] =	wrdreg $0xFFFFFFFF  }
0xad: {  	[dreg:$0x0] =	wrdreg $0x60  }
0xae: {  	[dreg:$0x2] =	wrdreg s24  }
0xaf: {  	[dreg:$0x3] =	wrdreg $0xC0000  }
0xb0: {  	[dreg:$0x4] =	wrdreg $0x9  }
0xb1: {  	_ =	task.clear_ibuf [dreg:s6], $0x5FFFF;
	_ =	strace $0x90000061  }
0xb2: {  	s29 =	simm.s32 $0x9;
	_ =	strace $0x80000063  }
0xb3: {  	_ =	swait.ge [sflag:s29], $0x1  }
0xb4: {  	[sflag:s29] =	ssyncadd.s32 $0xFFFFFFFF  }
0xb5: {  	_ =	strace $0x90000063  }
0xb6: {  	_ =	sfence  }
0xb7: {  	s30 =	sld [smem:$0x0];
	_ =	sdelay $0x2  }
0xb8: {  	s31 =	sshll.u32 s1, $0xD;
	s1 =	sshrl.u32 s1, $0x2  }
0xb9: {  	s3 =	sand.u32 $0x4000, s31;
	s1 =	sadd.s32 s1, s30  }
0xba: {  	s0 =	sor.u32 s3, s0;
	s1 =	sshll.u32 s1, $0x11  }
0xbb: {  	s0 =	sor.u32 s1, s0  }
0xbc: {  	s0 =	sadd.s32 $0x8F2B, s0  }
0xbd: {  	[sflag:s0] =	ssyncadd.remote.s32 $0x1  }
0xbe: {  	_ =	sfence.sel $0xFFFF  }
0xbf: {  	[dreg:$0x0] =	wrdreg $0xFFFFFFFF;
	(pc) =	sbr.abs _section_cstart, $3  }
0xc0: {  	[dreg:$0x1] =	wrdreg $0xFFFFFFFF  }
0xc1: {  	_ =	task.clear_ibuf [dreg:s6], $0x2FFFF;
	_ =	strace $0x9FFFFFFF  }
0xc2: {  	(tm) =	ssettm $0x7FFFFFFF  }
0xc3: {  	_ =	shalt  }
tec
execute0_lowered:
.L_overlay_start_1:
0x0: {  	(tag) =	ssettag $0x1  }
0x1: {  	s0 =	srdreg.scid;
	s6 =	rddreg [dreg:$0x0]  }
0x2: {  	s2 =	rddreg [dreg:$0x1];
	s3 =	simm.s32 $0x0;
	s14 =	simm.s32 $0x40  }
0x3: {  	s15 =	simm.s32 $0xA000;
	s5 =	sand.u32 $0x1, s0;
	s0 =	stileid.u32  }
0x4: {  	s16 =	simm.s32 $0x1;
	s17 =	simm.s32 $0x0;
	s8 =	smul.u32 $0x13C00, s0  }
0x5: {  	[smem:$0x7FF] =	sst s3;
	s1 =	sshll.u32 s5, $0x4;
	s9 =	smul.u32 $0x13C000, s5  }
0x6: {  	s5 =	ssub.s32 $0x2, s5;
	s29 =	smul.u32 $0x4F000, s0;
	s31 =	sshll.u32 s0, $0x6  }
0x7: {  	s4 =	sor.u32 s0, s1;
	s1 =	rddreg [dreg:$0x2];
	_ =	strace $0x80000062  }
0x8: {  	s11 =	sshrl.u32 s5, $0x1;
	s7 =	smul.u32 $0xA00, s4;
	s4 =	sadd.s32 $0x5BA00, s6  }
0x9: {  	s28 =	sshrl.u32 s8, $0x3;
	s8 =	sadd.s32 s8, s9;
	s30 =	sshrl.u32 s29, $0x2  }
0xa: {  	s11 =	ssub.s32 s5, s11;
	s8 =	sshrl.u32 s8, $0x3;
	s13 =	sadd.s32 s30, s2  }
0xb: {  	s10 =	sadd.s32 s7, s6;
	s7 =	sadd.s32 s28, s6;
	s12 =	sadd.s32 s8, s6  }
0xc: {  	s6 =	sor.u32 $0x1C02, s31;
	s5 =	sadd.s32 $0x82C00, s7;
	s7 =	sadd.s32 $0x20800, s10  }
0xd: {  	s8 =	sadd.s32 $0xC800, s10;
	s9 =	sadd.s32 $0xAA400, s12;
	s10 =	smax.u32 s11, $0x1  }
0xe: {  	s11 =	sshrl.u32 s13, $0x3;
	s12 =	simm.s32 $0x2;
	s13 =	simm.s32 $0x5000  }
.LBB2_1:
0xf: {  	[spmem:s11], [sflag:s6] =	dma.local [hbm:s5], $0x2780  }
0x10: {  	_ =	swait.ge [sflag:s12], $0x2780  }
0x11: {  	[sflag:s12] =	ssyncset.done $0x0  }
0x12: {  	[sflag:s12] =	ssyncadd.s32 $0xFFFFD880  }
0x13: {  	[tilespmem:s3], [sflag:$0x2] =	stream.linear.gather [hbm4b:s7+s3], $0x4E80, $0x38;
	[tilespmem:$0x1FC00] =	vst v63  }
0x14: {  	_ =	swait.ge [sflag:s12], $0x4E80  }
0x15: {  	[sflag:s12] =	ssyncset.done $0x0  }
0x16: {  	[sflag:s12] =	ssyncadd.s32 $0xFFFFB180  }
0x17: {  	[tilespmem:s13], [sflag:$0x2] =	stream.linear.gather [hbm4b:s8+s3], $0x4E80, $0x38;
	[tilespmem:$0x1FC00] =	vst v63  }
0x18: {  	_ =	swait.ge [sflag:s12], $0x4E80  }
0x19: {  	[sflag:s12] =	ssyncset.done $0x0  }
0x1a: {  	[sflag:s12] =	ssyncadd.s32 $0xFFFFB180  }
0x1b: {  	s18 =	simm.s32 $0x0;
	[bflag:$0x0] =	sbarrier.arrive $0xFFFF  }
0x1c: {  	[tilespmem:s15], [sflag:$0x1] =	stream.indirect.gather [hbm4b:s4+s14], $0x80, s18, s14, $0xb8;
	[tilespmem:$0x1FC00] =	vst v63  }
0x1d: {  	_ =	swait.ge [sflag:s16], $0x2000  }
0x1e: {  	[sflag:s16] =	ssyncset.done $0x0  }
0x1f: {  	s31 =	simm.s32 $0x5000;
	[sflag:s16] =	ssyncadd.s32 $0xFFFFE000  }
0x20: {  	[spmem:s2] =	stream.indirect.scatter.add.f32 [tilespmem:s15], [sflag:$0x2], $0x80, s31, s14, $0xb8;
	[tilespmem:$0x1FC00] =	vst v63  }
0x21: {  	_ =	swait.ge [sflag:s12], $0x2000  }
0x22: {  	s19 =	simm.s32 $0x400;
	s18 =	simm.s32 $0x200;
	[sflag:s12] =	ssyncset.done $0x0  }
.LBB2_2:
0x23: {  	s20 =	sshra.s32 s18, $0x2  }
0x24: {  	[sflag:s12] =	ssyncadd.s32 $0xFFFFE000;
	s18 =	smov.u32 s19;
	s21 =	sadd.s32 $0x200, s19  }
0x25: {  	[tilespmem:s15], [sflag:$0x1] =	stream.indirect.gather [hbm4b:s4+s14], $0x80, s20, s14, $0xb8;
	[tilespmem:$0x1FC00] =	vst v63  }
0x26: {  	p0 =	sne.s32 s19, $0x13800;
	_ =	swait.ge [sflag:s16], $0x2000  }
.Ltmp0:
0x27: {  	[sflag:s16] =	ssyncset.done $0x0;
	(pc) =	sbr.rel @p0 .LBB2_2-.Ltmp0, $4  }
0x28: {  	s19 =	sadd.s32 $0x5000, s20;
	[sflag:s16] =	ssyncadd.s32 $0xFFFFE000  }
0x29: {  	[spmem:s2] =	stream.indirect.scatter.add.f32 [tilespmem:s15], [sflag:$0x2], $0x80, s19, s14, $0xb8;
	[tilespmem:$0x1FC00] =	vst v63  }
0x2a: {  	_ =	swait.ge [sflag:s12], $0x2000  }
0x2b: {  	s19 =	smov.u32 s21;
	[sflag:s12] =	ssyncset.done $0x0  }
0x2c: {  	s18 =	sshra.s32 s18, $0x2;
	[sflag:s12] =	ssyncadd.s32 $0xFFFFE000  }
0x2d: {  	[tilespmem:s15], [sflag:$0x1] =	stream.indirect.gather [hbm4b:s4+s14], $0x80, s18, s14, $0xb8;
	[tilespmem:$0x1FC00] =	vst v63  }
0x2e: {  	_ =	swait.ge [sflag:s16], $0x2000  }
0x2f: {  	[sflag:s16] =	ssyncset.done $0x0  }
0x30: {  	s18 =	sadd.s32 $0x5000, s18;
	[sflag:s16] =	ssyncadd.s32 $0xFFFFE000  }
0x31: {  	[spmem:s2] =	stream.indirect.scatter.add.f32 [tilespmem:s15], [sflag:$0x2], $0x80, s18, s14, $0xb8;
	[tilespmem:$0x1FC00] =	vst v63  }
0x32: {  	_ =	swait.ge [sflag:s12], $0x2000  }
0x33: {  	s17 =	sadd.s32 $0x1, s17;
	[sflag:s12] =	ssyncset.done $0x0  }
0x34: {  	p0 =	sne.s32 s17, s10;
	[sflag:s12] =	ssyncadd.s32 $0xFFFFE000  }
.Ltmp1:
0x35: {  	[bflag:$0x0] =	sbarrier.arrive $0xFFFF;
	(pc) =	sbr.rel @p0 .LBB2_1-.Ltmp1, $4  }
0x36: {  	[hbm:s9], [sflag:s6] =	dma.local [spmem:s11], $0x2780  }
0x37: {  	_ =	swait.ge [sflag:s12], $0x2780  }
0x38: {  	[sflag:s12] =	ssyncset.done $0x0  }
0x39: {  	[sflag:s12] =	ssyncadd.s32 $0xFFFFD880  }
0x3a: {  	_ =	sfence.sel $0x180000  }
0x3b: {  	[bflag:$0x0] =	sbarrier.arrive $0xFFFF  }
0x3c: {  	p0 =	sne.s32 s0, $0x0;
	_ =	strace $0x90000062  }
0x3d: {  	s0 =	sadd.s32 @!p0 $0x100000, s1;
	[bflag:$0x2] =	sbarrier.arrive $0xFFFF  }
0x3e: {  	[sflag:s0] =	ssyncadd.tile.s32 @!p0 $0x1;
	_ =	shalt  }
.Lfunc_end2:
_tile_overlayer_lowered:
.L_overlay_start_2:
0x3f: {  	(tag) =	ssettag $0x2  }
0x40: {  	s0 =	rddreg [dreg:$0x0];
	s2 =	stileid.u32  }
0x41: {  	s1 =	rddreg [dreg:$0x1];
	p0 =	sne.s32 s2, $0x0  }
0x42: {  	s3 =	rddreg [dreg:$0x2];
	[bflag:$0x3] =	sbarrier.arrive $0xFFFF;
	s2 =	simm.s32 @!p0 $0x1C02  }
0x43: {  	[timem:s3], [sflag:s2] =	dma.local @!p0 [hbm:s0], s1  }
0x44: {  	s0 =	simm.s32 @!p0 $0x2  }
0x45: {  	_ =	swait.ge @!p0 [sflag:s0], s1  }
0x46: {  	s1 =	ssub.s32 @!p0 $0x0, s1;
	[sflag:s0] =	ssyncset.done @!p0 $0x0  }
0x47: {  	[sflag:s0] =	ssyncadd.s32 @!p0 s1  }
0x48: {  	[bflag:$0x3] =	sbarrier.arrive $0xFFFF  }
0x49: {  	_ =	shalt  }

// kernel: kernel.55.cloned.1.call-start
scs
__scs_entry_jumppad:
0x0: {  	(pc) =	sbr.rel $0x88, $3  }
0x1: {  	(tag) =	ssettag $0x0;
	lr =	simm.s32 $0x1  }
0x2: {  	[smem:$0x3F91] =	sst lr;
	_ =	strace $0xD0000000  }
0x3: {  	_ = 	snop  }
0x4: {  	_ = 	snop  }
0x5: {  	_ = 	snop  }
0x6: {  	_ = 	snop  }
0x7: {  	_ = 	snop  }
__scs_overlays_trampoline_lowered:
0x8: {  	[smem:$0x3FA0] =	sst s0  }
0x9: {  	[smem:$0x3FA1] =	sst s1  }
0xa: {  	[smem:$0x3FA2] =	sst s2  }
0xb: {  	[smem:$0x3FA3] =	sst s3  }
0xc: {  	[smem:$0x3FA4] =	sst s4  }
0xd: {  	[smem:$0x3FA5] =	sst s5  }
0xe: {  	[smem:$0x3FA6] =	sst s6  }
0xf: {  	[smem:$0x3FA7] =	sst s7  }
0x10: {  	[smem:$0x3FA8] =	sst s8  }
0x11: {  	[smem:$0x3FA9] =	sst s9;
	s0 =	simm.s32 @!p0 $0x0  }
0x12: {  	s1 =	sld [smem:$0x3F8F];
	s0 =	simm.s32 @p0 $0x1  }
0x13: {  	[smem:$0x3FAA] =	sst s0;
	s0 =	simm.s32 @!p1 $0x0  }
0x14: {  	s2 =	sld [smem:$0x3F8E];
	s0 =	simm.s32 @p1 $0x1  }
0x15: {  	[smem:$0x3FAB] =	sst s0;
	s0 =	simm.s32 @!p2 $0x0  }
0x16: {  	s3 =	sld [smem:$0x3FDB];
	s0 =	simm.s32 @p2 $0x1  }
0x17: {  	s4 =	simm.s32 $0x1BF5;
	[smem:$0x3FAD] =	sst s0  }
0x18: {  	s0 =	sld [smem:$0x3F90];
	_ =	swait.ge [sflag:s4], $0x0  }
0x19: {  	s7 =	sld [smem:$0x3F91]  }
0x1a: {  	s8 =	sadd.s32 $0xFFFFE003, lr  }
0x1b: {  	s9 =	sadd.s32 $0xFFFFFEF7, lr;
	s5 =	simm.s32 $0xFFFFFFFF;
	p2 =	slt.u32 s8, $0xFFFFF086  }
0x1c: {  	p1 =	slt.u32 s9, $0xF7A;
	s5 =	simm.s32 @!p2 $0x0  }
0x1d: {  	s5 =	simm.s32 @p1 $0x1;
	p0 =	seq.s32 s7, s2  }
0x1e: {  	s7 =	smul.u32 @!p0 $0xF7A, s2;
	p2 =	seq.s32 @!p0 s5, $0x0  }
0x1f: {  	s9 =	smul.u32 $0xF7A, s1;
	s8 =	simm.s32 @!p0 $0x1BF5;
	p2 =	por !p2, p0  }
0x20: {  	[sflag:s8] =	ssyncset.s32 @!p0 $0xFFFFF086;
	s6 =	sadd.s32 @!p0 s3, s7;
	s7 =	simm.s32 @!p0 $0x108  }
0x21: {  	s3 =	sadd.s32 s3, s9;
	s6 =	sadd.s32 @!p0 $0x88, s6;
	s7 =	simm.s32 @p2 $0x1082  }
0x22: {  	[simem:s7], [sflag:s8] =	dma.local @!p0 [hbm:s6], $0xF7A  }
0x23: {  	s9 =	sor.u32 $0xD0000000, s2;
	s6 =	simm.s32 $0x108;
	_ =	swait.ge @!p0 [sflag:s8], $0x0  }
0x24: {  	s3 =	sadd.s32 $0x88, s3;
	s6 =	simm.s32 @!p1 $0x1082;
	[sflag:s4] =	ssyncset.s32 $0xFFFFF086  }
0x25: {  	[simem:s6], [sflag:s4] =	dma.local [hbm:s3], $0xF7A  }
0x26: {  	[smem:$0x3F91] =	sst s1;
	(tag) =	ssettag s2;
	_ =	strace s9  }
0x27: {  	s1 =	sld [smem:$0x3FA1]  }
0x28: {  	s2 =	sld [smem:$0x3FA2]  }
0x29: {  	s4 =	sld [smem:$0x3FA4]  }
0x2a: {  	p0 =	seq.s32 s5, $0x0;
	s5 =	sld [smem:$0x3FA5]  }
0x2b: {  	s6 =	sld [smem:$0x3FA6]  }
0x2c: {  	s7 =	sld [smem:$0x3FA7]  }
0x2d: {  	s3 =	simm.s32 $0x108;
	s8 =	sld [smem:$0x3FA8]  }
0x2e: {  	s3 =	simm.s32 @!p0 $0x1082;
	s9 =	sld [smem:$0x3FA9]  }
0x2f: {  	lr =	sadd.s32 s0, s3;
	s0 =	sld [smem:$0x3FA0]  }
0x30: {  	s3 =	sld [smem:$0x3FA3]  }
0x31: {  	[smem:$0x3FAC] =	sst s10  }
0x32: {  	s10 =	sld [smem:$0x3FAA];
	_ =	sdelay $0x3  }
0x33: {  	p0 =	seq.s32 s10, $0x1;
	s10 =	sld [smem:$0x3FAC];
	_ =	sdelay $0x3  }
0x34: {  	[smem:$0x3FAC] =	sst s10  }
0x35: {  	s10 =	sld [smem:$0x3FAB];
	_ =	sdelay $0x3  }
0x36: {  	p1 =	seq.s32 s10, $0x1;
	s10 =	sld [smem:$0x3FAC];
	_ =	sdelay $0x3  }
0x37: {  	[smem:$0x3FAC] =	sst s10  }
0x38: {  	s10 =	sld [smem:$0x3FAD]  }
0x39: {  	_ = 	snop;
	(pc) =	sbr.ind lr, $3  }
0x3a: {  	_ = 	snop  }
0x3b: {  	_ = 	snop  }
0x3c: {  	p2 =	seq.s32 s10, $0x1;
	s10 =	sld [smem:$0x3FAC]  }
0x3d: {  	_ =	shalt  }
0x3e: {  	_ =	shalt  }
0x3f: {  	_ =	shalt  }
0x40: {  	_ =	shalt  }
0x41: {  	_ =	shalt  }
0x42: {  	_ =	shalt  }
0x43: {  	_ =	shalt  }
0x44: {  	_ =	shalt  }
0x45: {  	_ =	shalt  }
0x46: {  	_ =	shalt  }
0x47: {  	_ =	shalt  }
0x48: {  	_ =	shalt  }
0x49: {  	_ =	shalt  }
0x4a: {  	_ =	shalt  }
0x4b: {  	_ =	shalt  }
0x4c: {  	_ =	shalt  }
0x4d: {  	_ =	shalt  }
0x4e: {  	_ =	shalt  }
0x4f: {  	_ =	shalt  }
0x50: {  	_ =	shalt  }
0x51: {  	_ =	shalt  }
0x52: {  	_ =	shalt  }
0x53: {  	_ =	shalt  }
0x54: {  	_ =	shalt  }
0x55: {  	_ =	shalt  }
0x56: {  	_ =	shalt  }
0x57: {  	_ =	shalt  }
0x58: {  	_ =	shalt  }
0x59: {  	_ =	shalt  }
0x5a: {  	_ =	shalt  }
0x5b: {  	_ =	shalt  }
0x5c: {  	_ =	shalt  }
0x5d: {  	_ =	shalt  }
0x5e: {  	_ =	shalt  }
0x5f: {  	_ =	shalt  }
0x60: {  	_ =	shalt  }
0x61: {  	_ =	shalt  }
0x62: {  	_ =	shalt  }
0x63: {  	_ =	shalt  }
0x64: {  	_ =	shalt  }
0x65: {  	_ =	shalt  }
0x66: {  	_ =	shalt  }
0x67: {  	_ =	shalt  }
0x68: {  	_ =	shalt  }
0x69: {  	_ =	shalt  }
0x6a: {  	_ =	shalt  }
0x6b: {  	_ =	shalt  }
0x6c: {  	_ =	shalt  }
0x6d: {  	_ =	shalt  }
0x6e: {  	_ =	shalt  }
0x6f: {  	_ =	shalt  }
0x70: {  	_ =	shalt  }
0x71: {  	_ =	shalt  }
0x72: {  	_ =	shalt  }
0x73: {  	_ =	shalt  }
0x74: {  	_ =	shalt  }
0x75: {  	_ =	shalt  }
0x76: {  	_ =	shalt  }
0x77: {  	_ =	shalt  }
0x78: {  	_ =	shalt  }
0x79: {  	_ =	shalt  }
0x7a: {  	_ =	shalt  }
0x7b: {  	_ =	shalt  }
0x7c: {  	_ =	shalt  }
0x7d: {  	_ =	shalt  }
0x7e: {  	_ =	shalt  }
0x7f: {  	_ =	shalt  }
0x80: {  	_ =	shalt  }
0x81: {  	_ =	shalt  }
0x82: {  	_ =	shalt  }
0x83: {  	_ =	shalt  }
0x84: {  	_ =	shalt  }
0x85: {  	_ =	shalt  }
0x86: {  	_ =	shalt  }
0x87: {  	_ =	shalt  }
.Lfunc_end0:
.L_simem_size_0:
called_computation.10_lowered:
.L_overlay_start_0:
0x88: {  	s2 =	sld [smem:$0x3FD9]  }
0x89: {  	s3 =	sld [smem:$0x3FFE];
	_ =	sdelay $0x1  }
0x8a: {  	s1 =	srdreg.scid  }
0x8b: {  	s0 =	sand.u32 $0x1, s1  }
0x8c: {  	s16 =	sshll.u32 s0, $0xA;
	s2 =	sadd.s32 s3, s2  }
0x8d: {  	s2 =	sadd.s32 s2, s16  }
0x8e: {  	[smem:$0x3FB8] =	sst s2  }
0x8f: {  	_ = 	snop  }
0x90: {  	(tm) =	ssettm $0x1  }
0x91: {  	s17 =	sld [smem:$0x3FFB];
	_ =	sdelay $0x3  }
0x92: {  	_ =	strace s17  }
0x93: {  	s2 =	sld [smem:$0x3FFC];
	_ =	sdelay $0x3  }
0x94: {  	_ =	strace s2  }
0x95: {  	s2 =	sld [smem:$0x3FFD];
	_ =	sdelay $0x3  }
0x96: {  	_ =	strace s2  }
0x97: {  	_ =	strace $0x8FFFFFFF  }
0x98: {  	s18 =	sld [smem:$0x3FDB];
	_ =	sdelay $0x1  }
0x99: {  	s19 =	simm.s32 $_scs_section_size  }
0x9a: {  	s4 =	simm.s32 $_size__tile_overlayer_lowered;
	s5 =	simm.s32 $_tile_overlayer_lowered  }
0x9b: {  	s22 =	simm.s32 $0x1BFF;
	s21 =	sshll.u32 s5, $0x1;
	s2 =	sadd.s32 s19, s18  }
0x9c: {  	s6 =	simm.s32 $0x0;
	s20 =	sshll.u32 s4, $0x1;
	s4 =	sadd.s32 s21, s2  }
0x9d: {  	[timem:s6], [sflag:s22] =	dma.local [hbm:s4], s20  }
0x9e: {  	_ =	swait.ge [sflag:s22], s20  }
0x9f: {  	s3 =	ssub.s32 $0x0, s20;
	[sflag:s22] =	ssyncset.done $0x0  }
0xa0: {  	[sflag:s22] =	ssyncadd.s32 s3;
	_ =	sdelay $0x1  }
0xa1: {  	s23 =	simm.s32 $0x1B8B  }
0xa2: {  	_ =	swait.ge [sflag:s23], $0x1  }
0xa3: {  	[sflag:s23] =	ssyncset.done $0x0  }
0xa4: {  	s25 =	simm.s32 $0x1B8E;
	s24 =	sld [smem:$0x3FFE];
	[sflag:s23] =	ssyncadd.s32 $0xFFFFFFFF  }
0xa5: {  	s26 =	simm.s32 $execute0_lowered;
	[smem:$0x3FD2] =	sst s25  }
0xa6: {  	s4 =	sshll.u32 s26, $0x1;
	_ =	strace $0x80000064;
	[dreg:$0x1] =	wrdreg $0xFFFFFFFF  }
0xa7: {  	s28 =	simm.s32 $_size_execute0_lowered;
	s2 =	sadd.s32 s2, s4;
	[dreg:$0x0] =	wrdreg $0x0  }
0xa8: {  	s4 =	sshll.u32 s28, $0x1;
	[dreg:$0x2] =	wrdreg s2  }
0xa9: {  	[dreg:$0x3] =	wrdreg s4  }
0xaa: {  	[dreg:$0x4] =	wrdreg $0xC0  }
0xab: {  	_ =	task [dreg:s6], $0x5FFFF  }
0xac: {  	[dreg:$0x1] =	wrdreg $0xFFFFFFFF  }
0xad: {  	[dreg:$0x0] =	wrdreg $0x60  }
0xae: {  	[dreg:$0x2] =	wrdreg s24  }
0xaf: {  	[dreg:$0x3] =	wrdreg $0xC0000  }
0xb0: {  	[dreg:$0x4] =	wrdreg $0x9  }
0xb1: {  	_ =	task.clear_ibuf [dreg:s6], $0x5FFFF;
	_ =	strace $0x90000064  }
0xb2: {  	s29 =	simm.s32 $0x9;
	_ =	strace $0x80000066  }
0xb3: {  	_ =	swait.ge [sflag:s29], $0x1  }
0xb4: {  	[sflag:s29] =	ssyncadd.s32 $0xFFFFFFFF  }
0xb5: {  	_ =	strace $0x90000066  }
0xb6: {  	_ =	sfence  }
0xb7: {  	s30 =	sld [smem:$0x0];
	_ =	sdelay $0x2  }
0xb8: {  	s31 =	sshll.u32 s1, $0xD;
	s1 =	sshrl.u32 s1, $0x2  }
0xb9: {  	s3 =	sand.u32 $0x4000, s31;
	s1 =	sadd.s32 s1, s30  }
0xba: {  	s0 =	sor.u32 s3, s0;
	s1 =	sshll.u32 s1, $0x11  }
0xbb: {  	s0 =	sor.u32 s1, s0  }
0xbc: {  	s0 =	sadd.s32 $0x8F2B, s0  }
0xbd: {  	[sflag:s0] =	ssyncadd.remote.s32 $0x1  }
0xbe: {  	_ =	sfence.sel $0xFFFF  }
0xbf: {  	[dreg:$0x0] =	wrdreg $0xFFFFFFFF;
	(pc) =	sbr.abs _section_cstart, $3  }
0xc0: {  	[dreg:$0x1] =	wrdreg $0xFFFFFFFF  }
0xc1: {  	_ =	task.clear_ibuf [dreg:s6], $0x2FFFF;
	_ =	strace $0x9FFFFFFF  }
0xc2: {  	(tm) =	ssettm $0x7FFFFFFF  }
0xc3: {  	_ =	shalt  }
tec
execute0_lowered:
.L_overlay_start_1:
0x0: {  	(tag) =	ssettag $0x1  }
0x1: {  	s0 =	srdreg.scid;
	s6 =	rddreg [dreg:$0x0]  }
0x2: {  	s2 =	rddreg [dreg:$0x1];
	s3 =	simm.s32 $0x0;
	s14 =	simm.s32 $0x40  }
0x3: {  	s15 =	simm.s32 $0xA000;
	s5 =	sand.u32 $0x1, s0;
	s0 =	stileid.u32  }
0x4: {  	s16 =	simm.s32 $0x1;
	s17 =	simm.s32 $0x0;
	s8 =	smul.u32 $0x13C00, s0  }
0x5: {  	[smem:$0x7FF] =	sst s3;
	s1 =	sshll.u32 s5, $0x4;
	s9 =	smul.u32 $0x13C000, s5  }
0x6: {  	s5 =	ssub.s32 $0x2, s5;
	s29 =	smul.u32 $0x4F000, s0;
	s31 =	sshll.u32 s0, $0x6  }
0x7: {  	s4 =	sor.u32 s0, s1;
	s1 =	rddreg [dreg:$0x2];
	_ =	strace $0x80000065  }
0x8: {  	s11 =	sshrl.u32 s5, $0x1;
	s7 =	smul.u32 $0xA00, s4;
	s4 =	sadd.s32 $0x5BA00, s6  }
0x9: {  	s28 =	sshrl.u32 s8, $0x3;
	s8 =	sadd.s32 s8, s9;
	s30 =	sshrl.u32 s29, $0x2  }
0xa: {  	s11 =	ssub.s32 s5, s11;
	s8 =	sshrl.u32 s8, $0x3;
	s13 =	sadd.s32 s30, s2  }
0xb: {  	s10 =	sadd.s32 s7, s6;
	s7 =	sadd.s32 s28, s6;
	s12 =	sadd.s32 s8, s6  }
0xc: {  	s6 =	sor.u32 $0x1C02, s31;
	s5 =	sadd.s32 $0x82C00, s7;
	s7 =	sadd.s32 $0x20800, s10  }
0xd: {  	s8 =	sadd.s32 $0xC800, s10;
	s9 =	sadd.s32 $0xAA400, s12;
	s10 =	smax.u32 s11, $0x1  }
0xe: {  	s11 =	sshrl.u32 s13, $0x3;
	s12 =	simm.s32 $0x2;
	s13 =	simm.s32 $0x5000  }
.LBB2_1:
0xf: {  	[spmem:s11], [sflag:s6] =	dma.local [hbm:s5], $0x2780  }
0x10: {  	_ =	swait.ge [sflag:s12], $0x2780  }
0x11: {  	[sflag:s12] =	ssyncset.done $0x0  }
0x12: {  	[sflag:s12] =	ssyncadd.s32 $0xFFFFD880  }
0x13: {  	[tilespmem:s3], [sflag:$0x2] =	stream.linear.gather [hbm4b:s7+s3], $0x4E80, $0x38;
	[tilespmem:$0x1FC00] =	vst v63  }
0x14: {  	_ =	swait.ge [sflag:s12], $0x4E80  }
0x15: {  	[sflag:s12] =	ssyncset.done $0x0  }
0x16: {  	[sflag:s12] =	ssyncadd.s32 $0xFFFFB180  }
0x17: {  	[tilespmem:s13], [sflag:$0x2] =	stream.linear.gather [hbm4b:s8+s3], $0x4E80, $0x38;
	[tilespmem:$0x1FC00] =	vst v63  }
0x18: {  	_ =	swait.ge [sflag:s12], $0x4E80  }
0x19: {  	[sflag:s12] =	ssyncset.done $0x0  }
0x1a: {  	[sflag:s12] =	ssyncadd.s32 $0xFFFFB180  }
0x1b: {  	s18 =	simm.s32 $0x0;
	[bflag:$0x0] =	sbarrier.arrive $0xFFFF  }
0x1c: {  	[tilespmem:s15], [sflag:$0x1] =	stream.indirect.gather [hbm4b:s4+s14], $0x80, s18, s14, $0xb8;
	[tilespmem:$0x1FC00] =	vst v63  }
0x1d: {  	_ =	swait.ge [sflag:s16], $0x2000  }
0x1e: {  	[sflag:s16] =	ssyncset.done $0x0  }
0x1f: {  	s31 =	simm.s32 $0x5000;
	[sflag:s16] =	ssyncadd.s32 $0xFFFFE000  }
0x20: {  	[spmem:s2] =	stream.indirect.scatter.add.f32 [tilespmem:s15], [sflag:$0x2], $0x80, s31, s14, $0xb8;
	[tilespmem:$0x1FC00] =	vst v63  }
0x21: {  	_ =	swait.ge [sflag:s12], $0x2000  }
0x22: {  	s19 =	simm.s32 $0x400;
	s18 =	simm.s32 $0x200;
	[sflag:s12] =	ssyncset.done $0x0  }
.LBB2_2:
0x23: {  	s20 =	sshra.s32 s18, $0x2  }
0x24: {  	[sflag:s12] =	ssyncadd.s32 $0xFFFFE000;
	s18 =	smov.u32 s19;
	s21 =	sadd.s32 $0x200, s19  }
0x25: {  	[tilespmem:s15], [sflag:$0x1] =	stream.indirect.gather [hbm4b:s4+s14], $0x80, s20, s14, $0xb8;
	[tilespmem:$0x1FC00] =	vst v63  }
0x26: {  	p0 =	sne.s32 s19, $0x13800;
	_ =	swait.ge [sflag:s16], $0x2000  }
.Ltmp0:
0x27: {  	[sflag:s16] =	ssyncset.done $0x0;
	(pc) =	sbr.rel @p0 .LBB2_2-.Ltmp0, $4  }
0x28: {  	s19 =	sadd.s32 $0x5000, s20;
	[sflag:s16] =	ssyncadd.s32 $0xFFFFE000  }
0x29: {  	[spmem:s2] =	stream.indirect.scatter.add.f32 [tilespmem:s15], [sflag:$0x2], $0x80, s19, s14, $0xb8;
	[tilespmem:$0x1FC00] =	vst v63  }
0x2a: {  	_ =	swait.ge [sflag:s12], $0x2000  }
0x2b: {  	s19 =	smov.u32 s21;
	[sflag:s12] =	ssyncset.done $0x0  }
0x2c: {  	s18 =	sshra.s32 s18, $0x2;
	[sflag:s12] =	ssyncadd.s32 $0xFFFFE000  }
0x2d: {  	[tilespmem:s15], [sflag:$0x1] =	stream.indirect.gather [hbm4b:s4+s14], $0x80, s18, s14, $0xb8;
	[tilespmem:$0x1FC00] =	vst v63  }
0x2e: {  	_ =	swait.ge [sflag:s16], $0x2000  }
0x2f: {  	[sflag:s16] =	ssyncset.done $0x0  }
0x30: {  	s18 =	sadd.s32 $0x5000, s18;
	[sflag:s16] =	ssyncadd.s32 $0xFFFFE000  }
0x31: {  	[spmem:s2] =	stream.indirect.scatter.add.f32 [tilespmem:s15], [sflag:$0x2], $0x80, s18, s14, $0xb8;
	[tilespmem:$0x1FC00] =	vst v63  }
0x32: {  	_ =	swait.ge [sflag:s12], $0x2000  }
0x33: {  	s17 =	sadd.s32 $0x1, s17;
	[sflag:s12] =	ssyncset.done $0x0  }
0x34: {  	p0 =	sne.s32 s17, s10;
	[sflag:s12] =	ssyncadd.s32 $0xFFFFE000  }
.Ltmp1:
0x35: {  	[bflag:$0x0] =	sbarrier.arrive $0xFFFF;
	(pc) =	sbr.rel @p0 .LBB2_1-.Ltmp1, $4  }
0x36: {  	[hbm:s9], [sflag:s6] =	dma.local [spmem:s11], $0x2780  }
0x37: {  	_ =	swait.ge [sflag:s12], $0x2780  }
0x38: {  	[sflag:s12] =	ssyncset.done $0x0  }
0x39: {  	[sflag:s12] =	ssyncadd.s32 $0xFFFFD880  }
0x3a: {  	_ =	sfence.sel $0x180000  }
0x3b: {  	[bflag:$0x0] =	sbarrier.arrive $0xFFFF  }
0x3c: {  	p0 =	sne.s32 s0, $0x0;
	_ =	strace $0x90000065  }
0x3d: {  	s0 =	sadd.s32 @!p0 $0x100000, s1;
	[bflag:$0x2] =	sbarrier.arrive $0xFFFF  }
0x3e: {  	[sflag:s0] =	ssyncadd.tile.s32 @!p0 $0x1;
	_ =	shalt  }
.Lfunc_end2:
_tile_overlayer_lowered:
.L_overlay_start_2:
0x3f: {  	(tag) =	ssettag $0x2  }
0x40: {  	s0 =	rddreg [dreg:$0x0];
	s2 =	stileid.u32  }
0x41: {  	s1 =	rddreg [dreg:$0x1];
	p0 =	sne.s32 s2, $0x0  }
0x42: {  	s3 =	rddreg [dreg:$0x2];
	[bflag:$0x3] =	sbarrier.arrive $0xFFFF;
	s2 =	simm.s32 @!p0 $0x1C02  }
0x43: {  	[timem:s3], [sflag:s2] =	dma.local @!p0 [hbm:s0], s1  }
0x44: {  	s0 =	simm.s32 @!p0 $0x2  }
0x45: {  	_ =	swait.ge @!p0 [sflag:s0], s1  }
0x46: {  	s1 =	ssub.s32 @!p0 $0x0, s1;
	[sflag:s0] =	ssyncset.done @!p0 $0x0  }
0x47: {  	[sflag:s0] =	ssyncadd.s32 @!p0 s1  }
0x48: {  	[bflag:$0x3] =	sbarrier.arrive $0xFFFF  }
0x49: {  	_ =	shalt  }

</sc_bundles>
